<compile_context>
chip_gen: v7x
topology: tpu7x:2x2x1
jax: 0.10.2.dev20260603
libtpu: 0.0.44.dev20260713+nightly
codegen_flags: <defaults>
</compile_context>

<pallas_src>
import functools

import jax
import jax.numpy as jnp
from jax import lax
from jax.experimental import pallas as pl
from jax.experimental.pallas import tpu as pltpu
from jax.experimental.pallas import tpu_sc as plsc

N = 10000
E = 320000
G = 64
NB = 10
BLK = 1000
C = 80
NSUB = 16
F32 = jnp.float32

@functools.lru_cache(maxsize=None)
def _mesh():
    return plsc.VectorSubcoreMesh(core_axis_name="c", subcore_axis_name="s")



def _deg_body(idx_hbm, deg_a, deg_b, *scr):
    dst_v, isem, ssem = scr[0:4], scr[4:8], scr[8:12]
    ones_v, zbuf, acc = scr[12], scr[13], scr[14]
    cid = lax.axis_index("c")
    sid = lax.axis_index("s")
    for j in range(C // 16):
        ones_v[pl.ds(j * 16, 16)] = jnp.ones((16,), F32)
    for j in range(640 // 16):
        zbuf[pl.ds(j * 16, 16)] = jnp.zeros((16,), F32)

    @pl.when(sid < 15)
    def _():
        pltpu.sync_copy(zbuf, acc.at[pl.ds(sid * 640, 640)])

    @pl.when(sid == 15)
    def _():
        pltpu.sync_copy(zbuf.at[pl.ds(0, 400)], acc.at[pl.ds(9600, 400)])

    plsc.subcore_barrier()
    ebase = cid * (E // 2) + sid * (E // 2 // NSUB)
    nchunks = E // 2 // NSUB // C

    def start_idx(p, k):
        pltpu.async_copy(idx_hbm.at[pl.ds(E + ebase + k * C, C)], dst_v[p],
                         isem[p])

    def wait_idx(p, k):
        pltpu.make_async_copy(idx_hbm.at[pl.ds(E + ebase + k * C, C)],
                              dst_v[p], isem[p]).wait()

    def start_scatter(p):
        pltpu.async_copy(ones_v, acc.at[dst_v[p]], ssem[p], add=True)

    def wait_scatter(p):
        pltpu.make_async_copy(ones_v, acc.at[dst_v[p]], ssem[p]).wait()

    ngroups, rem = divmod(nchunks, NRING)
    start_idx(0, 0)

    def substep(k, p, t):
        p1 = (p + 1) % NRING
        if p < NRING - 1:
            @pl.when(t >= 1)
            def _():
                wait_scatter(p1)
        else:
            wait_scatter(p1)

        @pl.when(k + 1 < nchunks)
        def _():
            start_idx(p1, k + 1)

        wait_idx(p, k)
        start_scatter(p)

    def group(t, carry):
        for p in range(NRING):
            substep(NRING * t + p, p, t)
        return carry

    lax.fori_loop(0, ngroups, group, 0)
    for r in range(rem):
        k = ngroups * NRING + r
        p1 = (r + 1) % NRING
        wait_scatter(p1)
        if r + 1 < rem:
            start_idx(p1, k + 1)
        wait_idx(r, k)
        start_scatter(r)
    for d in (2, 1, 0):
        wait_scatter((nchunks - 1 - d) % NRING)
    plsc.subcore_barrier()

    def dump(out_ref, n):
        pltpu.sync_copy(acc.at[pl.ds(sid * 640, n)], zbuf.at[pl.ds(0, n)])
        pltpu.sync_copy(zbuf.at[pl.ds(0, n)], out_ref.at[pl.ds(sid * 640, n)])

    @pl.when(cid == 0)
    def _():
        @pl.when(sid < 15)
        def _():
            dump(deg_a, 640)

        @pl.when(sid == 15)
        def _():
            dump(deg_a, 400)

    @pl.when(cid == 1)
    def _():
        @pl.when(sid < 15)
        def _():
            dump(deg_b, 640)

        @pl.when(sid == 15)
        def _():
            dump(deg_b, 400)


def _deg_call(idx_flat):
    return pl.kernel(
        _deg_body,
        out_type=[jax.ShapeDtypeStruct((N,), F32),
                  jax.ShapeDtypeStruct((N,), F32)],
        mesh=_mesh(),
        scratch_types=(
            [pltpu.VMEM((C,), jnp.int32)] * NRING
            + [pltpu.SemaphoreType.DMA] * (2 * NRING)
            + [pltpu.VMEM((C,), F32),
               pltpu.VMEM((640,), F32),
               pltpu.VMEM_SHARED((N,), F32)]
        ),
    )(idx_flat)


NRING = 4


def _edge_pipeline(y_hbm, idx_hbm, acc, bufs, yoff, ebase, nchunks, do_off):
    (src_v, dst_v, rows_v, isem, gsem, ssem) = bufs
    if do_off:
        off = jnp.zeros((16,), jnp.int32) + yoff

    def start_idx(p, k):
        base = ebase + k * C
        pltpu.async_copy(idx_hbm.at[pl.ds(base, C)], src_v[p], isem[p])
        pltpu.async_copy(idx_hbm.at[pl.ds(E + base, C)], dst_v[p], isem[p])

    def launch_gather(p, k):
        base = ebase + k * C
        pltpu.make_async_copy(idx_hbm.at[pl.ds(base, C)], src_v[p],
                              isem[p]).wait()
        pltpu.make_async_copy(idx_hbm.at[pl.ds(E + base, C)], dst_v[p],
                              isem[p]).wait()
        if do_off:
            for j in range(C // 16):
                src_v[p][pl.ds(j * 16, 16)] = src_v[p][pl.ds(j * 16, 16)] + off
        pltpu.async_copy(y_hbm.at[src_v[p]], rows_v[p], gsem[p])

    def wait_gather(p):
        pltpu.make_async_copy(y_hbm.at[src_v[p]], rows_v[p], gsem[p]).wait()

    def start_scatter(p):
        pltpu.async_copy(rows_v[p], acc.at[dst_v[p]], ssem[p], add=True)

    def wait_scatter(p):
        pltpu.make_async_copy(rows_v[p], acc.at[dst_v[p]], ssem[p]).wait()

    ngroups, rem = divmod(nchunks, NRING)
    assert ngroups >= 1

    start_idx(0, 0)

    def substep(k, p, t):
        p1 = (p + 1) % NRING
        if p < NRING - 1:
            @pl.when(t >= 1)
            def _():
                wait_scatter(p1)
        else:
            wait_scatter(p1)

        @pl.when(k + 1 < nchunks)
        def _():
            start_idx(p1, k + 1)

        launch_gather(p, k)
        q = (p - 1) % NRING
        if p == 0:
            @pl.when(t >= 1)
            def _():
                wait_gather(q)
                start_scatter(q)
        else:
            wait_gather(q)
            start_scatter(q)

    def group(t, carry):
        for p in range(NRING):
            substep(NRING * t + p, p, t)
        return carry

    lax.fori_loop(0, ngroups, group, 0)
    for r in range(rem):
        k = ngroups * NRING + r
        p1 = (r + 1) % NRING
        wait_scatter(p1)
        if r + 1 < rem:
            start_idx(p1, k + 1)
        launch_gather(r, k)
        q = (r - 1) % NRING
        wait_gather(q)
        start_scatter(q)
    p_last = (nchunks - 1) % NRING
    wait_gather(p_last)
    start_scatter(p_last)
    for d in (3, 2, 1):
        wait_scatter((nchunks - d) % NRING)


def _stage_rows(nch, inner):
    def body(t, carry):
        inner(t)
        return carry

    lax.fori_loop(0, nch, body, 0)


def _make_scat(dh):
    def body(y_hbm, idx_hbm, out_hbm, *scr):
        src_v, dst_v, rows_v = scr[0:4], scr[4:8], scr[8:12]
        acc = scr[12]
        isem, gsem, ssem = scr[13:17], scr[17:21], scr[21:25]
        rows_a = rows_v[0]
        cid = lax.axis_index("c")
        sid = lax.axis_index("s")
        yoff = cid * N

        nch = jnp.where(sid == 15, 5, 8)

        def icopy(t):
            r0 = sid * 640 + t * C
            pltpu.sync_copy(y_hbm.at[pl.ds(yoff + r0, C)], rows_a)
            pltpu.sync_copy(rows_a, acc.at[pl.ds(r0, C)])

        _stage_rows(nch, icopy)
        plsc.subcore_barrier()

        bufs = (src_v, dst_v, rows_v, isem, gsem, ssem)
        _edge_pipeline(y_hbm, idx_hbm, acc, bufs, yoff,
                       sid * (E // NSUB), E // NSUB // C, True)
        plsc.subcore_barrier()

        def ocopy(t):
            r0 = sid * 640 + t * C
            pltpu.sync_copy(acc.at[pl.ds(r0, C)], rows_a)
            pltpu.sync_copy(rows_a, out_hbm.at[pl.ds(yoff + r0, C)])

        _stage_rows(nch, ocopy)

    def run(y, idx_flat):
        return pl.kernel(
            body,
            out_type=jax.ShapeDtypeStruct((2 * N, dh), F32),
            mesh=_mesh(),
            scratch_types=(
                [pltpu.VMEM((C,), jnp.int32)] * (2 * NRING)
                + [pltpu.VMEM((C, dh), F32)] * NRING
                + [pltpu.VMEM_SHARED((N, dh), F32)]
                + [pltpu.SemaphoreType.DMA] * (3 * NRING)
            ),
        )(y, idx_flat)

    return run


_scat128 = _make_scat(128)


def _scat_edge_body(y_hbm, idx_hbm, out_a, out_b, *scr):
    src_v, dst_v, rows_v = scr[0:4], scr[4:8], scr[8:12]
    acc = scr[12]
    isem, gsem, ssem = scr[13:17], scr[17:21], scr[21:25]
    rows_a = rows_v[0]
    cid = lax.axis_index("c")
    sid = lax.axis_index("s")
    nch = jnp.where(sid == 15, 5, 8)

    @pl.when(cid == 1)
    def _():
        def zrow(r, carry):
            for j in range(128 // 16):
                rows_a[r, pl.ds(j * 16, 16)] = jnp.zeros((16,), F32)
            return carry

        lax.fori_loop(0, C, zrow, 0)

    def icopy(t):
        r0 = sid * 640 + t * C

        @pl.when(cid == 0)
        def _():
            pltpu.sync_copy(y_hbm.at[pl.ds(r0, C)], rows_a)

        pltpu.sync_copy(rows_a, acc.at[pl.ds(r0, C)])

    _stage_rows(nch, icopy)
    plsc.subcore_barrier()

    bufs = (src_v, dst_v, rows_v, isem, gsem, ssem)
    _edge_pipeline(y_hbm, idx_hbm, acc, bufs, 0,
                   cid * (E // 2) + sid * (E // 2 // NSUB),
                   E // 2 // NSUB // C, False)
    plsc.subcore_barrier()

    def dump(out_ref):
        def ocopy(t):
            r0 = sid * 640 + t * C
            pltpu.sync_copy(acc.at[pl.ds(r0, C)], rows_a)
            pltpu.sync_copy(rows_a, out_ref.at[pl.ds(r0, C)])

        _stage_rows(nch, ocopy)

    @pl.when(cid == 0)
    def _():
        dump(out_a)

    @pl.when(cid == 1)
    def _():
        dump(out_b)


def _scat_edge(y, idx_flat):
    return pl.kernel(
        _scat_edge_body,
        out_type=[jax.ShapeDtypeStruct((N, 128), F32),
                  jax.ShapeDtypeStruct((N, 128), F32)],
        mesh=_mesh(),
        scratch_types=(
            [pltpu.VMEM((C,), jnp.int32)] * (2 * NRING)
            + [pltpu.VMEM((C, 128), F32)] * NRING
            + [pltpu.VMEM_SHARED((N, 128), F32)]
            + [pltpu.SemaphoreType.DMA] * (3 * NRING)
        ),
    )(y, idx_flat)



def _a1_body(x_ref, w_ref, da_ref, db_ref, y_ref, dinv_ref):
    dinv = lax.rsqrt(da_ref[...] + db_ref[...] + 1.0)
    dinv_ref[...] = dinv
    y_ref[...] = jnp.dot(x_ref[...] * dinv, w_ref[...],
                         preferred_element_type=F32, precision=lax.Precision.HIGHEST)


def _run_a1(x, W1, deg_a, deg_b):
    return pl.pallas_call(
        _a1_body,
        grid=(2, NB),
        in_specs=[
            pl.BlockSpec((BLK, 128), lambda h, i: (i, 0)),
            pl.BlockSpec((128, 128), lambda h, i: (0, h)),
            pl.BlockSpec((BLK, 1), lambda h, i: (i, 0)),
            pl.BlockSpec((BLK, 1), lambda h, i: (i, 0)),
        ],
        out_specs=[
            pl.BlockSpec((BLK, 128), lambda h, i: (h * NB + i, 0)),
            pl.BlockSpec((BLK, 1), lambda h, i: (i, 0)),
        ],
        out_shape=[
            jax.ShapeDtypeStruct((2 * N, 128), F32),
            jax.ShapeDtypeStruct((N, 1), F32),
        ],
    )(x, W1, deg_a, deg_b)


def _onehot(bcol, n_rows):
    iota = lax.broadcasted_iota(jnp.int32, (n_rows, G), 1).astype(F32)
    return (bcol == iota).astype(F32)


def _l1_fused_body(s0_ref, s1_ref, dinv_ref, b_ref, bf_ref, gw_ref, gb_ref,
                   gms_ref, w_ref, y_ref, S0_ref, hs, S1s, S2s):
    ph = pl.program_id(0)
    i = pl.program_id(1)
    dn = (((0,), (0,)), ((), ()))

    @pl.when(ph == 0)
    def _():
        h = (jnp.concatenate([s0_ref[...], s1_ref[...]], axis=1)
             * dinv_ref[...] + b_ref[...])
        hs[pl.ds(i * BLK, BLK), :] = h
        A = _onehot(bf_ref[...], BLK)
        p1 = lax.dot_general(A, h, dn, preferred_element_type=F32,
                             precision=lax.Precision.HIGHEST)
        p2 = lax.dot_general(A, h * h, dn, preferred_element_type=F32,
                             precision=lax.Precision.HIGHEST)
        p0 = lax.dot_general(A, jnp.ones((BLK, 128), F32), dn,
                             preferred_element_type=F32,
                             precision=lax.Precision.HIGHEST)

        @pl.when(i == 0)
        def _():
            S1s[...] = jnp.zeros((G, 256), F32)
            S2s[...] = jnp.zeros((G, 256), F32)
            S0_ref[...] = jnp.zeros((G, 128), F32)

        S1s[...] += p1
        S2s[...] += p2
        S0_ref[...] += p0

    @pl.when(ph == 1)
    def _():
        h = hs[pl.ds(i * BLK, BLK), :]
        hr = _norm_relu(h, bf_ref[...], S1s[...], S2s[...], S0_ref[...],
                        gw_ref[...], gb_ref[...], gms_ref[...])
        y_ref[...] = jnp.dot(hr * dinv_ref[...], w_ref[...],
                             preferred_element_type=F32,
                             precision=lax.Precision.HIGHEST)


def _run_l1(s1, dinv, bvec, batch_f, gw, gb, gms, W2):
    return pl.pallas_call(
        _l1_fused_body,
        grid=(2, NB),
        in_specs=[
            pl.BlockSpec((BLK, 128), lambda ph, i: (i, 0)),
            pl.BlockSpec((BLK, 128), lambda ph, i: (NB + i, 0)),
            pl.BlockSpec((BLK, 1), lambda ph, i: (i, 0)),
            pl.BlockSpec((1, 256), lambda ph, i: (0, 0)),
            pl.BlockSpec((BLK, 1), lambda ph, i: (i, 0)),
            pl.BlockSpec((1, 256), lambda ph, i: (0, 0)),
            pl.BlockSpec((1, 256), lambda ph, i: (0, 0)),
            pl.BlockSpec((1, 256), lambda ph, i: (0, 0)),
            pl.BlockSpec((256, 128), lambda ph, i: (0, 0)),
        ],
        out_specs=[
            pl.BlockSpec((BLK, 128), lambda ph, i: (i, 0)),
            pl.BlockSpec((G, 128), lambda ph, i: (0, 0)),
        ],
        out_shape=[
            jax.ShapeDtypeStruct((N, 128), F32),
            jax.ShapeDtypeStruct((G, 128), F32),
        ],
        scratch_shapes=[
            pltpu.VMEM((N, 256), F32),
            pltpu.VMEM((G, 256), F32),
            pltpu.VMEM((G, 256), F32),
        ],
    )(s1, s1, dinv, bvec, batch_f, gw, gb, gms, W2)


def _l2_fused_body(sa_ref, sb_ref, dinv_ref, b_ref, bf_ref, gw_ref, gb_ref,
                   gms_ref, S0_ref, w_ref, fb_ref, y_ref, hs, S1s, S2s):
    ph = pl.program_id(0)
    i = pl.program_id(1)
    dn = (((0,), (0,)), ((), ()))

    @pl.when(ph == 0)
    def _():
        h = (sa_ref[...] + sb_ref[...]) * dinv_ref[...] + b_ref[...]
        hs[pl.ds(i * BLK, BLK), :] = h
        A = _onehot(bf_ref[...], BLK)
        p1 = lax.dot_general(A, h, dn, preferred_element_type=F32,
                             precision=lax.Precision.HIGHEST)
        p2 = lax.dot_general(A, h * h, dn, preferred_element_type=F32,
                             precision=lax.Precision.HIGHEST)

        @pl.when(i == 0)
        def _():
            S1s[...] = jnp.zeros((G, 128), F32)
            S2s[...] = jnp.zeros((G, 128), F32)

        S1s[...] += p1
        S2s[...] += p2

    @pl.when(ph == 1)
    def _():
        h = hs[pl.ds(i * BLK, BLK), :]
        hr = _norm_relu(h, bf_ref[...], S1s[...], S2s[...], S0_ref[...],
                        gw_ref[...], gb_ref[...], gms_ref[...])
        y_ref[...] = jnp.dot(hr, w_ref[...], preferred_element_type=F32,
                             precision=lax.Precision.HIGHEST) + fb_ref[...]


def _run_l2(s2a, s2b, dinv, bvec, batch_f, gw, gb, gms, S0, fcw8, fcb8):
    return pl.pallas_call(
        _l2_fused_body,
        grid=(2, NB),
        in_specs=[
            pl.BlockSpec((BLK, 128), lambda ph, i: (i, 0)),
            pl.BlockSpec((BLK, 128), lambda ph, i: (i, 0)),
            pl.BlockSpec((BLK, 1), lambda ph, i: (i, 0)),
            pl.BlockSpec((1, 128), lambda ph, i: (0, 0)),
            pl.BlockSpec((BLK, 1), lambda ph, i: (i, 0)),
            pl.BlockSpec((1, 128), lambda ph, i: (0, 0)),
            pl.BlockSpec((1, 128), lambda ph, i: (0, 0)),
            pl.BlockSpec((1, 128), lambda ph, i: (0, 0)),
            pl.BlockSpec((G, 128), lambda ph, i: (0, 0)),
            pl.BlockSpec((128, 8), lambda ph, i: (0, 0)),
            pl.BlockSpec((1, 8), lambda ph, i: (0, 0)),
        ],
        out_specs=pl.BlockSpec((BLK, 8), lambda ph, i: (i, 0)),
        out_shape=jax.ShapeDtypeStruct((N, 8), F32),
        scratch_shapes=[
            pltpu.VMEM((N, 128), F32),
            pltpu.VMEM((G, 128), F32),
            pltpu.VMEM((G, 128), F32),
        ],
    )(s2a, s2b, dinv, bvec, batch_f, gw, gb, gms, S0, fcw8, fcb8)


def _make_comb_body(hdim, with_cnt, mode):
    def body(s0_ref, s1_ref, dinv_ref, b_ref, bf_ref, h_ref, S1_ref, S2_ref,
             *maybe_S0):
        i = pl.program_id(0)
        if mode == "cat":
            s = jnp.concatenate([s0_ref[...], s1_ref[...]], axis=1)
        else:
            s = s0_ref[...] + s1_ref[...]
        h = s * dinv_ref[...] + b_ref[...]
        h_ref[...] = h
        A = _onehot(bf_ref[...], BLK)
        dn = (((0,), (0,)), ((), ()))
        p1 = lax.dot_general(A, h, dn, preferred_element_type=F32, precision=lax.Precision.HIGHEST)
        p2 = lax.dot_general(A, h * h, dn, preferred_element_type=F32, precision=lax.Precision.HIGHEST)

        @pl.when(i == 0)
        def _():
            S1_ref[...] = jnp.zeros((G, hdim), F32)
            S2_ref[...] = jnp.zeros((G, hdim), F32)
            if with_cnt:
                maybe_S0[0][...] = jnp.zeros((G, 128), F32)

        S1_ref[...] += p1
        S2_ref[...] += p2
        if with_cnt:
            p0 = lax.dot_general(A, jnp.ones((BLK, 128), F32), dn,
                                 preferred_element_type=F32, precision=lax.Precision.HIGHEST)
            maybe_S0[0][...] += p0

    return body


def _run_comb(sa, sb, dinv, bvec, batch_f, hdim, with_cnt, mode):
    if mode == "cat":
        w = hdim // 2
        map_a = lambda i: (i, 0)
        map_b = lambda i: (NB + i, 0)
    else:
        w = hdim
        map_a = lambda i: (i, 0)
        map_b = lambda i: (i, 0)
    out_shape = [
        jax.ShapeDtypeStruct((N, hdim), F32),
        jax.ShapeDtypeStruct((G, hdim), F32),
        jax.ShapeDtypeStruct((G, hdim), F32),
    ]
    out_specs = [
        pl.BlockSpec((BLK, hdim), lambda i: (i, 0)),
        pl.BlockSpec((G, hdim), lambda i: (0, 0)),
        pl.BlockSpec((G, hdim), lambda i: (0, 0)),
    ]
    if with_cnt:
        out_shape.append(jax.ShapeDtypeStruct((G, 128), F32))
        out_specs.append(pl.BlockSpec((G, 128), lambda i: (0, 0)))
    return pl.pallas_call(
        _make_comb_body(hdim, with_cnt, mode),
        grid=(NB,),
        in_specs=[
            pl.BlockSpec((BLK, w), map_a),
            pl.BlockSpec((BLK, w), map_b),
            pl.BlockSpec((BLK, 1), lambda i: (i, 0)),
            pl.BlockSpec((1, hdim), lambda i: (0, 0)),
            pl.BlockSpec((BLK, 1), lambda i: (i, 0)),
        ],
        out_specs=out_specs,
        out_shape=out_shape,
    )(sa, sb, dinv, bvec, batch_f)


def _norm_relu(h, bf, S1, S2, S0, gw, gb, gms):
    cnt = jnp.maximum(S0[:, :1], 1.0)
    mean = S1 / cnt
    var = S2 / cnt + mean * mean * gms * (gms - 2.0)
    istd = lax.rsqrt(var + 1e-5)
    A = _onehot(bf, BLK)
    meanb = jnp.dot(A, gms * mean, preferred_element_type=F32, precision=lax.Precision.HIGHEST)
    istdb = jnp.dot(A, istd, preferred_element_type=F32, precision=lax.Precision.HIGHEST)
    hn = (h - meanb) * istdb * gw + gb
    return jnp.maximum(hn, 0.0)


def _c1_body(h_ref, bf_ref, S1_ref, S2_ref, S0_ref, gw_ref, gb_ref, gms_ref,
             dinv_ref, w_ref, y_ref):
    hr = _norm_relu(h_ref[...], bf_ref[...], S1_ref[...], S2_ref[...],
                    S0_ref[...], gw_ref[...], gb_ref[...], gms_ref[...])
    y_ref[...] = jnp.dot(hr * dinv_ref[...], w_ref[...],
                         preferred_element_type=F32, precision=lax.Precision.HIGHEST)


def _run_c1(h1, batch_f, S1, S2, S0, gw, gb, gms, dinv, W2):
    return pl.pallas_call(
        _c1_body,
        grid=(NB,),
        in_specs=[
            pl.BlockSpec((BLK, 256), lambda i: (i, 0)),
            pl.BlockSpec((BLK, 1), lambda i: (i, 0)),
            pl.BlockSpec((G, 256), lambda i: (0, 0)),
            pl.BlockSpec((G, 256), lambda i: (0, 0)),
            pl.BlockSpec((G, 128), lambda i: (0, 0)),
            pl.BlockSpec((1, 256), lambda i: (0, 0)),
            pl.BlockSpec((1, 256), lambda i: (0, 0)),
            pl.BlockSpec((1, 256), lambda i: (0, 0)),
            pl.BlockSpec((BLK, 1), lambda i: (i, 0)),
            pl.BlockSpec((256, 128), lambda i: (0, 0)),
        ],
        out_specs=pl.BlockSpec((BLK, 128), lambda i: (i, 0)),
        out_shape=jax.ShapeDtypeStruct((N, 128), F32),
    )(h1, batch_f, S1, S2, S0, gw, gb, gms, dinv, W2)


def _f_body(h_ref, bf_ref, S1_ref, S2_ref, S0_ref, gw_ref, gb_ref, gms_ref,
            w_ref, fb_ref, y_ref):
    hr = _norm_relu(h_ref[...], bf_ref[...], S1_ref[...], S2_ref[...],
                    S0_ref[...], gw_ref[...], gb_ref[...], gms_ref[...])
    y_ref[...] = jnp.dot(hr, w_ref[...], preferred_element_type=F32, precision=lax.Precision.HIGHEST) + fb_ref[...]


def _run_f(h2, batch_f, S1, S2, S0, gw, gb, gms, fcw8, fcb8):
    return pl.pallas_call(
        _f_body,
        grid=(NB,),
        in_specs=[
            pl.BlockSpec((BLK, 128), lambda i: (i, 0)),
            pl.BlockSpec((BLK, 1), lambda i: (i, 0)),
            pl.BlockSpec((G, 128), lambda i: (0, 0)),
            pl.BlockSpec((G, 128), lambda i: (0, 0)),
            pl.BlockSpec((G, 128), lambda i: (0, 0)),
            pl.BlockSpec((1, 128), lambda i: (0, 0)),
            pl.BlockSpec((1, 128), lambda i: (0, 0)),
            pl.BlockSpec((1, 128), lambda i: (0, 0)),
            pl.BlockSpec((128, 8), lambda i: (0, 0)),
            pl.BlockSpec((1, 8), lambda i: (0, 0)),
        ],
        out_specs=pl.BlockSpec((BLK, 8), lambda i: (i, 0)),
        out_shape=jax.ShapeDtypeStruct((N, 8), F32),
    )(h2, batch_f, S1, S2, S0, gw, gb, gms, fcw8, fcb8)



def kernel(x, index, batch, W1, b1, gn1_w, gn1_b, gn1_ms, W2, b2,
           gn2_w, gn2_b, gn2_ms, fc_W, fc_b):
    idx_flat = index.reshape(2 * E)
    batch_f = batch.astype(F32).reshape(N, 1)

    deg_a, deg_b = _deg_call(idx_flat)
    y1, dinv = _run_a1(x, W1, deg_a[:N].reshape(N, 1), deg_b[:N].reshape(N, 1))
    s1 = _scat128(y1, idx_flat)
    y2, S0 = _run_l1(s1, dinv, b1.reshape(1, 256), batch_f,
                     gn1_w.reshape(1, 256), gn1_b.reshape(1, 256),
                     gn1_ms.reshape(1, 256), W2)
    s2a, s2b = _scat_edge(y2, idx_flat)
    fcw8 = jnp.zeros((128, 8), F32).at[:, :2].set(fc_W)
    fcb8 = jnp.zeros((1, 8), F32).at[0, :2].set(fc_b)
    out8 = _run_l2(s2a, s2b, dinv, b2.reshape(1, 128), batch_f,
                   gn2_w.reshape(1, 128), gn2_b.reshape(1, 128),
                   gn2_ms.reshape(1, 128), S0, fcw8, fcb8)
    return out8[:, :2]

# --- scband reference (transcript-rebuilt; emitter-appended) ---
"""Pipeline reference for scband-decoder-55276229099625 (READ-ONLY COPY).

The authoritative reference and input builder live on the scoring server;
editing this copy changes nothing except your own understanding.
"""

import jax, jax.numpy as jnp
import numpy as np

N = 10000
E = 320000
G = 64
D_IN = 128
H1 = 256
H2 = 128


def gcn_conv(x, edge_index, W, b):
    n = x.shape[0]
    src = edge_index[0]
    dst = edge_index[1]
    loop = jnp.arange(n, dtype=src.dtype)
    src = jnp.concatenate([src, loop])
    dst = jnp.concatenate([dst, loop])
    xw = x @ W
    deg = jax.ops.segment_sum(jnp.ones_like(dst, dtype=jnp.float32), dst, num_segments=n)
    dinv = jnp.where(deg > 0, 1.0 / jnp.sqrt(deg), 0.0)
    norm = dinv[src] * dinv[dst]
    msgs = xw[src] * norm[:, None]
    out = jax.ops.segment_sum(msgs, dst, num_segments=n)
    return out + b


def graph_norm(x, batch, weight, bias, mean_scale):
    cnt = jax.ops.segment_sum(jnp.ones((x.shape[0],), jnp.float32), batch, num_segments=G)
    cnt = jnp.maximum(cnt, 1.0)
    mean = jax.ops.segment_sum(x, batch, num_segments=G) / cnt[:, None]
    out = x - mean_scale * mean[batch]
    var = jax.ops.segment_sum(out * out, batch, num_segments=G) / cnt[:, None]
    std = jnp.sqrt(var + 1e-5)
    return weight * out / std[batch] + bias


def setup_inputs(seed: int = 0):
    key = jax.random.key(seed)
    ks = jax.random.split(key, 12)
    x = jax.random.normal(ks[0], (N, D_IN), dtype=jnp.float32)
    index = jax.random.randint(ks[1], (2, E), 0, N, dtype=jnp.int32)
    batch = jnp.sort(jax.random.randint(ks[2], (N,), 0, G, dtype=jnp.int32))
    W1 = jax.random.normal(ks[3], (D_IN, H1), dtype=jnp.float32) * (1.0 / np.sqrt(D_IN))
    b1 = jnp.zeros((H1,), jnp.float32)
    gn1_w = jnp.ones((H1,), jnp.float32)
    gn1_b = jnp.zeros((H1,), jnp.float32)
    gn1_ms = jnp.ones((H1,), jnp.float32)
    W2 = jax.random.normal(ks[4], (H1, H2), dtype=jnp.float32) * (1.0 / np.sqrt(H1))
    b2 = jnp.zeros((H2,), jnp.float32)
    gn2_w = jnp.ones((H2,), jnp.float32)
    gn2_b = jnp.zeros((H2,), jnp.float32)
    gn2_ms = jnp.ones((H2,), jnp.float32)
    fc_W = jax.random.normal(ks[5], (H2, 2), dtype=jnp.float32) * (1.0 / np.sqrt(H2))
    fc_b = jnp.zeros((2,), jnp.float32)
    return {"x": x, "index": index, "batch": batch, "W1": W1, "b1": b1,
            "gn1_w": gn1_w, "gn1_b": gn1_b, "gn1_ms": gn1_ms,
            "W2": W2, "b2": b2, "gn2_w": gn2_w, "gn2_b": gn2_b, "gn2_ms": gn2_ms,
            "fc_W": fc_W, "fc_b": fc_b}


def reference(x, index, batch, W1, b1, gn1_w, gn1_b, gn1_ms, W2, b2, gn2_w, gn2_b, gn2_ms, fc_W, fc_b):
    h = gcn_conv(x, index, W1, b1)
    h = graph_norm(h, batch, gn1_w, gn1_b, gn1_ms)
    h = jax.nn.relu(h)
    h = gcn_conv(h, index, W2, b2)
    h = graph_norm(h, batch, gn2_w, gn2_b, gn2_ms)
    h = jax.nn.relu(h)
    out = h @ fc_W + fc_b
    return out

if __name__ == "__main__":
    import jax
    _d = setup_inputs()
    print(jax.jit(kernel)(*tuple(_d.values())))

</pallas_src>

<mosaic_0001>
#map = affine_map<(d0, d1) -> (0)>
module attributes {stable_mosaic.version = 14 : i64} {
  func.func @_deg_body(%arg0: i32, %arg1: i32, %arg2: memref<640000xi32, #tpu.memory_space<hbm>>, %arg3: memref<10000xf32, #tpu.memory_space<hbm>>, %arg4: memref<10000xf32, #tpu.memory_space<hbm>>, %arg5: memref<80xi32, #tpu.memory_space<vmem>>, %arg6: memref<80xi32, #tpu.memory_space<vmem>>, %arg7: memref<80xi32, #tpu.memory_space<vmem>>, %arg8: memref<80xi32, #tpu.memory_space<vmem>>, %arg9: memref<!tpu.dma_semaphore, #tpu.memory_space<semaphore_mem>>, %arg10: memref<!tpu.dma_semaphore, #tpu.memory_space<semaphore_mem>>, %arg11: memref<!tpu.dma_semaphore, #tpu.memory_space<semaphore_mem>>, %arg12: memref<!tpu.dma_semaphore, #tpu.memory_space<semaphore_mem>>, %arg13: memref<!tpu.dma_semaphore, #tpu.memory_space<semaphore_mem>>, %arg14: memref<!tpu.dma_semaphore, #tpu.memory_space<semaphore_mem>>, %arg15: memref<!tpu.dma_semaphore, #tpu.memory_space<semaphore_mem>>, %arg16: memref<!tpu.dma_semaphore, #tpu.memory_space<semaphore_mem>>, %arg17: memref<80xf32, #tpu.memory_space<vmem>>, %arg18: memref<640xf32, #tpu.memory_space<vmem>>, %arg19: memref<10000xf32, #tpu.memory_space<vmem_shared>>) attributes {dimension_semantics = [#tpu.dimension_semantics<core_parallel>, #tpu.dimension_semantics<subcore_parallel>], iteration_bounds = array<i64: 2, 16>, scalar_prefetch = 0 : i64, scratch_operands = 15 : i64, tpu.core_type = #tpu.core_type<sc_vector_subcore>, window_params = [{transform_indices = #map}, {transform_indices = #map}, {transform_indices = #map}]} {
    %broadcast_in_dim3A = arith.constant 1.000000e+00 : f32
    %broadcast_in_dim3A_0 = vector.broadcast %broadcast_in_dim3A : f32 to vector<16xf32>
    %swap3A = arith.constant 0 : index
    %swap3A_1 = tpu.vector_load %arg17[%swap3A] {strides = array<i32>} : memref<80xf32, #tpu.memory_space<vmem>>, vector<16xf32>,
    %swap3A_2 = vector.shape_cast %swap3A_1 : vector<16xf32> to vector<16xf32>
    %swap3A_3 = vector.shape_cast %broadcast_in_dim3A_0 : vector<16xf32> to vector<16xf32>
    tpu.vector_store %arg17[%swap3A], %swap3A_3 {strides = array<i32>} : memref<80xf32, #tpu.memory_space<vmem>>, vector<16xf32>,
    %broadcast_in_dim3A_4 = arith.constant 1.000000e+00 : f32
    %broadcast_in_dim3A_5 = vector.broadcast %broadcast_in_dim3A_4 : f32 to vector<16xf32>
    %swap3A_6 = arith.constant 16 : index
    %swap3A_7 = tpu.vector_load %arg17[%swap3A_6] {strides = array<i32>} : memref<80xf32, #tpu.memory_space<vmem>>, vector<16xf32>,
    %swap3A_8 = vector.shape_cast %swap3A_7 : vector<16xf32> to vector<16xf32>
    %swap3A_9 = vector.shape_cast %broadcast_in_dim3A_5 : vector<16xf32> to vector<16xf32>
    tpu.vector_store %arg17[%swap3A_6], %swap3A_9 {strides = array<i32>} : memref<80xf32, #tpu.memory_space<vmem>>, vector<16xf32>,
    %broadcast_in_dim3A_10 = arith.constant 1.000000e+00 : f32
    %broadcast_in_dim3A_11 = vector.broadcast %broadcast_in_dim3A_10 : f32 to vector<16xf32>
    %swap3A_12 = arith.constant 32 : index
    %swap3A_13 = tpu.vector_load %arg17[%swap3A_12] {strides = array<i32>} : memref<80xf32, #tpu.memory_space<vmem>>, vector<16xf32>,
    %swap3A_14 = vector.shape_cast %swap3A_13 : vector<16xf32> to vector<16xf32>
    %swap3A_15 = vector.shape_cast %broadcast_in_dim3A_11 : vector<16xf32> to vector<16xf32>
    tpu.vector_store %arg17[%swap3A_12], %swap3A_15 {strides = array<i32>} : memref<80xf32, #tpu.memory_space<vmem>>, vector<16xf32>,
    %broadcast_in_dim3A_16 = arith.constant 1.000000e+00 : f32
    %broadcast_in_dim3A_17 = vector.broadcast %broadcast_in_dim3A_16 : f32 to vector<16xf32>
    %swap3A_18 = arith.constant 48 : index
    %swap3A_19 = tpu.vector_load %arg17[%swap3A_18] {strides = array<i32>} : memref<80xf32, #tpu.memory_space<vmem>>, vector<16xf32>,
    %swap3A_20 = vector.shape_cast %swap3A_19 : vector<16xf32> to vector<16xf32>
    %swap3A_21 = vector.shape_cast %broadcast_in_dim3A_17 : vector<16xf32> to vector<16xf32>
    tpu.vector_store %arg17[%swap3A_18], %swap3A_21 {strides = array<i32>} : memref<80xf32, #tpu.memory_space<vmem>>, vector<16xf32>,
    %broadcast_in_dim3A_22 = arith.constant 1.000000e+00 : f32
    %broadcast_in_dim3A_23 = vector.broadcast %broadcast_in_dim3A_22 : f32 to vector<16xf32>
    %swap3A_24 = arith.constant 64 : index
    %swap3A_25 = tpu.vector_load %arg17[%swap3A_24] {strides = array<i32>} : memref<80xf32, #tpu.memory_space<vmem>>, vector<16xf32>,
    %swap3A_26 = vector.shape_cast %swap3A_25 : vector<16xf32> to vector<16xf32>
    %swap3A_27 = vector.shape_cast %broadcast_in_dim3A_23 : vector<16xf32> to vector<16xf32>
    tpu.vector_store %arg17[%swap3A_24], %swap3A_27 {strides = array<i32>} : memref<80xf32, #tpu.memory_space<vmem>>, vector<16xf32>,
    %broadcast_in_dim3A_28 = arith.constant 0.000000e+00 : f32
    %broadcast_in_dim3A_29 = vector.broadcast %broadcast_in_dim3A_28 : f32 to vector<16xf32>
    %swap3A_30 = arith.constant 0 : index
    %swap3A_31 = tpu.vector_load %arg18[%swap3A_30] {strides = array<i32>} : memref<640xf32, #tpu.memory_space<vmem>>, vector<16xf32>,
    %swap3A_32 = vector.shape_cast %swap3A_31 : vector<16xf32> to vector<16xf32>
    %swap3A_33 = vector.shape_cast %broadcast_in_dim3A_29 : vector<16xf32> to vector<16xf32>
    tpu.vector_store %arg18[%swap3A_30], %swap3A_33 {strides = array<i32>} : memref<640xf32, #tpu.memory_space<vmem>>, vector<16xf32>,
    %broadcast_in_dim3A_34 = arith.constant 0.000000e+00 : f32
    %broadcast_in_dim3A_35 = vector.broadcast %broadcast_in_dim3A_34 : f32 to vector<16xf32>
    %swap3A_36 = arith.constant 16 : index
    %swap3A_37 = tpu.vector_load %arg18[%swap3A_36] {strides = array<i32>} : memref<640xf32, #tpu.memory_space<vmem>>, vector<16xf32>,
    %swap3A_38 = vector.shape_cast %swap3A_37 : vector<16xf32> to vector<16xf32>
    %swap3A_39 = vector.shape_cast %broadcast_in_dim3A_35 : vector<16xf32> to vector<16xf32>
    tpu.vector_store %arg18[%swap3A_36], %swap3A_39 {strides = array<i32>} : memref<640xf32, #tpu.memory_space<vmem>>, vector<16xf32>,
    %broadcast_in_dim3A_40 = arith.constant 0.000000e+00 : f32
    %broadcast_in_dim3A_41 = vector.broadcast %broadcast_in_dim3A_40 : f32 to vector<16xf32>
    %swap3A_42 = arith.constant 32 : index
    %swap3A_43 = tpu.vector_load %arg18[%swap3A_42] {strides = array<i32>} : memref<640xf32, #tpu.memory_space<vmem>>, vector<16xf32>,
    %swap3A_44 = vector.shape_cast %swap3A_43 : vector<16xf32> to vector<16xf32>
    %swap3A_45 = vector.shape_cast %broadcast_in_dim3A_41 : vector<16xf32> to vector<16xf32>
    tpu.vector_store %arg18[%swap3A_42], %swap3A_45 {strides = array<i32>} : memref<640xf32, #tpu.memory_space<vmem>>, vector<16xf32>,
    %broadcast_in_dim3A_46 = arith.constant 0.000000e+00 : f32
    %broadcast_in_dim3A_47 = vector.broadcast %broadcast_in_dim3A_46 : f32 to vector<16xf32>
    %swap3A_48 = arith.constant 48 : index
    %swap3A_49 = tpu.vector_load %arg18[%swap3A_48] {strides = array<i32>} : memref<640xf32, #tpu.memory_space<vmem>>, vector<16xf32>,
    %swap3A_50 = vector.shape_cast %swap3A_49 : vector<16xf32> to vector<16xf32>
    %swap3A_51 = vector.shape_cast %broadcast_in_dim3A_47 : vector<16xf32> to vector<16xf32>
    tpu.vector_store %arg18[%swap3A_48], %swap3A_51 {strides = array<i32>} : memref<640xf32, #tpu.memory_space<vmem>>, vector<16xf32>,
    %broadcast_in_dim3A_52 = arith.constant 0.000000e+00 : f32
    %broadcast_in_dim3A_53 = vector.broadcast %broadcast_in_dim3A_52 : f32 to vector<16xf32>
    %swap3A_54 = arith.constant 64 : index
    %swap3A_55 = tpu.vector_load %arg18[%swap3A_54] {strides = array<i32>} : memref<640xf32, #tpu.memory_space<vmem>>, vector<16xf32>,
    %swap3A_56 = vector.shape_cast %swap3A_55 : vector<16xf32> to vector<16xf32>
    %swap3A_57 = vector.shape_cast %broadcast_in_dim3A_53 : vector<16xf32> to vector<16xf32>
    tpu.vector_store %arg18[%swap3A_54], %swap3A_57 {strides = array<i32>} : memref<640xf32, #tpu.memory_space<vmem>>, vector<16xf32>,
    %broadcast_in_dim3A_58 = arith.constant 0.000000e+00 : f32
    %broadcast_in_dim3A_59 = vector.broadcast %broadcast_in_dim3A_58 : f32 to vector<16xf32>
    %swap3A_60 = arith.constant 80 : index
    %swap3A_61 = tpu.vector_load %arg18[%swap3A_60] {strides = array<i32>} : memref<640xf32, #tpu.memory_space<vmem>>, vector<16xf32>,
    %swap3A_62 = vector.shape_cast %swap3A_61 : vector<16xf32> to vector<16xf32>
    %swap3A_63 = vector.shape_cast %broadcast_in_dim3A_59 : vector<16xf32> to vector<16xf32>
    tpu.vector_store %arg18[%swap3A_60], %swap3A_63 {strides = array<i32>} : memref<640xf32, #tpu.memory_space<vmem>>, vector<16xf32>,
    %broadcast_in_dim3A_64 = arith.constant 0.000000e+00 : f32
    %broadcast_in_dim3A_65 = vector.broadcast %broadcast_in_dim3A_64 : f32 to vector<16xf32>
    %swap3A_66 = arith.constant 96 : index
    %swap3A_67 = tpu.vector_load %arg18[%swap3A_66] {strides = array<i32>} : memref<640xf32, #tpu.memory_space<vmem>>, vector<16xf32>,
    %swap3A_68 = vector.shape_cast %swap3A_67 : vector<16xf32> to vector<16xf32>
    %swap3A_69 = vector.shape_cast %broadcast_in_dim3A_65 : vector<16xf32> to vector<16xf32>
    tpu.vector_store %arg18[%swap3A_66], %swap3A_69 {strides = array<i32>} : memref<640xf32, #tpu.memory_space<vmem>>, vector<16xf32>,
    %broadcast_in_dim3A_70 = arith.constant 0.000000e+00 : f32
    %broadcast_in_dim3A_71 = vector.broadcast %broadcast_in_dim3A_70 : f32 to vector<16xf32>
    %swap3A_72 = arith.constant 112 : index
    %swap3A_73 = tpu.vector_load %arg18[%swap3A_72] {strides = array<i32>} : memref<640xf32, #tpu.memory_space<vmem>>, vector<16xf32>,
    %swap3A_74 = vector.shape_cast %swap3A_73 : vector<16xf32> to vector<16xf32>
    %swap3A_75 = vector.shape_cast %broadcast_in_dim3A_71 : vector<16xf32> to vector<16xf32>
    tpu.vector_store %arg18[%swap3A_72], %swap3A_75 {strides = array<i32>} : memref<640xf32, #tpu.memory_space<vmem>>, vector<16xf32>,
    %broadcast_in_dim3A_76 = arith.constant 0.000000e+00 : f32
    %broadcast_in_dim3A_77 = vector.broadcast %broadcast_in_dim3A_76 : f32 to vector<16xf32>
    %swap3A_78 = arith.constant 128 : index
    %swap3A_79 = tpu.vector_load %arg18[%swap3A_78] {strides = array<i32>} : memref<640xf32, #tpu.memory_space<vmem>>, vector<16xf32>,
    %swap3A_80 = vector.shape_cast %swap3A_79 : vector<16xf32> to vector<16xf32>
    %swap3A_81 = vector.shape_cast %broadcast_in_dim3A_77 : vector<16xf32> to vector<16xf32>
    tpu.vector_store %arg18[%swap3A_78], %swap3A_81 {strides = array<i32>} : memref<640xf32, #tpu.memory_space<vmem>>, vector<16xf32>,
    %broadcast_in_dim3A_82 = arith.constant 0.000000e+00 : f32
    %broadcast_in_dim3A_83 = vector.broadcast %broadcast_in_dim3A_82 : f32 to vector<16xf32>
    %swap3A_84 = arith.constant 144 : index
    %swap3A_85 = tpu.vector_load %arg18[%swap3A_84] {strides = array<i32>} : memref<640xf32, #tpu.memory_space<vmem>>, vector<16xf32>,
    %swap3A_86 = vector.shape_cast %swap3A_85 : vector<16xf32> to vector<16xf32>
    %swap3A_87 = vector.shape_cast %broadcast_in_dim3A_83 : vector<16xf32> to vector<16xf32>
    tpu.vector_store %arg18[%swap3A_84], %swap3A_87 {strides = array<i32>} : memref<640xf32, #tpu.memory_space<vmem>>, vector<16xf32>,
    %broadcast_in_dim3A_88 = arith.constant 0.000000e+00 : f32
    %broadcast_in_dim3A_89 = vector.broadcast %broadcast_in_dim3A_88 : f32 to vector<16xf32>
    %swap3A_90 = arith.constant 160 : index
    %swap3A_91 = tpu.vector_load %arg18[%swap3A_90] {strides = array<i32>} : memref<640xf32, #tpu.memory_space<vmem>>, vector<16xf32>,
    %swap3A_92 = vector.shape_cast %swap3A_91 : vector<16xf32> to vector<16xf32>
    %swap3A_93 = vector.shape_cast %broadcast_in_dim3A_89 : vector<16xf32> to vector<16xf32>
    tpu.vector_store %arg18[%swap3A_90], %swap3A_93 {strides = array<i32>} : memref<640xf32, #tpu.memory_space<vmem>>, vector<16xf32>,
    %broadcast_in_dim3A_94 = arith.constant 0.000000e+00 : f32
    %broadcast_in_dim3A_95 = vector.broadcast %broadcast_in_dim3A_94 : f32 to vector<16xf32>
    %swap3A_96 = arith.constant 176 : index
    %swap3A_97 = tpu.vector_load %arg18[%swap3A_96] {strides = array<i32>} : memref<640xf32, #tpu.memory_space<vmem>>, vector<16xf32>,
    %swap3A_98 = vector.shape_cast %swap3A_97 : vector<16xf32> to vector<16xf32>
    %swap3A_99 = vector.shape_cast %broadcast_in_dim3A_95 : vector<16xf32> to vector<16xf32>
    tpu.vector_store %arg18[%swap3A_96], %swap3A_99 {strides = array<i32>} : memref<640xf32, #tpu.memory_space<vmem>>, vector<16xf32>,
    %broadcast_in_dim3A_100 = arith.constant 0.000000e+00 : f32
    %broadcast_in_dim3A_101 = vector.broadcast %broadcast_in_dim3A_100 : f32 to vector<16xf32>
    %swap3A_102 = arith.constant 192 : index
    %swap3A_103 = tpu.vector_load %arg18[%swap3A_102] {strides = array<i32>} : memref<640xf32, #tpu.memory_space<vmem>>, vector<16xf32>,
    %swap3A_104 = vector.shape_cast %swap3A_103 : vector<16xf32> to vector<16xf32>
    %swap3A_105 = vector.shape_cast %broadcast_in_dim3A_101 : vector<16xf32> to vector<16xf32>
    tpu.vector_store %arg18[%swap3A_102], %swap3A_105 {strides = array<i32>} : memref<640xf32, #tpu.memory_space<vmem>>, vector<16xf32>,
    %broadcast_in_dim3A_106 = arith.constant 0.000000e+00 : f32
    %broadcast_in_dim3A_107 = vector.broadcast %broadcast_in_dim3A_106 : f32 to vector<16xf32>
    %swap3A_108 = arith.constant 208 : index
    %swap3A_109 = tpu.vector_load %arg18[%swap3A_108] {strides = array<i32>} : memref<640xf32, #tpu.memory_space<vmem>>, vector<16xf32>,
    %swap3A_110 = vector.shape_cast %swap3A_109 : vector<16xf32> to vector<16xf32>
    %swap3A_111 = vector.shape_cast %broadcast_in_dim3A_107 : vector<16xf32> to vector<16xf32>
    tpu.vector_store %arg18[%swap3A_108], %swap3A_111 {strides = array<i32>} : memref<640xf32, #tpu.memory_space<vmem>>, vector<16xf32>,
    %broadcast_in_dim3A_112 = arith.constant 0.000000e+00 : f32
    %broadcast_in_dim3A_113 = vector.broadcast %broadcast_in_dim3A_112 : f32 to vector<16xf32>
    %swap3A_114 = arith.constant 224 : index
    %swap3A_115 = tpu.vector_load %arg18[%swap3A_114] {strides = array<i32>} : memref<640xf32, #tpu.memory_space<vmem>>, vector<16xf32>,
    %swap3A_116 = vector.shape_cast %swap3A_115 : vector<16xf32> to vector<16xf32>
    %swap3A_117 = vector.shape_cast %broadcast_in_dim3A_113 : vector<16xf32> to vector<16xf32>
    tpu.vector_store %arg18[%swap3A_114], %swap3A_117 {strides = array<i32>} : memref<640xf32, #tpu.memory_space<vmem>>, vector<16xf32>,
    %broadcast_in_dim3A_118 = arith.constant 0.000000e+00 : f32
    %broadcast_in_dim3A_119 = vector.broadcast %broadcast_in_dim3A_118 : f32 to vector<16xf32>
    %swap3A_120 = arith.constant 240 : index
    %swap3A_121 = tpu.vector_load %arg18[%swap3A_120] {strides = array<i32>} : memref<640xf32, #tpu.memory_space<vmem>>, vector<16xf32>,
    %swap3A_122 = vector.shape_cast %swap3A_121 : vector<16xf32> to vector<16xf32>
    %swap3A_123 = vector.shape_cast %broadcast_in_dim3A_119 : vector<16xf32> to vector<16xf32>
    tpu.vector_store %arg18[%swap3A_120], %swap3A_123 {strides = array<i32>} : memref<640xf32, #tpu.memory_space<vmem>>, vector<16xf32>,
    %broadcast_in_dim3A_124 = arith.constant 0.000000e+00 : f32
    %broadcast_in_dim3A_125 = vector.broadcast %broadcast_in_dim3A_124 : f32 to vector<16xf32>
    %swap3A_126 = arith.constant 256 : index
    %swap3A_127 = tpu.vector_load %arg18[%swap3A_126] {strides = array<i32>} : memref<640xf32, #tpu.memory_space<vmem>>, vector<16xf32>,
    %swap3A_128 = vector.shape_cast %swap3A_127 : vector<16xf32> to vector<16xf32>
    %swap3A_129 = vector.shape_cast %broadcast_in_dim3A_125 : vector<16xf32> to vector<16xf32>
    tpu.vector_store %arg18[%swap3A_126], %swap3A_129 {strides = array<i32>} : memref<640xf32, #tpu.memory_space<vmem>>, vector<16xf32>,
    %broadcast_in_dim3A_130 = arith.constant 0.000000e+00 : f32
    %broadcast_in_dim3A_131 = vector.broadcast %broadcast_in_dim3A_130 : f32 to vector<16xf32>
    %swap3A_132 = arith.constant 272 : index
    %swap3A_133 = tpu.vector_load %arg18[%swap3A_132] {strides = array<i32>} : memref<640xf32, #tpu.memory_space<vmem>>, vector<16xf32>,
    %swap3A_134 = vector.shape_cast %swap3A_133 : vector<16xf32> to vector<16xf32>
    %swap3A_135 = vector.shape_cast %broadcast_in_dim3A_131 : vector<16xf32> to vector<16xf32>
    tpu.vector_store %arg18[%swap3A_132], %swap3A_135 {strides = array<i32>} : memref<640xf32, #tpu.memory_space<vmem>>, vector<16xf32>,
    %broadcast_in_dim3A_136 = arith.constant 0.000000e+00 : f32
    %broadcast_in_dim3A_137 = vector.broadcast %broadcast_in_dim3A_136 : f32 to vector<16xf32>
    %swap3A_138 = arith.constant 288 : index
    %swap3A_139 = tpu.vector_load %arg18[%swap3A_138] {strides = array<i32>} : memref<640xf32, #tpu.memory_space<vmem>>, vector<16xf32>,
    %swap3A_140 = vector.shape_cast %swap3A_139 : vector<16xf32> to vector<16xf32>
    %swap3A_141 = vector.shape_cast %broadcast_in_dim3A_137 : vector<16xf32> to vector<16xf32>
    tpu.vector_store %arg18[%swap3A_138], %swap3A_141 {strides = array<i32>} : memref<640xf32, #tpu.memory_space<vmem>>, vector<16xf32>,
    %broadcast_in_dim3A_142 = arith.constant 0.000000e+00 : f32
    %broadcast_in_dim3A_143 = vector.broadcast %broadcast_in_dim3A_142 : f32 to vector<16xf32>
    %swap3A_144 = arith.constant 304 : index
    %swap3A_145 = tpu.vector_load %arg18[%swap3A_144] {strides = array<i32>} : memref<640xf32, #tpu.memory_space<vmem>>, vector<16xf32>,
    %swap3A_146 = vector.shape_cast %swap3A_145 : vector<16xf32> to vector<16xf32>
    %swap3A_147 = vector.shape_cast %broadcast_in_dim3A_143 : vector<16xf32> to vector<16xf32>
    tpu.vector_store %arg18[%swap3A_144], %swap3A_147 {strides = array<i32>} : memref<640xf32, #tpu.memory_space<vmem>>, vector<16xf32>,
    %broadcast_in_dim3A_148 = arith.constant 0.000000e+00 : f32
    %broadcast_in_dim3A_149 = vector.broadcast %broadcast_in_dim3A_148 : f32 to vector<16xf32>
    %swap3A_150 = arith.constant 320 : index
    %swap3A_151 = tpu.vector_load %arg18[%swap3A_150] {strides = array<i32>} : memref<640xf32, #tpu.memory_space<vmem>>, vector<16xf32>,
    %swap3A_152 = vector.shape_cast %swap3A_151 : vector<16xf32> to vector<16xf32>
    %swap3A_153 = vector.shape_cast %broadcast_in_dim3A_149 : vector<16xf32> to vector<16xf32>
    tpu.vector_store %arg18[%swap3A_150], %swap3A_153 {strides = array<i32>} : memref<640xf32, #tpu.memory_space<vmem>>, vector<16xf32>,
    %broadcast_in_dim3A_154 = arith.constant 0.000000e+00 : f32
    %broadcast_in_dim3A_155 = vector.broadcast %broadcast_in_dim3A_154 : f32 to vector<16xf32>
    %swap3A_156 = arith.constant 336 : index
    %swap3A_157 = tpu.vector_load %arg18[%swap3A_156] {strides = array<i32>} : memref<640xf32, #tpu.memory_space<vmem>>, vector<16xf32>,
    %swap3A_158 = vector.shape_cast %swap3A_157 : vector<16xf32> to vector<16xf32>
    %swap3A_159 = vector.shape_cast %broadcast_in_dim3A_155 : vector<16xf32> to vector<16xf32>
    tpu.vector_store %arg18[%swap3A_156], %swap3A_159 {strides = array<i32>} : memref<640xf32, #tpu.memory_space<vmem>>, vector<16xf32>,
    %broadcast_in_dim3A_160 = arith.constant 0.000000e+00 : f32
    %broadcast_in_dim3A_161 = vector.broadcast %broadcast_in_dim3A_160 : f32 to vector<16xf32>
    %swap3A_162 = arith.constant 352 : index
    %swap3A_163 = tpu.vector_load %arg18[%swap3A_162] {strides = array<i32>} : memref<640xf32, #tpu.memory_space<vmem>>, vector<16xf32>,
    %swap3A_164 = vector.shape_cast %swap3A_163 : vector<16xf32> to vector<16xf32>
    %swap3A_165 = vector.shape_cast %broadcast_in_dim3A_161 : vector<16xf32> to vector<16xf32>
    tpu.vector_store %arg18[%swap3A_162], %swap3A_165 {strides = array<i32>} : memref<640xf32, #tpu.memory_space<vmem>>, vector<16xf32>,
    %broadcast_in_dim3A_166 = arith.constant 0.000000e+00 : f32
    %broadcast_in_dim3A_167 = vector.broadcast %broadcast_in_dim3A_166 : f32 to vector<16xf32>
    %swap3A_168 = arith.constant 368 : index
    %swap3A_169 = tpu.vector_load %arg18[%swap3A_168] {strides = array<i32>} : memref<640xf32, #tpu.memory_space<vmem>>, vector<16xf32>,
    %swap3A_170 = vector.shape_cast %swap3A_169 : vector<16xf32> to vector<16xf32>
    %swap3A_171 = vector.shape_cast %broadcast_in_dim3A_167 : vector<16xf32> to vector<16xf32>
    tpu.vector_store %arg18[%swap3A_168], %swap3A_171 {strides = array<i32>} : memref<640xf32, #tpu.memory_space<vmem>>, vector<16xf32>,
    %broadcast_in_dim3A_172 = arith.constant 0.000000e+00 : f32
    %broadcast_in_dim3A_173 = vector.broadcast %broadcast_in_dim3A_172 : f32 to vector<16xf32>
    %swap3A_174 = arith.constant 384 : index
    %swap3A_175 = tpu.vector_load %arg18[%swap3A_174] {strides = array<i32>} : memref<640xf32, #tpu.memory_space<vmem>>, vector<16xf32>,
    %swap3A_176 = vector.shape_cast %swap3A_175 : vector<16xf32> to vector<16xf32>
    %swap3A_177 = vector.shape_cast %broadcast_in_dim3A_173 : vector<16xf32> to vector<16xf32>
    tpu.vector_store %arg18[%swap3A_174], %swap3A_177 {strides = array<i32>} : memref<640xf32, #tpu.memory_space<vmem>>, vector<16xf32>,
    %broadcast_in_dim3A_178 = arith.constant 0.000000e+00 : f32
    %broadcast_in_dim3A_179 = vector.broadcast %broadcast_in_dim3A_178 : f32 to vector<16xf32>
    %swap3A_180 = arith.constant 400 : index
    %swap3A_181 = tpu.vector_load %arg18[%swap3A_180] {strides = array<i32>} : memref<640xf32, #tpu.memory_space<vmem>>, vector<16xf32>,
    %swap3A_182 = vector.shape_cast %swap3A_181 : vector<16xf32> to vector<16xf32>
    %swap3A_183 = vector.shape_cast %broadcast_in_dim3A_179 : vector<16xf32> to vector<16xf32>
    tpu.vector_store %arg18[%swap3A_180], %swap3A_183 {strides = array<i32>} : memref<640xf32, #tpu.memory_space<vmem>>, vector<16xf32>,
    %broadcast_in_dim3A_184 = arith.constant 0.000000e+00 : f32
    %broadcast_in_dim3A_185 = vector.broadcast %broadcast_in_dim3A_184 : f32 to vector<16xf32>
    %swap3A_186 = arith.constant 416 : index
    %swap3A_187 = tpu.vector_load %arg18[%swap3A_186] {strides = array<i32>} : memref<640xf32, #tpu.memory_space<vmem>>, vector<16xf32>,
    %swap3A_188 = vector.shape_cast %swap3A_187 : vector<16xf32> to vector<16xf32>
    %swap3A_189 = vector.shape_cast %broadcast_in_dim3A_185 : vector<16xf32> to vector<16xf32>
    tpu.vector_store %arg18[%swap3A_186], %swap3A_189 {strides = array<i32>} : memref<640xf32, #tpu.memory_space<vmem>>, vector<16xf32>,
    %broadcast_in_dim3A_190 = arith.constant 0.000000e+00 : f32
    %broadcast_in_dim3A_191 = vector.broadcast %broadcast_in_dim3A_190 : f32 to vector<16xf32>
    %swap3A_192 = arith.constant 432 : index
    %swap3A_193 = tpu.vector_load %arg18[%swap3A_192] {strides = array<i32>} : memref<640xf32, #tpu.memory_space<vmem>>, vector<16xf32>,
    %swap3A_194 = vector.shape_cast %swap3A_193 : vector<16xf32> to vector<16xf32>
    %swap3A_195 = vector.shape_cast %broadcast_in_dim3A_191 : vector<16xf32> to vector<16xf32>
    tpu.vector_store %arg18[%swap3A_192], %swap3A_195 {strides = array<i32>} : memref<640xf32, #tpu.memory_space<vmem>>, vector<16xf32>,
    %broadcast_in_dim3A_196 = arith.constant 0.000000e+00 : f32
    %broadcast_in_dim3A_197 = vector.broadcast %broadcast_in_dim3A_196 : f32 to vector<16xf32>
    %swap3A_198 = arith.constant 448 : index
    %swap3A_199 = tpu.vector_load %arg18[%swap3A_198] {strides = array<i32>} : memref<640xf32, #tpu.memory_space<vmem>>, vector<16xf32>,
    %swap3A_200 = vector.shape_cast %swap3A_199 : vector<16xf32> to vector<16xf32>
    %swap3A_201 = vector.shape_cast %broadcast_in_dim3A_197 : vector<16xf32> to vector<16xf32>
    tpu.vector_store %arg18[%swap3A_198], %swap3A_201 {strides = array<i32>} : memref<640xf32, #tpu.memory_space<vmem>>, vector<16xf32>,
    %broadcast_in_dim3A_202 = arith.constant 0.000000e+00 : f32
    %broadcast_in_dim3A_203 = vector.broadcast %broadcast_in_dim3A_202 : f32 to vector<16xf32>
    %swap3A_204 = arith.constant 464 : index
    %swap3A_205 = tpu.vector_load %arg18[%swap3A_204] {strides = array<i32>} : memref<640xf32, #tpu.memory_space<vmem>>, vector<16xf32>,
    %swap3A_206 = vector.shape_cast %swap3A_205 : vector<16xf32> to vector<16xf32>
    %swap3A_207 = vector.shape_cast %broadcast_in_dim3A_203 : vector<16xf32> to vector<16xf32>
    tpu.vector_store %arg18[%swap3A_204], %swap3A_207 {strides = array<i32>} : memref<640xf32, #tpu.memory_space<vmem>>, vector<16xf32>,
    %broadcast_in_dim3A_208 = arith.constant 0.000000e+00 : f32
    %broadcast_in_dim3A_209 = vector.broadcast %broadcast_in_dim3A_208 : f32 to vector<16xf32>
    %swap3A_210 = arith.constant 480 : index
    %swap3A_211 = tpu.vector_load %arg18[%swap3A_210] {strides = array<i32>} : memref<640xf32, #tpu.memory_space<vmem>>, vector<16xf32>,
    %swap3A_212 = vector.shape_cast %swap3A_211 : vector<16xf32> to vector<16xf32>
    %swap3A_213 = vector.shape_cast %broadcast_in_dim3A_209 : vector<16xf32> to vector<16xf32>
    tpu.vector_store %arg18[%swap3A_210], %swap3A_213 {strides = array<i32>} : memref<640xf32, #tpu.memory_space<vmem>>, vector<16xf32>,
    %broadcast_in_dim3A_214 = arith.constant 0.000000e+00 : f32
    %broadcast_in_dim3A_215 = vector.broadcast %broadcast_in_dim3A_214 : f32 to vector<16xf32>
    %swap3A_216 = arith.constant 496 : index
    %swap3A_217 = tpu.vector_load %arg18[%swap3A_216] {strides = array<i32>} : memref<640xf32, #tpu.memory_space<vmem>>, vector<16xf32>,
    %swap3A_218 = vector.shape_cast %swap3A_217 : vector<16xf32> to vector<16xf32>
    %swap3A_219 = vector.shape_cast %broadcast_in_dim3A_215 : vector<16xf32> to vector<16xf32>
    tpu.vector_store %arg18[%swap3A_216], %swap3A_219 {strides = array<i32>} : memref<640xf32, #tpu.memory_space<vmem>>, vector<16xf32>,
    %broadcast_in_dim3A_220 = arith.constant 0.000000e+00 : f32
    %broadcast_in_dim3A_221 = vector.broadcast %broadcast_in_dim3A_220 : f32 to vector<16xf32>
    %swap3A_222 = arith.constant 512 : index
    %swap3A_223 = tpu.vector_load %arg18[%swap3A_222] {strides = array<i32>} : memref<640xf32, #tpu.memory_space<vmem>>, vector<16xf32>,
    %swap3A_224 = vector.shape_cast %swap3A_223 : vector<16xf32> to vector<16xf32>
    %swap3A_225 = vector.shape_cast %broadcast_in_dim3A_221 : vector<16xf32> to vector<16xf32>
    tpu.vector_store %arg18[%swap3A_222], %swap3A_225 {strides = array<i32>} : memref<640xf32, #tpu.memory_space<vmem>>, vector<16xf32>,
    %broadcast_in_dim3A_226 = arith.constant 0.000000e+00 : f32
    %broadcast_in_dim3A_227 = vector.broadcast %broadcast_in_dim3A_226 : f32 to vector<16xf32>
    %swap3A_228 = arith.constant 528 : index
    %swap3A_229 = tpu.vector_load %arg18[%swap3A_228] {strides = array<i32>} : memref<640xf32, #tpu.memory_space<vmem>>, vector<16xf32>,
    %swap3A_230 = vector.shape_cast %swap3A_229 : vector<16xf32> to vector<16xf32>
    %swap3A_231 = vector.shape_cast %broadcast_in_dim3A_227 : vector<16xf32> to vector<16xf32>
    tpu.vector_store %arg18[%swap3A_228], %swap3A_231 {strides = array<i32>} : memref<640xf32, #tpu.memory_space<vmem>>, vector<16xf32>,
    %broadcast_in_dim3A_232 = arith.constant 0.000000e+00 : f32
    %broadcast_in_dim3A_233 = vector.broadcast %broadcast_in_dim3A_232 : f32 to vector<16xf32>
    %swap3A_234 = arith.constant 544 : index
    %swap3A_235 = tpu.vector_load %arg18[%swap3A_234] {strides = array<i32>} : memref<640xf32, #tpu.memory_space<vmem>>, vector<16xf32>,
    %swap3A_236 = vector.shape_cast %swap3A_235 : vector<16xf32> to vector<16xf32>
    %swap3A_237 = vector.shape_cast %broadcast_in_dim3A_233 : vector<16xf32> to vector<16xf32>
    tpu.vector_store %arg18[%swap3A_234], %swap3A_237 {strides = array<i32>} : memref<640xf32, #tpu.memory_space<vmem>>, vector<16xf32>,
    %broadcast_in_dim3A_238 = arith.constant 0.000000e+00 : f32
    %broadcast_in_dim3A_239 = vector.broadcast %broadcast_in_dim3A_238 : f32 to vector<16xf32>
    %swap3A_240 = arith.constant 560 : index
    %swap3A_241 = tpu.vector_load %arg18[%swap3A_240] {strides = array<i32>} : memref<640xf32, #tpu.memory_space<vmem>>, vector<16xf32>,
    %swap3A_242 = vector.shape_cast %swap3A_241 : vector<16xf32> to vector<16xf32>
    %swap3A_243 = vector.shape_cast %broadcast_in_dim3A_239 : vector<16xf32> to vector<16xf32>
    tpu.vector_store %arg18[%swap3A_240], %swap3A_243 {strides = array<i32>} : memref<640xf32, #tpu.memory_space<vmem>>, vector<16xf32>,
    %broadcast_in_dim3A_244 = arith.constant 0.000000e+00 : f32
    %broadcast_in_dim3A_245 = vector.broadcast %broadcast_in_dim3A_244 : f32 to vector<16xf32>
    %swap3A_246 = arith.constant 576 : index
    %swap3A_247 = tpu.vector_load %arg18[%swap3A_246] {strides = array<i32>} : memref<640xf32, #tpu.memory_space<vmem>>, vector<16xf32>,
    %swap3A_248 = vector.shape_cast %swap3A_247 : vector<16xf32> to vector<16xf32>
    %swap3A_249 = vector.shape_cast %broadcast_in_dim3A_245 : vector<16xf32> to vector<16xf32>
    tpu.vector_store %arg18[%swap3A_246], %swap3A_249 {strides = array<i32>} : memref<640xf32, #tpu.memory_space<vmem>>, vector<16xf32>,
    %broadcast_in_dim3A_250 = arith.constant 0.000000e+00 : f32
    %broadcast_in_dim3A_251 = vector.broadcast %broadcast_in_dim3A_250 : f32 to vector<16xf32>
    %swap3A_252 = arith.constant 592 : index
    %swap3A_253 = tpu.vector_load %arg18[%swap3A_252] {strides = array<i32>} : memref<640xf32, #tpu.memory_space<vmem>>, vector<16xf32>,
    %swap3A_254 = vector.shape_cast %swap3A_253 : vector<16xf32> to vector<16xf32>
    %swap3A_255 = vector.shape_cast %broadcast_in_dim3A_251 : vector<16xf32> to vector<16xf32>
    tpu.vector_store %arg18[%swap3A_252], %swap3A_255 {strides = array<i32>} : memref<640xf32, #tpu.memory_space<vmem>>, vector<16xf32>,
    %broadcast_in_dim3A_256 = arith.constant 0.000000e+00 : f32
    %broadcast_in_dim3A_257 = vector.broadcast %broadcast_in_dim3A_256 : f32 to vector<16xf32>
    %swap3A_258 = arith.constant 608 : index
    %swap3A_259 = tpu.vector_load %arg18[%swap3A_258] {strides = array<i32>} : memref<640xf32, #tpu.memory_space<vmem>>, vector<16xf32>,
    %swap3A_260 = vector.shape_cast %swap3A_259 : vector<16xf32> to vector<16xf32>
    %swap3A_261 = vector.shape_cast %broadcast_in_dim3A_257 : vector<16xf32> to vector<16xf32>
    tpu.vector_store %arg18[%swap3A_258], %swap3A_261 {strides = array<i32>} : memref<640xf32, #tpu.memory_space<vmem>>, vector<16xf32>,
    %broadcast_in_dim3A_262 = arith.constant 0.000000e+00 : f32
    %broadcast_in_dim3A_263 = vector.broadcast %broadcast_in_dim3A_262 : f32 to vector<16xf32>
    %swap3A_264 = arith.constant 624 : index
    %swap3A_265 = tpu.vector_load %arg18[%swap3A_264] {strides = array<i32>} : memref<640xf32, #tpu.memory_space<vmem>>, vector<16xf32>,
    %swap3A_266 = vector.shape_cast %swap3A_265 : vector<16xf32> to vector<16xf32>
    %swap3A_267 = vector.shape_cast %broadcast_in_dim3A_263 : vector<16xf32> to vector<16xf32>
    tpu.vector_store %arg18[%swap3A_264], %swap3A_267 {strides = array<i32>} : memref<640xf32, #tpu.memory_space<vmem>>, vector<16xf32>,
    %lt3A = arith.constant 15 : i32
    %lt3A_268 = arith.cmpi slt, %arg1, %lt3A : i32
    %convert_element_type3A = arith.extui %lt3A_268 : i1 to i32
    %cond3A = arith.constant 0 : i32
    %cond3A_269 = arith.cmpi ne, %convert_element_type3A, %cond3A : i32
    scf.if %cond3A_269 {
      %mul3A_313 = arith.constant 640 : i32
      %mul3A_314 = arith.muli %arg1, %mul3A_313 : i32
      "tpu.region"() ({
        %run_scoped3A = tpu.sem_alloc : memref<!tpu.dma_semaphore, #tpu.memory_space<semaphore_mem>>
        %dma_start3A_315 = tpu.memref_slice %arg19[%mul3A_314] : memref<10000xf32, #tpu.memory_space<vmem_shared>> -> memref<640xf32, #tpu.memory_space<vmem_shared>>
        %dma_start3A_316 = tpu.memref_slice %arg19[%mul3A_314] : memref<10000xf32, #tpu.memory_space<vmem_shared>> -> memref<640xf32, #tpu.memory_space<vmem_shared>>
        tpu.enqueue_dma source(%arg18 : memref<640xf32, #tpu.memory_space<vmem>>) target(%dma_start3A_316 : memref<640xf32, #tpu.memory_space<vmem_shared>>) target_semaphore(%run_scoped3A : memref<!tpu.dma_semaphore, #tpu.memory_space<semaphore_mem>>)
        %dma_wait3A_317 = tpu.memref_slice %arg19[%mul3A_314] : memref<10000xf32, #tpu.memory_space<vmem_shared>> -> memref<640xf32, #tpu.memory_space<vmem_shared>>
        %dma_wait3A_318 = tpu.memref_slice %arg19[%mul3A_314] : memref<10000xf32, #tpu.memory_space<vmem_shared>> -> memref<640xf32, #tpu.memory_space<vmem_shared>>
        tpu.wait_dma2 semaphore(%run_scoped3A : memref<!tpu.dma_semaphore, #tpu.memory_space<semaphore_mem>>) src(%arg18 : memref<640xf32, #tpu.memory_space<vmem>>) dst(%dma_wait3A_318 : memref<640xf32, #tpu.memory_space<vmem_shared>>)
        tpu.yield
      }) : () -> ()
    } else {
    }
    %eq3A = arith.constant 15 : i32
    %eq3A_270 = arith.cmpi eq, %arg1, %eq3A : i32
    %convert_element_type3A_271 = arith.extui %eq3A_270 : i1 to i32
    %cond3A_272 = arith.constant 0 : i32
    %cond3A_273 = arith.cmpi ne, %convert_element_type3A_271, %cond3A_272 : i32
    scf.if %cond3A_273 {
      "tpu.region"() ({
        %run_scoped3A = tpu.sem_alloc : memref<!tpu.dma_semaphore, #tpu.memory_space<semaphore_mem>>
        %dma_start3A_313 = arith.constant 0 : i32
        %dma_start3A_314 = tpu.memref_slice %arg18[%dma_start3A_313] : memref<640xf32, #tpu.memory_space<vmem>> -> memref<400xf32, #tpu.memory_space<vmem>>
        %dma_start3A_315 = arith.constant 9600 : i32
        %dma_start3A_316 = tpu.memref_slice %arg19[%dma_start3A_315] : memref<10000xf32, #tpu.memory_space<vmem_shared>> -> memref<400xf32, #tpu.memory_space<vmem_shared>>
        %dma_start3A_317 = arith.constant 9600 : i32
        %dma_start3A_318 = tpu.memref_slice %arg19[%dma_start3A_317] : memref<10000xf32, #tpu.memory_space<vmem_shared>> -> memref<400xf32, #tpu.memory_space<vmem_shared>>
        %dma_start3A_319 = arith.constant 0 : i32
        %dma_start3A_320 = tpu.memref_slice %arg18[%dma_start3A_319] : memref<640xf32, #tpu.memory_space<vmem>> -> memref<400xf32, #tpu.memory_space<vmem>>
        tpu.enqueue_dma source(%dma_start3A_320 : memref<400xf32, #tpu.memory_space<vmem>>) target(%dma_start3A_318 : memref<400xf32, #tpu.memory_space<vmem_shared>>) target_semaphore(%run_scoped3A : memref<!tpu.dma_semaphore, #tpu.memory_space<semaphore_mem>>)
        %dma_wait3A_321 = arith.constant 0 : i32
        %dma_wait3A_322 = tpu.memref_slice %arg18[%dma_wait3A_321] : memref<640xf32, #tpu.memory_space<vmem>> -> memref<400xf32, #tpu.memory_space<vmem>>
        %dma_wait3A_323 = arith.constant 9600 : i32
        %dma_wait3A_324 = tpu.memref_slice %arg19[%dma_wait3A_323] : memref<10000xf32, #tpu.memory_space<vmem_shared>> -> memref<400xf32, #tpu.memory_space<vmem_shared>>
        %dma_wait3A_325 = arith.constant 9600 : i32
        %dma_wait3A_326 = tpu.memref_slice %arg19[%dma_wait3A_325] : memref<10000xf32, #tpu.memory_space<vmem_shared>> -> memref<400xf32, #tpu.memory_space<vmem_shared>>
        %dma_wait3A_327 = arith.constant 0 : i32
        %dma_wait3A_328 = tpu.memref_slice %arg18[%dma_wait3A_327] : memref<640xf32, #tpu.memory_space<vmem>> -> memref<400xf32, #tpu.memory_space<vmem>>
        tpu.wait_dma2 semaphore(%run_scoped3A : memref<!tpu.dma_semaphore, #tpu.memory_space<semaphore_mem>>) src(%dma_wait3A_328 : memref<400xf32, #tpu.memory_space<vmem>>) dst(%dma_wait3A_326 : memref<400xf32, #tpu.memory_space<vmem_shared>>)
        tpu.yield
      }) : () -> ()
    } else {
    }
    %barrier3A = arith.constant 0 : index
    tpu.barrier barrier_id(%barrier3A)
    %mul3A = arith.constant 160000 : i32
    %mul3A_274 = arith.muli %arg0, %mul3A : i32
    %mul3A_275 = arith.constant 10000 : i32
    %mul3A_276 = arith.muli %arg1, %mul3A_275 : i32
    %add3A = arith.addi %mul3A_274, %mul3A_276 : i32
    %add3A_277 = arith.constant 320000 : i32
    %add3A_278 = arith.addi %add3A_277, %add3A : i32
    %add3A_279 = arith.constant 0 : i32
    %add3A_280 = arith.addi %add3A_278, %add3A_279 : i32
    %dma_start3A = tpu.memref_slice %arg2[%add3A_280] : memref<640000xi32, #tpu.memory_space<hbm>> -> memref<80xi32, #tpu.memory_space<hbm>>
    %dma_start3A_281 = tpu.memref_slice %arg2[%add3A_280] : memref<640000xi32, #tpu.memory_space<hbm>> -> memref<80xi32, #tpu.memory_space<hbm>>
    tpu.enqueue_dma source(%dma_start3A_281 : memref<80xi32, #tpu.memory_space<hbm>>) target(%arg5 : memref<80xi32, #tpu.memory_space<vmem>>) target_semaphore(%arg9 : memref<!tpu.dma_semaphore, #tpu.memory_space<semaphore_mem>>)
    %scan3A = arith.constant 0 : i32
    %scan3A_282 = arith.constant 0 : i32
    %scan3A_283 = arith.constant 31 : i32
    %scan3A_284 = arith.addi %scan3A_282, %scan3A_283 : i32
    %scan3A_285 = arith.constant 1 : i32
    scf.for %scan3A_313 = %scan3A_282 to %scan3A_284 step %scan3A_285  : i32 {
      %mul3A_314 = arith.constant 4 : i32
      %mul3A_315 = arith.muli %mul3A_314, %scan3A_313 : i32
      %add3A_316 = arith.constant 0 : i32
      %add3A_317 = arith.addi %mul3A_315, %add3A_316 : i32
      %ge3A = arith.constant 1 : i32
      %ge3A_318 = arith.cmpi sge, %scan3A_313, %ge3A : i32
      %convert_element_type3A_319 = arith.extui %ge3A_318 : i1 to i32
      %cond3A_320 = arith.constant 0 : i32
      %cond3A_321 = arith.cmpi ne, %convert_element_type3A_319, %cond3A_320 : i32
      scf.if %cond3A_321 {
        %dma_wait3A_410 = arith.constant 0 : i32
        %dma_wait3A_411 = tpu.memref_slice %arg19[%dma_wait3A_410] : memref<10000xf32, #tpu.memory_space<vmem_shared>> -> memref<10000xf32, #tpu.memory_space<vmem_shared>>
        tpu.wait_indirect_dma semaphore(%arg14 : memref<!tpu.dma_semaphore, #tpu.memory_space<semaphore_mem>>) src(%arg17 : memref<80xf32, #tpu.memory_space<vmem>>) dst(%dma_wait3A_411 : memref<10000xf32, #tpu.memory_space<vmem_shared>>)
      } else {
      }
      %add3A_322 = arith.constant 1 : i32
      %add3A_323 = arith.addi %add3A_317, %add3A_322 : i32
      %lt3A_324 = arith.constant 125 : i32
      %lt3A_325 = arith.cmpi slt, %add3A_323, %lt3A_324 : i32
      %convert_element_type3A_326 = arith.extui %lt3A_325 : i1 to i32
      %cond3A_327 = arith.constant 0 : i32
      %cond3A_328 = arith.cmpi ne, %convert_element_type3A_326, %cond3A_327 : i32
      scf.if %cond3A_328 {
        %add3A_410 = arith.constant 1 : i32
        %add3A_411 = arith.addi %add3A_317, %add3A_410 : i32
        %add3A_412 = arith.constant 320000 : i32
        %add3A_413 = arith.addi %add3A_412, %add3A : i32
        %mul3A_414 = arith.constant 80 : i32
        %mul3A_415 = arith.muli %add3A_411, %mul3A_414 : i32
        %add3A_416 = arith.addi %add3A_413, %mul3A_415 : i32
        %dma_start3A_417 = tpu.memref_slice %arg2[%add3A_416] : memref<640000xi32, #tpu.memory_space<hbm>> -> memref<80xi32, #tpu.memory_space<hbm>>
        %dma_start3A_418 = tpu.memref_slice %arg2[%add3A_416] : memref<640000xi32, #tpu.memory_space<hbm>> -> memref<80xi32, #tpu.memory_space<hbm>>
        tpu.enqueue_dma source(%dma_start3A_418 : memref<80xi32, #tpu.memory_space<hbm>>) target(%arg6 : memref<80xi32, #tpu.memory_space<vmem>>) target_semaphore(%arg10 : memref<!tpu.dma_semaphore, #tpu.memory_space<semaphore_mem>>)
      } else {
      }
      %add3A_329 = arith.constant 320000 : i32
      %add3A_330 = arith.addi %add3A_329, %add3A : i32
      %mul3A_331 = arith.constant 80 : i32
      %mul3A_332 = arith.muli %add3A_317, %mul3A_331 : i32
      %add3A_333 = arith.addi %add3A_330, %mul3A_332 : i32
      %dma_wait3A_334 = tpu.memref_slice %arg2[%add3A_333] : memref<640000xi32, #tpu.memory_space<hbm>> -> memref<80xi32, #tpu.memory_space<hbm>>
      %dma_wait3A_335 = tpu.memref_slice %arg2[%add3A_333] : memref<640000xi32, #tpu.memory_space<hbm>> -> memref<80xi32, #tpu.memory_space<hbm>>
      tpu.wait_dma2 semaphore(%arg9 : memref<!tpu.dma_semaphore, #tpu.memory_space<semaphore_mem>>) src(%dma_wait3A_335 : memref<80xi32, #tpu.memory_space<hbm>>) dst(%arg5 : memref<80xi32, #tpu.memory_space<vmem>>)
      %dma_start3A_336 = arith.constant 0 : i32
      %dma_start3A_337 = tpu.memref_slice %arg19[%dma_start3A_336] : memref<10000xf32, #tpu.memory_space<vmem_shared>> -> memref<10000xf32, #tpu.memory_space<vmem_shared>>
      tpu.enqueue_indirect_dma source(%arg17 : memref<80xf32, #tpu.memory_space<vmem>>) target(%dma_start3A_337 : memref<10000xf32, #tpu.memory_space<vmem_shared>>) offsets(%arg5 : memref<80xi32, #tpu.memory_space<vmem>>) semaphore(%arg13 : memref<!tpu.dma_semaphore, #tpu.memory_space<semaphore_mem>>) {add = true}
      %mul3A_338 = arith.constant 4 : i32
      %mul3A_339 = arith.muli %mul3A_338, %scan3A_313 : i32
      %add3A_340 = arith.constant 1 : i32
      %add3A_341 = arith.addi %mul3A_339, %add3A_340 : i32
      %ge3A_342 = arith.constant 1 : i32
      %ge3A_343 = arith.cmpi sge, %scan3A_313, %ge3A_342 : i32
      %convert_element_type3A_344 = arith.extui %ge3A_343 : i1 to i32
      %cond3A_345 = arith.constant 0 : i32
      %cond3A_346 = arith.cmpi ne, %convert_element_type3A_344, %cond3A_345 : i32
      scf.if %cond3A_346 {
        %dma_wait3A_410 = arith.constant 0 : i32
        %dma_wait3A_411 = tpu.memref_slice %arg19[%dma_wait3A_410] : memref<10000xf32, #tpu.memory_space<vmem_shared>> -> memref<10000xf32, #tpu.memory_space<vmem_shared>>
        tpu.wait_indirect_dma semaphore(%arg15 : memref<!tpu.dma_semaphore, #tpu.memory_space<semaphore_mem>>) src(%arg17 : memref<80xf32, #tpu.memory_space<vmem>>) dst(%dma_wait3A_411 : memref<10000xf32, #tpu.memory_space<vmem_shared>>)
      } else {
      }
      %add3A_347 = arith.constant 1 : i32
      %add3A_348 = arith.addi %add3A_341, %add3A_347 : i32
      %lt3A_349 = arith.constant 125 : i32
      %lt3A_350 = arith.cmpi slt, %add3A_348, %lt3A_349 : i32
      %convert_element_type3A_351 = arith.extui %lt3A_350 : i1 to i32
      %cond3A_352 = arith.constant 0 : i32
      %cond3A_353 = arith.cmpi ne, %convert_element_type3A_351, %cond3A_352 : i32
      scf.if %cond3A_353 {
        %add3A_410 = arith.constant 1 : i32
        %add3A_411 = arith.addi %add3A_341, %add3A_410 : i32
        %add3A_412 = arith.constant 320000 : i32
        %add3A_413 = arith.addi %add3A_412, %add3A : i32
        %mul3A_414 = arith.constant 80 : i32
        %mul3A_415 = arith.muli %add3A_411, %mul3A_414 : i32
        %add3A_416 = arith.addi %add3A_413, %mul3A_415 : i32
        %dma_start3A_417 = tpu.memref_slice %arg2[%add3A_416] : memref<640000xi32, #tpu.memory_space<hbm>> -> memref<80xi32, #tpu.memory_space<hbm>>
        %dma_start3A_418 = tpu.memref_slice %arg2[%add3A_416] : memref<640000xi32, #tpu.memory_space<hbm>> -> memref<80xi32, #tpu.memory_space<hbm>>
        tpu.enqueue_dma source(%dma_start3A_418 : memref<80xi32, #tpu.memory_space<hbm>>) target(%arg7 : memref<80xi32, #tpu.memory_space<vmem>>) target_semaphore(%arg11 : memref<!tpu.dma_semaphore, #tpu.memory_space<semaphore_mem>>)
      } else {
      }
      %add3A_354 = arith.constant 320000 : i32
      %add3A_355 = arith.addi %add3A_354, %add3A : i32
      %mul3A_356 = arith.constant 80 : i32
      %mul3A_357 = arith.muli %add3A_341, %mul3A_356 : i32
      %add3A_358 = arith.addi %add3A_355, %mul3A_357 : i32
      %dma_wait3A_359 = tpu.memref_slice %arg2[%add3A_358] : memref<640000xi32, #tpu.memory_space<hbm>> -> memref<80xi32, #tpu.memory_space<hbm>>
      %dma_wait3A_360 = tpu.memref_slice %arg2[%add3A_358] : memref<640000xi32, #tpu.memory_space<hbm>> -> memref<80xi32, #tpu.memory_space<hbm>>
      tpu.wait_dma2 semaphore(%arg10 : memref<!tpu.dma_semaphore, #tpu.memory_space<semaphore_mem>>) src(%dma_wait3A_360 : memref<80xi32, #tpu.memory_space<hbm>>) dst(%arg6 : memref<80xi32, #tpu.memory_space<vmem>>)
      %dma_start3A_361 = arith.constant 0 : i32
      %dma_start3A_362 = tpu.memref_slice %arg19[%dma_start3A_361] : memref<10000xf32, #tpu.memory_space<vmem_shared>> -> memref<10000xf32, #tpu.memory_space<vmem_shared>>
      tpu.enqueue_indirect_dma source(%arg17 : memref<80xf32, #tpu.memory_space<vmem>>) target(%dma_start3A_362 : memref<10000xf32, #tpu.memory_space<vmem_shared>>) offsets(%arg6 : memref<80xi32, #tpu.memory_space<vmem>>) semaphore(%arg14 : memref<!tpu.dma_semaphore, #tpu.memory_space<semaphore_mem>>) {add = true}
      %mul3A_363 = arith.constant 4 : i32
      %mul3A_364 = arith.muli %mul3A_363, %scan3A_313 : i32
      %add3A_365 = arith.constant 2 : i32
      %add3A_366 = arith.addi %mul3A_364, %add3A_365 : i32
      %ge3A_367 = arith.constant 1 : i32
      %ge3A_368 = arith.cmpi sge, %scan3A_313, %ge3A_367 : i32
      %convert_element_type3A_369 = arith.extui %ge3A_368 : i1 to i32
      %cond3A_370 = arith.constant 0 : i32
      %cond3A_371 = arith.cmpi ne, %convert_element_type3A_369, %cond3A_370 : i32
      scf.if %cond3A_371 {
        %dma_wait3A_410 = arith.constant 0 : i32
        %dma_wait3A_411 = tpu.memref_slice %arg19[%dma_wait3A_410] : memref<10000xf32, #tpu.memory_space<vmem_shared>> -> memref<10000xf32, #tpu.memory_space<vmem_shared>>
        tpu.wait_indirect_dma semaphore(%arg16 : memref<!tpu.dma_semaphore, #tpu.memory_space<semaphore_mem>>) src(%arg17 : memref<80xf32, #tpu.memory_space<vmem>>) dst(%dma_wait3A_411 : memref<10000xf32, #tpu.memory_space<vmem_shared>>)
      } else {
      }
      %add3A_372 = arith.constant 1 : i32
      %add3A_373 = arith.addi %add3A_366, %add3A_372 : i32
      %lt3A_374 = arith.constant 125 : i32
      %lt3A_375 = arith.cmpi slt, %add3A_373, %lt3A_374 : i32
      %convert_element_type3A_376 = arith.extui %lt3A_375 : i1 to i32
      %cond3A_377 = arith.constant 0 : i32
      %cond3A_378 = arith.cmpi ne, %convert_element_type3A_376, %cond3A_377 : i32
      scf.if %cond3A_378 {
        %add3A_410 = arith.constant 1 : i32
        %add3A_411 = arith.addi %add3A_366, %add3A_410 : i32
        %add3A_412 = arith.constant 320000 : i32
        %add3A_413 = arith.addi %add3A_412, %add3A : i32
        %mul3A_414 = arith.constant 80 : i32
        %mul3A_415 = arith.muli %add3A_411, %mul3A_414 : i32
        %add3A_416 = arith.addi %add3A_413, %mul3A_415 : i32
        %dma_start3A_417 = tpu.memref_slice %arg2[%add3A_416] : memref<640000xi32, #tpu.memory_space<hbm>> -> memref<80xi32, #tpu.memory_space<hbm>>
        %dma_start3A_418 = tpu.memref_slice %arg2[%add3A_416] : memref<640000xi32, #tpu.memory_space<hbm>> -> memref<80xi32, #tpu.memory_space<hbm>>
        tpu.enqueue_dma source(%dma_start3A_418 : memref<80xi32, #tpu.memory_space<hbm>>) target(%arg8 : memref<80xi32, #tpu.memory_space<vmem>>) target_semaphore(%arg12 : memref<!tpu.dma_semaphore, #tpu.memory_space<semaphore_mem>>)
      } else {
      }
      %add3A_379 = arith.constant 320000 : i32
      %add3A_380 = arith.addi %add3A_379, %add3A : i32
      %mul3A_381 = arith.constant 80 : i32
      %mul3A_382 = arith.muli %add3A_366, %mul3A_381 : i32
      %add3A_383 = arith.addi %add3A_380, %mul3A_382 : i32
      %dma_wait3A_384 = tpu.memref_slice %arg2[%add3A_383] : memref<640000xi32, #tpu.memory_space<hbm>> -> memref<80xi32, #tpu.memory_space<hbm>>
      %dma_wait3A_385 = tpu.memref_slice %arg2[%add3A_383] : memref<640000xi32, #tpu.memory_space<hbm>> -> memref<80xi32, #tpu.memory_space<hbm>>
      tpu.wait_dma2 semaphore(%arg11 : memref<!tpu.dma_semaphore, #tpu.memory_space<semaphore_mem>>) src(%dma_wait3A_385 : memref<80xi32, #tpu.memory_space<hbm>>) dst(%arg7 : memref<80xi32, #tpu.memory_space<vmem>>)
      %dma_start3A_386 = arith.constant 0 : i32
      %dma_start3A_387 = tpu.memref_slice %arg19[%dma_start3A_386] : memref<10000xf32, #tpu.memory_space<vmem_shared>> -> memref<10000xf32, #tpu.memory_space<vmem_shared>>
      tpu.enqueue_indirect_dma source(%arg17 : memref<80xf32, #tpu.memory_space<vmem>>) target(%dma_start3A_387 : memref<10000xf32, #tpu.memory_space<vmem_shared>>) offsets(%arg7 : memref<80xi32, #tpu.memory_space<vmem>>) semaphore(%arg15 : memref<!tpu.dma_semaphore, #tpu.memory_space<semaphore_mem>>) {add = true}
      %mul3A_388 = arith.constant 4 : i32
      %mul3A_389 = arith.muli %mul3A_388, %scan3A_313 : i32
      %add3A_390 = arith.constant 3 : i32
      %add3A_391 = arith.addi %mul3A_389, %add3A_390 : i32
      %dma_wait3A_392 = arith.constant 0 : i32
      %dma_wait3A_393 = tpu.memref_slice %arg19[%dma_wait3A_392] : memref<10000xf32, #tpu.memory_space<vmem_shared>> -> memref<10000xf32, #tpu.memory_space<vmem_shared>>
      tpu.wait_indirect_dma semaphore(%arg13 : memref<!tpu.dma_semaphore, #tpu.memory_space<semaphore_mem>>) src(%arg17 : memref<80xf32, #tpu.memory_space<vmem>>) dst(%dma_wait3A_393 : memref<10000xf32, #tpu.memory_space<vmem_shared>>)
      %add3A_394 = arith.constant 1 : i32
      %add3A_395 = arith.addi %add3A_391, %add3A_394 : i32
      %lt3A_396 = arith.constant 125 : i32
      %lt3A_397 = arith.cmpi slt, %add3A_395, %lt3A_396 : i32
      %convert_element_type3A_398 = arith.extui %lt3A_397 : i1 to i32
      %cond3A_399 = arith.constant 0 : i32
      %cond3A_400 = arith.cmpi ne, %convert_element_type3A_398, %cond3A_399 : i32
      scf.if %cond3A_400 {
        %add3A_410 = arith.constant 1 : i32
        %add3A_411 = arith.addi %add3A_391, %add3A_410 : i32
        %add3A_412 = arith.constant 320000 : i32
        %add3A_413 = arith.addi %add3A_412, %add3A : i32
        %mul3A_414 = arith.constant 80 : i32
        %mul3A_415 = arith.muli %add3A_411, %mul3A_414 : i32
        %add3A_416 = arith.addi %add3A_413, %mul3A_415 : i32
        %dma_start3A_417 = tpu.memref_slice %arg2[%add3A_416] : memref<640000xi32, #tpu.memory_space<hbm>> -> memref<80xi32, #tpu.memory_space<hbm>>
        %dma_start3A_418 = tpu.memref_slice %arg2[%add3A_416] : memref<640000xi32, #tpu.memory_space<hbm>> -> memref<80xi32, #tpu.memory_space<hbm>>
        tpu.enqueue_dma source(%dma_start3A_418 : memref<80xi32, #tpu.memory_space<hbm>>) target(%arg5 : memref<80xi32, #tpu.memory_space<vmem>>) target_semaphore(%arg9 : memref<!tpu.dma_semaphore, #tpu.memory_space<semaphore_mem>>)
      } else {
      }
      %add3A_401 = arith.constant 320000 : i32
      %add3A_402 = arith.addi %add3A_401, %add3A : i32
      %mul3A_403 = arith.constant 80 : i32
      %mul3A_404 = arith.muli %add3A_391, %mul3A_403 : i32
      %add3A_405 = arith.addi %add3A_402, %mul3A_404 : i32
      %dma_wait3A_406 = tpu.memref_slice %arg2[%add3A_405] : memref<640000xi32, #tpu.memory_space<hbm>> -> memref<80xi32, #tpu.memory_space<hbm>>
      %dma_wait3A_407 = tpu.memref_slice %arg2[%add3A_405] : memref<640000xi32, #tpu.memory_space<hbm>> -> memref<80xi32, #tpu.memory_space<hbm>>
      tpu.wait_dma2 semaphore(%arg12 : memref<!tpu.dma_semaphore, #tpu.memory_space<semaphore_mem>>) src(%dma_wait3A_407 : memref<80xi32, #tpu.memory_space<hbm>>) dst(%arg8 : memref<80xi32, #tpu.memory_space<vmem>>)
      %dma_start3A_408 = arith.constant 0 : i32
      %dma_start3A_409 = tpu.memref_slice %arg19[%dma_start3A_408] : memref<10000xf32, #tpu.memory_space<vmem_shared>> -> memref<10000xf32, #tpu.memory_space<vmem_shared>>
      tpu.enqueue_indirect_dma source(%arg17 : memref<80xf32, #tpu.memory_space<vmem>>) target(%dma_start3A_409 : memref<10000xf32, #tpu.memory_space<vmem_shared>>) offsets(%arg8 : memref<80xi32, #tpu.memory_space<vmem>>) semaphore(%arg16 : memref<!tpu.dma_semaphore, #tpu.memory_space<semaphore_mem>>) {add = true}
    }
    %scan3A_286 = arith.constant 31 : i32
    %dma_wait3A = arith.constant 0 : i32
    %dma_wait3A_287 = tpu.memref_slice %arg19[%dma_wait3A] : memref<10000xf32, #tpu.memory_space<vmem_shared>> -> memref<10000xf32, #tpu.memory_space<vmem_shared>>
    tpu.wait_indirect_dma semaphore(%arg14 : memref<!tpu.dma_semaphore, #tpu.memory_space<semaphore_mem>>) src(%arg17 : memref<80xf32, #tpu.memory_space<vmem>>) dst(%dma_wait3A_287 : memref<10000xf32, #tpu.memory_space<vmem_shared>>)
    %add3A_288 = arith.constant 320000 : i32
    %add3A_289 = arith.addi %add3A_288, %add3A : i32
    %add3A_290 = arith.constant 9920 : i32
    %add3A_291 = arith.addi %add3A_289, %add3A_290 : i32
    %dma_wait3A_292 = tpu.memref_slice %arg2[%add3A_291] : memref<640000xi32, #tpu.memory_space<hbm>> -> memref<80xi32, #tpu.memory_space<hbm>>
    %dma_wait3A_293 = tpu.memref_slice %arg2[%add3A_291] : memref<640000xi32, #tpu.memory_space<hbm>> -> memref<80xi32, #tpu.memory_space<hbm>>
    tpu.wait_dma2 semaphore(%arg9 : memref<!tpu.dma_semaphore, #tpu.memory_space<semaphore_mem>>) src(%dma_wait3A_293 : memref<80xi32, #tpu.memory_space<hbm>>) dst(%arg5 : memref<80xi32, #tpu.memory_space<vmem>>)
    %dma_start3A_294 = arith.constant 0 : i32
    %dma_start3A_295 = tpu.memref_slice %arg19[%dma_start3A_294] : memref<10000xf32, #tpu.memory_space<vmem_shared>> -> memref<10000xf32, #tpu.memory_space<vmem_shared>>
    tpu.enqueue_indirect_dma source(%arg17 : memref<80xf32, #tpu.memory_space<vmem>>) target(%dma_start3A_295 : memref<10000xf32, #tpu.memory_space<vmem_shared>>) offsets(%arg5 : memref<80xi32, #tpu.memory_space<vmem>>) semaphore(%arg13 : memref<!tpu.dma_semaphore, #tpu.memory_space<semaphore_mem>>) {add = true}
    %dma_wait3A_296 = arith.constant 0 : i32
    %dma_wait3A_297 = tpu.memref_slice %arg19[%dma_wait3A_296] : memref<10000xf32, #tpu.memory_space<vmem_shared>> -> memref<10000xf32, #tpu.memory_space<vmem_shared>>
    tpu.wait_indirect_dma semaphore(%arg15 : memref<!tpu.dma_semaphore, #tpu.memory_space<semaphore_mem>>) src(%arg17 : memref<80xf32, #tpu.memory_space<vmem>>) dst(%dma_wait3A_297 : memref<10000xf32, #tpu.memory_space<vmem_shared>>)
    %dma_wait3A_298 = arith.constant 0 : i32
    %dma_wait3A_299 = tpu.memref_slice %arg19[%dma_wait3A_298] : memref<10000xf32, #tpu.memory_space<vmem_shared>> -> memref<10000xf32, #tpu.memory_space<vmem_shared>>
    tpu.wait_indirect_dma semaphore(%arg16 : memref<!tpu.dma_semaphore, #tpu.memory_space<semaphore_mem>>) src(%arg17 : memref<80xf32, #tpu.memory_space<vmem>>) dst(%dma_wait3A_299 : memref<10000xf32, #tpu.memory_space<vmem_shared>>)
    %dma_wait3A_300 = arith.constant 0 : i32
    %dma_wait3A_301 = tpu.memref_slice %arg19[%dma_wait3A_300] : memref<10000xf32, #tpu.memory_space<vmem_shared>> -> memref<10000xf32, #tpu.memory_space<vmem_shared>>
    tpu.wait_indirect_dma semaphore(%arg13 : memref<!tpu.dma_semaphore, #tpu.memory_space<semaphore_mem>>) src(%arg17 : memref<80xf32, #tpu.memory_space<vmem>>) dst(%dma_wait3A_301 : memref<10000xf32, #tpu.memory_space<vmem_shared>>)
    %barrier3A_302 = arith.constant 0 : index
    tpu.barrier barrier_id(%barrier3A_302)
    %eq3A_303 = arith.constant 0 : i32
    %eq3A_304 = arith.cmpi eq, %arg0, %eq3A_303 : i32
    %convert_element_type3A_305 = arith.extui %eq3A_304 : i1 to i32
    %cond3A_306 = arith.constant 0 : i32
    %cond3A_307 = arith.cmpi ne, %convert_element_type3A_305, %cond3A_306 : i32
    scf.if %cond3A_307 {
      %lt3A_313 = arith.constant 15 : i32
      %lt3A_314 = arith.cmpi slt, %arg1, %lt3A_313 : i32
      %convert_element_type3A_315 = arith.extui %lt3A_314 : i1 to i32
      %cond3A_316 = arith.constant 0 : i32
      %cond3A_317 = arith.cmpi ne, %convert_element_type3A_315, %cond3A_316 : i32
      scf.if %cond3A_317 {
        %mul3A_323 = arith.constant 640 : i32
        %mul3A_324 = arith.muli %arg1, %mul3A_323 : i32
        "tpu.region"() ({
          %run_scoped3A = tpu.sem_alloc : memref<!tpu.dma_semaphore, #tpu.memory_space<semaphore_mem>>
          %dma_start3A_327 = arith.constant 0 : i32
          %dma_start3A_328 = tpu.memref_slice %arg18[%dma_start3A_327] : memref<640xf32, #tpu.memory_space<vmem>> -> memref<640xf32, #tpu.memory_space<vmem>>
          %dma_start3A_329 = tpu.memref_slice %arg19[%mul3A_324] : memref<10000xf32, #tpu.memory_space<vmem_shared>> -> memref<640xf32, #tpu.memory_space<vmem_shared>>
          %dma_start3A_330 = arith.constant 0 : i32
          %dma_start3A_331 = tpu.memref_slice %arg18[%dma_start3A_330] : memref<640xf32, #tpu.memory_space<vmem>> -> memref<640xf32, #tpu.memory_space<vmem>>
          %dma_start3A_332 = tpu.memref_slice %arg19[%mul3A_324] : memref<10000xf32, #tpu.memory_space<vmem_shared>> -> memref<640xf32, #tpu.memory_space<vmem_shared>>
          tpu.enqueue_dma source(%dma_start3A_332 : memref<640xf32, #tpu.memory_space<vmem_shared>>) target(%dma_start3A_331 : memref<640xf32, #tpu.memory_space<vmem>>) target_semaphore(%run_scoped3A : memref<!tpu.dma_semaphore, #tpu.memory_space<semaphore_mem>>)
          %dma_wait3A_333 = arith.constant 0 : i32
          %dma_wait3A_334 = tpu.memref_slice %arg18[%dma_wait3A_333] : memref<640xf32, #tpu.memory_space<vmem>> -> memref<640xf32, #tpu.memory_space<vmem>>
          %dma_wait3A_335 = tpu.memref_slice %arg19[%mul3A_324] : memref<10000xf32, #tpu.memory_space<vmem_shared>> -> memref<640xf32, #tpu.memory_space<vmem_shared>>
          %dma_wait3A_336 = arith.constant 0 : i32
          %dma_wait3A_337 = tpu.memref_slice %arg18[%dma_wait3A_336] : memref<640xf32, #tpu.memory_space<vmem>> -> memref<640xf32, #tpu.memory_space<vmem>>
          %dma_wait3A_338 = tpu.memref_slice %arg19[%mul3A_324] : memref<10000xf32, #tpu.memory_space<vmem_shared>> -> memref<640xf32, #tpu.memory_space<vmem_shared>>
          tpu.wait_dma2 semaphore(%run_scoped3A : memref<!tpu.dma_semaphore, #tpu.memory_space<semaphore_mem>>) src(%dma_wait3A_338 : memref<640xf32, #tpu.memory_space<vmem_shared>>) dst(%dma_wait3A_337 : memref<640xf32, #tpu.memory_space<vmem>>)
          tpu.yield
        }) : () -> ()
        %mul3A_325 = arith.constant 640 : i32
        %mul3A_326 = arith.muli %arg1, %mul3A_325 : i32
        "tpu.region"() ({
          %run_scoped3A = tpu.sem_alloc : memref<!tpu.dma_semaphore, #tpu.memory_space<semaphore_mem>>
          %dma_start3A_327 = arith.constant 0 : i32
          %dma_start3A_328 = tpu.memref_slice %arg18[%dma_start3A_327] : memref<640xf32, #tpu.memory_space<vmem>> -> memref<640xf32, #tpu.memory_space<vmem>>
          %dma_start3A_329 = tpu.memref_slice %arg3[%mul3A_326] : memref<10000xf32, #tpu.memory_space<hbm>> -> memref<640xf32, #tpu.memory_space<hbm>>
          %dma_start3A_330 = tpu.memref_slice %arg3[%mul3A_326] : memref<10000xf32, #tpu.memory_space<hbm>> -> memref<640xf32, #tpu.memory_space<hbm>>
          %dma_start3A_331 = arith.constant 0 : i32
          %dma_start3A_332 = tpu.memref_slice %arg18[%dma_start3A_331] : memref<640xf32, #tpu.memory_space<vmem>> -> memref<640xf32, #tpu.memory_space<vmem>>
          tpu.enqueue_dma source(%dma_start3A_332 : memref<640xf32, #tpu.memory_space<vmem>>) target(%dma_start3A_330 : memref<640xf32, #tpu.memory_space<hbm>>) target_semaphore(%run_scoped3A : memref<!tpu.dma_semaphore, #tpu.memory_space<semaphore_mem>>)
          %dma_wait3A_333 = arith.constant 0 : i32
          %dma_wait3A_334 = tpu.memref_slice %arg18[%dma_wait3A_333] : memref<640xf32, #tpu.memory_space<vmem>> -> memref<640xf32, #tpu.memory_space<vmem>>
          %dma_wait3A_335 = tpu.memref_slice %arg3[%mul3A_326] : memref<10000xf32, #tpu.memory_space<hbm>> -> memref<640xf32, #tpu.memory_space<hbm>>
          %dma_wait3A_336 = tpu.memref_slice %arg3[%mul3A_326] : memref<10000xf32, #tpu.memory_space<hbm>> -> memref<640xf32, #tpu.memory_space<hbm>>
          %dma_wait3A_337 = arith.constant 0 : i32
          %dma_wait3A_338 = tpu.memref_slice %arg18[%dma_wait3A_337] : memref<640xf32, #tpu.memory_space<vmem>> -> memref<640xf32, #tpu.memory_space<vmem>>
          tpu.wait_dma2 semaphore(%run_scoped3A : memref<!tpu.dma_semaphore, #tpu.memory_space<semaphore_mem>>) src(%dma_wait3A_338 : memref<640xf32, #tpu.memory_space<vmem>>) dst(%dma_wait3A_336 : memref<640xf32, #tpu.memory_space<hbm>>)
          tpu.yield
        }) : () -> ()
      } else {
      }
      %eq3A_318 = arith.constant 15 : i32
      %eq3A_319 = arith.cmpi eq, %arg1, %eq3A_318 : i32
      %convert_element_type3A_320 = arith.extui %eq3A_319 : i1 to i32
      %cond3A_321 = arith.constant 0 : i32
      %cond3A_322 = arith.cmpi ne, %convert_element_type3A_320, %cond3A_321 : i32
      scf.if %cond3A_322 {
        %mul3A_323 = arith.constant 640 : i32
        %mul3A_324 = arith.muli %arg1, %mul3A_323 : i32
        "tpu.region"() ({
          %run_scoped3A = tpu.sem_alloc : memref<!tpu.dma_semaphore, #tpu.memory_space<semaphore_mem>>
          %dma_start3A_327 = arith.constant 0 : i32
          %dma_start3A_328 = tpu.memref_slice %arg18[%dma_start3A_327] : memref<640xf32, #tpu.memory_space<vmem>> -> memref<400xf32, #tpu.memory_space<vmem>>
          %dma_start3A_329 = tpu.memref_slice %arg19[%mul3A_324] : memref<10000xf32, #tpu.memory_space<vmem_shared>> -> memref<400xf32, #tpu.memory_space<vmem_shared>>
          %dma_start3A_330 = arith.constant 0 : i32
          %dma_start3A_331 = tpu.memref_slice %arg18[%dma_start3A_330] : memref<640xf32, #tpu.memory_space<vmem>> -> memref<400xf32, #tpu.memory_space<vmem>>
          %dma_start3A_332 = tpu.memref_slice %arg19[%mul3A_324] : memref<10000xf32, #tpu.memory_space<vmem_shared>> -> memref<400xf32, #tpu.memory_space<vmem_shared>>
          tpu.enqueue_dma source(%dma_start3A_332 : memref<400xf32, #tpu.memory_space<vmem_shared>>) target(%dma_start3A_331 : memref<400xf32, #tpu.memory_space<vmem>>) target_semaphore(%run_scoped3A : memref<!tpu.dma_semaphore, #tpu.memory_space<semaphore_mem>>)
          %dma_wait3A_333 = arith.constant 0 : i32
          %dma_wait3A_334 = tpu.memref_slice %arg18[%dma_wait3A_333] : memref<640xf32, #tpu.memory_space<vmem>> -> memref<400xf32, #tpu.memory_space<vmem>>
          %dma_wait3A_335 = tpu.memref_slice %arg19[%mul3A_324] : memref<10000xf32, #tpu.memory_space<vmem_shared>> -> memref<400xf32, #tpu.memory_space<vmem_shared>>
          %dma_wait3A_336 = arith.constant 0 : i32
          %dma_wait3A_337 = tpu.memref_slice %arg18[%dma_wait3A_336] : memref<640xf32, #tpu.memory_space<vmem>> -> memref<400xf32, #tpu.memory_space<vmem>>
          %dma_wait3A_338 = tpu.memref_slice %arg19[%mul3A_324] : memref<10000xf32, #tpu.memory_space<vmem_shared>> -> memref<400xf32, #tpu.memory_space<vmem_shared>>
          tpu.wait_dma2 semaphore(%run_scoped3A : memref<!tpu.dma_semaphore, #tpu.memory_space<semaphore_mem>>) src(%dma_wait3A_338 : memref<400xf32, #tpu.memory_space<vmem_shared>>) dst(%dma_wait3A_337 : memref<400xf32, #tpu.memory_space<vmem>>)
          tpu.yield
        }) : () -> ()
        %mul3A_325 = arith.constant 640 : i32
        %mul3A_326 = arith.muli %arg1, %mul3A_325 : i32
        "tpu.region"() ({
          %run_scoped3A = tpu.sem_alloc : memref<!tpu.dma_semaphore, #tpu.memory_space<semaphore_mem>>
          %dma_start3A_327 = arith.constant 0 : i32
          %dma_start3A_328 = tpu.memref_slice %arg18[%dma_start3A_327] : memref<640xf32, #tpu.memory_space<vmem>> -> memref<400xf32, #tpu.memory_space<vmem>>
          %dma_start3A_329 = tpu.memref_slice %arg3[%mul3A_326] : memref<10000xf32, #tpu.memory_space<hbm>> -> memref<400xf32, #tpu.memory_space<hbm>>
          %dma_start3A_330 = tpu.memref_slice %arg3[%mul3A_326] : memref<10000xf32, #tpu.memory_space<hbm>> -> memref<400xf32, #tpu.memory_space<hbm>>
          %dma_start3A_331 = arith.constant 0 : i32
          %dma_start3A_332 = tpu.memref_slice %arg18[%dma_start3A_331] : memref<640xf32, #tpu.memory_space<vmem>> -> memref<400xf32, #tpu.memory_space<vmem>>
          tpu.enqueue_dma source(%dma_start3A_332 : memref<400xf32, #tpu.memory_space<vmem>>) target(%dma_start3A_330 : memref<400xf32, #tpu.memory_space<hbm>>) target_semaphore(%run_scoped3A : memref<!tpu.dma_semaphore, #tpu.memory_space<semaphore_mem>>)
          %dma_wait3A_333 = arith.constant 0 : i32
          %dma_wait3A_334 = tpu.memref_slice %arg18[%dma_wait3A_333] : memref<640xf32, #tpu.memory_space<vmem>> -> memref<400xf32, #tpu.memory_space<vmem>>
          %dma_wait3A_335 = tpu.memref_slice %arg3[%mul3A_326] : memref<10000xf32, #tpu.memory_space<hbm>> -> memref<400xf32, #tpu.memory_space<hbm>>
          %dma_wait3A_336 = tpu.memref_slice %arg3[%mul3A_326] : memref<10000xf32, #tpu.memory_space<hbm>> -> memref<400xf32, #tpu.memory_space<hbm>>
          %dma_wait3A_337 = arith.constant 0 : i32
          %dma_wait3A_338 = tpu.memref_slice %arg18[%dma_wait3A_337] : memref<640xf32, #tpu.memory_space<vmem>> -> memref<400xf32, #tpu.memory_space<vmem>>
          tpu.wait_dma2 semaphore(%run_scoped3A : memref<!tpu.dma_semaphore, #tpu.memory_space<semaphore_mem>>) src(%dma_wait3A_338 : memref<400xf32, #tpu.memory_space<vmem>>) dst(%dma_wait3A_336 : memref<400xf32, #tpu.memory_space<hbm>>)
          tpu.yield
        }) : () -> ()
      } else {
      }
    } else {
    }
    %eq3A_308 = arith.constant 1 : i32
    %eq3A_309 = arith.cmpi eq, %arg0, %eq3A_308 : i32
    %convert_element_type3A_310 = arith.extui %eq3A_309 : i1 to i32
    %cond3A_311 = arith.constant 0 : i32
    %cond3A_312 = arith.cmpi ne, %convert_element_type3A_310, %cond3A_311 : i32
    scf.if %cond3A_312 {
      %lt3A_313 = arith.constant 15 : i32
      %lt3A_314 = arith.cmpi slt, %arg1, %lt3A_313 : i32
      %convert_element_type3A_315 = arith.extui %lt3A_314 : i1 to i32
      %cond3A_316 = arith.constant 0 : i32
      %cond3A_317 = arith.cmpi ne, %convert_element_type3A_315, %cond3A_316 : i32
      scf.if %cond3A_317 {
        %mul3A_323 = arith.constant 640 : i32
        %mul3A_324 = arith.muli %arg1, %mul3A_323 : i32
        "tpu.region"() ({
          %run_scoped3A = tpu.sem_alloc : memref<!tpu.dma_semaphore, #tpu.memory_space<semaphore_mem>>
          %dma_start3A_327 = arith.constant 0 : i32
          %dma_start3A_328 = tpu.memref_slice %arg18[%dma_start3A_327] : memref<640xf32, #tpu.memory_space<vmem>> -> memref<640xf32, #tpu.memory_space<vmem>>
          %dma_start3A_329 = tpu.memref_slice %arg19[%mul3A_324] : memref<10000xf32, #tpu.memory_space<vmem_shared>> -> memref<640xf32, #tpu.memory_space<vmem_shared>>
          %dma_start3A_330 = arith.constant 0 : i32
          %dma_start3A_331 = tpu.memref_slice %arg18[%dma_start3A_330] : memref<640xf32, #tpu.memory_space<vmem>> -> memref<640xf32, #tpu.memory_space<vmem>>
          %dma_start3A_332 = tpu.memref_slice %arg19[%mul3A_324] : memref<10000xf32, #tpu.memory_space<vmem_shared>> -> memref<640xf32, #tpu.memory_space<vmem_shared>>
          tpu.enqueue_dma source(%dma_start3A_332 : memref<640xf32, #tpu.memory_space<vmem_shared>>) target(%dma_start3A_331 : memref<640xf32, #tpu.memory_space<vmem>>) target_semaphore(%run_scoped3A : memref<!tpu.dma_semaphore, #tpu.memory_space<semaphore_mem>>)
          %dma_wait3A_333 = arith.constant 0 : i32
          %dma_wait3A_334 = tpu.memref_slice %arg18[%dma_wait3A_333] : memref<640xf32, #tpu.memory_space<vmem>> -> memref<640xf32, #tpu.memory_space<vmem>>
          %dma_wait3A_335 = tpu.memref_slice %arg19[%mul3A_324] : memref<10000xf32, #tpu.memory_space<vmem_shared>> -> memref<640xf32, #tpu.memory_space<vmem_shared>>
          %dma_wait3A_336 = arith.constant 0 : i32
          %dma_wait3A_337 = tpu.memref_slice %arg18[%dma_wait3A_336] : memref<640xf32, #tpu.memory_space<vmem>> -> memref<640xf32, #tpu.memory_space<vmem>>
          %dma_wait3A_338 = tpu.memref_slice %arg19[%mul3A_324] : memref<10000xf32, #tpu.memory_space<vmem_shared>> -> memref<640xf32, #tpu.memory_space<vmem_shared>>
          tpu.wait_dma2 semaphore(%run_scoped3A : memref<!tpu.dma_semaphore, #tpu.memory_space<semaphore_mem>>) src(%dma_wait3A_338 : memref<640xf32, #tpu.memory_space<vmem_shared>>) dst(%dma_wait3A_337 : memref<640xf32, #tpu.memory_space<vmem>>)
          tpu.yield
        }) : () -> ()
        %mul3A_325 = arith.constant 640 : i32
        %mul3A_326 = arith.muli %arg1, %mul3A_325 : i32
        "tpu.region"() ({
          %run_scoped3A = tpu.sem_alloc : memref<!tpu.dma_semaphore, #tpu.memory_space<semaphore_mem>>
          %dma_start3A_327 = arith.constant 0 : i32
          %dma_start3A_328 = tpu.memref_slice %arg18[%dma_start3A_327] : memref<640xf32, #tpu.memory_space<vmem>> -> memref<640xf32, #tpu.memory_space<vmem>>
          %dma_start3A_329 = tpu.memref_slice %arg4[%mul3A_326] : memref<10000xf32, #tpu.memory_space<hbm>> -> memref<640xf32, #tpu.memory_space<hbm>>
          %dma_start3A_330 = tpu.memref_slice %arg4[%mul3A_326] : memref<10000xf32, #tpu.memory_space<hbm>> -> memref<640xf32, #tpu.memory_space<hbm>>
          %dma_start3A_331 = arith.constant 0 : i32
          %dma_start3A_332 = tpu.memref_slice %arg18[%dma_start3A_331] : memref<640xf32, #tpu.memory_space<vmem>> -> memref<640xf32, #tpu.memory_space<vmem>>
          tpu.enqueue_dma source(%dma_start3A_332 : memref<640xf32, #tpu.memory_space<vmem>>) target(%dma_start3A_330 : memref<640xf32, #tpu.memory_space<hbm>>) target_semaphore(%run_scoped3A : memref<!tpu.dma_semaphore, #tpu.memory_space<semaphore_mem>>)
          %dma_wait3A_333 = arith.constant 0 : i32
          %dma_wait3A_334 = tpu.memref_slice %arg18[%dma_wait3A_333] : memref<640xf32, #tpu.memory_space<vmem>> -> memref<640xf32, #tpu.memory_space<vmem>>
          %dma_wait3A_335 = tpu.memref_slice %arg4[%mul3A_326] : memref<10000xf32, #tpu.memory_space<hbm>> -> memref<640xf32, #tpu.memory_space<hbm>>
          %dma_wait3A_336 = tpu.memref_slice %arg4[%mul3A_326] : memref<10000xf32, #tpu.memory_space<hbm>> -> memref<640xf32, #tpu.memory_space<hbm>>
          %dma_wait3A_337 = arith.constant 0 : i32
          %dma_wait3A_338 = tpu.memref_slice %arg18[%dma_wait3A_337] : memref<640xf32, #tpu.memory_space<vmem>> -> memref<640xf32, #tpu.memory_space<vmem>>
          tpu.wait_dma2 semaphore(%run_scoped3A : memref<!tpu.dma_semaphore, #tpu.memory_space<semaphore_mem>>) src(%dma_wait3A_338 : memref<640xf32, #tpu.memory_space<vmem>>) dst(%dma_wait3A_336 : memref<640xf32, #tpu.memory_space<hbm>>)
          tpu.yield
        }) : () -> ()
      } else {
      }
      %eq3A_318 = arith.constant 15 : i32
      %eq3A_319 = arith.cmpi eq, %arg1, %eq3A_318 : i32
      %convert_element_type3A_320 = arith.extui %eq3A_319 : i1 to i32
      %cond3A_321 = arith.constant 0 : i32
      %cond3A_322 = arith.cmpi ne, %convert_element_type3A_320, %cond3A_321 : i32
      scf.if %cond3A_322 {
        %mul3A_323 = arith.constant 640 : i32
        %mul3A_324 = arith.muli %arg1, %mul3A_323 : i32
        "tpu.region"() ({
          %run_scoped3A = tpu.sem_alloc : memref<!tpu.dma_semaphore, #tpu.memory_space<semaphore_mem>>
          %dma_start3A_327 = arith.constant 0 : i32
          %dma_start3A_328 = tpu.memref_slice %arg18[%dma_start3A_327] : memref<640xf32, #tpu.memory_space<vmem>> -> memref<400xf32, #tpu.memory_space<vmem>>
          %dma_start3A_329 = tpu.memref_slice %arg19[%mul3A_324] : memref<10000xf32, #tpu.memory_space<vmem_shared>> -> memref<400xf32, #tpu.memory_space<vmem_shared>>
          %dma_start3A_330 = arith.constant 0 : i32
          %dma_start3A_331 = tpu.memref_slice %arg18[%dma_start3A_330] : memref<640xf32, #tpu.memory_space<vmem>> -> memref<400xf32, #tpu.memory_space<vmem>>
          %dma_start3A_332 = tpu.memref_slice %arg19[%mul3A_324] : memref<10000xf32, #tpu.memory_space<vmem_shared>> -> memref<400xf32, #tpu.memory_space<vmem_shared>>
          tpu.enqueue_dma source(%dma_start3A_332 : memref<400xf32, #tpu.memory_space<vmem_shared>>) target(%dma_start3A_331 : memref<400xf32, #tpu.memory_space<vmem>>) target_semaphore(%run_scoped3A : memref<!tpu.dma_semaphore, #tpu.memory_space<semaphore_mem>>)
          %dma_wait3A_333 = arith.constant 0 : i32
          %dma_wait3A_334 = tpu.memref_slice %arg18[%dma_wait3A_333] : memref<640xf32, #tpu.memory_space<vmem>> -> memref<400xf32, #tpu.memory_space<vmem>>
          %dma_wait3A_335 = tpu.memref_slice %arg19[%mul3A_324] : memref<10000xf32, #tpu.memory_space<vmem_shared>> -> memref<400xf32, #tpu.memory_space<vmem_shared>>
          %dma_wait3A_336 = arith.constant 0 : i32
          %dma_wait3A_337 = tpu.memref_slice %arg18[%dma_wait3A_336] : memref<640xf32, #tpu.memory_space<vmem>> -> memref<400xf32, #tpu.memory_space<vmem>>
          %dma_wait3A_338 = tpu.memref_slice %arg19[%mul3A_324] : memref<10000xf32, #tpu.memory_space<vmem_shared>> -> memref<400xf32, #tpu.memory_space<vmem_shared>>
          tpu.wait_dma2 semaphore(%run_scoped3A : memref<!tpu.dma_semaphore, #tpu.memory_space<semaphore_mem>>) src(%dma_wait3A_338 : memref<400xf32, #tpu.memory_space<vmem_shared>>) dst(%dma_wait3A_337 : memref<400xf32, #tpu.memory_space<vmem>>)
          tpu.yield
        }) : () -> ()
        %mul3A_325 = arith.constant 640 : i32
        %mul3A_326 = arith.muli %arg1, %mul3A_325 : i32
        "tpu.region"() ({
          %run_scoped3A = tpu.sem_alloc : memref<!tpu.dma_semaphore, #tpu.memory_space<semaphore_mem>>
          %dma_start3A_327 = arith.constant 0 : i32
          %dma_start3A_328 = tpu.memref_slice %arg18[%dma_start3A_327] : memref<640xf32, #tpu.memory_space<vmem>> -> memref<400xf32, #tpu.memory_space<vmem>>
          %dma_start3A_329 = tpu.memref_slice %arg4[%mul3A_326] : memref<10000xf32, #tpu.memory_space<hbm>> -> memref<400xf32, #tpu.memory_space<hbm>>
          %dma_start3A_330 = tpu.memref_slice %arg4[%mul3A_326] : memref<10000xf32, #tpu.memory_space<hbm>> -> memref<400xf32, #tpu.memory_space<hbm>>
          %dma_start3A_331 = arith.constant 0 : i32
          %dma_start3A_332 = tpu.memref_slice %arg18[%dma_start3A_331] : memref<640xf32, #tpu.memory_space<vmem>> -> memref<400xf32, #tpu.memory_space<vmem>>
          tpu.enqueue_dma source(%dma_start3A_332 : memref<400xf32, #tpu.memory_space<vmem>>) target(%dma_start3A_330 : memref<400xf32, #tpu.memory_space<hbm>>) target_semaphore(%run_scoped3A : memref<!tpu.dma_semaphore, #tpu.memory_space<semaphore_mem>>)
          %dma_wait3A_333 = arith.constant 0 : i32
          %dma_wait3A_334 = tpu.memref_slice %arg18[%dma_wait3A_333] : memref<640xf32, #tpu.memory_space<vmem>> -> memref<400xf32, #tpu.memory_space<vmem>>
          %dma_wait3A_335 = tpu.memref_slice %arg4[%mul3A_326] : memref<10000xf32, #tpu.memory_space<hbm>> -> memref<400xf32, #tpu.memory_space<hbm>>
          %dma_wait3A_336 = tpu.memref_slice %arg4[%mul3A_326] : memref<10000xf32, #tpu.memory_space<hbm>> -> memref<400xf32, #tpu.memory_space<hbm>>
          %dma_wait3A_337 = arith.constant 0 : i32
          %dma_wait3A_338 = tpu.memref_slice %arg18[%dma_wait3A_337] : memref<640xf32, #tpu.memory_space<vmem>> -> memref<400xf32, #tpu.memory_space<vmem>>
          tpu.wait_dma2 semaphore(%run_scoped3A : memref<!tpu.dma_semaphore, #tpu.memory_space<semaphore_mem>>) src(%dma_wait3A_338 : memref<400xf32, #tpu.memory_space<vmem>>) dst(%dma_wait3A_336 : memref<400xf32, #tpu.memory_space<hbm>>)
          tpu.yield
        }) : () -> ()
      } else {
      }
    } else {
    }
    return
  }
}

#map = affine_map<(d0, d1) -> (0, 0)>
#map1 = affine_map<(d0, d1) -> (0)>
module attributes {stable_mosaic.version = 14 : i64} {
  func.func @_scat_edge_body(%arg0: i32, %arg1: i32, %arg2: memref<10000x128xf32, #tpu.memory_space<hbm>>, %arg3: memref<640000xi32, #tpu.memory_space<hbm>>, %arg4: memref<10000x128xf32, #tpu.memory_space<hbm>>, %arg5: memref<10000x128xf32, #tpu.memory_space<hbm>>, %arg6: memref<80xi32, #tpu.memory_space<vmem>>, %arg7: memref<80xi32, #tpu.memory_space<vmem>>, %arg8: memref<80xi32, #tpu.memory_space<vmem>>, %arg9: memref<80xi32, #tpu.memory_space<vmem>>, %arg10: memref<80xi32, #tpu.memory_space<vmem>>, %arg11: memref<80xi32, #tpu.memory_space<vmem>>, %arg12: memref<80xi32, #tpu.memory_space<vmem>>, %arg13: memref<80xi32, #tpu.memory_space<vmem>>, %arg14: memref<80x128xf32, #tpu.memory_space<vmem>>, %arg15: memref<80x128xf32, #tpu.memory_space<vmem>>, %arg16: memref<80x128xf32, #tpu.memory_space<vmem>>, %arg17: memref<80x128xf32, #tpu.memory_space<vmem>>, %arg18: memref<10000x128xf32, #tpu.memory_space<vmem_shared>>, %arg19: memref<!tpu.dma_semaphore, #tpu.memory_space<semaphore_mem>>, %arg20: memref<!tpu.dma_semaphore, #tpu.memory_space<semaphore_mem>>, %arg21: memref<!tpu.dma_semaphore, #tpu.memory_space<semaphore_mem>>, %arg22: memref<!tpu.dma_semaphore, #tpu.memory_space<semaphore_mem>>, %arg23: memref<!tpu.dma_semaphore, #tpu.memory_space<semaphore_mem>>, %arg24: memref<!tpu.dma_semaphore, #tpu.memory_space<semaphore_mem>>, %arg25: memref<!tpu.dma_semaphore, #tpu.memory_space<semaphore_mem>>, %arg26: memref<!tpu.dma_semaphore, #tpu.memory_space<semaphore_mem>>, %arg27: memref<!tpu.dma_semaphore, #tpu.memory_space<semaphore_mem>>, %arg28: memref<!tpu.dma_semaphore, #tpu.memory_space<semaphore_mem>>, %arg29: memref<!tpu.dma_semaphore, #tpu.memory_space<semaphore_mem>>, %arg30: memref<!tpu.dma_semaphore, #tpu.memory_space<semaphore_mem>>) attributes {dimension_semantics = [#tpu.dimension_semantics<core_parallel>, #tpu.dimension_semantics<subcore_parallel>], iteration_bounds = array<i64: 2, 16>, scalar_prefetch = 0 : i64, scratch_operands = 25 : i64, tpu.core_type = #tpu.core_type<sc_vector_subcore>, window_params = [{transform_indices = #map}, {transform_indices = #map1}, {transform_indices = #map}, {transform_indices = #map}]} {
    %eq3A = arith.constant 15 : i32
    %eq3A_0 = arith.cmpi eq, %arg1, %eq3A : i32
    %jit3A = arith.constant 5 : i32
    %jit3A_1 = arith.constant 8 : i32
    %select_n3A = arith.select %eq3A_0, %jit3A, %jit3A_1 : i32
    %eq3A_2 = arith.constant 1 : i32
    %eq3A_3 = arith.cmpi eq, %arg0, %eq3A_2 : i32
    %convert_element_type3A = arith.extui %eq3A_3 : i1 to i32
    %cond3A = arith.constant 0 : i32
    %cond3A_4 = arith.cmpi ne, %convert_element_type3A, %cond3A : i32
    scf.if %cond3A_4 {
      %scan3A_74 = arith.constant 0 : i32
      %scan3A_75 = arith.constant 0 : i32
      %scan3A_76 = arith.constant 80 : i32
      %scan3A_77 = arith.addi %scan3A_75, %scan3A_76 : i32
      %scan3A_78 = arith.constant 1 : i32
      scf.for %scan3A_80 = %scan3A_75 to %scan3A_77 step %scan3A_78  : i32 {
        %broadcast_in_dim3A = arith.constant 0.000000e+00 : f32
        %broadcast_in_dim3A_81 = vector.broadcast %broadcast_in_dim3A : f32 to vector<16xf32>
        %swap3A = arith.index_cast %scan3A_80 : i32 to index
        %swap3A_82 = arith.constant 0 : index
        %swap3A_83 = tpu.vector_load %arg14[%swap3A, %swap3A_82] {strides = array<i32>} : memref<80x128xf32, #tpu.memory_space<vmem>>, vector<1x16xf32>,
        %swap3A_84 = vector.shape_cast %swap3A_83 : vector<1x16xf32> to vector<16xf32>
        %swap3A_85 = vector.shape_cast %broadcast_in_dim3A_81 : vector<16xf32> to vector<1x16xf32>
        tpu.vector_store %arg14[%swap3A, %swap3A_82], %swap3A_85 {strides = array<i32>} : memref<80x128xf32, #tpu.memory_space<vmem>>, vector<1x16xf32>,
        %broadcast_in_dim3A_86 = arith.constant 0.000000e+00 : f32
        %broadcast_in_dim3A_87 = vector.broadcast %broadcast_in_dim3A_86 : f32 to vector<16xf32>
        %swap3A_88 = arith.index_cast %scan3A_80 : i32 to index
        %swap3A_89 = arith.constant 16 : index
        %swap3A_90 = tpu.vector_load %arg14[%swap3A_88, %swap3A_89] {strides = array<i32>} : memref<80x128xf32, #tpu.memory_space<vmem>>, vector<1x16xf32>,
        %swap3A_91 = vector.shape_cast %swap3A_90 : vector<1x16xf32> to vector<16xf32>
        %swap3A_92 = vector.shape_cast %broadcast_in_dim3A_87 : vector<16xf32> to vector<1x16xf32>
        tpu.vector_store %arg14[%swap3A_88, %swap3A_89], %swap3A_92 {strides = array<i32>} : memref<80x128xf32, #tpu.memory_space<vmem>>, vector<1x16xf32>,
        %broadcast_in_dim3A_93 = arith.constant 0.000000e+00 : f32
        %broadcast_in_dim3A_94 = vector.broadcast %broadcast_in_dim3A_93 : f32 to vector<16xf32>
        %swap3A_95 = arith.index_cast %scan3A_80 : i32 to index
        %swap3A_96 = arith.constant 32 : index
        %swap3A_97 = tpu.vector_load %arg14[%swap3A_95, %swap3A_96] {strides = array<i32>} : memref<80x128xf32, #tpu.memory_space<vmem>>, vector<1x16xf32>,
        %swap3A_98 = vector.shape_cast %swap3A_97 : vector<1x16xf32> to vector<16xf32>
        %swap3A_99 = vector.shape_cast %broadcast_in_dim3A_94 : vector<16xf32> to vector<1x16xf32>
        tpu.vector_store %arg14[%swap3A_95, %swap3A_96], %swap3A_99 {strides = array<i32>} : memref<80x128xf32, #tpu.memory_space<vmem>>, vector<1x16xf32>,
        %broadcast_in_dim3A_100 = arith.constant 0.000000e+00 : f32
        %broadcast_in_dim3A_101 = vector.broadcast %broadcast_in_dim3A_100 : f32 to vector<16xf32>
        %swap3A_102 = arith.index_cast %scan3A_80 : i32 to index
        %swap3A_103 = arith.constant 48 : index
        %swap3A_104 = tpu.vector_load %arg14[%swap3A_102, %swap3A_103] {strides = array<i32>} : memref<80x128xf32, #tpu.memory_space<vmem>>, vector<1x16xf32>,
        %swap3A_105 = vector.shape_cast %swap3A_104 : vector<1x16xf32> to vector<16xf32>
        %swap3A_106 = vector.shape_cast %broadcast_in_dim3A_101 : vector<16xf32> to vector<1x16xf32>
        tpu.vector_store %arg14[%swap3A_102, %swap3A_103], %swap3A_106 {strides = array<i32>} : memref<80x128xf32, #tpu.memory_space<vmem>>, vector<1x16xf32>,
        %broadcast_in_dim3A_107 = arith.constant 0.000000e+00 : f32
        %broadcast_in_dim3A_108 = vector.broadcast %broadcast_in_dim3A_107 : f32 to vector<16xf32>
        %swap3A_109 = arith.index_cast %scan3A_80 : i32 to index
        %swap3A_110 = arith.constant 64 : index
        %swap3A_111 = tpu.vector_load %arg14[%swap3A_109, %swap3A_110] {strides = array<i32>} : memref<80x128xf32, #tpu.memory_space<vmem>>, vector<1x16xf32>,
        %swap3A_112 = vector.shape_cast %swap3A_111 : vector<1x16xf32> to vector<16xf32>
        %swap3A_113 = vector.shape_cast %broadcast_in_dim3A_108 : vector<16xf32> to vector<1x16xf32>
        tpu.vector_store %arg14[%swap3A_109, %swap3A_110], %swap3A_113 {strides = array<i32>} : memref<80x128xf32, #tpu.memory_space<vmem>>, vector<1x16xf32>,
        %broadcast_in_dim3A_114 = arith.constant 0.000000e+00 : f32
        %broadcast_in_dim3A_115 = vector.broadcast %broadcast_in_dim3A_114 : f32 to vector<16xf32>
        %swap3A_116 = arith.index_cast %scan3A_80 : i32 to index
        %swap3A_117 = arith.constant 80 : index
        %swap3A_118 = tpu.vector_load %arg14[%swap3A_116, %swap3A_117] {strides = array<i32>} : memref<80x128xf32, #tpu.memory_space<vmem>>, vector<1x16xf32>,
        %swap3A_119 = vector.shape_cast %swap3A_118 : vector<1x16xf32> to vector<16xf32>
        %swap3A_120 = vector.shape_cast %broadcast_in_dim3A_115 : vector<16xf32> to vector<1x16xf32>
        tpu.vector_store %arg14[%swap3A_116, %swap3A_117], %swap3A_120 {strides = array<i32>} : memref<80x128xf32, #tpu.memory_space<vmem>>, vector<1x16xf32>,
        %broadcast_in_dim3A_121 = arith.constant 0.000000e+00 : f32
        %broadcast_in_dim3A_122 = vector.broadcast %broadcast_in_dim3A_121 : f32 to vector<16xf32>
        %swap3A_123 = arith.index_cast %scan3A_80 : i32 to index
        %swap3A_124 = arith.constant 96 : index
        %swap3A_125 = tpu.vector_load %arg14[%swap3A_123, %swap3A_124] {strides = array<i32>} : memref<80x128xf32, #tpu.memory_space<vmem>>, vector<1x16xf32>,
        %swap3A_126 = vector.shape_cast %swap3A_125 : vector<1x16xf32> to vector<16xf32>
        %swap3A_127 = vector.shape_cast %broadcast_in_dim3A_122 : vector<16xf32> to vector<1x16xf32>
        tpu.vector_store %arg14[%swap3A_123, %swap3A_124], %swap3A_127 {strides = array<i32>} : memref<80x128xf32, #tpu.memory_space<vmem>>, vector<1x16xf32>,
        %broadcast_in_dim3A_128 = arith.constant 0.000000e+00 : f32
        %broadcast_in_dim3A_129 = vector.broadcast %broadcast_in_dim3A_128 : f32 to vector<16xf32>
        %swap3A_130 = arith.index_cast %scan3A_80 : i32 to index
        %swap3A_131 = arith.constant 112 : index
        %swap3A_132 = tpu.vector_load %arg14[%swap3A_130, %swap3A_131] {strides = array<i32>} : memref<80x128xf32, #tpu.memory_space<vmem>>, vector<1x16xf32>,
        %swap3A_133 = vector.shape_cast %swap3A_132 : vector<1x16xf32> to vector<16xf32>
        %swap3A_134 = vector.shape_cast %broadcast_in_dim3A_129 : vector<16xf32> to vector<1x16xf32>
        tpu.vector_store %arg14[%swap3A_130, %swap3A_131], %swap3A_134 {strides = array<i32>} : memref<80x128xf32, #tpu.memory_space<vmem>>, vector<1x16xf32>,
      }
      %scan3A_79 = arith.constant 80 : i32
    } else {
    }
    %while3A = arith.constant 0 : i32
    %while3A_5 = arith.constant 0 : i32
    %while3A_6 = arith.subi %select_n3A, %while3A_5 : i32
    %while3A_7 = arith.addi %while3A_5, %while3A_6 : i32
    %while3A_8 = arith.constant 1 : i32
    %while3A_9 = arith.divsi %while3A_6, %while3A_8 : i32
    %while3A_10 = arith.muli %while3A_9, %while3A_8 : i32
    %while3A_11 = arith.addi %while3A_5, %while3A_10 : i32
    %while3A_12 = arith.constant 1 : i32
    scf.for %while3A_74 = %while3A_5 to %while3A_11 step %while3A_12  : i32 {
      %mul3A_75 = arith.constant 640 : i32
      %mul3A_76 = arith.muli %arg1, %mul3A_75 : i32
      %mul3A_77 = arith.constant 80 : i32
      %mul3A_78 = arith.muli %while3A_74, %mul3A_77 : i32
      %add3A_79 = arith.addi %mul3A_76, %mul3A_78 : i32
      %eq3A_80 = arith.constant 0 : i32
      %eq3A_81 = arith.cmpi eq, %arg0, %eq3A_80 : i32
      %convert_element_type3A_82 = arith.extui %eq3A_81 : i1 to i32
      %cond3A_83 = arith.constant 0 : i32
      %cond3A_84 = arith.cmpi ne, %convert_element_type3A_82, %cond3A_83 : i32
      scf.if %cond3A_84 {
        "tpu.region"() ({
          %run_scoped3A = tpu.sem_alloc : memref<!tpu.dma_semaphore, #tpu.memory_space<semaphore_mem>>
          %dma_start3A_85 = arith.constant 0 : i32
          %dma_start3A_86 = tpu.memref_slice %arg2[%add3A_79, %dma_start3A_85] : memref<10000x128xf32, #tpu.memory_space<hbm>> -> memref<80x128xf32, #tpu.memory_space<hbm>>
          %dma_start3A_87 = arith.constant 0 : i32
          %dma_start3A_88 = tpu.memref_slice %arg2[%add3A_79, %dma_start3A_87] : memref<10000x128xf32, #tpu.memory_space<hbm>> -> memref<80x128xf32, #tpu.memory_space<hbm>>
          tpu.enqueue_dma source(%dma_start3A_88 : memref<80x128xf32, #tpu.memory_space<hbm>>) target(%arg14 : memref<80x128xf32, #tpu.memory_space<vmem>>) target_semaphore(%run_scoped3A : memref<!tpu.dma_semaphore, #tpu.memory_space<semaphore_mem>>)
          %dma_wait3A_89 = arith.constant 0 : i32
          %dma_wait3A_90 = tpu.memref_slice %arg2[%add3A_79, %dma_wait3A_89] : memref<10000x128xf32, #tpu.memory_space<hbm>> -> memref<80x128xf32, #tpu.memory_space<hbm>>
          %dma_wait3A_91 = arith.constant 0 : i32
          %dma_wait3A_92 = tpu.memref_slice %arg2[%add3A_79, %dma_wait3A_91] : memref<10000x128xf32, #tpu.memory_space<hbm>> -> memref<80x128xf32, #tpu.memory_space<hbm>>
          tpu.wait_dma2 semaphore(%run_scoped3A : memref<!tpu.dma_semaphore, #tpu.memory_space<semaphore_mem>>) src(%dma_wait3A_92 : memref<80x128xf32, #tpu.memory_space<hbm>>) dst(%arg14 : memref<80x128xf32, #tpu.memory_space<vmem>>)
          tpu.yield
        }) : () -> ()
      } else {
      }
      "tpu.region"() ({
        %run_scoped3A = tpu.sem_alloc : memref<!tpu.dma_semaphore, #tpu.memory_space<semaphore_mem>>
        %dma_start3A_85 = arith.constant 0 : i32
        %dma_start3A_86 = tpu.memref_slice %arg18[%add3A_79, %dma_start3A_85] : memref<10000x128xf32, #tpu.memory_space<vmem_shared>> -> memref<80x128xf32, #tpu.memory_space<vmem_shared>>
        %dma_start3A_87 = arith.constant 0 : i32
        %dma_start3A_88 = tpu.memref_slice %arg18[%add3A_79, %dma_start3A_87] : memref<10000x128xf32, #tpu.memory_space<vmem_shared>> -> memref<80x128xf32, #tpu.memory_space<vmem_shared>>
        tpu.enqueue_dma source(%arg14 : memref<80x128xf32, #tpu.memory_space<vmem>>) target(%dma_start3A_88 : memref<80x128xf32, #tpu.memory_space<vmem_shared>>) target_semaphore(%run_scoped3A : memref<!tpu.dma_semaphore, #tpu.memory_space<semaphore_mem>>)
        %dma_wait3A_89 = arith.constant 0 : i32
        %dma_wait3A_90 = tpu.memref_slice %arg18[%add3A_79, %dma_wait3A_89] : memref<10000x128xf32, #tpu.memory_space<vmem_shared>> -> memref<80x128xf32, #tpu.memory_space<vmem_shared>>
        %dma_wait3A_91 = arith.constant 0 : i32
        %dma_wait3A_92 = tpu.memref_slice %arg18[%add3A_79, %dma_wait3A_91] : memref<10000x128xf32, #tpu.memory_space<vmem_shared>> -> memref<80x128xf32, #tpu.memory_space<vmem_shared>>
        tpu.wait_dma2 semaphore(%run_scoped3A : memref<!tpu.dma_semaphore, #tpu.memory_space<semaphore_mem>>) src(%arg14 : memref<80x128xf32, #tpu.memory_space<vmem>>) dst(%dma_wait3A_92 : memref<80x128xf32, #tpu.memory_space<vmem_shared>>)
        tpu.yield
      }) : () -> ()
    }
    %while3A_13 = arith.constant 1 : i32
    scf.for %while3A_74 = %while3A_11 to %while3A_7 step %while3A_13  : i32 {
      %mul3A_75 = arith.constant 640 : i32
      %mul3A_76 = arith.muli %arg1, %mul3A_75 : i32
      %mul3A_77 = arith.constant 80 : i32
      %mul3A_78 = arith.muli %while3A_74, %mul3A_77 : i32
      %add3A_79 = arith.addi %mul3A_76, %mul3A_78 : i32
      %eq3A_80 = arith.constant 0 : i32
      %eq3A_81 = arith.cmpi eq, %arg0, %eq3A_80 : i32
      %convert_element_type3A_82 = arith.extui %eq3A_81 : i1 to i32
      %cond3A_83 = arith.constant 0 : i32
      %cond3A_84 = arith.cmpi ne, %convert_element_type3A_82, %cond3A_83 : i32
      scf.if %cond3A_84 {
        "tpu.region"() ({
          %run_scoped3A = tpu.sem_alloc : memref<!tpu.dma_semaphore, #tpu.memory_space<semaphore_mem>>
          %dma_start3A_85 = arith.constant 0 : i32
          %dma_start3A_86 = tpu.memref_slice %arg2[%add3A_79, %dma_start3A_85] : memref<10000x128xf32, #tpu.memory_space<hbm>> -> memref<80x128xf32, #tpu.memory_space<hbm>>
          %dma_start3A_87 = arith.constant 0 : i32
          %dma_start3A_88 = tpu.memref_slice %arg2[%add3A_79, %dma_start3A_87] : memref<10000x128xf32, #tpu.memory_space<hbm>> -> memref<80x128xf32, #tpu.memory_space<hbm>>
          tpu.enqueue_dma source(%dma_start3A_88 : memref<80x128xf32, #tpu.memory_space<hbm>>) target(%arg14 : memref<80x128xf32, #tpu.memory_space<vmem>>) target_semaphore(%run_scoped3A : memref<!tpu.dma_semaphore, #tpu.memory_space<semaphore_mem>>)
          %dma_wait3A_89 = arith.constant 0 : i32
          %dma_wait3A_90 = tpu.memref_slice %arg2[%add3A_79, %dma_wait3A_89] : memref<10000x128xf32, #tpu.memory_space<hbm>> -> memref<80x128xf32, #tpu.memory_space<hbm>>
          %dma_wait3A_91 = arith.constant 0 : i32
          %dma_wait3A_92 = tpu.memref_slice %arg2[%add3A_79, %dma_wait3A_91] : memref<10000x128xf32, #tpu.memory_space<hbm>> -> memref<80x128xf32, #tpu.memory_space<hbm>>
          tpu.wait_dma2 semaphore(%run_scoped3A : memref<!tpu.dma_semaphore, #tpu.memory_space<semaphore_mem>>) src(%dma_wait3A_92 : memref<80x128xf32, #tpu.memory_space<hbm>>) dst(%arg14 : memref<80x128xf32, #tpu.memory_space<vmem>>)
          tpu.yield
        }) : () -> ()
      } else {
      }
      "tpu.region"() ({
        %run_scoped3A = tpu.sem_alloc : memref<!tpu.dma_semaphore, #tpu.memory_space<semaphore_mem>>
        %dma_start3A_85 = arith.constant 0 : i32
        %dma_start3A_86 = tpu.memref_slice %arg18[%add3A_79, %dma_start3A_85] : memref<10000x128xf32, #tpu.memory_space<vmem_shared>> -> memref<80x128xf32, #tpu.memory_space<vmem_shared>>
        %dma_start3A_87 = arith.constant 0 : i32
        %dma_start3A_88 = tpu.memref_slice %arg18[%add3A_79, %dma_start3A_87] : memref<10000x128xf32, #tpu.memory_space<vmem_shared>> -> memref<80x128xf32, #tpu.memory_space<vmem_shared>>
        tpu.enqueue_dma source(%arg14 : memref<80x128xf32, #tpu.memory_space<vmem>>) target(%dma_start3A_88 : memref<80x128xf32, #tpu.memory_space<vmem_shared>>) target_semaphore(%run_scoped3A : memref<!tpu.dma_semaphore, #tpu.memory_space<semaphore_mem>>)
        %dma_wait3A_89 = arith.constant 0 : i32
        %dma_wait3A_90 = tpu.memref_slice %arg18[%add3A_79, %dma_wait3A_89] : memref<10000x128xf32, #tpu.memory_space<vmem_shared>> -> memref<80x128xf32, #tpu.memory_space<vmem_shared>>
        %dma_wait3A_91 = arith.constant 0 : i32
        %dma_wait3A_92 = tpu.memref_slice %arg18[%add3A_79, %dma_wait3A_91] : memref<10000x128xf32, #tpu.memory_space<vmem_shared>> -> memref<80x128xf32, #tpu.memory_space<vmem_shared>>
        tpu.wait_dma2 semaphore(%run_scoped3A : memref<!tpu.dma_semaphore, #tpu.memory_space<semaphore_mem>>) src(%arg14 : memref<80x128xf32, #tpu.memory_space<vmem>>) dst(%dma_wait3A_92 : memref<80x128xf32, #tpu.memory_space<vmem_shared>>)
        tpu.yield
      }) : () -> ()
    }
    %barrier3A = arith.constant 0 : index
    tpu.barrier barrier_id(%barrier3A)
    %mul3A = arith.constant 160000 : i32
    %mul3A_14 = arith.muli %arg0, %mul3A : i32
    %mul3A_15 = arith.constant 10000 : i32
    %mul3A_16 = arith.muli %arg1, %mul3A_15 : i32
    %add3A = arith.addi %mul3A_14, %mul3A_16 : i32
    %add3A_17 = arith.constant 0 : i32
    %add3A_18 = arith.addi %add3A, %add3A_17 : i32
    %dma_start3A = tpu.memref_slice %arg3[%add3A_18] : memref<640000xi32, #tpu.memory_space<hbm>> -> memref<80xi32, #tpu.memory_space<hbm>>
    %dma_start3A_19 = tpu.memref_slice %arg3[%add3A_18] : memref<640000xi32, #tpu.memory_space<hbm>> -> memref<80xi32, #tpu.memory_space<hbm>>
    tpu.enqueue_dma source(%dma_start3A_19 : memref<80xi32, #tpu.memory_space<hbm>>) target(%arg6 : memref<80xi32, #tpu.memory_space<vmem>>) target_semaphore(%arg19 : memref<!tpu.dma_semaphore, #tpu.memory_space<semaphore_mem>>)
    %add3A_20 = arith.constant 320000 : i32
    %add3A_21 = arith.addi %add3A_20, %add3A_18 : i32
    %dma_start3A_22 = tpu.memref_slice %arg3[%add3A_21] : memref<640000xi32, #tpu.memory_space<hbm>> -> memref<80xi32, #tpu.memory_space<hbm>>
    %dma_start3A_23 = tpu.memref_slice %arg3[%add3A_21] : memref<640000xi32, #tpu.memory_space<hbm>> -> memref<80xi32, #tpu.memory_space<hbm>>
    tpu.enqueue_dma source(%dma_start3A_23 : memref<80xi32, #tpu.memory_space<hbm>>) target(%arg10 : memref<80xi32, #tpu.memory_space<vmem>>) target_semaphore(%arg19 : memref<!tpu.dma_semaphore, #tpu.memory_space<semaphore_mem>>)
    %scan3A = arith.constant 0 : i32
    %scan3A_24 = arith.constant 0 : i32
    %scan3A_25 = arith.constant 31 : i32
    %scan3A_26 = arith.addi %scan3A_24, %scan3A_25 : i32
    %scan3A_27 = arith.constant 1 : i32
    scf.for %scan3A_74 = %scan3A_24 to %scan3A_26 step %scan3A_27  : i32 {
      %mul3A_75 = arith.constant 4 : i32
      %mul3A_76 = arith.muli %mul3A_75, %scan3A_74 : i32
      %add3A_77 = arith.constant 0 : i32
      %add3A_78 = arith.addi %mul3A_76, %add3A_77 : i32
      %ge3A = arith.constant 1 : i32
      %ge3A_79 = arith.cmpi sge, %scan3A_74, %ge3A : i32
      %convert_element_type3A_80 = arith.extui %ge3A_79 : i1 to i32
      %cond3A_81 = arith.constant 0 : i32
      %cond3A_82 = arith.cmpi ne, %convert_element_type3A_80, %cond3A_81 : i32
      scf.if %cond3A_82 {
        %dma_wait3A_206 = arith.constant 0 : i32
        %dma_wait3A_207 = arith.constant 0 : i32
        %dma_wait3A_208 = tpu.memref_slice %arg18[%dma_wait3A_206, %dma_wait3A_207] : memref<10000x128xf32, #tpu.memory_space<vmem_shared>> -> memref<10000x128xf32, #tpu.memory_space<vmem_shared>>
        tpu.wait_indirect_dma semaphore(%arg28 : memref<!tpu.dma_semaphore, #tpu.memory_space<semaphore_mem>>) src(%arg15 : memref<80x128xf32, #tpu.memory_space<vmem>>) dst(%dma_wait3A_208 : memref<10000x128xf32, #tpu.memory_space<vmem_shared>>)
      } else {
      }
      %add3A_83 = arith.constant 1 : i32
      %add3A_84 = arith.addi %add3A_78, %add3A_83 : i32
      %lt3A = arith.constant 125 : i32
      %lt3A_85 = arith.cmpi slt, %add3A_84, %lt3A : i32
      %convert_element_type3A_86 = arith.extui %lt3A_85 : i1 to i32
      %cond3A_87 = arith.constant 0 : i32
      %cond3A_88 = arith.cmpi ne, %convert_element_type3A_86, %cond3A_87 : i32
      scf.if %cond3A_88 {
        %add3A_206 = arith.constant 1 : i32
        %add3A_207 = arith.addi %add3A_78, %add3A_206 : i32
        %mul3A_208 = arith.constant 80 : i32
        %mul3A_209 = arith.muli %add3A_207, %mul3A_208 : i32
        %add3A_210 = arith.addi %add3A, %mul3A_209 : i32
        %dma_start3A_211 = tpu.memref_slice %arg3[%add3A_210] : memref<640000xi32, #tpu.memory_space<hbm>> -> memref<80xi32, #tpu.memory_space<hbm>>
        %dma_start3A_212 = tpu.memref_slice %arg3[%add3A_210] : memref<640000xi32, #tpu.memory_space<hbm>> -> memref<80xi32, #tpu.memory_space<hbm>>
        tpu.enqueue_dma source(%dma_start3A_212 : memref<80xi32, #tpu.memory_space<hbm>>) target(%arg7 : memref<80xi32, #tpu.memory_space<vmem>>) target_semaphore(%arg20 : memref<!tpu.dma_semaphore, #tpu.memory_space<semaphore_mem>>)
        %add3A_213 = arith.constant 320000 : i32
        %add3A_214 = arith.addi %add3A_213, %add3A_210 : i32
        %dma_start3A_215 = tpu.memref_slice %arg3[%add3A_214] : memref<640000xi32, #tpu.memory_space<hbm>> -> memref<80xi32, #tpu.memory_space<hbm>>
        %dma_start3A_216 = tpu.memref_slice %arg3[%add3A_214] : memref<640000xi32, #tpu.memory_space<hbm>> -> memref<80xi32, #tpu.memory_space<hbm>>
        tpu.enqueue_dma source(%dma_start3A_216 : memref<80xi32, #tpu.memory_space<hbm>>) target(%arg11 : memref<80xi32, #tpu.memory_space<vmem>>) target_semaphore(%arg20 : memref<!tpu.dma_semaphore, #tpu.memory_space<semaphore_mem>>)
      } else {
      }
      %mul3A_89 = arith.constant 80 : i32
      %mul3A_90 = arith.muli %add3A_78, %mul3A_89 : i32
      %add3A_91 = arith.addi %add3A, %mul3A_90 : i32
      %dma_wait3A_92 = tpu.memref_slice %arg3[%add3A_91] : memref<640000xi32, #tpu.memory_space<hbm>> -> memref<80xi32, #tpu.memory_space<hbm>>
      %dma_wait3A_93 = tpu.memref_slice %arg3[%add3A_91] : memref<640000xi32, #tpu.memory_space<hbm>> -> memref<80xi32, #tpu.memory_space<hbm>>
      tpu.wait_dma2 semaphore(%arg19 : memref<!tpu.dma_semaphore, #tpu.memory_space<semaphore_mem>>) src(%dma_wait3A_93 : memref<80xi32, #tpu.memory_space<hbm>>) dst(%arg6 : memref<80xi32, #tpu.memory_space<vmem>>)
      %add3A_94 = arith.constant 320000 : i32
      %add3A_95 = arith.addi %add3A_94, %add3A_91 : i32
      %dma_wait3A_96 = tpu.memref_slice %arg3[%add3A_95] : memref<640000xi32, #tpu.memory_space<hbm>> -> memref<80xi32, #tpu.memory_space<hbm>>
      %dma_wait3A_97 = tpu.memref_slice %arg3[%add3A_95] : memref<640000xi32, #tpu.memory_space<hbm>> -> memref<80xi32, #tpu.memory_space<hbm>>
      tpu.wait_dma2 semaphore(%arg19 : memref<!tpu.dma_semaphore, #tpu.memory_space<semaphore_mem>>) src(%dma_wait3A_97 : memref<80xi32, #tpu.memory_space<hbm>>) dst(%arg10 : memref<80xi32, #tpu.memory_space<vmem>>)
      %dma_start3A_98 = arith.constant 0 : i32
      %dma_start3A_99 = arith.constant 0 : i32
      %dma_start3A_100 = tpu.memref_slice %arg2[%dma_start3A_98, %dma_start3A_99] : memref<10000x128xf32, #tpu.memory_space<hbm>> -> memref<10000x128xf32, #tpu.memory_space<hbm>>
      tpu.enqueue_indirect_dma source(%dma_start3A_100 : memref<10000x128xf32, #tpu.memory_space<hbm>>) target(%arg14 : memref<80x128xf32, #tpu.memory_space<vmem>>) offsets(%arg6 : memref<80xi32, #tpu.memory_space<vmem>>) semaphore(%arg23 : memref<!tpu.dma_semaphore, #tpu.memory_space<semaphore_mem>>)
      %ge3A_101 = arith.constant 1 : i32
      %ge3A_102 = arith.cmpi sge, %scan3A_74, %ge3A_101 : i32
      %convert_element_type3A_103 = arith.extui %ge3A_102 : i1 to i32
      %cond3A_104 = arith.constant 0 : i32
      %cond3A_105 = arith.cmpi ne, %convert_element_type3A_103, %cond3A_104 : i32
      scf.if %cond3A_105 {
        %dma_wait3A_206 = arith.constant 0 : i32
        %dma_wait3A_207 = arith.constant 0 : i32
        %dma_wait3A_208 = tpu.memref_slice %arg2[%dma_wait3A_206, %dma_wait3A_207] : memref<10000x128xf32, #tpu.memory_space<hbm>> -> memref<10000x128xf32, #tpu.memory_space<hbm>>
        tpu.wait_indirect_dma semaphore(%arg26 : memref<!tpu.dma_semaphore, #tpu.memory_space<semaphore_mem>>) src(%dma_wait3A_208 : memref<10000x128xf32, #tpu.memory_space<hbm>>) dst(%arg17 : memref<80x128xf32, #tpu.memory_space<vmem>>)
        %dma_start3A_209 = arith.constant 0 : i32
        %dma_start3A_210 = arith.constant 0 : i32
        %dma_start3A_211 = tpu.memref_slice %arg18[%dma_start3A_209, %dma_start3A_210] : memref<10000x128xf32, #tpu.memory_space<vmem_shared>> -> memref<10000x128xf32, #tpu.memory_space<vmem_shared>>
        tpu.enqueue_indirect_dma source(%arg17 : memref<80x128xf32, #tpu.memory_space<vmem>>) target(%dma_start3A_211 : memref<10000x128xf32, #tpu.memory_space<vmem_shared>>) offsets(%arg13 : memref<80xi32, #tpu.memory_space<vmem>>) semaphore(%arg30 : memref<!tpu.dma_semaphore, #tpu.memory_space<semaphore_mem>>) {add = true}
      } else {
      }
      %mul3A_106 = arith.constant 4 : i32
      %mul3A_107 = arith.muli %mul3A_106, %scan3A_74 : i32
      %add3A_108 = arith.constant 1 : i32
      %add3A_109 = arith.addi %mul3A_107, %add3A_108 : i32
      %ge3A_110 = arith.constant 1 : i32
      %ge3A_111 = arith.cmpi sge, %scan3A_74, %ge3A_110 : i32
      %convert_element_type3A_112 = arith.extui %ge3A_111 : i1 to i32
      %cond3A_113 = arith.constant 0 : i32
      %cond3A_114 = arith.cmpi ne, %convert_element_type3A_112, %cond3A_113 : i32
      scf.if %cond3A_114 {
        %dma_wait3A_206 = arith.constant 0 : i32
        %dma_wait3A_207 = arith.constant 0 : i32
        %dma_wait3A_208 = tpu.memref_slice %arg18[%dma_wait3A_206, %dma_wait3A_207] : memref<10000x128xf32, #tpu.memory_space<vmem_shared>> -> memref<10000x128xf32, #tpu.memory_space<vmem_shared>>
        tpu.wait_indirect_dma semaphore(%arg29 : memref<!tpu.dma_semaphore, #tpu.memory_space<semaphore_mem>>) src(%arg16 : memref<80x128xf32, #tpu.memory_space<vmem>>) dst(%dma_wait3A_208 : memref<10000x128xf32, #tpu.memory_space<vmem_shared>>)
      } else {
      }
      %add3A_115 = arith.constant 1 : i32
      %add3A_116 = arith.addi %add3A_109, %add3A_115 : i32
      %lt3A_117 = arith.constant 125 : i32
      %lt3A_118 = arith.cmpi slt, %add3A_116, %lt3A_117 : i32
      %convert_element_type3A_119 = arith.extui %lt3A_118 : i1 to i32
      %cond3A_120 = arith.constant 0 : i32
      %cond3A_121 = arith.cmpi ne, %convert_element_type3A_119, %cond3A_120 : i32
      scf.if %cond3A_121 {
        %add3A_206 = arith.constant 1 : i32
        %add3A_207 = arith.addi %add3A_109, %add3A_206 : i32
        %mul3A_208 = arith.constant 80 : i32
        %mul3A_209 = arith.muli %add3A_207, %mul3A_208 : i32
        %add3A_210 = arith.addi %add3A, %mul3A_209 : i32
        %dma_start3A_211 = tpu.memref_slice %arg3[%add3A_210] : memref<640000xi32, #tpu.memory_space<hbm>> -> memref<80xi32, #tpu.memory_space<hbm>>
        %dma_start3A_212 = tpu.memref_slice %arg3[%add3A_210] : memref<640000xi32, #tpu.memory_space<hbm>> -> memref<80xi32, #tpu.memory_space<hbm>>
        tpu.enqueue_dma source(%dma_start3A_212 : memref<80xi32, #tpu.memory_space<hbm>>) target(%arg8 : memref<80xi32, #tpu.memory_space<vmem>>) target_semaphore(%arg21 : memref<!tpu.dma_semaphore, #tpu.memory_space<semaphore_mem>>)
        %add3A_213 = arith.constant 320000 : i32
        %add3A_214 = arith.addi %add3A_213, %add3A_210 : i32
        %dma_start3A_215 = tpu.memref_slice %arg3[%add3A_214] : memref<640000xi32, #tpu.memory_space<hbm>> -> memref<80xi32, #tpu.memory_space<hbm>>
        %dma_start3A_216 = tpu.memref_slice %arg3[%add3A_214] : memref<640000xi32, #tpu.memory_space<hbm>> -> memref<80xi32, #tpu.memory_space<hbm>>
        tpu.enqueue_dma source(%dma_start3A_216 : memref<80xi32, #tpu.memory_space<hbm>>) target(%arg12 : memref<80xi32, #tpu.memory_space<vmem>>) target_semaphore(%arg21 : memref<!tpu.dma_semaphore, #tpu.memory_space<semaphore_mem>>)
      } else {
      }
      %mul3A_122 = arith.constant 80 : i32
      %mul3A_123 = arith.muli %add3A_109, %mul3A_122 : i32
      %add3A_124 = arith.addi %add3A, %mul3A_123 : i32
      %dma_wait3A_125 = tpu.memref_slice %arg3[%add3A_124] : memref<640000xi32, #tpu.memory_space<hbm>> -> memref<80xi32, #tpu.memory_space<hbm>>
      %dma_wait3A_126 = tpu.memref_slice %arg3[%add3A_124] : memref<640000xi32, #tpu.memory_space<hbm>> -> memref<80xi32, #tpu.memory_space<hbm>>
      tpu.wait_dma2 semaphore(%arg20 : memref<!tpu.dma_semaphore, #tpu.memory_space<semaphore_mem>>) src(%dma_wait3A_126 : memref<80xi32, #tpu.memory_space<hbm>>) dst(%arg7 : memref<80xi32, #tpu.memory_space<vmem>>)
      %add3A_127 = arith.constant 320000 : i32
      %add3A_128 = arith.addi %add3A_127, %add3A_124 : i32
      %dma_wait3A_129 = tpu.memref_slice %arg3[%add3A_128] : memref<640000xi32, #tpu.memory_space<hbm>> -> memref<80xi32, #tpu.memory_space<hbm>>
      %dma_wait3A_130 = tpu.memref_slice %arg3[%add3A_128] : memref<640000xi32, #tpu.memory_space<hbm>> -> memref<80xi32, #tpu.memory_space<hbm>>
      tpu.wait_dma2 semaphore(%arg20 : memref<!tpu.dma_semaphore, #tpu.memory_space<semaphore_mem>>) src(%dma_wait3A_130 : memref<80xi32, #tpu.memory_space<hbm>>) dst(%arg11 : memref<80xi32, #tpu.memory_space<vmem>>)
      %dma_start3A_131 = arith.constant 0 : i32
      %dma_start3A_132 = arith.constant 0 : i32
      %dma_start3A_133 = tpu.memref_slice %arg2[%dma_start3A_131, %dma_start3A_132] : memref<10000x128xf32, #tpu.memory_space<hbm>> -> memref<10000x128xf32, #tpu.memory_space<hbm>>
      tpu.enqueue_indirect_dma source(%dma_start3A_133 : memref<10000x128xf32, #tpu.memory_space<hbm>>) target(%arg15 : memref<80x128xf32, #tpu.memory_space<vmem>>) offsets(%arg7 : memref<80xi32, #tpu.memory_space<vmem>>) semaphore(%arg24 : memref<!tpu.dma_semaphore, #tpu.memory_space<semaphore_mem>>)
      %dma_wait3A_134 = arith.constant 0 : i32
      %dma_wait3A_135 = arith.constant 0 : i32
      %dma_wait3A_136 = tpu.memref_slice %arg2[%dma_wait3A_134, %dma_wait3A_135] : memref<10000x128xf32, #tpu.memory_space<hbm>> -> memref<10000x128xf32, #tpu.memory_space<hbm>>
      tpu.wait_indirect_dma semaphore(%arg23 : memref<!tpu.dma_semaphore, #tpu.memory_space<semaphore_mem>>) src(%dma_wait3A_136 : memref<10000x128xf32, #tpu.memory_space<hbm>>) dst(%arg14 : memref<80x128xf32, #tpu.memory_space<vmem>>)
      %dma_start3A_137 = arith.constant 0 : i32
      %dma_start3A_138 = arith.constant 0 : i32
      %dma_start3A_139 = tpu.memref_slice %arg18[%dma_start3A_137, %dma_start3A_138] : memref<10000x128xf32, #tpu.memory_space<vmem_shared>> -> memref<10000x128xf32, #tpu.memory_space<vmem_shared>>
      tpu.enqueue_indirect_dma source(%arg14 : memref<80x128xf32, #tpu.memory_space<vmem>>) target(%dma_start3A_139 : memref<10000x128xf32, #tpu.memory_space<vmem_shared>>) offsets(%arg10 : memref<80xi32, #tpu.memory_space<vmem>>) semaphore(%arg27 : memref<!tpu.dma_semaphore, #tpu.memory_space<semaphore_mem>>) {add = true}
      %mul3A_140 = arith.constant 4 : i32
      %mul3A_141 = arith.muli %mul3A_140, %scan3A_74 : i32
      %add3A_142 = arith.constant 2 : i32
      %add3A_143 = arith.addi %mul3A_141, %add3A_142 : i32
      %ge3A_144 = arith.constant 1 : i32
      %ge3A_145 = arith.cmpi sge, %scan3A_74, %ge3A_144 : i32
      %convert_element_type3A_146 = arith.extui %ge3A_145 : i1 to i32
      %cond3A_147 = arith.constant 0 : i32
      %cond3A_148 = arith.cmpi ne, %convert_element_type3A_146, %cond3A_147 : i32
      scf.if %cond3A_148 {
        %dma_wait3A_206 = arith.constant 0 : i32
        %dma_wait3A_207 = arith.constant 0 : i32
        %dma_wait3A_208 = tpu.memref_slice %arg18[%dma_wait3A_206, %dma_wait3A_207] : memref<10000x128xf32, #tpu.memory_space<vmem_shared>> -> memref<10000x128xf32, #tpu.memory_space<vmem_shared>>
        tpu.wait_indirect_dma semaphore(%arg30 : memref<!tpu.dma_semaphore, #tpu.memory_space<semaphore_mem>>) src(%arg17 : memref<80x128xf32, #tpu.memory_space<vmem>>) dst(%dma_wait3A_208 : memref<10000x128xf32, #tpu.memory_space<vmem_shared>>)
      } else {
      }
      %add3A_149 = arith.constant 1 : i32
      %add3A_150 = arith.addi %add3A_143, %add3A_149 : i32
      %lt3A_151 = arith.constant 125 : i32
      %lt3A_152 = arith.cmpi slt, %add3A_150, %lt3A_151 : i32
      %convert_element_type3A_153 = arith.extui %lt3A_152 : i1 to i32
      %cond3A_154 = arith.constant 0 : i32
      %cond3A_155 = arith.cmpi ne, %convert_element_type3A_153, %cond3A_154 : i32
      scf.if %cond3A_155 {
        %add3A_206 = arith.constant 1 : i32
        %add3A_207 = arith.addi %add3A_143, %add3A_206 : i32
        %mul3A_208 = arith.constant 80 : i32
        %mul3A_209 = arith.muli %add3A_207, %mul3A_208 : i32
        %add3A_210 = arith.addi %add3A, %mul3A_209 : i32
        %dma_start3A_211 = tpu.memref_slice %arg3[%add3A_210] : memref<640000xi32, #tpu.memory_space<hbm>> -> memref<80xi32, #tpu.memory_space<hbm>>
        %dma_start3A_212 = tpu.memref_slice %arg3[%add3A_210] : memref<640000xi32, #tpu.memory_space<hbm>> -> memref<80xi32, #tpu.memory_space<hbm>>
        tpu.enqueue_dma source(%dma_start3A_212 : memref<80xi32, #tpu.memory_space<hbm>>) target(%arg9 : memref<80xi32, #tpu.memory_space<vmem>>) target_semaphore(%arg22 : memref<!tpu.dma_semaphore, #tpu.memory_space<semaphore_mem>>)
        %add3A_213 = arith.constant 320000 : i32
        %add3A_214 = arith.addi %add3A_213, %add3A_210 : i32
        %dma_start3A_215 = tpu.memref_slice %arg3[%add3A_214] : memref<640000xi32, #tpu.memory_space<hbm>> -> memref<80xi32, #tpu.memory_space<hbm>>
        %dma_start3A_216 = tpu.memref_slice %arg3[%add3A_214] : memref<640000xi32, #tpu.memory_space<hbm>> -> memref<80xi32, #tpu.memory_space<hbm>>
        tpu.enqueue_dma source(%dma_start3A_216 : memref<80xi32, #tpu.memory_space<hbm>>) target(%arg13 : memref<80xi32, #tpu.memory_space<vmem>>) target_semaphore(%arg22 : memref<!tpu.dma_semaphore, #tpu.memory_space<semaphore_mem>>)
      } else {
      }
      %mul3A_156 = arith.constant 80 : i32
      %mul3A_157 = arith.muli %add3A_143, %mul3A_156 : i32
      %add3A_158 = arith.addi %add3A, %mul3A_157 : i32
      %dma_wait3A_159 = tpu.memref_slice %arg3[%add3A_158] : memref<640000xi32, #tpu.memory_space<hbm>> -> memref<80xi32, #tpu.memory_space<hbm>>
      %dma_wait3A_160 = tpu.memref_slice %arg3[%add3A_158] : memref<640000xi32, #tpu.memory_space<hbm>> -> memref<80xi32, #tpu.memory_space<hbm>>
      tpu.wait_dma2 semaphore(%arg21 : memref<!tpu.dma_semaphore, #tpu.memory_space<semaphore_mem>>) src(%dma_wait3A_160 : memref<80xi32, #tpu.memory_space<hbm>>) dst(%arg8 : memref<80xi32, #tpu.memory_space<vmem>>)
      %add3A_161 = arith.constant 320000 : i32
      %add3A_162 = arith.addi %add3A_161, %add3A_158 : i32
      %dma_wait3A_163 = tpu.memref_slice %arg3[%add3A_162] : memref<640000xi32, #tpu.memory_space<hbm>> -> memref<80xi32, #tpu.memory_space<hbm>>
      %dma_wait3A_164 = tpu.memref_slice %arg3[%add3A_162] : memref<640000xi32, #tpu.memory_space<hbm>> -> memref<80xi32, #tpu.memory_space<hbm>>
      tpu.wait_dma2 semaphore(%arg21 : memref<!tpu.dma_semaphore, #tpu.memory_space<semaphore_mem>>) src(%dma_wait3A_164 : memref<80xi32, #tpu.memory_space<hbm>>) dst(%arg12 : memref<80xi32, #tpu.memory_space<vmem>>)
      %dma_start3A_165 = arith.constant 0 : i32
      %dma_start3A_166 = arith.constant 0 : i32
      %dma_start3A_167 = tpu.memref_slice %arg2[%dma_start3A_165, %dma_start3A_166] : memref<10000x128xf32, #tpu.memory_space<hbm>> -> memref<10000x128xf32, #tpu.memory_space<hbm>>
      tpu.enqueue_indirect_dma source(%dma_start3A_167 : memref<10000x128xf32, #tpu.memory_space<hbm>>) target(%arg16 : memref<80x128xf32, #tpu.memory_space<vmem>>) offsets(%arg8 : memref<80xi32, #tpu.memory_space<vmem>>) semaphore(%arg25 : memref<!tpu.dma_semaphore, #tpu.memory_space<semaphore_mem>>)
      %dma_wait3A_168 = arith.constant 0 : i32
      %dma_wait3A_169 = arith.constant 0 : i32
      %dma_wait3A_170 = tpu.memref_slice %arg2[%dma_wait3A_168, %dma_wait3A_169] : memref<10000x128xf32, #tpu.memory_space<hbm>> -> memref<10000x128xf32, #tpu.memory_space<hbm>>
      tpu.wait_indirect_dma semaphore(%arg24 : memref<!tpu.dma_semaphore, #tpu.memory_space<semaphore_mem>>) src(%dma_wait3A_170 : memref<10000x128xf32, #tpu.memory_space<hbm>>) dst(%arg15 : memref<80x128xf32, #tpu.memory_space<vmem>>)
      %dma_start3A_171 = arith.constant 0 : i32
      %dma_start3A_172 = arith.constant 0 : i32
      %dma_start3A_173 = tpu.memref_slice %arg18[%dma_start3A_171, %dma_start3A_172] : memref<10000x128xf32, #tpu.memory_space<vmem_shared>> -> memref<10000x128xf32, #tpu.memory_space<vmem_shared>>
      tpu.enqueue_indirect_dma source(%arg15 : memref<80x128xf32, #tpu.memory_space<vmem>>) target(%dma_start3A_173 : memref<10000x128xf32, #tpu.memory_space<vmem_shared>>) offsets(%arg11 : memref<80xi32, #tpu.memory_space<vmem>>) semaphore(%arg28 : memref<!tpu.dma_semaphore, #tpu.memory_space<semaphore_mem>>) {add = true}
      %mul3A_174 = arith.constant 4 : i32
      %mul3A_175 = arith.muli %mul3A_174, %scan3A_74 : i32
      %add3A_176 = arith.constant 3 : i32
      %add3A_177 = arith.addi %mul3A_175, %add3A_176 : i32
      %dma_wait3A_178 = arith.constant 0 : i32
      %dma_wait3A_179 = arith.constant 0 : i32
      %dma_wait3A_180 = tpu.memref_slice %arg18[%dma_wait3A_178, %dma_wait3A_179] : memref<10000x128xf32, #tpu.memory_space<vmem_shared>> -> memref<10000x128xf32, #tpu.memory_space<vmem_shared>>
      tpu.wait_indirect_dma semaphore(%arg27 : memref<!tpu.dma_semaphore, #tpu.memory_space<semaphore_mem>>) src(%arg14 : memref<80x128xf32, #tpu.memory_space<vmem>>) dst(%dma_wait3A_180 : memref<10000x128xf32, #tpu.memory_space<vmem_shared>>)
      %add3A_181 = arith.constant 1 : i32
      %add3A_182 = arith.addi %add3A_177, %add3A_181 : i32
      %lt3A_183 = arith.constant 125 : i32
      %lt3A_184 = arith.cmpi slt, %add3A_182, %lt3A_183 : i32
      %convert_element_type3A_185 = arith.extui %lt3A_184 : i1 to i32
      %cond3A_186 = arith.constant 0 : i32
      %cond3A_187 = arith.cmpi ne, %convert_element_type3A_185, %cond3A_186 : i32
      scf.if %cond3A_187 {
        %add3A_206 = arith.constant 1 : i32
        %add3A_207 = arith.addi %add3A_177, %add3A_206 : i32
        %mul3A_208 = arith.constant 80 : i32
        %mul3A_209 = arith.muli %add3A_207, %mul3A_208 : i32
        %add3A_210 = arith.addi %add3A, %mul3A_209 : i32
        %dma_start3A_211 = tpu.memref_slice %arg3[%add3A_210] : memref<640000xi32, #tpu.memory_space<hbm>> -> memref<80xi32, #tpu.memory_space<hbm>>
        %dma_start3A_212 = tpu.memref_slice %arg3[%add3A_210] : memref<640000xi32, #tpu.memory_space<hbm>> -> memref<80xi32, #tpu.memory_space<hbm>>
        tpu.enqueue_dma source(%dma_start3A_212 : memref<80xi32, #tpu.memory_space<hbm>>) target(%arg6 : memref<80xi32, #tpu.memory_space<vmem>>) target_semaphore(%arg19 : memref<!tpu.dma_semaphore, #tpu.memory_space<semaphore_mem>>)
        %add3A_213 = arith.constant 320000 : i32
        %add3A_214 = arith.addi %add3A_213, %add3A_210 : i32
        %dma_start3A_215 = tpu.memref_slice %arg3[%add3A_214] : memref<640000xi32, #tpu.memory_space<hbm>> -> memref<80xi32, #tpu.memory_space<hbm>>
        %dma_start3A_216 = tpu.memref_slice %arg3[%add3A_214] : memref<640000xi32, #tpu.memory_space<hbm>> -> memref<80xi32, #tpu.memory_space<hbm>>
        tpu.enqueue_dma source(%dma_start3A_216 : memref<80xi32, #tpu.memory_space<hbm>>) target(%arg10 : memref<80xi32, #tpu.memory_space<vmem>>) target_semaphore(%arg19 : memref<!tpu.dma_semaphore, #tpu.memory_space<semaphore_mem>>)
      } else {
      }
      %mul3A_188 = arith.constant 80 : i32
      %mul3A_189 = arith.muli %add3A_177, %mul3A_188 : i32
      %add3A_190 = arith.addi %add3A, %mul3A_189 : i32
      %dma_wait3A_191 = tpu.memref_slice %arg3[%add3A_190] : memref<640000xi32, #tpu.memory_space<hbm>> -> memref<80xi32, #tpu.memory_space<hbm>>
      %dma_wait3A_192 = tpu.memref_slice %arg3[%add3A_190] : memref<640000xi32, #tpu.memory_space<hbm>> -> memref<80xi32, #tpu.memory_space<hbm>>
      tpu.wait_dma2 semaphore(%arg22 : memref<!tpu.dma_semaphore, #tpu.memory_space<semaphore_mem>>) src(%dma_wait3A_192 : memref<80xi32, #tpu.memory_space<hbm>>) dst(%arg9 : memref<80xi32, #tpu.memory_space<vmem>>)
      %add3A_193 = arith.constant 320000 : i32
      %add3A_194 = arith.addi %add3A_193, %add3A_190 : i32
      %dma_wait3A_195 = tpu.memref_slice %arg3[%add3A_194] : memref<640000xi32, #tpu.memory_space<hbm>> -> memref<80xi32, #tpu.memory_space<hbm>>
      %dma_wait3A_196 = tpu.memref_slice %arg3[%add3A_194] : memref<640000xi32, #tpu.memory_space<hbm>> -> memref<80xi32, #tpu.memory_space<hbm>>
      tpu.wait_dma2 semaphore(%arg22 : memref<!tpu.dma_semaphore, #tpu.memory_space<semaphore_mem>>) src(%dma_wait3A_196 : memref<80xi32, #tpu.memory_space<hbm>>) dst(%arg13 : memref<80xi32, #tpu.memory_space<vmem>>)
      %dma_start3A_197 = arith.constant 0 : i32
      %dma_start3A_198 = arith.constant 0 : i32
      %dma_start3A_199 = tpu.memref_slice %arg2[%dma_start3A_197, %dma_start3A_198] : memref<10000x128xf32, #tpu.memory_space<hbm>> -> memref<10000x128xf32, #tpu.memory_space<hbm>>
      tpu.enqueue_indirect_dma source(%dma_start3A_199 : memref<10000x128xf32, #tpu.memory_space<hbm>>) target(%arg17 : memref<80x128xf32, #tpu.memory_space<vmem>>) offsets(%arg9 : memref<80xi32, #tpu.memory_space<vmem>>) semaphore(%arg26 : memref<!tpu.dma_semaphore, #tpu.memory_space<semaphore_mem>>)
      %dma_wait3A_200 = arith.constant 0 : i32
      %dma_wait3A_201 = arith.constant 0 : i32
      %dma_wait3A_202 = tpu.memref_slice %arg2[%dma_wait3A_200, %dma_wait3A_201] : memref<10000x128xf32, #tpu.memory_space<hbm>> -> memref<10000x128xf32, #tpu.memory_space<hbm>>
      tpu.wait_indirect_dma semaphore(%arg25 : memref<!tpu.dma_semaphore, #tpu.memory_space<semaphore_mem>>) src(%dma_wait3A_202 : memref<10000x128xf32, #tpu.memory_space<hbm>>) dst(%arg16 : memref<80x128xf32, #tpu.memory_space<vmem>>)
      %dma_start3A_203 = arith.constant 0 : i32
      %dma_start3A_204 = arith.constant 0 : i32
      %dma_start3A_205 = tpu.memref_slice %arg18[%dma_start3A_203, %dma_start3A_204] : memref<10000x128xf32, #tpu.memory_space<vmem_shared>> -> memref<10000x128xf32, #tpu.memory_space<vmem_shared>>
      tpu.enqueue_indirect_dma source(%arg16 : memref<80x128xf32, #tpu.memory_space<vmem>>) target(%dma_start3A_205 : memref<10000x128xf32, #tpu.memory_space<vmem_shared>>) offsets(%arg12 : memref<80xi32, #tpu.memory_space<vmem>>) semaphore(%arg29 : memref<!tpu.dma_semaphore, #tpu.memory_space<semaphore_mem>>) {add = true}
    }
    %scan3A_28 = arith.constant 31 : i32
    %dma_wait3A = arith.constant 0 : i32
    %dma_wait3A_29 = arith.constant 0 : i32
    %dma_wait3A_30 = tpu.memref_slice %arg18[%dma_wait3A, %dma_wait3A_29] : memref<10000x128xf32, #tpu.memory_space<vmem_shared>> -> memref<10000x128xf32, #tpu.memory_space<vmem_shared>>
    tpu.wait_indirect_dma semaphore(%arg28 : memref<!tpu.dma_semaphore, #tpu.memory_space<semaphore_mem>>) src(%arg15 : memref<80x128xf32, #tpu.memory_space<vmem>>) dst(%dma_wait3A_30 : memref<10000x128xf32, #tpu.memory_space<vmem_shared>>)
    %add3A_31 = arith.constant 9920 : i32
    %add3A_32 = arith.addi %add3A, %add3A_31 : i32
    %dma_wait3A_33 = tpu.memref_slice %arg3[%add3A_32] : memref<640000xi32, #tpu.memory_space<hbm>> -> memref<80xi32, #tpu.memory_space<hbm>>
    %dma_wait3A_34 = tpu.memref_slice %arg3[%add3A_32] : memref<640000xi32, #tpu.memory_space<hbm>> -> memref<80xi32, #tpu.memory_space<hbm>>
    tpu.wait_dma2 semaphore(%arg19 : memref<!tpu.dma_semaphore, #tpu.memory_space<semaphore_mem>>) src(%dma_wait3A_34 : memref<80xi32, #tpu.memory_space<hbm>>) dst(%arg6 : memref<80xi32, #tpu.memory_space<vmem>>)
    %add3A_35 = arith.constant 320000 : i32
    %add3A_36 = arith.addi %add3A_35, %add3A_32 : i32
    %dma_wait3A_37 = tpu.memref_slice %arg3[%add3A_36] : memref<640000xi32, #tpu.memory_space<hbm>> -> memref<80xi32, #tpu.memory_space<hbm>>
    %dma_wait3A_38 = tpu.memref_slice %arg3[%add3A_36] : memref<640000xi32, #tpu.memory_space<hbm>> -> memref<80xi32, #tpu.memory_space<hbm>>
    tpu.wait_dma2 semaphore(%arg19 : memref<!tpu.dma_semaphore, #tpu.memory_space<semaphore_mem>>) src(%dma_wait3A_38 : memref<80xi32, #tpu.memory_space<hbm>>) dst(%arg10 : memref<80xi32, #tpu.memory_space<vmem>>)
    %dma_start3A_39 = arith.constant 0 : i32
    %dma_start3A_40 = arith.constant 0 : i32
    %dma_start3A_41 = tpu.memref_slice %arg2[%dma_start3A_39, %dma_start3A_40] : memref<10000x128xf32, #tpu.memory_space<hbm>> -> memref<10000x128xf32, #tpu.memory_space<hbm>>
    tpu.enqueue_indirect_dma source(%dma_start3A_41 : memref<10000x128xf32, #tpu.memory_space<hbm>>) target(%arg14 : memref<80x128xf32, #tpu.memory_space<vmem>>) offsets(%arg6 : memref<80xi32, #tpu.memory_space<vmem>>) semaphore(%arg23 : memref<!tpu.dma_semaphore, #tpu.memory_space<semaphore_mem>>)
    %dma_wait3A_42 = arith.constant 0 : i32
    %dma_wait3A_43 = arith.constant 0 : i32
    %dma_wait3A_44 = tpu.memref_slice %arg2[%dma_wait3A_42, %dma_wait3A_43] : memref<10000x128xf32, #tpu.memory_space<hbm>> -> memref<10000x128xf32, #tpu.memory_space<hbm>>
    tpu.wait_indirect_dma semaphore(%arg26 : memref<!tpu.dma_semaphore, #tpu.memory_space<semaphore_mem>>) src(%dma_wait3A_44 : memref<10000x128xf32, #tpu.memory_space<hbm>>) dst(%arg17 : memref<80x128xf32, #tpu.memory_space<vmem>>)
    %dma_start3A_45 = arith.constant 0 : i32
    %dma_start3A_46 = arith.constant 0 : i32
    %dma_start3A_47 = tpu.memref_slice %arg18[%dma_start3A_45, %dma_start3A_46] : memref<10000x128xf32, #tpu.memory_space<vmem_shared>> -> memref<10000x128xf32, #tpu.memory_space<vmem_shared>>
    tpu.enqueue_indirect_dma source(%arg17 : memref<80x128xf32, #tpu.memory_space<vmem>>) target(%dma_start3A_47 : memref<10000x128xf32, #tpu.memory_space<vmem_shared>>) offsets(%arg13 : memref<80xi32, #tpu.memory_space<vmem>>) semaphore(%arg30 : memref<!tpu.dma_semaphore, #tpu.memory_space<semaphore_mem>>) {add = true}
    %dma_wait3A_48 = arith.constant 0 : i32
    %dma_wait3A_49 = arith.constant 0 : i32
    %dma_wait3A_50 = tpu.memref_slice %arg2[%dma_wait3A_48, %dma_wait3A_49] : memref<10000x128xf32, #tpu.memory_space<hbm>> -> memref<10000x128xf32, #tpu.memory_space<hbm>>
    tpu.wait_indirect_dma semaphore(%arg23 : memref<!tpu.dma_semaphore, #tpu.memory_space<semaphore_mem>>) src(%dma_wait3A_50 : memref<10000x128xf32, #tpu.memory_space<hbm>>) dst(%arg14 : memref<80x128xf32, #tpu.memory_space<vmem>>)
    %dma_start3A_51 = arith.constant 0 : i32
    %dma_start3A_52 = arith.constant 0 : i32
    %dma_start3A_53 = tpu.memref_slice %arg18[%dma_start3A_51, %dma_start3A_52] : memref<10000x128xf32, #tpu.memory_space<vmem_shared>> -> memref<10000x128xf32, #tpu.memory_space<vmem_shared>>
    tpu.enqueue_indirect_dma source(%arg14 : memref<80x128xf32, #tpu.memory_space<vmem>>) target(%dma_start3A_53 : memref<10000x128xf32, #tpu.memory_space<vmem_shared>>) offsets(%arg10 : memref<80xi32, #tpu.memory_space<vmem>>) semaphore(%arg27 : memref<!tpu.dma_semaphore, #tpu.memory_space<semaphore_mem>>) {add = true}
    %dma_wait3A_54 = arith.constant 0 : i32
    %dma_wait3A_55 = arith.constant 0 : i32
    %dma_wait3A_56 = tpu.memref_slice %arg18[%dma_wait3A_54, %dma_wait3A_55] : memref<10000x128xf32, #tpu.memory_space<vmem_shared>> -> memref<10000x128xf32, #tpu.memory_space<vmem_shared>>
    tpu.wait_indirect_dma semaphore(%arg29 : memref<!tpu.dma_semaphore, #tpu.memory_space<semaphore_mem>>) src(%arg16 : memref<80x128xf32, #tpu.memory_space<vmem>>) dst(%dma_wait3A_56 : memref<10000x128xf32, #tpu.memory_space<vmem_shared>>)
    %dma_wait3A_57 = arith.constant 0 : i32
    %dma_wait3A_58 = arith.constant 0 : i32
    %dma_wait3A_59 = tpu.memref_slice %arg18[%dma_wait3A_57, %dma_wait3A_58] : memref<10000x128xf32, #tpu.memory_space<vmem_shared>> -> memref<10000x128xf32, #tpu.memory_space<vmem_shared>>
    tpu.wait_indirect_dma semaphore(%arg30 : memref<!tpu.dma_semaphore, #tpu.memory_space<semaphore_mem>>) src(%arg17 : memref<80x128xf32, #tpu.memory_space<vmem>>) dst(%dma_wait3A_59 : memref<10000x128xf32, #tpu.memory_space<vmem_shared>>)
    %dma_wait3A_60 = arith.constant 0 : i32
    %dma_wait3A_61 = arith.constant 0 : i32
    %dma_wait3A_62 = tpu.memref_slice %arg18[%dma_wait3A_60, %dma_wait3A_61] : memref<10000x128xf32, #tpu.memory_space<vmem_shared>> -> memref<10000x128xf32, #tpu.memory_space<vmem_shared>>
    tpu.wait_indirect_dma semaphore(%arg27 : memref<!tpu.dma_semaphore, #tpu.memory_space<semaphore_mem>>) src(%arg14 : memref<80x128xf32, #tpu.memory_space<vmem>>) dst(%dma_wait3A_62 : memref<10000x128xf32, #tpu.memory_space<vmem_shared>>)
    %barrier3A_63 = arith.constant 0 : index
    tpu.barrier barrier_id(%barrier3A_63)
    %eq3A_64 = arith.constant 0 : i32
    %eq3A_65 = arith.cmpi eq, %arg0, %eq3A_64 : i32
    %convert_element_type3A_66 = arith.extui %eq3A_65 : i1 to i32
    %cond3A_67 = arith.constant 0 : i32
    %cond3A_68 = arith.cmpi ne, %convert_element_type3A_66, %cond3A_67 : i32
    scf.if %cond3A_68 {
      %while3A_74 = arith.constant 0 : i32
      %while3A_75 = arith.constant 0 : i32
      %while3A_76 = arith.subi %select_n3A, %while3A_75 : i32
      %while3A_77 = arith.addi %while3A_75, %while3A_76 : i32
      %while3A_78 = arith.constant 1 : i32
      %while3A_79 = arith.divsi %while3A_76, %while3A_78 : i32
      %while3A_80 = arith.muli %while3A_79, %while3A_78 : i32
      %while3A_81 = arith.addi %while3A_75, %while3A_80 : i32
      %while3A_82 = arith.constant 1 : i32
      scf.for %while3A_84 = %while3A_75 to %while3A_81 step %while3A_82  : i32 {
        %mul3A_85 = arith.constant 640 : i32
        %mul3A_86 = arith.muli %arg1, %mul3A_85 : i32
        %mul3A_87 = arith.constant 80 : i32
        %mul3A_88 = arith.muli %while3A_84, %mul3A_87 : i32
        %add3A_89 = arith.addi %mul3A_86, %mul3A_88 : i32
        "tpu.region"() ({
          %run_scoped3A = tpu.sem_alloc : memref<!tpu.dma_semaphore, #tpu.memory_space<semaphore_mem>>
          %dma_start3A_90 = arith.constant 0 : i32
          %dma_start3A_91 = tpu.memref_slice %arg18[%add3A_89, %dma_start3A_90] : memref<10000x128xf32, #tpu.memory_space<vmem_shared>> -> memref<80x128xf32, #tpu.memory_space<vmem_shared>>
          %dma_start3A_92 = arith.constant 0 : i32
          %dma_start3A_93 = tpu.memref_slice %arg18[%add3A_89, %dma_start3A_92] : memref<10000x128xf32, #tpu.memory_space<vmem_shared>> -> memref<80x128xf32, #tpu.memory_space<vmem_shared>>
          tpu.enqueue_dma source(%dma_start3A_93 : memref<80x128xf32, #tpu.memory_space<vmem_shared>>) target(%arg14 : memref<80x128xf32, #tpu.memory_space<vmem>>) target_semaphore(%run_scoped3A : memref<!tpu.dma_semaphore, #tpu.memory_space<semaphore_mem>>)
          %dma_wait3A_94 = arith.constant 0 : i32
          %dma_wait3A_95 = tpu.memref_slice %arg18[%add3A_89, %dma_wait3A_94] : memref<10000x128xf32, #tpu.memory_space<vmem_shared>> -> memref<80x128xf32, #tpu.memory_space<vmem_shared>>
          %dma_wait3A_96 = arith.constant 0 : i32
          %dma_wait3A_97 = tpu.memref_slice %arg18[%add3A_89, %dma_wait3A_96] : memref<10000x128xf32, #tpu.memory_space<vmem_shared>> -> memref<80x128xf32, #tpu.memory_space<vmem_shared>>
          tpu.wait_dma2 semaphore(%run_scoped3A : memref<!tpu.dma_semaphore, #tpu.memory_space<semaphore_mem>>) src(%dma_wait3A_97 : memref<80x128xf32, #tpu.memory_space<vmem_shared>>) dst(%arg14 : memref<80x128xf32, #tpu.memory_space<vmem>>)
          tpu.yield
        }) : () -> ()
        "tpu.region"() ({
          %run_scoped3A = tpu.sem_alloc : memref<!tpu.dma_semaphore, #tpu.memory_space<semaphore_mem>>
          %dma_start3A_90 = arith.constant 0 : i32
          %dma_start3A_91 = tpu.memref_slice %arg4[%add3A_89, %dma_start3A_90] : memref<10000x128xf32, #tpu.memory_space<hbm>> -> memref<80x128xf32, #tpu.memory_space<hbm>>
          %dma_start3A_92 = arith.constant 0 : i32
          %dma_start3A_93 = tpu.memref_slice %arg4[%add3A_89, %dma_start3A_92] : memref<10000x128xf32, #tpu.memory_space<hbm>> -> memref<80x128xf32, #tpu.memory_space<hbm>>
          tpu.enqueue_dma source(%arg14 : memref<80x128xf32, #tpu.memory_space<vmem>>) target(%dma_start3A_93 : memref<80x128xf32, #tpu.memory_space<hbm>>) target_semaphore(%run_scoped3A : memref<!tpu.dma_semaphore, #tpu.memory_space<semaphore_mem>>)
          %dma_wait3A_94 = arith.constant 0 : i32
          %dma_wait3A_95 = tpu.memref_slice %arg4[%add3A_89, %dma_wait3A_94] : memref<10000x128xf32, #tpu.memory_space<hbm>> -> memref<80x128xf32, #tpu.memory_space<hbm>>
          %dma_wait3A_96 = arith.constant 0 : i32
          %dma_wait3A_97 = tpu.memref_slice %arg4[%add3A_89, %dma_wait3A_96] : memref<10000x128xf32, #tpu.memory_space<hbm>> -> memref<80x128xf32, #tpu.memory_space<hbm>>
          tpu.wait_dma2 semaphore(%run_scoped3A : memref<!tpu.dma_semaphore, #tpu.memory_space<semaphore_mem>>) src(%arg14 : memref<80x128xf32, #tpu.memory_space<vmem>>) dst(%dma_wait3A_97 : memref<80x128xf32, #tpu.memory_space<hbm>>)
          tpu.yield
        }) : () -> ()
      }
      %while3A_83 = arith.constant 1 : i32
      scf.for %while3A_84 = %while3A_81 to %while3A_77 step %while3A_83  : i32 {
        %mul3A_85 = arith.constant 640 : i32
        %mul3A_86 = arith.muli %arg1, %mul3A_85 : i32
        %mul3A_87 = arith.constant 80 : i32
        %mul3A_88 = arith.muli %while3A_84, %mul3A_87 : i32
        %add3A_89 = arith.addi %mul3A_86, %mul3A_88 : i32
        "tpu.region"() ({
          %run_scoped3A = tpu.sem_alloc : memref<!tpu.dma_semaphore, #tpu.memory_space<semaphore_mem>>
          %dma_start3A_90 = arith.constant 0 : i32
          %dma_start3A_91 = tpu.memref_slice %arg18[%add3A_89, %dma_start3A_90] : memref<10000x128xf32, #tpu.memory_space<vmem_shared>> -> memref<80x128xf32, #tpu.memory_space<vmem_shared>>
          %dma_start3A_92 = arith.constant 0 : i32
          %dma_start3A_93 = tpu.memref_slice %arg18[%add3A_89, %dma_start3A_92] : memref<10000x128xf32, #tpu.memory_space<vmem_shared>> -> memref<80x128xf32, #tpu.memory_space<vmem_shared>>
          tpu.enqueue_dma source(%dma_start3A_93 : memref<80x128xf32, #tpu.memory_space<vmem_shared>>) target(%arg14 : memref<80x128xf32, #tpu.memory_space<vmem>>) target_semaphore(%run_scoped3A : memref<!tpu.dma_semaphore, #tpu.memory_space<semaphore_mem>>)
          %dma_wait3A_94 = arith.constant 0 : i32
          %dma_wait3A_95 = tpu.memref_slice %arg18[%add3A_89, %dma_wait3A_94] : memref<10000x128xf32, #tpu.memory_space<vmem_shared>> -> memref<80x128xf32, #tpu.memory_space<vmem_shared>>
          %dma_wait3A_96 = arith.constant 0 : i32
          %dma_wait3A_97 = tpu.memref_slice %arg18[%add3A_89, %dma_wait3A_96] : memref<10000x128xf32, #tpu.memory_space<vmem_shared>> -> memref<80x128xf32, #tpu.memory_space<vmem_shared>>
          tpu.wait_dma2 semaphore(%run_scoped3A : memref<!tpu.dma_semaphore, #tpu.memory_space<semaphore_mem>>) src(%dma_wait3A_97 : memref<80x128xf32, #tpu.memory_space<vmem_shared>>) dst(%arg14 : memref<80x128xf32, #tpu.memory_space<vmem>>)
          tpu.yield
        }) : () -> ()
        "tpu.region"() ({
          %run_scoped3A = tpu.sem_alloc : memref<!tpu.dma_semaphore, #tpu.memory_space<semaphore_mem>>
          %dma_start3A_90 = arith.constant 0 : i32
          %dma_start3A_91 = tpu.memref_slice %arg4[%add3A_89, %dma_start3A_90] : memref<10000x128xf32, #tpu.memory_space<hbm>> -> memref<80x128xf32, #tpu.memory_space<hbm>>
          %dma_start3A_92 = arith.constant 0 : i32
          %dma_start3A_93 = tpu.memref_slice %arg4[%add3A_89, %dma_start3A_92] : memref<10000x128xf32, #tpu.memory_space<hbm>> -> memref<80x128xf32, #tpu.memory_space<hbm>>
          tpu.enqueue_dma source(%arg14 : memref<80x128xf32, #tpu.memory_space<vmem>>) target(%dma_start3A_93 : memref<80x128xf32, #tpu.memory_space<hbm>>) target_semaphore(%run_scoped3A : memref<!tpu.dma_semaphore, #tpu.memory_space<semaphore_mem>>)
          %dma_wait3A_94 = arith.constant 0 : i32
          %dma_wait3A_95 = tpu.memref_slice %arg4[%add3A_89, %dma_wait3A_94] : memref<10000x128xf32, #tpu.memory_space<hbm>> -> memref<80x128xf32, #tpu.memory_space<hbm>>
          %dma_wait3A_96 = arith.constant 0 : i32
          %dma_wait3A_97 = tpu.memref_slice %arg4[%add3A_89, %dma_wait3A_96] : memref<10000x128xf32, #tpu.memory_space<hbm>> -> memref<80x128xf32, #tpu.memory_space<hbm>>
          tpu.wait_dma2 semaphore(%run_scoped3A : memref<!tpu.dma_semaphore, #tpu.memory_space<semaphore_mem>>) src(%arg14 : memref<80x128xf32, #tpu.memory_space<vmem>>) dst(%dma_wait3A_97 : memref<80x128xf32, #tpu.memory_space<hbm>>)
          tpu.yield
        }) : () -> ()
      }
    } else {
    }
    %eq3A_69 = arith.constant 1 : i32
    %eq3A_70 = arith.cmpi eq, %arg0, %eq3A_69 : i32
    %convert_element_type3A_71 = arith.extui %eq3A_70 : i1 to i32
    %cond3A_72 = arith.constant 0 : i32
    %cond3A_73 = arith.cmpi ne, %convert_element_type3A_71, %cond3A_72 : i32
    scf.if %cond3A_73 {
      %while3A_74 = arith.constant 0 : i32
      %while3A_75 = arith.constant 0 : i32
      %while3A_76 = arith.subi %select_n3A, %while3A_75 : i32
      %while3A_77 = arith.addi %while3A_75, %while3A_76 : i32
      %while3A_78 = arith.constant 1 : i32
      %while3A_79 = arith.divsi %while3A_76, %while3A_78 : i32
      %while3A_80 = arith.muli %while3A_79, %while3A_78 : i32
      %while3A_81 = arith.addi %while3A_75, %while3A_80 : i32
      %while3A_82 = arith.constant 1 : i32
      scf.for %while3A_84 = %while3A_75 to %while3A_81 step %while3A_82  : i32 {
        %mul3A_85 = arith.constant 640 : i32
        %mul3A_86 = arith.muli %arg1, %mul3A_85 : i32
        %mul3A_87 = arith.constant 80 : i32
        %mul3A_88 = arith.muli %while3A_84, %mul3A_87 : i32
        %add3A_89 = arith.addi %mul3A_86, %mul3A_88 : i32
        "tpu.region"() ({
          %run_scoped3A = tpu.sem_alloc : memref<!tpu.dma_semaphore, #tpu.memory_space<semaphore_mem>>
          %dma_start3A_90 = arith.constant 0 : i32
          %dma_start3A_91 = tpu.memref_slice %arg18[%add3A_89, %dma_start3A_90] : memref<10000x128xf32, #tpu.memory_space<vmem_shared>> -> memref<80x128xf32, #tpu.memory_space<vmem_shared>>
          %dma_start3A_92 = arith.constant 0 : i32
          %dma_start3A_93 = tpu.memref_slice %arg18[%add3A_89, %dma_start3A_92] : memref<10000x128xf32, #tpu.memory_space<vmem_shared>> -> memref<80x128xf32, #tpu.memory_space<vmem_shared>>
          tpu.enqueue_dma source(%dma_start3A_93 : memref<80x128xf32, #tpu.memory_space<vmem_shared>>) target(%arg14 : memref<80x128xf32, #tpu.memory_space<vmem>>) target_semaphore(%run_scoped3A : memref<!tpu.dma_semaphore, #tpu.memory_space<semaphore_mem>>)
          %dma_wait3A_94 = arith.constant 0 : i32
          %dma_wait3A_95 = tpu.memref_slice %arg18[%add3A_89, %dma_wait3A_94] : memref<10000x128xf32, #tpu.memory_space<vmem_shared>> -> memref<80x128xf32, #tpu.memory_space<vmem_shared>>
          %dma_wait3A_96 = arith.constant 0 : i32
          %dma_wait3A_97 = tpu.memref_slice %arg18[%add3A_89, %dma_wait3A_96] : memref<10000x128xf32, #tpu.memory_space<vmem_shared>> -> memref<80x128xf32, #tpu.memory_space<vmem_shared>>
          tpu.wait_dma2 semaphore(%run_scoped3A : memref<!tpu.dma_semaphore, #tpu.memory_space<semaphore_mem>>) src(%dma_wait3A_97 : memref<80x128xf32, #tpu.memory_space<vmem_shared>>) dst(%arg14 : memref<80x128xf32, #tpu.memory_space<vmem>>)
          tpu.yield
        }) : () -> ()
        "tpu.region"() ({
          %run_scoped3A = tpu.sem_alloc : memref<!tpu.dma_semaphore, #tpu.memory_space<semaphore_mem>>
          %dma_start3A_90 = arith.constant 0 : i32
          %dma_start3A_91 = tpu.memref_slice %arg5[%add3A_89, %dma_start3A_90] : memref<10000x128xf32, #tpu.memory_space<hbm>> -> memref<80x128xf32, #tpu.memory_space<hbm>>
          %dma_start3A_92 = arith.constant 0 : i32
          %dma_start3A_93 = tpu.memref_slice %arg5[%add3A_89, %dma_start3A_92] : memref<10000x128xf32, #tpu.memory_space<hbm>> -> memref<80x128xf32, #tpu.memory_space<hbm>>
          tpu.enqueue_dma source(%arg14 : memref<80x128xf32, #tpu.memory_space<vmem>>) target(%dma_start3A_93 : memref<80x128xf32, #tpu.memory_space<hbm>>) target_semaphore(%run_scoped3A : memref<!tpu.dma_semaphore, #tpu.memory_space<semaphore_mem>>)
          %dma_wait3A_94 = arith.constant 0 : i32
          %dma_wait3A_95 = tpu.memref_slice %arg5[%add3A_89, %dma_wait3A_94] : memref<10000x128xf32, #tpu.memory_space<hbm>> -> memref<80x128xf32, #tpu.memory_space<hbm>>
          %dma_wait3A_96 = arith.constant 0 : i32
          %dma_wait3A_97 = tpu.memref_slice %arg5[%add3A_89, %dma_wait3A_96] : memref<10000x128xf32, #tpu.memory_space<hbm>> -> memref<80x128xf32, #tpu.memory_space<hbm>>
          tpu.wait_dma2 semaphore(%run_scoped3A : memref<!tpu.dma_semaphore, #tpu.memory_space<semaphore_mem>>) src(%arg14 : memref<80x128xf32, #tpu.memory_space<vmem>>) dst(%dma_wait3A_97 : memref<80x128xf32, #tpu.memory_space<hbm>>)
          tpu.yield
        }) : () -> ()
      }
      %while3A_83 = arith.constant 1 : i32
      scf.for %while3A_84 = %while3A_81 to %while3A_77 step %while3A_83  : i32 {
        %mul3A_85 = arith.constant 640 : i32
        %mul3A_86 = arith.muli %arg1, %mul3A_85 : i32
        %mul3A_87 = arith.constant 80 : i32
        %mul3A_88 = arith.muli %while3A_84, %mul3A_87 : i32
        %add3A_89 = arith.addi %mul3A_86, %mul3A_88 : i32
        "tpu.region"() ({
          %run_scoped3A = tpu.sem_alloc : memref<!tpu.dma_semaphore, #tpu.memory_space<semaphore_mem>>
          %dma_start3A_90 = arith.constant 0 : i32
          %dma_start3A_91 = tpu.memref_slice %arg18[%add3A_89, %dma_start3A_90] : memref<10000x128xf32, #tpu.memory_space<vmem_shared>> -> memref<80x128xf32, #tpu.memory_space<vmem_shared>>
          %dma_start3A_92 = arith.constant 0 : i32
          %dma_start3A_93 = tpu.memref_slice %arg18[%add3A_89, %dma_start3A_92] : memref<10000x128xf32, #tpu.memory_space<vmem_shared>> -> memref<80x128xf32, #tpu.memory_space<vmem_shared>>
          tpu.enqueue_dma source(%dma_start3A_93 : memref<80x128xf32, #tpu.memory_space<vmem_shared>>) target(%arg14 : memref<80x128xf32, #tpu.memory_space<vmem>>) target_semaphore(%run_scoped3A : memref<!tpu.dma_semaphore, #tpu.memory_space<semaphore_mem>>)
          %dma_wait3A_94 = arith.constant 0 : i32
          %dma_wait3A_95 = tpu.memref_slice %arg18[%add3A_89, %dma_wait3A_94] : memref<10000x128xf32, #tpu.memory_space<vmem_shared>> -> memref<80x128xf32, #tpu.memory_space<vmem_shared>>
          %dma_wait3A_96 = arith.constant 0 : i32
          %dma_wait3A_97 = tpu.memref_slice %arg18[%add3A_89, %dma_wait3A_96] : memref<10000x128xf32, #tpu.memory_space<vmem_shared>> -> memref<80x128xf32, #tpu.memory_space<vmem_shared>>
          tpu.wait_dma2 semaphore(%run_scoped3A : memref<!tpu.dma_semaphore, #tpu.memory_space<semaphore_mem>>) src(%dma_wait3A_97 : memref<80x128xf32, #tpu.memory_space<vmem_shared>>) dst(%arg14 : memref<80x128xf32, #tpu.memory_space<vmem>>)
          tpu.yield
        }) : () -> ()
        "tpu.region"() ({
          %run_scoped3A = tpu.sem_alloc : memref<!tpu.dma_semaphore, #tpu.memory_space<semaphore_mem>>
          %dma_start3A_90 = arith.constant 0 : i32
          %dma_start3A_91 = tpu.memref_slice %arg5[%add3A_89, %dma_start3A_90] : memref<10000x128xf32, #tpu.memory_space<hbm>> -> memref<80x128xf32, #tpu.memory_space<hbm>>
          %dma_start3A_92 = arith.constant 0 : i32
          %dma_start3A_93 = tpu.memref_slice %arg5[%add3A_89, %dma_start3A_92] : memref<10000x128xf32, #tpu.memory_space<hbm>> -> memref<80x128xf32, #tpu.memory_space<hbm>>
          tpu.enqueue_dma source(%arg14 : memref<80x128xf32, #tpu.memory_space<vmem>>) target(%dma_start3A_93 : memref<80x128xf32, #tpu.memory_space<hbm>>) target_semaphore(%run_scoped3A : memref<!tpu.dma_semaphore, #tpu.memory_space<semaphore_mem>>)
          %dma_wait3A_94 = arith.constant 0 : i32
          %dma_wait3A_95 = tpu.memref_slice %arg5[%add3A_89, %dma_wait3A_94] : memref<10000x128xf32, #tpu.memory_space<hbm>> -> memref<80x128xf32, #tpu.memory_space<hbm>>
          %dma_wait3A_96 = arith.constant 0 : i32
          %dma_wait3A_97 = tpu.memref_slice %arg5[%add3A_89, %dma_wait3A_96] : memref<10000x128xf32, #tpu.memory_space<hbm>> -> memref<80x128xf32, #tpu.memory_space<hbm>>
          tpu.wait_dma2 semaphore(%run_scoped3A : memref<!tpu.dma_semaphore, #tpu.memory_space<semaphore_mem>>) src(%arg14 : memref<80x128xf32, #tpu.memory_space<vmem>>) dst(%dma_wait3A_97 : memref<80x128xf32, #tpu.memory_space<hbm>>)
          tpu.yield
        }) : () -> ()
      }
    } else {
    }
    return
  }
}

#map = affine_map<(d0, d1) -> (0, 0)>
#map1 = affine_map<(d0, d1) -> (0)>
module attributes {stable_mosaic.version = 14 : i64} {
  func.func @body(%arg0: i32, %arg1: i32, %arg2: memref<20000x128xf32, #tpu.memory_space<hbm>>, %arg3: memref<640000xi32, #tpu.memory_space<hbm>>, %arg4: memref<20000x128xf32, #tpu.memory_space<hbm>>, %arg5: memref<80xi32, #tpu.memory_space<vmem>>, %arg6: memref<80xi32, #tpu.memory_space<vmem>>, %arg7: memref<80xi32, #tpu.memory_space<vmem>>, %arg8: memref<80xi32, #tpu.memory_space<vmem>>, %arg9: memref<80xi32, #tpu.memory_space<vmem>>, %arg10: memref<80xi32, #tpu.memory_space<vmem>>, %arg11: memref<80xi32, #tpu.memory_space<vmem>>, %arg12: memref<80xi32, #tpu.memory_space<vmem>>, %arg13: memref<80x128xf32, #tpu.memory_space<vmem>>, %arg14: memref<80x128xf32, #tpu.memory_space<vmem>>, %arg15: memref<80x128xf32, #tpu.memory_space<vmem>>, %arg16: memref<80x128xf32, #tpu.memory_space<vmem>>, %arg17: memref<10000x128xf32, #tpu.memory_space<vmem_shared>>, %arg18: memref<!tpu.dma_semaphore, #tpu.memory_space<semaphore_mem>>, %arg19: memref<!tpu.dma_semaphore, #tpu.memory_space<semaphore_mem>>, %arg20: memref<!tpu.dma_semaphore, #tpu.memory_space<semaphore_mem>>, %arg21: memref<!tpu.dma_semaphore, #tpu.memory_space<semaphore_mem>>, %arg22: memref<!tpu.dma_semaphore, #tpu.memory_space<semaphore_mem>>, %arg23: memref<!tpu.dma_semaphore, #tpu.memory_space<semaphore_mem>>, %arg24: memref<!tpu.dma_semaphore, #tpu.memory_space<semaphore_mem>>, %arg25: memref<!tpu.dma_semaphore, #tpu.memory_space<semaphore_mem>>, %arg26: memref<!tpu.dma_semaphore, #tpu.memory_space<semaphore_mem>>, %arg27: memref<!tpu.dma_semaphore, #tpu.memory_space<semaphore_mem>>, %arg28: memref<!tpu.dma_semaphore, #tpu.memory_space<semaphore_mem>>, %arg29: memref<!tpu.dma_semaphore, #tpu.memory_space<semaphore_mem>>) attributes {dimension_semantics = [#tpu.dimension_semantics<core_parallel>, #tpu.dimension_semantics<subcore_parallel>], iteration_bounds = array<i64: 2, 16>, scalar_prefetch = 0 : i64, scratch_operands = 25 : i64, tpu.core_type = #tpu.core_type<sc_vector_subcore>, window_params = [{transform_indices = #map}, {transform_indices = #map1}, {transform_indices = #map}]} {
    %mul3A = arith.constant 10000 : i32
    %mul3A_0 = arith.muli %arg0, %mul3A : i32
    %eq3A = arith.constant 15 : i32
    %eq3A_1 = arith.cmpi eq, %arg1, %eq3A : i32
    %jit3A = arith.constant 5 : i32
    %jit3A_2 = arith.constant 8 : i32
    %select_n3A = arith.select %eq3A_1, %jit3A, %jit3A_2 : i32
    %while3A = arith.constant 0 : i32
    %while3A_3 = arith.constant 0 : i32
    %while3A_4 = arith.subi %select_n3A, %while3A_3 : i32
    %while3A_5 = arith.addi %while3A_3, %while3A_4 : i32
    %while3A_6 = arith.constant 1 : i32
    %while3A_7 = arith.divsi %while3A_4, %while3A_6 : i32
    %while3A_8 = arith.muli %while3A_7, %while3A_6 : i32
    %while3A_9 = arith.addi %while3A_3, %while3A_8 : i32
    %while3A_10 = arith.constant 1 : i32
    scf.for %while3A_179 = %while3A_3 to %while3A_9 step %while3A_10  : i32 {
      %mul3A_180 = arith.constant 640 : i32
      %mul3A_181 = arith.muli %arg1, %mul3A_180 : i32
      %mul3A_182 = arith.constant 80 : i32
      %mul3A_183 = arith.muli %while3A_179, %mul3A_182 : i32
      %add3A_184 = arith.addi %mul3A_181, %mul3A_183 : i32
      %add3A_185 = arith.addi %mul3A_0, %add3A_184 : i32
      "tpu.region"() ({
        %run_scoped3A = tpu.sem_alloc : memref<!tpu.dma_semaphore, #tpu.memory_space<semaphore_mem>>
        %dma_start3A_186 = arith.constant 0 : i32
        %dma_start3A_187 = tpu.memref_slice %arg2[%add3A_185, %dma_start3A_186] : memref<20000x128xf32, #tpu.memory_space<hbm>> -> memref<80x128xf32, #tpu.memory_space<hbm>>
        %dma_start3A_188 = arith.constant 0 : i32
        %dma_start3A_189 = tpu.memref_slice %arg2[%add3A_185, %dma_start3A_188] : memref<20000x128xf32, #tpu.memory_space<hbm>> -> memref<80x128xf32, #tpu.memory_space<hbm>>
        tpu.enqueue_dma source(%dma_start3A_189 : memref<80x128xf32, #tpu.memory_space<hbm>>) target(%arg13 : memref<80x128xf32, #tpu.memory_space<vmem>>) target_semaphore(%run_scoped3A : memref<!tpu.dma_semaphore, #tpu.memory_space<semaphore_mem>>)
        %dma_wait3A_190 = arith.constant 0 : i32
        %dma_wait3A_191 = tpu.memref_slice %arg2[%add3A_185, %dma_wait3A_190] : memref<20000x128xf32, #tpu.memory_space<hbm>> -> memref<80x128xf32, #tpu.memory_space<hbm>>
        %dma_wait3A_192 = arith.constant 0 : i32
        %dma_wait3A_193 = tpu.memref_slice %arg2[%add3A_185, %dma_wait3A_192] : memref<20000x128xf32, #tpu.memory_space<hbm>> -> memref<80x128xf32, #tpu.memory_space<hbm>>
        tpu.wait_dma2 semaphore(%run_scoped3A : memref<!tpu.dma_semaphore, #tpu.memory_space<semaphore_mem>>) src(%dma_wait3A_193 : memref<80x128xf32, #tpu.memory_space<hbm>>) dst(%arg13 : memref<80x128xf32, #tpu.memory_space<vmem>>)
        tpu.yield
      }) : () -> ()
      "tpu.region"() ({
        %run_scoped3A = tpu.sem_alloc : memref<!tpu.dma_semaphore, #tpu.memory_space<semaphore_mem>>
        %dma_start3A_186 = arith.constant 0 : i32
        %dma_start3A_187 = tpu.memref_slice %arg17[%add3A_184, %dma_start3A_186] : memref<10000x128xf32, #tpu.memory_space<vmem_shared>> -> memref<80x128xf32, #tpu.memory_space<vmem_shared>>
        %dma_start3A_188 = arith.constant 0 : i32
        %dma_start3A_189 = tpu.memref_slice %arg17[%add3A_184, %dma_start3A_188] : memref<10000x128xf32, #tpu.memory_space<vmem_shared>> -> memref<80x128xf32, #tpu.memory_space<vmem_shared>>
        tpu.enqueue_dma source(%arg13 : memref<80x128xf32, #tpu.memory_space<vmem>>) target(%dma_start3A_189 : memref<80x128xf32, #tpu.memory_space<vmem_shared>>) target_semaphore(%run_scoped3A : memref<!tpu.dma_semaphore, #tpu.memory_space<semaphore_mem>>)
        %dma_wait3A_190 = arith.constant 0 : i32
        %dma_wait3A_191 = tpu.memref_slice %arg17[%add3A_184, %dma_wait3A_190] : memref<10000x128xf32, #tpu.memory_space<vmem_shared>> -> memref<80x128xf32, #tpu.memory_space<vmem_shared>>
        %dma_wait3A_192 = arith.constant 0 : i32
        %dma_wait3A_193 = tpu.memref_slice %arg17[%add3A_184, %dma_wait3A_192] : memref<10000x128xf32, #tpu.memory_space<vmem_shared>> -> memref<80x128xf32, #tpu.memory_space<vmem_shared>>
        tpu.wait_dma2 semaphore(%run_scoped3A : memref<!tpu.dma_semaphore, #tpu.memory_space<semaphore_mem>>) src(%arg13 : memref<80x128xf32, #tpu.memory_space<vmem>>) dst(%dma_wait3A_193 : memref<80x128xf32, #tpu.memory_space<vmem_shared>>)
        tpu.yield
      }) : () -> ()
    }
    %while3A_11 = arith.constant 1 : i32
    scf.for %while3A_179 = %while3A_9 to %while3A_5 step %while3A_11  : i32 {
      %mul3A_180 = arith.constant 640 : i32
      %mul3A_181 = arith.muli %arg1, %mul3A_180 : i32
      %mul3A_182 = arith.constant 80 : i32
      %mul3A_183 = arith.muli %while3A_179, %mul3A_182 : i32
      %add3A_184 = arith.addi %mul3A_181, %mul3A_183 : i32
      %add3A_185 = arith.addi %mul3A_0, %add3A_184 : i32
      "tpu.region"() ({
        %run_scoped3A = tpu.sem_alloc : memref<!tpu.dma_semaphore, #tpu.memory_space<semaphore_mem>>
        %dma_start3A_186 = arith.constant 0 : i32
        %dma_start3A_187 = tpu.memref_slice %arg2[%add3A_185, %dma_start3A_186] : memref<20000x128xf32, #tpu.memory_space<hbm>> -> memref<80x128xf32, #tpu.memory_space<hbm>>
        %dma_start3A_188 = arith.constant 0 : i32
        %dma_start3A_189 = tpu.memref_slice %arg2[%add3A_185, %dma_start3A_188] : memref<20000x128xf32, #tpu.memory_space<hbm>> -> memref<80x128xf32, #tpu.memory_space<hbm>>
        tpu.enqueue_dma source(%dma_start3A_189 : memref<80x128xf32, #tpu.memory_space<hbm>>) target(%arg13 : memref<80x128xf32, #tpu.memory_space<vmem>>) target_semaphore(%run_scoped3A : memref<!tpu.dma_semaphore, #tpu.memory_space<semaphore_mem>>)
        %dma_wait3A_190 = arith.constant 0 : i32
        %dma_wait3A_191 = tpu.memref_slice %arg2[%add3A_185, %dma_wait3A_190] : memref<20000x128xf32, #tpu.memory_space<hbm>> -> memref<80x128xf32, #tpu.memory_space<hbm>>
        %dma_wait3A_192 = arith.constant 0 : i32
        %dma_wait3A_193 = tpu.memref_slice %arg2[%add3A_185, %dma_wait3A_192] : memref<20000x128xf32, #tpu.memory_space<hbm>> -> memref<80x128xf32, #tpu.memory_space<hbm>>
        tpu.wait_dma2 semaphore(%run_scoped3A : memref<!tpu.dma_semaphore, #tpu.memory_space<semaphore_mem>>) src(%dma_wait3A_193 : memref<80x128xf32, #tpu.memory_space<hbm>>) dst(%arg13 : memref<80x128xf32, #tpu.memory_space<vmem>>)
        tpu.yield
      }) : () -> ()
      "tpu.region"() ({
        %run_scoped3A = tpu.sem_alloc : memref<!tpu.dma_semaphore, #tpu.memory_space<semaphore_mem>>
        %dma_start3A_186 = arith.constant 0 : i32
        %dma_start3A_187 = tpu.memref_slice %arg17[%add3A_184, %dma_start3A_186] : memref<10000x128xf32, #tpu.memory_space<vmem_shared>> -> memref<80x128xf32, #tpu.memory_space<vmem_shared>>
        %dma_start3A_188 = arith.constant 0 : i32
        %dma_start3A_189 = tpu.memref_slice %arg17[%add3A_184, %dma_start3A_188] : memref<10000x128xf32, #tpu.memory_space<vmem_shared>> -> memref<80x128xf32, #tpu.memory_space<vmem_shared>>
        tpu.enqueue_dma source(%arg13 : memref<80x128xf32, #tpu.memory_space<vmem>>) target(%dma_start3A_189 : memref<80x128xf32, #tpu.memory_space<vmem_shared>>) target_semaphore(%run_scoped3A : memref<!tpu.dma_semaphore, #tpu.memory_space<semaphore_mem>>)
        %dma_wait3A_190 = arith.constant 0 : i32
        %dma_wait3A_191 = tpu.memref_slice %arg17[%add3A_184, %dma_wait3A_190] : memref<10000x128xf32, #tpu.memory_space<vmem_shared>> -> memref<80x128xf32, #tpu.memory_space<vmem_shared>>
        %dma_wait3A_192 = arith.constant 0 : i32
        %dma_wait3A_193 = tpu.memref_slice %arg17[%add3A_184, %dma_wait3A_192] : memref<10000x128xf32, #tpu.memory_space<vmem_shared>> -> memref<80x128xf32, #tpu.memory_space<vmem_shared>>
        tpu.wait_dma2 semaphore(%run_scoped3A : memref<!tpu.dma_semaphore, #tpu.memory_space<semaphore_mem>>) src(%arg13 : memref<80x128xf32, #tpu.memory_space<vmem>>) dst(%dma_wait3A_193 : memref<80x128xf32, #tpu.memory_space<vmem_shared>>)
        tpu.yield
      }) : () -> ()
    }
    %barrier3A = arith.constant 0 : index
    tpu.barrier barrier_id(%barrier3A)
    %mul3A_12 = arith.constant 20000 : i32
    %mul3A_13 = arith.muli %arg1, %mul3A_12 : i32
    %broadcast_in_dim3A = arith.constant 0 : i32
    %broadcast_in_dim3A_14 = vector.broadcast %broadcast_in_dim3A : i32 to vector<16xi32>
    %add3A = vector.broadcast %mul3A_0 : i32 to vector<16xi32>
    %add3A_15 = arith.addi %broadcast_in_dim3A_14, %add3A : vector<16xi32>
    %add3A_16 = arith.constant 0 : i32
    %add3A_17 = arith.addi %mul3A_13, %add3A_16 : i32
    %dma_start3A = tpu.memref_slice %arg3[%add3A_17] : memref<640000xi32, #tpu.memory_space<hbm>> -> memref<80xi32, #tpu.memory_space<hbm>>
    %dma_start3A_18 = tpu.memref_slice %arg3[%add3A_17] : memref<640000xi32, #tpu.memory_space<hbm>> -> memref<80xi32, #tpu.memory_space<hbm>>
    tpu.enqueue_dma source(%dma_start3A_18 : memref<80xi32, #tpu.memory_space<hbm>>) target(%arg5 : memref<80xi32, #tpu.memory_space<vmem>>) target_semaphore(%arg18 : memref<!tpu.dma_semaphore, #tpu.memory_space<semaphore_mem>>)
    %add3A_19 = arith.constant 320000 : i32
    %add3A_20 = arith.addi %add3A_19, %add3A_17 : i32
    %dma_start3A_21 = tpu.memref_slice %arg3[%add3A_20] : memref<640000xi32, #tpu.memory_space<hbm>> -> memref<80xi32, #tpu.memory_space<hbm>>
    %dma_start3A_22 = tpu.memref_slice %arg3[%add3A_20] : memref<640000xi32, #tpu.memory_space<hbm>> -> memref<80xi32, #tpu.memory_space<hbm>>
    tpu.enqueue_dma source(%dma_start3A_22 : memref<80xi32, #tpu.memory_space<hbm>>) target(%arg9 : memref<80xi32, #tpu.memory_space<vmem>>) target_semaphore(%arg18 : memref<!tpu.dma_semaphore, #tpu.memory_space<semaphore_mem>>)
    %scan3A = arith.constant 0 : i32
    %scan3A_23 = arith.constant 0 : i32
    %scan3A_24 = arith.constant 62 : i32
    %scan3A_25 = arith.addi %scan3A_23, %scan3A_24 : i32
    %scan3A_26 = arith.constant 1 : i32
    scf.for %scan3A_179 = %scan3A_23 to %scan3A_25 step %scan3A_26  : i32 {
      %mul3A_180 = arith.constant 4 : i32
      %mul3A_181 = arith.muli %mul3A_180, %scan3A_179 : i32
      %add3A_182 = arith.constant 0 : i32
      %add3A_183 = arith.addi %mul3A_181, %add3A_182 : i32
      %ge3A = arith.constant 1 : i32
      %ge3A_184 = arith.cmpi sge, %scan3A_179, %ge3A : i32
      %convert_element_type3A = arith.extui %ge3A_184 : i1 to i32
      %cond3A = arith.constant 0 : i32
      %cond3A_185 = arith.cmpi ne, %convert_element_type3A, %cond3A : i32
      scf.if %cond3A_185 {
        %dma_wait3A_469 = arith.constant 0 : i32
        %dma_wait3A_470 = arith.constant 0 : i32
        %dma_wait3A_471 = tpu.memref_slice %arg17[%dma_wait3A_469, %dma_wait3A_470] : memref<10000x128xf32, #tpu.memory_space<vmem_shared>> -> memref<10000x128xf32, #tpu.memory_space<vmem_shared>>
        tpu.wait_indirect_dma semaphore(%arg27 : memref<!tpu.dma_semaphore, #tpu.memory_space<semaphore_mem>>) src(%arg14 : memref<80x128xf32, #tpu.memory_space<vmem>>) dst(%dma_wait3A_471 : memref<10000x128xf32, #tpu.memory_space<vmem_shared>>)
      } else {
      }
      %add3A_186 = arith.constant 1 : i32
      %add3A_187 = arith.addi %add3A_183, %add3A_186 : i32
      %lt3A = arith.constant 250 : i32
      %lt3A_188 = arith.cmpi slt, %add3A_187, %lt3A : i32
      %convert_element_type3A_189 = arith.extui %lt3A_188 : i1 to i32
      %cond3A_190 = arith.constant 0 : i32
      %cond3A_191 = arith.cmpi ne, %convert_element_type3A_189, %cond3A_190 : i32
      scf.if %cond3A_191 {
        %add3A_469 = arith.constant 1 : i32
        %add3A_470 = arith.addi %add3A_183, %add3A_469 : i32
        %mul3A_471 = arith.constant 80 : i32
        %mul3A_472 = arith.muli %add3A_470, %mul3A_471 : i32
        %add3A_473 = arith.addi %mul3A_13, %mul3A_472 : i32
        %dma_start3A_474 = tpu.memref_slice %arg3[%add3A_473] : memref<640000xi32, #tpu.memory_space<hbm>> -> memref<80xi32, #tpu.memory_space<hbm>>
        %dma_start3A_475 = tpu.memref_slice %arg3[%add3A_473] : memref<640000xi32, #tpu.memory_space<hbm>> -> memref<80xi32, #tpu.memory_space<hbm>>
        tpu.enqueue_dma source(%dma_start3A_475 : memref<80xi32, #tpu.memory_space<hbm>>) target(%arg6 : memref<80xi32, #tpu.memory_space<vmem>>) target_semaphore(%arg19 : memref<!tpu.dma_semaphore, #tpu.memory_space<semaphore_mem>>)
        %add3A_476 = arith.constant 320000 : i32
        %add3A_477 = arith.addi %add3A_476, %add3A_473 : i32
        %dma_start3A_478 = tpu.memref_slice %arg3[%add3A_477] : memref<640000xi32, #tpu.memory_space<hbm>> -> memref<80xi32, #tpu.memory_space<hbm>>
        %dma_start3A_479 = tpu.memref_slice %arg3[%add3A_477] : memref<640000xi32, #tpu.memory_space<hbm>> -> memref<80xi32, #tpu.memory_space<hbm>>
        tpu.enqueue_dma source(%dma_start3A_479 : memref<80xi32, #tpu.memory_space<hbm>>) target(%arg10 : memref<80xi32, #tpu.memory_space<vmem>>) target_semaphore(%arg19 : memref<!tpu.dma_semaphore, #tpu.memory_space<semaphore_mem>>)
      } else {
      }
      %mul3A_192 = arith.constant 80 : i32
      %mul3A_193 = arith.muli %add3A_183, %mul3A_192 : i32
      %add3A_194 = arith.addi %mul3A_13, %mul3A_193 : i32
      %dma_wait3A_195 = tpu.memref_slice %arg3[%add3A_194] : memref<640000xi32, #tpu.memory_space<hbm>> -> memref<80xi32, #tpu.memory_space<hbm>>
      %dma_wait3A_196 = tpu.memref_slice %arg3[%add3A_194] : memref<640000xi32, #tpu.memory_space<hbm>> -> memref<80xi32, #tpu.memory_space<hbm>>
      tpu.wait_dma2 semaphore(%arg18 : memref<!tpu.dma_semaphore, #tpu.memory_space<semaphore_mem>>) src(%dma_wait3A_196 : memref<80xi32, #tpu.memory_space<hbm>>) dst(%arg5 : memref<80xi32, #tpu.memory_space<vmem>>)
      %add3A_197 = arith.constant 320000 : i32
      %add3A_198 = arith.addi %add3A_197, %add3A_194 : i32
      %dma_wait3A_199 = tpu.memref_slice %arg3[%add3A_198] : memref<640000xi32, #tpu.memory_space<hbm>> -> memref<80xi32, #tpu.memory_space<hbm>>
      %dma_wait3A_200 = tpu.memref_slice %arg3[%add3A_198] : memref<640000xi32, #tpu.memory_space<hbm>> -> memref<80xi32, #tpu.memory_space<hbm>>
      tpu.wait_dma2 semaphore(%arg18 : memref<!tpu.dma_semaphore, #tpu.memory_space<semaphore_mem>>) src(%dma_wait3A_200 : memref<80xi32, #tpu.memory_space<hbm>>) dst(%arg9 : memref<80xi32, #tpu.memory_space<vmem>>)
      %get3A_201 = arith.constant 0 : index
      %get3A_202 = tpu.vector_load %arg5[%get3A_201] {strides = array<i32>} : memref<80xi32, #tpu.memory_space<vmem>>, vector<16xi32>,
      %get3A_203 = vector.shape_cast %get3A_202 : vector<16xi32> to vector<16xi32>
      %add3A_204 = arith.addi %get3A_203, %add3A_15 : vector<16xi32>
      %swap3A_205 = arith.constant 0 : index
      %swap3A_206 = tpu.vector_load %arg5[%swap3A_205] {strides = array<i32>} : memref<80xi32, #tpu.memory_space<vmem>>, vector<16xi32>,
      %swap3A_207 = vector.shape_cast %swap3A_206 : vector<16xi32> to vector<16xi32>
      %swap3A_208 = vector.shape_cast %add3A_204 : vector<16xi32> to vector<16xi32>
      tpu.vector_store %arg5[%swap3A_205], %swap3A_208 {strides = array<i32>} : memref<80xi32, #tpu.memory_space<vmem>>, vector<16xi32>,
      %get3A_209 = arith.constant 16 : index
      %get3A_210 = tpu.vector_load %arg5[%get3A_209] {strides = array<i32>} : memref<80xi32, #tpu.memory_space<vmem>>, vector<16xi32>,
      %get3A_211 = vector.shape_cast %get3A_210 : vector<16xi32> to vector<16xi32>
      %add3A_212 = arith.addi %get3A_211, %add3A_15 : vector<16xi32>
      %swap3A_213 = arith.constant 16 : index
      %swap3A_214 = tpu.vector_load %arg5[%swap3A_213] {strides = array<i32>} : memref<80xi32, #tpu.memory_space<vmem>>, vector<16xi32>,
      %swap3A_215 = vector.shape_cast %swap3A_214 : vector<16xi32> to vector<16xi32>
      %swap3A_216 = vector.shape_cast %add3A_212 : vector<16xi32> to vector<16xi32>
      tpu.vector_store %arg5[%swap3A_213], %swap3A_216 {strides = array<i32>} : memref<80xi32, #tpu.memory_space<vmem>>, vector<16xi32>,
      %get3A_217 = arith.constant 32 : index
      %get3A_218 = tpu.vector_load %arg5[%get3A_217] {strides = array<i32>} : memref<80xi32, #tpu.memory_space<vmem>>, vector<16xi32>,
      %get3A_219 = vector.shape_cast %get3A_218 : vector<16xi32> to vector<16xi32>
      %add3A_220 = arith.addi %get3A_219, %add3A_15 : vector<16xi32>
      %swap3A_221 = arith.constant 32 : index
      %swap3A_222 = tpu.vector_load %arg5[%swap3A_221] {strides = array<i32>} : memref<80xi32, #tpu.memory_space<vmem>>, vector<16xi32>,
      %swap3A_223 = vector.shape_cast %swap3A_222 : vector<16xi32> to vector<16xi32>
      %swap3A_224 = vector.shape_cast %add3A_220 : vector<16xi32> to vector<16xi32>
      tpu.vector_store %arg5[%swap3A_221], %swap3A_224 {strides = array<i32>} : memref<80xi32, #tpu.memory_space<vmem>>, vector<16xi32>,
      %get3A_225 = arith.constant 48 : index
      %get3A_226 = tpu.vector_load %arg5[%get3A_225] {strides = array<i32>} : memref<80xi32, #tpu.memory_space<vmem>>, vector<16xi32>,
      %get3A_227 = vector.shape_cast %get3A_226 : vector<16xi32> to vector<16xi32>
      %add3A_228 = arith.addi %get3A_227, %add3A_15 : vector<16xi32>
      %swap3A_229 = arith.constant 48 : index
      %swap3A_230 = tpu.vector_load %arg5[%swap3A_229] {strides = array<i32>} : memref<80xi32, #tpu.memory_space<vmem>>, vector<16xi32>,
      %swap3A_231 = vector.shape_cast %swap3A_230 : vector<16xi32> to vector<16xi32>
      %swap3A_232 = vector.shape_cast %add3A_228 : vector<16xi32> to vector<16xi32>
      tpu.vector_store %arg5[%swap3A_229], %swap3A_232 {strides = array<i32>} : memref<80xi32, #tpu.memory_space<vmem>>, vector<16xi32>,
      %get3A_233 = arith.constant 64 : index
      %get3A_234 = tpu.vector_load %arg5[%get3A_233] {strides = array<i32>} : memref<80xi32, #tpu.memory_space<vmem>>, vector<16xi32>,
      %get3A_235 = vector.shape_cast %get3A_234 : vector<16xi32> to vector<16xi32>
      %add3A_236 = arith.addi %get3A_235, %add3A_15 : vector<16xi32>
      %swap3A_237 = arith.constant 64 : index
      %swap3A_238 = tpu.vector_load %arg5[%swap3A_237] {strides = array<i32>} : memref<80xi32, #tpu.memory_space<vmem>>, vector<16xi32>,
      %swap3A_239 = vector.shape_cast %swap3A_238 : vector<16xi32> to vector<16xi32>
      %swap3A_240 = vector.shape_cast %add3A_236 : vector<16xi32> to vector<16xi32>
      tpu.vector_store %arg5[%swap3A_237], %swap3A_240 {strides = array<i32>} : memref<80xi32, #tpu.memory_space<vmem>>, vector<16xi32>,
      %dma_start3A_241 = arith.constant 0 : i32
      %dma_start3A_242 = arith.constant 0 : i32
      %dma_start3A_243 = tpu.memref_slice %arg2[%dma_start3A_241, %dma_start3A_242] : memref<20000x128xf32, #tpu.memory_space<hbm>> -> memref<20000x128xf32, #tpu.memory_space<hbm>>
      tpu.enqueue_indirect_dma source(%dma_start3A_243 : memref<20000x128xf32, #tpu.memory_space<hbm>>) target(%arg13 : memref<80x128xf32, #tpu.memory_space<vmem>>) offsets(%arg5 : memref<80xi32, #tpu.memory_space<vmem>>) semaphore(%arg22 : memref<!tpu.dma_semaphore, #tpu.memory_space<semaphore_mem>>)
      %ge3A_244 = arith.constant 1 : i32
      %ge3A_245 = arith.cmpi sge, %scan3A_179, %ge3A_244 : i32
      %convert_element_type3A_246 = arith.extui %ge3A_245 : i1 to i32
      %cond3A_247 = arith.constant 0 : i32
      %cond3A_248 = arith.cmpi ne, %convert_element_type3A_246, %cond3A_247 : i32
      scf.if %cond3A_248 {
        %dma_wait3A_469 = arith.constant 0 : i32
        %dma_wait3A_470 = arith.constant 0 : i32
        %dma_wait3A_471 = tpu.memref_slice %arg2[%dma_wait3A_469, %dma_wait3A_470] : memref<20000x128xf32, #tpu.memory_space<hbm>> -> memref<20000x128xf32, #tpu.memory_space<hbm>>
        tpu.wait_indirect_dma semaphore(%arg25 : memref<!tpu.dma_semaphore, #tpu.memory_space<semaphore_mem>>) src(%dma_wait3A_471 : memref<20000x128xf32, #tpu.memory_space<hbm>>) dst(%arg16 : memref<80x128xf32, #tpu.memory_space<vmem>>)
        %dma_start3A_472 = arith.constant 0 : i32
        %dma_start3A_473 = arith.constant 0 : i32
        %dma_start3A_474 = tpu.memref_slice %arg17[%dma_start3A_472, %dma_start3A_473] : memref<10000x128xf32, #tpu.memory_space<vmem_shared>> -> memref<10000x128xf32, #tpu.memory_space<vmem_shared>>
        tpu.enqueue_indirect_dma source(%arg16 : memref<80x128xf32, #tpu.memory_space<vmem>>) target(%dma_start3A_474 : memref<10000x128xf32, #tpu.memory_space<vmem_shared>>) offsets(%arg12 : memref<80xi32, #tpu.memory_space<vmem>>) semaphore(%arg29 : memref<!tpu.dma_semaphore, #tpu.memory_space<semaphore_mem>>) {add = true}
      } else {
      }
      %mul3A_249 = arith.constant 4 : i32
      %mul3A_250 = arith.muli %mul3A_249, %scan3A_179 : i32
      %add3A_251 = arith.constant 1 : i32
      %add3A_252 = arith.addi %mul3A_250, %add3A_251 : i32
      %ge3A_253 = arith.constant 1 : i32
      %ge3A_254 = arith.cmpi sge, %scan3A_179, %ge3A_253 : i32
      %convert_element_type3A_255 = arith.extui %ge3A_254 : i1 to i32
      %cond3A_256 = arith.constant 0 : i32
      %cond3A_257 = arith.cmpi ne, %convert_element_type3A_255, %cond3A_256 : i32
      scf.if %cond3A_257 {
        %dma_wait3A_469 = arith.constant 0 : i32
        %dma_wait3A_470 = arith.constant 0 : i32
        %dma_wait3A_471 = tpu.memref_slice %arg17[%dma_wait3A_469, %dma_wait3A_470] : memref<10000x128xf32, #tpu.memory_space<vmem_shared>> -> memref<10000x128xf32, #tpu.memory_space<vmem_shared>>
        tpu.wait_indirect_dma semaphore(%arg28 : memref<!tpu.dma_semaphore, #tpu.memory_space<semaphore_mem>>) src(%arg15 : memref<80x128xf32, #tpu.memory_space<vmem>>) dst(%dma_wait3A_471 : memref<10000x128xf32, #tpu.memory_space<vmem_shared>>)
      } else {
      }
      %add3A_258 = arith.constant 1 : i32
      %add3A_259 = arith.addi %add3A_252, %add3A_258 : i32
      %lt3A_260 = arith.constant 250 : i32
      %lt3A_261 = arith.cmpi slt, %add3A_259, %lt3A_260 : i32
      %convert_element_type3A_262 = arith.extui %lt3A_261 : i1 to i32
      %cond3A_263 = arith.constant 0 : i32
      %cond3A_264 = arith.cmpi ne, %convert_element_type3A_262, %cond3A_263 : i32
      scf.if %cond3A_264 {
        %add3A_469 = arith.constant 1 : i32
        %add3A_470 = arith.addi %add3A_252, %add3A_469 : i32
        %mul3A_471 = arith.constant 80 : i32
        %mul3A_472 = arith.muli %add3A_470, %mul3A_471 : i32
        %add3A_473 = arith.addi %mul3A_13, %mul3A_472 : i32
        %dma_start3A_474 = tpu.memref_slice %arg3[%add3A_473] : memref<640000xi32, #tpu.memory_space<hbm>> -> memref<80xi32, #tpu.memory_space<hbm>>
        %dma_start3A_475 = tpu.memref_slice %arg3[%add3A_473] : memref<640000xi32, #tpu.memory_space<hbm>> -> memref<80xi32, #tpu.memory_space<hbm>>
        tpu.enqueue_dma source(%dma_start3A_475 : memref<80xi32, #tpu.memory_space<hbm>>) target(%arg7 : memref<80xi32, #tpu.memory_space<vmem>>) target_semaphore(%arg20 : memref<!tpu.dma_semaphore, #tpu.memory_space<semaphore_mem>>)
        %add3A_476 = arith.constant 320000 : i32
        %add3A_477 = arith.addi %add3A_476, %add3A_473 : i32
        %dma_start3A_478 = tpu.memref_slice %arg3[%add3A_477] : memref<640000xi32, #tpu.memory_space<hbm>> -> memref<80xi32, #tpu.memory_space<hbm>>
        %dma_start3A_479 = tpu.memref_slice %arg3[%add3A_477] : memref<640000xi32, #tpu.memory_space<hbm>> -> memref<80xi32, #tpu.memory_space<hbm>>
        tpu.enqueue_dma source(%dma_start3A_479 : memref<80xi32, #tpu.memory_space<hbm>>) target(%arg11 : memref<80xi32, #tpu.memory_space<vmem>>) target_semaphore(%arg20 : memref<!tpu.dma_semaphore, #tpu.memory_space<semaphore_mem>>)
      } else {
      }
      %mul3A_265 = arith.constant 80 : i32
      %mul3A_266 = arith.muli %add3A_252, %mul3A_265 : i32
      %add3A_267 = arith.addi %mul3A_13, %mul3A_266 : i32
      %dma_wait3A_268 = tpu.memref_slice %arg3[%add3A_267] : memref<640000xi32, #tpu.memory_space<hbm>> -> memref<80xi32, #tpu.memory_space<hbm>>
      %dma_wait3A_269 = tpu.memref_slice %arg3[%add3A_267] : memref<640000xi32, #tpu.memory_space<hbm>> -> memref<80xi32, #tpu.memory_space<hbm>>
      tpu.wait_dma2 semaphore(%arg19 : memref<!tpu.dma_semaphore, #tpu.memory_space<semaphore_mem>>) src(%dma_wait3A_269 : memref<80xi32, #tpu.memory_space<hbm>>) dst(%arg6 : memref<80xi32, #tpu.memory_space<vmem>>)
      %add3A_270 = arith.constant 320000 : i32
      %add3A_271 = arith.addi %add3A_270, %add3A_267 : i32
      %dma_wait3A_272 = tpu.memref_slice %arg3[%add3A_271] : memref<640000xi32, #tpu.memory_space<hbm>> -> memref<80xi32, #tpu.memory_space<hbm>>
      %dma_wait3A_273 = tpu.memref_slice %arg3[%add3A_271] : memref<640000xi32, #tpu.memory_space<hbm>> -> memref<80xi32, #tpu.memory_space<hbm>>
      tpu.wait_dma2 semaphore(%arg19 : memref<!tpu.dma_semaphore, #tpu.memory_space<semaphore_mem>>) src(%dma_wait3A_273 : memref<80xi32, #tpu.memory_space<hbm>>) dst(%arg10 : memref<80xi32, #tpu.memory_space<vmem>>)
      %get3A_274 = arith.constant 0 : index
      %get3A_275 = tpu.vector_load %arg6[%get3A_274] {strides = array<i32>} : memref<80xi32, #tpu.memory_space<vmem>>, vector<16xi32>,
      %get3A_276 = vector.shape_cast %get3A_275 : vector<16xi32> to vector<16xi32>
      %add3A_277 = arith.addi %get3A_276, %add3A_15 : vector<16xi32>
      %swap3A_278 = arith.constant 0 : index
      %swap3A_279 = tpu.vector_load %arg6[%swap3A_278] {strides = array<i32>} : memref<80xi32, #tpu.memory_space<vmem>>, vector<16xi32>,
      %swap3A_280 = vector.shape_cast %swap3A_279 : vector<16xi32> to vector<16xi32>
      %swap3A_281 = vector.shape_cast %add3A_277 : vector<16xi32> to vector<16xi32>
      tpu.vector_store %arg6[%swap3A_278], %swap3A_281 {strides = array<i32>} : memref<80xi32, #tpu.memory_space<vmem>>, vector<16xi32>,
      %get3A_282 = arith.constant 16 : index
      %get3A_283 = tpu.vector_load %arg6[%get3A_282] {strides = array<i32>} : memref<80xi32, #tpu.memory_space<vmem>>, vector<16xi32>,
      %get3A_284 = vector.shape_cast %get3A_283 : vector<16xi32> to vector<16xi32>
      %add3A_285 = arith.addi %get3A_284, %add3A_15 : vector<16xi32>
      %swap3A_286 = arith.constant 16 : index
      %swap3A_287 = tpu.vector_load %arg6[%swap3A_286] {strides = array<i32>} : memref<80xi32, #tpu.memory_space<vmem>>, vector<16xi32>,
      %swap3A_288 = vector.shape_cast %swap3A_287 : vector<16xi32> to vector<16xi32>
      %swap3A_289 = vector.shape_cast %add3A_285 : vector<16xi32> to vector<16xi32>
      tpu.vector_store %arg6[%swap3A_286], %swap3A_289 {strides = array<i32>} : memref<80xi32, #tpu.memory_space<vmem>>, vector<16xi32>,
      %get3A_290 = arith.constant 32 : index
      %get3A_291 = tpu.vector_load %arg6[%get3A_290] {strides = array<i32>} : memref<80xi32, #tpu.memory_space<vmem>>, vector<16xi32>,
      %get3A_292 = vector.shape_cast %get3A_291 : vector<16xi32> to vector<16xi32>
      %add3A_293 = arith.addi %get3A_292, %add3A_15 : vector<16xi32>
      %swap3A_294 = arith.constant 32 : index
      %swap3A_295 = tpu.vector_load %arg6[%swap3A_294] {strides = array<i32>} : memref<80xi32, #tpu.memory_space<vmem>>, vector<16xi32>,
      %swap3A_296 = vector.shape_cast %swap3A_295 : vector<16xi32> to vector<16xi32>
      %swap3A_297 = vector.shape_cast %add3A_293 : vector<16xi32> to vector<16xi32>
      tpu.vector_store %arg6[%swap3A_294], %swap3A_297 {strides = array<i32>} : memref<80xi32, #tpu.memory_space<vmem>>, vector<16xi32>,
      %get3A_298 = arith.constant 48 : index
      %get3A_299 = tpu.vector_load %arg6[%get3A_298] {strides = array<i32>} : memref<80xi32, #tpu.memory_space<vmem>>, vector<16xi32>,
      %get3A_300 = vector.shape_cast %get3A_299 : vector<16xi32> to vector<16xi32>
      %add3A_301 = arith.addi %get3A_300, %add3A_15 : vector<16xi32>
      %swap3A_302 = arith.constant 48 : index
      %swap3A_303 = tpu.vector_load %arg6[%swap3A_302] {strides = array<i32>} : memref<80xi32, #tpu.memory_space<vmem>>, vector<16xi32>,
      %swap3A_304 = vector.shape_cast %swap3A_303 : vector<16xi32> to vector<16xi32>
      %swap3A_305 = vector.shape_cast %add3A_301 : vector<16xi32> to vector<16xi32>
      tpu.vector_store %arg6[%swap3A_302], %swap3A_305 {strides = array<i32>} : memref<80xi32, #tpu.memory_space<vmem>>, vector<16xi32>,
      %get3A_306 = arith.constant 64 : index
      %get3A_307 = tpu.vector_load %arg6[%get3A_306] {strides = array<i32>} : memref<80xi32, #tpu.memory_space<vmem>>, vector<16xi32>,
      %get3A_308 = vector.shape_cast %get3A_307 : vector<16xi32> to vector<16xi32>
      %add3A_309 = arith.addi %get3A_308, %add3A_15 : vector<16xi32>
      %swap3A_310 = arith.constant 64 : index
      %swap3A_311 = tpu.vector_load %arg6[%swap3A_310] {strides = array<i32>} : memref<80xi32, #tpu.memory_space<vmem>>, vector<16xi32>,
      %swap3A_312 = vector.shape_cast %swap3A_311 : vector<16xi32> to vector<16xi32>
      %swap3A_313 = vector.shape_cast %add3A_309 : vector<16xi32> to vector<16xi32>
      tpu.vector_store %arg6[%swap3A_310], %swap3A_313 {strides = array<i32>} : memref<80xi32, #tpu.memory_space<vmem>>, vector<16xi32>,
      %dma_start3A_314 = arith.constant 0 : i32
      %dma_start3A_315 = arith.constant 0 : i32
      %dma_start3A_316 = tpu.memref_slice %arg2[%dma_start3A_314, %dma_start3A_315] : memref<20000x128xf32, #tpu.memory_space<hbm>> -> memref<20000x128xf32, #tpu.memory_space<hbm>>
      tpu.enqueue_indirect_dma source(%dma_start3A_316 : memref<20000x128xf32, #tpu.memory_space<hbm>>) target(%arg14 : memref<80x128xf32, #tpu.memory_space<vmem>>) offsets(%arg6 : memref<80xi32, #tpu.memory_space<vmem>>) semaphore(%arg23 : memref<!tpu.dma_semaphore, #tpu.memory_space<semaphore_mem>>)
      %dma_wait3A_317 = arith.constant 0 : i32
      %dma_wait3A_318 = arith.constant 0 : i32
      %dma_wait3A_319 = tpu.memref_slice %arg2[%dma_wait3A_317, %dma_wait3A_318] : memref<20000x128xf32, #tpu.memory_space<hbm>> -> memref<20000x128xf32, #tpu.memory_space<hbm>>
      tpu.wait_indirect_dma semaphore(%arg22 : memref<!tpu.dma_semaphore, #tpu.memory_space<semaphore_mem>>) src(%dma_wait3A_319 : memref<20000x128xf32, #tpu.memory_space<hbm>>) dst(%arg13 : memref<80x128xf32, #tpu.memory_space<vmem>>)
      %dma_start3A_320 = arith.constant 0 : i32
      %dma_start3A_321 = arith.constant 0 : i32
      %dma_start3A_322 = tpu.memref_slice %arg17[%dma_start3A_320, %dma_start3A_321] : memref<10000x128xf32, #tpu.memory_space<vmem_shared>> -> memref<10000x128xf32, #tpu.memory_space<vmem_shared>>
      tpu.enqueue_indirect_dma source(%arg13 : memref<80x128xf32, #tpu.memory_space<vmem>>) target(%dma_start3A_322 : memref<10000x128xf32, #tpu.memory_space<vmem_shared>>) offsets(%arg9 : memref<80xi32, #tpu.memory_space<vmem>>) semaphore(%arg26 : memref<!tpu.dma_semaphore, #tpu.memory_space<semaphore_mem>>) {add = true}
      %mul3A_323 = arith.constant 4 : i32
      %mul3A_324 = arith.muli %mul3A_323, %scan3A_179 : i32
      %add3A_325 = arith.constant 2 : i32
      %add3A_326 = arith.addi %mul3A_324, %add3A_325 : i32
      %ge3A_327 = arith.constant 1 : i32
      %ge3A_328 = arith.cmpi sge, %scan3A_179, %ge3A_327 : i32
      %convert_element_type3A_329 = arith.extui %ge3A_328 : i1 to i32
      %cond3A_330 = arith.constant 0 : i32
      %cond3A_331 = arith.cmpi ne, %convert_element_type3A_329, %cond3A_330 : i32
      scf.if %cond3A_331 {
        %dma_wait3A_469 = arith.constant 0 : i32
        %dma_wait3A_470 = arith.constant 0 : i32
        %dma_wait3A_471 = tpu.memref_slice %arg17[%dma_wait3A_469, %dma_wait3A_470] : memref<10000x128xf32, #tpu.memory_space<vmem_shared>> -> memref<10000x128xf32, #tpu.memory_space<vmem_shared>>
        tpu.wait_indirect_dma semaphore(%arg29 : memref<!tpu.dma_semaphore, #tpu.memory_space<semaphore_mem>>) src(%arg16 : memref<80x128xf32, #tpu.memory_space<vmem>>) dst(%dma_wait3A_471 : memref<10000x128xf32, #tpu.memory_space<vmem_shared>>)
      } else {
      }
      %add3A_332 = arith.constant 1 : i32
      %add3A_333 = arith.addi %add3A_326, %add3A_332 : i32
      %lt3A_334 = arith.constant 250 : i32
      %lt3A_335 = arith.cmpi slt, %add3A_333, %lt3A_334 : i32
      %convert_element_type3A_336 = arith.extui %lt3A_335 : i1 to i32
      %cond3A_337 = arith.constant 0 : i32
      %cond3A_338 = arith.cmpi ne, %convert_element_type3A_336, %cond3A_337 : i32
      scf.if %cond3A_338 {
        %add3A_469 = arith.constant 1 : i32
        %add3A_470 = arith.addi %add3A_326, %add3A_469 : i32
        %mul3A_471 = arith.constant 80 : i32
        %mul3A_472 = arith.muli %add3A_470, %mul3A_471 : i32
        %add3A_473 = arith.addi %mul3A_13, %mul3A_472 : i32
        %dma_start3A_474 = tpu.memref_slice %arg3[%add3A_473] : memref<640000xi32, #tpu.memory_space<hbm>> -> memref<80xi32, #tpu.memory_space<hbm>>
        %dma_start3A_475 = tpu.memref_slice %arg3[%add3A_473] : memref<640000xi32, #tpu.memory_space<hbm>> -> memref<80xi32, #tpu.memory_space<hbm>>
        tpu.enqueue_dma source(%dma_start3A_475 : memref<80xi32, #tpu.memory_space<hbm>>) target(%arg8 : memref<80xi32, #tpu.memory_space<vmem>>) target_semaphore(%arg21 : memref<!tpu.dma_semaphore, #tpu.memory_space<semaphore_mem>>)
        %add3A_476 = arith.constant 320000 : i32
        %add3A_477 = arith.addi %add3A_476, %add3A_473 : i32
        %dma_start3A_478 = tpu.memref_slice %arg3[%add3A_477] : memref<640000xi32, #tpu.memory_space<hbm>> -> memref<80xi32, #tpu.memory_space<hbm>>
        %dma_start3A_479 = tpu.memref_slice %arg3[%add3A_477] : memref<640000xi32, #tpu.memory_space<hbm>> -> memref<80xi32, #tpu.memory_space<hbm>>
        tpu.enqueue_dma source(%dma_start3A_479 : memref<80xi32, #tpu.memory_space<hbm>>) target(%arg12 : memref<80xi32, #tpu.memory_space<vmem>>) target_semaphore(%arg21 : memref<!tpu.dma_semaphore, #tpu.memory_space<semaphore_mem>>)
      } else {
      }
      %mul3A_339 = arith.constant 80 : i32
      %mul3A_340 = arith.muli %add3A_326, %mul3A_339 : i32
      %add3A_341 = arith.addi %mul3A_13, %mul3A_340 : i32
      %dma_wait3A_342 = tpu.memref_slice %arg3[%add3A_341] : memref<640000xi32, #tpu.memory_space<hbm>> -> memref<80xi32, #tpu.memory_space<hbm>>
      %dma_wait3A_343 = tpu.memref_slice %arg3[%add3A_341] : memref<640000xi32, #tpu.memory_space<hbm>> -> memref<80xi32, #tpu.memory_space<hbm>>
      tpu.wait_dma2 semaphore(%arg20 : memref<!tpu.dma_semaphore, #tpu.memory_space<semaphore_mem>>) src(%dma_wait3A_343 : memref<80xi32, #tpu.memory_space<hbm>>) dst(%arg7 : memref<80xi32, #tpu.memory_space<vmem>>)
      %add3A_344 = arith.constant 320000 : i32
      %add3A_345 = arith.addi %add3A_344, %add3A_341 : i32
      %dma_wait3A_346 = tpu.memref_slice %arg3[%add3A_345] : memref<640000xi32, #tpu.memory_space<hbm>> -> memref<80xi32, #tpu.memory_space<hbm>>
      %dma_wait3A_347 = tpu.memref_slice %arg3[%add3A_345] : memref<640000xi32, #tpu.memory_space<hbm>> -> memref<80xi32, #tpu.memory_space<hbm>>
      tpu.wait_dma2 semaphore(%arg20 : memref<!tpu.dma_semaphore, #tpu.memory_space<semaphore_mem>>) src(%dma_wait3A_347 : memref<80xi32, #tpu.memory_space<hbm>>) dst(%arg11 : memref<80xi32, #tpu.memory_space<vmem>>)
      %get3A_348 = arith.constant 0 : index
      %get3A_349 = tpu.vector_load %arg7[%get3A_348] {strides = array<i32>} : memref<80xi32, #tpu.memory_space<vmem>>, vector<16xi32>,
      %get3A_350 = vector.shape_cast %get3A_349 : vector<16xi32> to vector<16xi32>
      %add3A_351 = arith.addi %get3A_350, %add3A_15 : vector<16xi32>
      %swap3A_352 = arith.constant 0 : index
      %swap3A_353 = tpu.vector_load %arg7[%swap3A_352] {strides = array<i32>} : memref<80xi32, #tpu.memory_space<vmem>>, vector<16xi32>,
      %swap3A_354 = vector.shape_cast %swap3A_353 : vector<16xi32> to vector<16xi32>
      %swap3A_355 = vector.shape_cast %add3A_351 : vector<16xi32> to vector<16xi32>
      tpu.vector_store %arg7[%swap3A_352], %swap3A_355 {strides = array<i32>} : memref<80xi32, #tpu.memory_space<vmem>>, vector<16xi32>,
      %get3A_356 = arith.constant 16 : index
      %get3A_357 = tpu.vector_load %arg7[%get3A_356] {strides = array<i32>} : memref<80xi32, #tpu.memory_space<vmem>>, vector<16xi32>,
      %get3A_358 = vector.shape_cast %get3A_357 : vector<16xi32> to vector<16xi32>
      %add3A_359 = arith.addi %get3A_358, %add3A_15 : vector<16xi32>
      %swap3A_360 = arith.constant 16 : index
      %swap3A_361 = tpu.vector_load %arg7[%swap3A_360] {strides = array<i32>} : memref<80xi32, #tpu.memory_space<vmem>>, vector<16xi32>,
      %swap3A_362 = vector.shape_cast %swap3A_361 : vector<16xi32> to vector<16xi32>
      %swap3A_363 = vector.shape_cast %add3A_359 : vector<16xi32> to vector<16xi32>
      tpu.vector_store %arg7[%swap3A_360], %swap3A_363 {strides = array<i32>} : memref<80xi32, #tpu.memory_space<vmem>>, vector<16xi32>,
      %get3A_364 = arith.constant 32 : index
      %get3A_365 = tpu.vector_load %arg7[%get3A_364] {strides = array<i32>} : memref<80xi32, #tpu.memory_space<vmem>>, vector<16xi32>,
      %get3A_366 = vector.shape_cast %get3A_365 : vector<16xi32> to vector<16xi32>
      %add3A_367 = arith.addi %get3A_366, %add3A_15 : vector<16xi32>
      %swap3A_368 = arith.constant 32 : index
      %swap3A_369 = tpu.vector_load %arg7[%swap3A_368] {strides = array<i32>} : memref<80xi32, #tpu.memory_space<vmem>>, vector<16xi32>,
      %swap3A_370 = vector.shape_cast %swap3A_369 : vector<16xi32> to vector<16xi32>
      %swap3A_371 = vector.shape_cast %add3A_367 : vector<16xi32> to vector<16xi32>
      tpu.vector_store %arg7[%swap3A_368], %swap3A_371 {strides = array<i32>} : memref<80xi32, #tpu.memory_space<vmem>>, vector<16xi32>,
      %get3A_372 = arith.constant 48 : index
      %get3A_373 = tpu.vector_load %arg7[%get3A_372] {strides = array<i32>} : memref<80xi32, #tpu.memory_space<vmem>>, vector<16xi32>,
      %get3A_374 = vector.shape_cast %get3A_373 : vector<16xi32> to vector<16xi32>
      %add3A_375 = arith.addi %get3A_374, %add3A_15 : vector<16xi32>
      %swap3A_376 = arith.constant 48 : index
      %swap3A_377 = tpu.vector_load %arg7[%swap3A_376] {strides = array<i32>} : memref<80xi32, #tpu.memory_space<vmem>>, vector<16xi32>,
      %swap3A_378 = vector.shape_cast %swap3A_377 : vector<16xi32> to vector<16xi32>
      %swap3A_379 = vector.shape_cast %add3A_375 : vector<16xi32> to vector<16xi32>
      tpu.vector_store %arg7[%swap3A_376], %swap3A_379 {strides = array<i32>} : memref<80xi32, #tpu.memory_space<vmem>>, vector<16xi32>,
      %get3A_380 = arith.constant 64 : index
      %get3A_381 = tpu.vector_load %arg7[%get3A_380] {strides = array<i32>} : memref<80xi32, #tpu.memory_space<vmem>>, vector<16xi32>,
      %get3A_382 = vector.shape_cast %get3A_381 : vector<16xi32> to vector<16xi32>
      %add3A_383 = arith.addi %get3A_382, %add3A_15 : vector<16xi32>
      %swap3A_384 = arith.constant 64 : index
      %swap3A_385 = tpu.vector_load %arg7[%swap3A_384] {strides = array<i32>} : memref<80xi32, #tpu.memory_space<vmem>>, vector<16xi32>,
      %swap3A_386 = vector.shape_cast %swap3A_385 : vector<16xi32> to vector<16xi32>
      %swap3A_387 = vector.shape_cast %add3A_383 : vector<16xi32> to vector<16xi32>
      tpu.vector_store %arg7[%swap3A_384], %swap3A_387 {strides = array<i32>} : memref<80xi32, #tpu.memory_space<vmem>>, vector<16xi32>,
      %dma_start3A_388 = arith.constant 0 : i32
      %dma_start3A_389 = arith.constant 0 : i32
      %dma_start3A_390 = tpu.memref_slice %arg2[%dma_start3A_388, %dma_start3A_389] : memref<20000x128xf32, #tpu.memory_space<hbm>> -> memref<20000x128xf32, #tpu.memory_space<hbm>>
      tpu.enqueue_indirect_dma source(%dma_start3A_390 : memref<20000x128xf32, #tpu.memory_space<hbm>>) target(%arg15 : memref<80x128xf32, #tpu.memory_space<vmem>>) offsets(%arg7 : memref<80xi32, #tpu.memory_space<vmem>>) semaphore(%arg24 : memref<!tpu.dma_semaphore, #tpu.memory_space<semaphore_mem>>)
      %dma_wait3A_391 = arith.constant 0 : i32
      %dma_wait3A_392 = arith.constant 0 : i32
      %dma_wait3A_393 = tpu.memref_slice %arg2[%dma_wait3A_391, %dma_wait3A_392] : memref<20000x128xf32, #tpu.memory_space<hbm>> -> memref<20000x128xf32, #tpu.memory_space<hbm>>
      tpu.wait_indirect_dma semaphore(%arg23 : memref<!tpu.dma_semaphore, #tpu.memory_space<semaphore_mem>>) src(%dma_wait3A_393 : memref<20000x128xf32, #tpu.memory_space<hbm>>) dst(%arg14 : memref<80x128xf32, #tpu.memory_space<vmem>>)
      %dma_start3A_394 = arith.constant 0 : i32
      %dma_start3A_395 = arith.constant 0 : i32
      %dma_start3A_396 = tpu.memref_slice %arg17[%dma_start3A_394, %dma_start3A_395] : memref<10000x128xf32, #tpu.memory_space<vmem_shared>> -> memref<10000x128xf32, #tpu.memory_space<vmem_shared>>
      tpu.enqueue_indirect_dma source(%arg14 : memref<80x128xf32, #tpu.memory_space<vmem>>) target(%dma_start3A_396 : memref<10000x128xf32, #tpu.memory_space<vmem_shared>>) offsets(%arg10 : memref<80xi32, #tpu.memory_space<vmem>>) semaphore(%arg27 : memref<!tpu.dma_semaphore, #tpu.memory_space<semaphore_mem>>) {add = true}
      %mul3A_397 = arith.constant 4 : i32
      %mul3A_398 = arith.muli %mul3A_397, %scan3A_179 : i32
      %add3A_399 = arith.constant 3 : i32
      %add3A_400 = arith.addi %mul3A_398, %add3A_399 : i32
      %dma_wait3A_401 = arith.constant 0 : i32
      %dma_wait3A_402 = arith.constant 0 : i32
      %dma_wait3A_403 = tpu.memref_slice %arg17[%dma_wait3A_401, %dma_wait3A_402] : memref<10000x128xf32, #tpu.memory_space<vmem_shared>> -> memref<10000x128xf32, #tpu.memory_space<vmem_shared>>
      tpu.wait_indirect_dma semaphore(%arg26 : memref<!tpu.dma_semaphore, #tpu.memory_space<semaphore_mem>>) src(%arg13 : memref<80x128xf32, #tpu.memory_space<vmem>>) dst(%dma_wait3A_403 : memref<10000x128xf32, #tpu.memory_space<vmem_shared>>)
      %add3A_404 = arith.constant 1 : i32
      %add3A_405 = arith.addi %add3A_400, %add3A_404 : i32
      %lt3A_406 = arith.constant 250 : i32
      %lt3A_407 = arith.cmpi slt, %add3A_405, %lt3A_406 : i32
      %convert_element_type3A_408 = arith.extui %lt3A_407 : i1 to i32
      %cond3A_409 = arith.constant 0 : i32
      %cond3A_410 = arith.cmpi ne, %convert_element_type3A_408, %cond3A_409 : i32
      scf.if %cond3A_410 {
        %add3A_469 = arith.constant 1 : i32
        %add3A_470 = arith.addi %add3A_400, %add3A_469 : i32
        %mul3A_471 = arith.constant 80 : i32
        %mul3A_472 = arith.muli %add3A_470, %mul3A_471 : i32
        %add3A_473 = arith.addi %mul3A_13, %mul3A_472 : i32
        %dma_start3A_474 = tpu.memref_slice %arg3[%add3A_473] : memref<640000xi32, #tpu.memory_space<hbm>> -> memref<80xi32, #tpu.memory_space<hbm>>
        %dma_start3A_475 = tpu.memref_slice %arg3[%add3A_473] : memref<640000xi32, #tpu.memory_space<hbm>> -> memref<80xi32, #tpu.memory_space<hbm>>
        tpu.enqueue_dma source(%dma_start3A_475 : memref<80xi32, #tpu.memory_space<hbm>>) target(%arg5 : memref<80xi32, #tpu.memory_space<vmem>>) target_semaphore(%arg18 : memref<!tpu.dma_semaphore, #tpu.memory_space<semaphore_mem>>)
        %add3A_476 = arith.constant 320000 : i32
        %add3A_477 = arith.addi %add3A_476, %add3A_473 : i32
        %dma_start3A_478 = tpu.memref_slice %arg3[%add3A_477] : memref<640000xi32, #tpu.memory_space<hbm>> -> memref<80xi32, #tpu.memory_space<hbm>>
        %dma_start3A_479 = tpu.memref_slice %arg3[%add3A_477] : memref<640000xi32, #tpu.memory_space<hbm>> -> memref<80xi32, #tpu.memory_space<hbm>>
        tpu.enqueue_dma source(%dma_start3A_479 : memref<80xi32, #tpu.memory_space<hbm>>) target(%arg9 : memref<80xi32, #tpu.memory_space<vmem>>) target_semaphore(%arg18 : memref<!tpu.dma_semaphore, #tpu.memory_space<semaphore_mem>>)
      } else {
      }
      %mul3A_411 = arith.constant 80 : i32
      %mul3A_412 = arith.muli %add3A_400, %mul3A_411 : i32
      %add3A_413 = arith.addi %mul3A_13, %mul3A_412 : i32
      %dma_wait3A_414 = tpu.memref_slice %arg3[%add3A_413] : memref<640000xi32, #tpu.memory_space<hbm>> -> memref<80xi32, #tpu.memory_space<hbm>>
      %dma_wait3A_415 = tpu.memref_slice %arg3[%add3A_413] : memref<640000xi32, #tpu.memory_space<hbm>> -> memref<80xi32, #tpu.memory_space<hbm>>
      tpu.wait_dma2 semaphore(%arg21 : memref<!tpu.dma_semaphore, #tpu.memory_space<semaphore_mem>>) src(%dma_wait3A_415 : memref<80xi32, #tpu.memory_space<hbm>>) dst(%arg8 : memref<80xi32, #tpu.memory_space<vmem>>)
      %add3A_416 = arith.constant 320000 : i32
      %add3A_417 = arith.addi %add3A_416, %add3A_413 : i32
      %dma_wait3A_418 = tpu.memref_slice %arg3[%add3A_417] : memref<640000xi32, #tpu.memory_space<hbm>> -> memref<80xi32, #tpu.memory_space<hbm>>
      %dma_wait3A_419 = tpu.memref_slice %arg3[%add3A_417] : memref<640000xi32, #tpu.memory_space<hbm>> -> memref<80xi32, #tpu.memory_space<hbm>>
      tpu.wait_dma2 semaphore(%arg21 : memref<!tpu.dma_semaphore, #tpu.memory_space<semaphore_mem>>) src(%dma_wait3A_419 : memref<80xi32, #tpu.memory_space<hbm>>) dst(%arg12 : memref<80xi32, #tpu.memory_space<vmem>>)
      %get3A_420 = arith.constant 0 : index
      %get3A_421 = tpu.vector_load %arg8[%get3A_420] {strides = array<i32>} : memref<80xi32, #tpu.memory_space<vmem>>, vector<16xi32>,
      %get3A_422 = vector.shape_cast %get3A_421 : vector<16xi32> to vector<16xi32>
      %add3A_423 = arith.addi %get3A_422, %add3A_15 : vector<16xi32>
      %swap3A_424 = arith.constant 0 : index
      %swap3A_425 = tpu.vector_load %arg8[%swap3A_424] {strides = array<i32>} : memref<80xi32, #tpu.memory_space<vmem>>, vector<16xi32>,
      %swap3A_426 = vector.shape_cast %swap3A_425 : vector<16xi32> to vector<16xi32>
      %swap3A_427 = vector.shape_cast %add3A_423 : vector<16xi32> to vector<16xi32>
      tpu.vector_store %arg8[%swap3A_424], %swap3A_427 {strides = array<i32>} : memref<80xi32, #tpu.memory_space<vmem>>, vector<16xi32>,
      %get3A_428 = arith.constant 16 : index
      %get3A_429 = tpu.vector_load %arg8[%get3A_428] {strides = array<i32>} : memref<80xi32, #tpu.memory_space<vmem>>, vector<16xi32>,
      %get3A_430 = vector.shape_cast %get3A_429 : vector<16xi32> to vector<16xi32>
      %add3A_431 = arith.addi %get3A_430, %add3A_15 : vector<16xi32>
      %swap3A_432 = arith.constant 16 : index
      %swap3A_433 = tpu.vector_load %arg8[%swap3A_432] {strides = array<i32>} : memref<80xi32, #tpu.memory_space<vmem>>, vector<16xi32>,
      %swap3A_434 = vector.shape_cast %swap3A_433 : vector<16xi32> to vector<16xi32>
      %swap3A_435 = vector.shape_cast %add3A_431 : vector<16xi32> to vector<16xi32>
      tpu.vector_store %arg8[%swap3A_432], %swap3A_435 {strides = array<i32>} : memref<80xi32, #tpu.memory_space<vmem>>, vector<16xi32>,
      %get3A_436 = arith.constant 32 : index
      %get3A_437 = tpu.vector_load %arg8[%get3A_436] {strides = array<i32>} : memref<80xi32, #tpu.memory_space<vmem>>, vector<16xi32>,
      %get3A_438 = vector.shape_cast %get3A_437 : vector<16xi32> to vector<16xi32>
      %add3A_439 = arith.addi %get3A_438, %add3A_15 : vector<16xi32>
      %swap3A_440 = arith.constant 32 : index
      %swap3A_441 = tpu.vector_load %arg8[%swap3A_440] {strides = array<i32>} : memref<80xi32, #tpu.memory_space<vmem>>, vector<16xi32>,
      %swap3A_442 = vector.shape_cast %swap3A_441 : vector<16xi32> to vector<16xi32>
      %swap3A_443 = vector.shape_cast %add3A_439 : vector<16xi32> to vector<16xi32>
      tpu.vector_store %arg8[%swap3A_440], %swap3A_443 {strides = array<i32>} : memref<80xi32, #tpu.memory_space<vmem>>, vector<16xi32>,
      %get3A_444 = arith.constant 48 : index
      %get3A_445 = tpu.vector_load %arg8[%get3A_444] {strides = array<i32>} : memref<80xi32, #tpu.memory_space<vmem>>, vector<16xi32>,
      %get3A_446 = vector.shape_cast %get3A_445 : vector<16xi32> to vector<16xi32>
      %add3A_447 = arith.addi %get3A_446, %add3A_15 : vector<16xi32>
      %swap3A_448 = arith.constant 48 : index
      %swap3A_449 = tpu.vector_load %arg8[%swap3A_448] {strides = array<i32>} : memref<80xi32, #tpu.memory_space<vmem>>, vector<16xi32>,
      %swap3A_450 = vector.shape_cast %swap3A_449 : vector<16xi32> to vector<16xi32>
      %swap3A_451 = vector.shape_cast %add3A_447 : vector<16xi32> to vector<16xi32>
      tpu.vector_store %arg8[%swap3A_448], %swap3A_451 {strides = array<i32>} : memref<80xi32, #tpu.memory_space<vmem>>, vector<16xi32>,
      %get3A_452 = arith.constant 64 : index
      %get3A_453 = tpu.vector_load %arg8[%get3A_452] {strides = array<i32>} : memref<80xi32, #tpu.memory_space<vmem>>, vector<16xi32>,
      %get3A_454 = vector.shape_cast %get3A_453 : vector<16xi32> to vector<16xi32>
      %add3A_455 = arith.addi %get3A_454, %add3A_15 : vector<16xi32>
      %swap3A_456 = arith.constant 64 : index
      %swap3A_457 = tpu.vector_load %arg8[%swap3A_456] {strides = array<i32>} : memref<80xi32, #tpu.memory_space<vmem>>, vector<16xi32>,
      %swap3A_458 = vector.shape_cast %swap3A_457 : vector<16xi32> to vector<16xi32>
      %swap3A_459 = vector.shape_cast %add3A_455 : vector<16xi32> to vector<16xi32>
      tpu.vector_store %arg8[%swap3A_456], %swap3A_459 {strides = array<i32>} : memref<80xi32, #tpu.memory_space<vmem>>, vector<16xi32>,
      %dma_start3A_460 = arith.constant 0 : i32
      %dma_start3A_461 = arith.constant 0 : i32
      %dma_start3A_462 = tpu.memref_slice %arg2[%dma_start3A_460, %dma_start3A_461] : memref<20000x128xf32, #tpu.memory_space<hbm>> -> memref<20000x128xf32, #tpu.memory_space<hbm>>
      tpu.enqueue_indirect_dma source(%dma_start3A_462 : memref<20000x128xf32, #tpu.memory_space<hbm>>) target(%arg16 : memref<80x128xf32, #tpu.memory_space<vmem>>) offsets(%arg8 : memref<80xi32, #tpu.memory_space<vmem>>) semaphore(%arg25 : memref<!tpu.dma_semaphore, #tpu.memory_space<semaphore_mem>>)
      %dma_wait3A_463 = arith.constant 0 : i32
      %dma_wait3A_464 = arith.constant 0 : i32
      %dma_wait3A_465 = tpu.memref_slice %arg2[%dma_wait3A_463, %dma_wait3A_464] : memref<20000x128xf32, #tpu.memory_space<hbm>> -> memref<20000x128xf32, #tpu.memory_space<hbm>>
      tpu.wait_indirect_dma semaphore(%arg24 : memref<!tpu.dma_semaphore, #tpu.memory_space<semaphore_mem>>) src(%dma_wait3A_465 : memref<20000x128xf32, #tpu.memory_space<hbm>>) dst(%arg15 : memref<80x128xf32, #tpu.memory_space<vmem>>)
      %dma_start3A_466 = arith.constant 0 : i32
      %dma_start3A_467 = arith.constant 0 : i32
      %dma_start3A_468 = tpu.memref_slice %arg17[%dma_start3A_466, %dma_start3A_467] : memref<10000x128xf32, #tpu.memory_space<vmem_shared>> -> memref<10000x128xf32, #tpu.memory_space<vmem_shared>>
      tpu.enqueue_indirect_dma source(%arg15 : memref<80x128xf32, #tpu.memory_space<vmem>>) target(%dma_start3A_468 : memref<10000x128xf32, #tpu.memory_space<vmem_shared>>) offsets(%arg11 : memref<80xi32, #tpu.memory_space<vmem>>) semaphore(%arg28 : memref<!tpu.dma_semaphore, #tpu.memory_space<semaphore_mem>>) {add = true}
    }
    %scan3A_27 = arith.constant 62 : i32
    %dma_wait3A = arith.constant 0 : i32
    %dma_wait3A_28 = arith.constant 0 : i32
    %dma_wait3A_29 = tpu.memref_slice %arg17[%dma_wait3A, %dma_wait3A_28] : memref<10000x128xf32, #tpu.memory_space<vmem_shared>> -> memref<10000x128xf32, #tpu.memory_space<vmem_shared>>
    tpu.wait_indirect_dma semaphore(%arg27 : memref<!tpu.dma_semaphore, #tpu.memory_space<semaphore_mem>>) src(%arg14 : memref<80x128xf32, #tpu.memory_space<vmem>>) dst(%dma_wait3A_29 : memref<10000x128xf32, #tpu.memory_space<vmem_shared>>)
    %add3A_30 = arith.constant 19920 : i32
    %add3A_31 = arith.addi %mul3A_13, %add3A_30 : i32
    %dma_start3A_32 = tpu.memref_slice %arg3[%add3A_31] : memref<640000xi32, #tpu.memory_space<hbm>> -> memref<80xi32, #tpu.memory_space<hbm>>
    %dma_start3A_33 = tpu.memref_slice %arg3[%add3A_31] : memref<640000xi32, #tpu.memory_space<hbm>> -> memref<80xi32, #tpu.memory_space<hbm>>
    tpu.enqueue_dma source(%dma_start3A_33 : memref<80xi32, #tpu.memory_space<hbm>>) target(%arg6 : memref<80xi32, #tpu.memory_space<vmem>>) target_semaphore(%arg19 : memref<!tpu.dma_semaphore, #tpu.memory_space<semaphore_mem>>)
    %add3A_34 = arith.constant 320000 : i32
    %add3A_35 = arith.addi %add3A_34, %add3A_31 : i32
    %dma_start3A_36 = tpu.memref_slice %arg3[%add3A_35] : memref<640000xi32, #tpu.memory_space<hbm>> -> memref<80xi32, #tpu.memory_space<hbm>>
    %dma_start3A_37 = tpu.memref_slice %arg3[%add3A_35] : memref<640000xi32, #tpu.memory_space<hbm>> -> memref<80xi32, #tpu.memory_space<hbm>>
    tpu.enqueue_dma source(%dma_start3A_37 : memref<80xi32, #tpu.memory_space<hbm>>) target(%arg10 : memref<80xi32, #tpu.memory_space<vmem>>) target_semaphore(%arg19 : memref<!tpu.dma_semaphore, #tpu.memory_space<semaphore_mem>>)
    %add3A_38 = arith.constant 19840 : i32
    %add3A_39 = arith.addi %mul3A_13, %add3A_38 : i32
    %dma_wait3A_40 = tpu.memref_slice %arg3[%add3A_39] : memref<640000xi32, #tpu.memory_space<hbm>> -> memref<80xi32, #tpu.memory_space<hbm>>
    %dma_wait3A_41 = tpu.memref_slice %arg3[%add3A_39] : memref<640000xi32, #tpu.memory_space<hbm>> -> memref<80xi32, #tpu.memory_space<hbm>>
    tpu.wait_dma2 semaphore(%arg18 : memref<!tpu.dma_semaphore, #tpu.memory_space<semaphore_mem>>) src(%dma_wait3A_41 : memref<80xi32, #tpu.memory_space<hbm>>) dst(%arg5 : memref<80xi32, #tpu.memory_space<vmem>>)
    %add3A_42 = arith.constant 320000 : i32
    %add3A_43 = arith.addi %add3A_42, %add3A_39 : i32
    %dma_wait3A_44 = tpu.memref_slice %arg3[%add3A_43] : memref<640000xi32, #tpu.memory_space<hbm>> -> memref<80xi32, #tpu.memory_space<hbm>>
    %dma_wait3A_45 = tpu.memref_slice %arg3[%add3A_43] : memref<640000xi32, #tpu.memory_space<hbm>> -> memref<80xi32, #tpu.memory_space<hbm>>
    tpu.wait_dma2 semaphore(%arg18 : memref<!tpu.dma_semaphore, #tpu.memory_space<semaphore_mem>>) src(%dma_wait3A_45 : memref<80xi32, #tpu.memory_space<hbm>>) dst(%arg9 : memref<80xi32, #tpu.memory_space<vmem>>)
    %get3A = arith.constant 0 : index
    %get3A_46 = tpu.vector_load %arg5[%get3A] {strides = array<i32>} : memref<80xi32, #tpu.memory_space<vmem>>, vector<16xi32>,
    %get3A_47 = vector.shape_cast %get3A_46 : vector<16xi32> to vector<16xi32>
    %add3A_48 = arith.addi %get3A_47, %add3A_15 : vector<16xi32>
    %swap3A = arith.constant 0 : index
    %swap3A_49 = tpu.vector_load %arg5[%swap3A] {strides = array<i32>} : memref<80xi32, #tpu.memory_space<vmem>>, vector<16xi32>,
    %swap3A_50 = vector.shape_cast %swap3A_49 : vector<16xi32> to vector<16xi32>
    %swap3A_51 = vector.shape_cast %add3A_48 : vector<16xi32> to vector<16xi32>
    tpu.vector_store %arg5[%swap3A], %swap3A_51 {strides = array<i32>} : memref<80xi32, #tpu.memory_space<vmem>>, vector<16xi32>,
    %get3A_52 = arith.constant 16 : index
    %get3A_53 = tpu.vector_load %arg5[%get3A_52] {strides = array<i32>} : memref<80xi32, #tpu.memory_space<vmem>>, vector<16xi32>,
    %get3A_54 = vector.shape_cast %get3A_53 : vector<16xi32> to vector<16xi32>
    %add3A_55 = arith.addi %get3A_54, %add3A_15 : vector<16xi32>
    %swap3A_56 = arith.constant 16 : index
    %swap3A_57 = tpu.vector_load %arg5[%swap3A_56] {strides = array<i32>} : memref<80xi32, #tpu.memory_space<vmem>>, vector<16xi32>,
    %swap3A_58 = vector.shape_cast %swap3A_57 : vector<16xi32> to vector<16xi32>
    %swap3A_59 = vector.shape_cast %add3A_55 : vector<16xi32> to vector<16xi32>
    tpu.vector_store %arg5[%swap3A_56], %swap3A_59 {strides = array<i32>} : memref<80xi32, #tpu.memory_space<vmem>>, vector<16xi32>,
    %get3A_60 = arith.constant 32 : index
    %get3A_61 = tpu.vector_load %arg5[%get3A_60] {strides = array<i32>} : memref<80xi32, #tpu.memory_space<vmem>>, vector<16xi32>,
    %get3A_62 = vector.shape_cast %get3A_61 : vector<16xi32> to vector<16xi32>
    %add3A_63 = arith.addi %get3A_62, %add3A_15 : vector<16xi32>
    %swap3A_64 = arith.constant 32 : index
    %swap3A_65 = tpu.vector_load %arg5[%swap3A_64] {strides = array<i32>} : memref<80xi32, #tpu.memory_space<vmem>>, vector<16xi32>,
    %swap3A_66 = vector.shape_cast %swap3A_65 : vector<16xi32> to vector<16xi32>
    %swap3A_67 = vector.shape_cast %add3A_63 : vector<16xi32> to vector<16xi32>
    tpu.vector_store %arg5[%swap3A_64], %swap3A_67 {strides = array<i32>} : memref<80xi32, #tpu.memory_space<vmem>>, vector<16xi32>,
    %get3A_68 = arith.constant 48 : index
    %get3A_69 = tpu.vector_load %arg5[%get3A_68] {strides = array<i32>} : memref<80xi32, #tpu.memory_space<vmem>>, vector<16xi32>,
    %get3A_70 = vector.shape_cast %get3A_69 : vector<16xi32> to vector<16xi32>
    %add3A_71 = arith.addi %get3A_70, %add3A_15 : vector<16xi32>
    %swap3A_72 = arith.constant 48 : index
    %swap3A_73 = tpu.vector_load %arg5[%swap3A_72] {strides = array<i32>} : memref<80xi32, #tpu.memory_space<vmem>>, vector<16xi32>,
    %swap3A_74 = vector.shape_cast %swap3A_73 : vector<16xi32> to vector<16xi32>
    %swap3A_75 = vector.shape_cast %add3A_71 : vector<16xi32> to vector<16xi32>
    tpu.vector_store %arg5[%swap3A_72], %swap3A_75 {strides = array<i32>} : memref<80xi32, #tpu.memory_space<vmem>>, vector<16xi32>,
    %get3A_76 = arith.constant 64 : index
    %get3A_77 = tpu.vector_load %arg5[%get3A_76] {strides = array<i32>} : memref<80xi32, #tpu.memory_space<vmem>>, vector<16xi32>,
    %get3A_78 = vector.shape_cast %get3A_77 : vector<16xi32> to vector<16xi32>
    %add3A_79 = arith.addi %get3A_78, %add3A_15 : vector<16xi32>
    %swap3A_80 = arith.constant 64 : index
    %swap3A_81 = tpu.vector_load %arg5[%swap3A_80] {strides = array<i32>} : memref<80xi32, #tpu.memory_space<vmem>>, vector<16xi32>,
    %swap3A_82 = vector.shape_cast %swap3A_81 : vector<16xi32> to vector<16xi32>
    %swap3A_83 = vector.shape_cast %add3A_79 : vector<16xi32> to vector<16xi32>
    tpu.vector_store %arg5[%swap3A_80], %swap3A_83 {strides = array<i32>} : memref<80xi32, #tpu.memory_space<vmem>>, vector<16xi32>,
    %dma_start3A_84 = arith.constant 0 : i32
    %dma_start3A_85 = arith.constant 0 : i32
    %dma_start3A_86 = tpu.memref_slice %arg2[%dma_start3A_84, %dma_start3A_85] : memref<20000x128xf32, #tpu.memory_space<hbm>> -> memref<20000x128xf32, #tpu.memory_space<hbm>>
    tpu.enqueue_indirect_dma source(%dma_start3A_86 : memref<20000x128xf32, #tpu.memory_space<hbm>>) target(%arg13 : memref<80x128xf32, #tpu.memory_space<vmem>>) offsets(%arg5 : memref<80xi32, #tpu.memory_space<vmem>>) semaphore(%arg22 : memref<!tpu.dma_semaphore, #tpu.memory_space<semaphore_mem>>)
    %dma_wait3A_87 = arith.constant 0 : i32
    %dma_wait3A_88 = arith.constant 0 : i32
    %dma_wait3A_89 = tpu.memref_slice %arg2[%dma_wait3A_87, %dma_wait3A_88] : memref<20000x128xf32, #tpu.memory_space<hbm>> -> memref<20000x128xf32, #tpu.memory_space<hbm>>
    tpu.wait_indirect_dma semaphore(%arg25 : memref<!tpu.dma_semaphore, #tpu.memory_space<semaphore_mem>>) src(%dma_wait3A_89 : memref<20000x128xf32, #tpu.memory_space<hbm>>) dst(%arg16 : memref<80x128xf32, #tpu.memory_space<vmem>>)
    %dma_start3A_90 = arith.constant 0 : i32
    %dma_start3A_91 = arith.constant 0 : i32
    %dma_start3A_92 = tpu.memref_slice %arg17[%dma_start3A_90, %dma_start3A_91] : memref<10000x128xf32, #tpu.memory_space<vmem_shared>> -> memref<10000x128xf32, #tpu.memory_space<vmem_shared>>
    tpu.enqueue_indirect_dma source(%arg16 : memref<80x128xf32, #tpu.memory_space<vmem>>) target(%dma_start3A_92 : memref<10000x128xf32, #tpu.memory_space<vmem_shared>>) offsets(%arg12 : memref<80xi32, #tpu.memory_space<vmem>>) semaphore(%arg29 : memref<!tpu.dma_semaphore, #tpu.memory_space<semaphore_mem>>) {add = true}
    %dma_wait3A_93 = arith.constant 0 : i32
    %dma_wait3A_94 = arith.constant 0 : i32
    %dma_wait3A_95 = tpu.memref_slice %arg17[%dma_wait3A_93, %dma_wait3A_94] : memref<10000x128xf32, #tpu.memory_space<vmem_shared>> -> memref<10000x128xf32, #tpu.memory_space<vmem_shared>>
    tpu.wait_indirect_dma semaphore(%arg28 : memref<!tpu.dma_semaphore, #tpu.memory_space<semaphore_mem>>) src(%arg15 : memref<80x128xf32, #tpu.memory_space<vmem>>) dst(%dma_wait3A_95 : memref<10000x128xf32, #tpu.memory_space<vmem_shared>>)
    %add3A_96 = arith.constant 19920 : i32
    %add3A_97 = arith.addi %mul3A_13, %add3A_96 : i32
    %dma_wait3A_98 = tpu.memref_slice %arg3[%add3A_97] : memref<640000xi32, #tpu.memory_space<hbm>> -> memref<80xi32, #tpu.memory_space<hbm>>
    %dma_wait3A_99 = tpu.memref_slice %arg3[%add3A_97] : memref<640000xi32, #tpu.memory_space<hbm>> -> memref<80xi32, #tpu.memory_space<hbm>>
    tpu.wait_dma2 semaphore(%arg19 : memref<!tpu.dma_semaphore, #tpu.memory_space<semaphore_mem>>) src(%dma_wait3A_99 : memref<80xi32, #tpu.memory_space<hbm>>) dst(%arg6 : memref<80xi32, #tpu.memory_space<vmem>>)
    %add3A_100 = arith.constant 320000 : i32
    %add3A_101 = arith.addi %add3A_100, %add3A_97 : i32
    %dma_wait3A_102 = tpu.memref_slice %arg3[%add3A_101] : memref<640000xi32, #tpu.memory_space<hbm>> -> memref<80xi32, #tpu.memory_space<hbm>>
    %dma_wait3A_103 = tpu.memref_slice %arg3[%add3A_101] : memref<640000xi32, #tpu.memory_space<hbm>> -> memref<80xi32, #tpu.memory_space<hbm>>
    tpu.wait_dma2 semaphore(%arg19 : memref<!tpu.dma_semaphore, #tpu.memory_space<semaphore_mem>>) src(%dma_wait3A_103 : memref<80xi32, #tpu.memory_space<hbm>>) dst(%arg10 : memref<80xi32, #tpu.memory_space<vmem>>)
    %get3A_104 = arith.constant 0 : index
    %get3A_105 = tpu.vector_load %arg6[%get3A_104] {strides = array<i32>} : memref<80xi32, #tpu.memory_space<vmem>>, vector<16xi32>,
    %get3A_106 = vector.shape_cast %get3A_105 : vector<16xi32> to vector<16xi32>
    %add3A_107 = arith.addi %get3A_106, %add3A_15 : vector<16xi32>
    %swap3A_108 = arith.constant 0 : index
    %swap3A_109 = tpu.vector_load %arg6[%swap3A_108] {strides = array<i32>} : memref<80xi32, #tpu.memory_space<vmem>>, vector<16xi32>,
    %swap3A_110 = vector.shape_cast %swap3A_109 : vector<16xi32> to vector<16xi32>
    %swap3A_111 = vector.shape_cast %add3A_107 : vector<16xi32> to vector<16xi32>
    tpu.vector_store %arg6[%swap3A_108], %swap3A_111 {strides = array<i32>} : memref<80xi32, #tpu.memory_space<vmem>>, vector<16xi32>,
    %get3A_112 = arith.constant 16 : index
    %get3A_113 = tpu.vector_load %arg6[%get3A_112] {strides = array<i32>} : memref<80xi32, #tpu.memory_space<vmem>>, vector<16xi32>,
    %get3A_114 = vector.shape_cast %get3A_113 : vector<16xi32> to vector<16xi32>
    %add3A_115 = arith.addi %get3A_114, %add3A_15 : vector<16xi32>
    %swap3A_116 = arith.constant 16 : index
    %swap3A_117 = tpu.vector_load %arg6[%swap3A_116] {strides = array<i32>} : memref<80xi32, #tpu.memory_space<vmem>>, vector<16xi32>,
    %swap3A_118 = vector.shape_cast %swap3A_117 : vector<16xi32> to vector<16xi32>
    %swap3A_119 = vector.shape_cast %add3A_115 : vector<16xi32> to vector<16xi32>
    tpu.vector_store %arg6[%swap3A_116], %swap3A_119 {strides = array<i32>} : memref<80xi32, #tpu.memory_space<vmem>>, vector<16xi32>,
    %get3A_120 = arith.constant 32 : index
    %get3A_121 = tpu.vector_load %arg6[%get3A_120] {strides = array<i32>} : memref<80xi32, #tpu.memory_space<vmem>>, vector<16xi32>,
    %get3A_122 = vector.shape_cast %get3A_121 : vector<16xi32> to vector<16xi32>
    %add3A_123 = arith.addi %get3A_122, %add3A_15 : vector<16xi32>
    %swap3A_124 = arith.constant 32 : index
    %swap3A_125 = tpu.vector_load %arg6[%swap3A_124] {strides = array<i32>} : memref<80xi32, #tpu.memory_space<vmem>>, vector<16xi32>,
    %swap3A_126 = vector.shape_cast %swap3A_125 : vector<16xi32> to vector<16xi32>
    %swap3A_127 = vector.shape_cast %add3A_123 : vector<16xi32> to vector<16xi32>
    tpu.vector_store %arg6[%swap3A_124], %swap3A_127 {strides = array<i32>} : memref<80xi32, #tpu.memory_space<vmem>>, vector<16xi32>,
    %get3A_128 = arith.constant 48 : index
    %get3A_129 = tpu.vector_load %arg6[%get3A_128] {strides = array<i32>} : memref<80xi32, #tpu.memory_space<vmem>>, vector<16xi32>,
    %get3A_130 = vector.shape_cast %get3A_129 : vector<16xi32> to vector<16xi32>
    %add3A_131 = arith.addi %get3A_130, %add3A_15 : vector<16xi32>
    %swap3A_132 = arith.constant 48 : index
    %swap3A_133 = tpu.vector_load %arg6[%swap3A_132] {strides = array<i32>} : memref<80xi32, #tpu.memory_space<vmem>>, vector<16xi32>,
    %swap3A_134 = vector.shape_cast %swap3A_133 : vector<16xi32> to vector<16xi32>
    %swap3A_135 = vector.shape_cast %add3A_131 : vector<16xi32> to vector<16xi32>
    tpu.vector_store %arg6[%swap3A_132], %swap3A_135 {strides = array<i32>} : memref<80xi32, #tpu.memory_space<vmem>>, vector<16xi32>,
    %get3A_136 = arith.constant 64 : index
    %get3A_137 = tpu.vector_load %arg6[%get3A_136] {strides = array<i32>} : memref<80xi32, #tpu.memory_space<vmem>>, vector<16xi32>,
    %get3A_138 = vector.shape_cast %get3A_137 : vector<16xi32> to vector<16xi32>
    %add3A_139 = arith.addi %get3A_138, %add3A_15 : vector<16xi32>
    %swap3A_140 = arith.constant 64 : index
    %swap3A_141 = tpu.vector_load %arg6[%swap3A_140] {strides = array<i32>} : memref<80xi32, #tpu.memory_space<vmem>>, vector<16xi32>,
    %swap3A_142 = vector.shape_cast %swap3A_141 : vector<16xi32> to vector<16xi32>
    %swap3A_143 = vector.shape_cast %add3A_139 : vector<16xi32> to vector<16xi32>
    tpu.vector_store %arg6[%swap3A_140], %swap3A_143 {strides = array<i32>} : memref<80xi32, #tpu.memory_space<vmem>>, vector<16xi32>,
    %dma_start3A_144 = arith.constant 0 : i32
    %dma_start3A_145 = arith.constant 0 : i32
    %dma_start3A_146 = tpu.memref_slice %arg2[%dma_start3A_144, %dma_start3A_145] : memref<20000x128xf32, #tpu.memory_space<hbm>> -> memref<20000x128xf32, #tpu.memory_space<hbm>>
    tpu.enqueue_indirect_dma source(%dma_start3A_146 : memref<20000x128xf32, #tpu.memory_space<hbm>>) target(%arg14 : memref<80x128xf32, #tpu.memory_space<vmem>>) offsets(%arg6 : memref<80xi32, #tpu.memory_space<vmem>>) semaphore(%arg23 : memref<!tpu.dma_semaphore, #tpu.memory_space<semaphore_mem>>)
    %dma_wait3A_147 = arith.constant 0 : i32
    %dma_wait3A_148 = arith.constant 0 : i32
    %dma_wait3A_149 = tpu.memref_slice %arg2[%dma_wait3A_147, %dma_wait3A_148] : memref<20000x128xf32, #tpu.memory_space<hbm>> -> memref<20000x128xf32, #tpu.memory_space<hbm>>
    tpu.wait_indirect_dma semaphore(%arg22 : memref<!tpu.dma_semaphore, #tpu.memory_space<semaphore_mem>>) src(%dma_wait3A_149 : memref<20000x128xf32, #tpu.memory_space<hbm>>) dst(%arg13 : memref<80x128xf32, #tpu.memory_space<vmem>>)
    %dma_start3A_150 = arith.constant 0 : i32
    %dma_start3A_151 = arith.constant 0 : i32
    %dma_start3A_152 = tpu.memref_slice %arg17[%dma_start3A_150, %dma_start3A_151] : memref<10000x128xf32, #tpu.memory_space<vmem_shared>> -> memref<10000x128xf32, #tpu.memory_space<vmem_shared>>
    tpu.enqueue_indirect_dma source(%arg13 : memref<80x128xf32, #tpu.memory_space<vmem>>) target(%dma_start3A_152 : memref<10000x128xf32, #tpu.memory_space<vmem_shared>>) offsets(%arg9 : memref<80xi32, #tpu.memory_space<vmem>>) semaphore(%arg26 : memref<!tpu.dma_semaphore, #tpu.memory_space<semaphore_mem>>) {add = true}
    %dma_wait3A_153 = arith.constant 0 : i32
    %dma_wait3A_154 = arith.constant 0 : i32
    %dma_wait3A_155 = tpu.memref_slice %arg2[%dma_wait3A_153, %dma_wait3A_154] : memref<20000x128xf32, #tpu.memory_space<hbm>> -> memref<20000x128xf32, #tpu.memory_space<hbm>>
    tpu.wait_indirect_dma semaphore(%arg23 : memref<!tpu.dma_semaphore, #tpu.memory_space<semaphore_mem>>) src(%dma_wait3A_155 : memref<20000x128xf32, #tpu.memory_space<hbm>>) dst(%arg14 : memref<80x128xf32, #tpu.memory_space<vmem>>)
    %dma_start3A_156 = arith.constant 0 : i32
    %dma_start3A_157 = arith.constant 0 : i32
    %dma_start3A_158 = tpu.memref_slice %arg17[%dma_start3A_156, %dma_start3A_157] : memref<10000x128xf32, #tpu.memory_space<vmem_shared>> -> memref<10000x128xf32, #tpu.memory_space<vmem_shared>>
    tpu.enqueue_indirect_dma source(%arg14 : memref<80x128xf32, #tpu.memory_space<vmem>>) target(%dma_start3A_158 : memref<10000x128xf32, #tpu.memory_space<vmem_shared>>) offsets(%arg10 : memref<80xi32, #tpu.memory_space<vmem>>) semaphore(%arg27 : memref<!tpu.dma_semaphore, #tpu.memory_space<semaphore_mem>>) {add = true}
    %dma_wait3A_159 = arith.constant 0 : i32
    %dma_wait3A_160 = arith.constant 0 : i32
    %dma_wait3A_161 = tpu.memref_slice %arg17[%dma_wait3A_159, %dma_wait3A_160] : memref<10000x128xf32, #tpu.memory_space<vmem_shared>> -> memref<10000x128xf32, #tpu.memory_space<vmem_shared>>
    tpu.wait_indirect_dma semaphore(%arg29 : memref<!tpu.dma_semaphore, #tpu.memory_space<semaphore_mem>>) src(%arg16 : memref<80x128xf32, #tpu.memory_space<vmem>>) dst(%dma_wait3A_161 : memref<10000x128xf32, #tpu.memory_space<vmem_shared>>)
    %dma_wait3A_162 = arith.constant 0 : i32
    %dma_wait3A_163 = arith.constant 0 : i32
    %dma_wait3A_164 = tpu.memref_slice %arg17[%dma_wait3A_162, %dma_wait3A_163] : memref<10000x128xf32, #tpu.memory_space<vmem_shared>> -> memref<10000x128xf32, #tpu.memory_space<vmem_shared>>
    tpu.wait_indirect_dma semaphore(%arg26 : memref<!tpu.dma_semaphore, #tpu.memory_space<semaphore_mem>>) src(%arg13 : memref<80x128xf32, #tpu.memory_space<vmem>>) dst(%dma_wait3A_164 : memref<10000x128xf32, #tpu.memory_space<vmem_shared>>)
    %dma_wait3A_165 = arith.constant 0 : i32
    %dma_wait3A_166 = arith.constant 0 : i32
    %dma_wait3A_167 = tpu.memref_slice %arg17[%dma_wait3A_165, %dma_wait3A_166] : memref<10000x128xf32, #tpu.memory_space<vmem_shared>> -> memref<10000x128xf32, #tpu.memory_space<vmem_shared>>
    tpu.wait_indirect_dma semaphore(%arg27 : memref<!tpu.dma_semaphore, #tpu.memory_space<semaphore_mem>>) src(%arg14 : memref<80x128xf32, #tpu.memory_space<vmem>>) dst(%dma_wait3A_167 : memref<10000x128xf32, #tpu.memory_space<vmem_shared>>)
    %barrier3A_168 = arith.constant 0 : index
    tpu.barrier barrier_id(%barrier3A_168)
    %while3A_169 = arith.constant 0 : i32
    %while3A_170 = arith.constant 0 : i32
    %while3A_171 = arith.subi %select_n3A, %while3A_170 : i32
    %while3A_172 = arith.addi %while3A_170, %while3A_171 : i32
    %while3A_173 = arith.constant 1 : i32
    %while3A_174 = arith.divsi %while3A_171, %while3A_173 : i32
    %while3A_175 = arith.muli %while3A_174, %while3A_173 : i32
    %while3A_176 = arith.addi %while3A_170, %while3A_175 : i32
    %while3A_177 = arith.constant 1 : i32
    scf.for %while3A_179 = %while3A_170 to %while3A_176 step %while3A_177  : i32 {
      %mul3A_180 = arith.constant 640 : i32
      %mul3A_181 = arith.muli %arg1, %mul3A_180 : i32
      %mul3A_182 = arith.constant 80 : i32
      %mul3A_183 = arith.muli %while3A_179, %mul3A_182 : i32
      %add3A_184 = arith.addi %mul3A_181, %mul3A_183 : i32
      "tpu.region"() ({
        %run_scoped3A = tpu.sem_alloc : memref<!tpu.dma_semaphore, #tpu.memory_space<semaphore_mem>>
        %dma_start3A_186 = arith.constant 0 : i32
        %dma_start3A_187 = tpu.memref_slice %arg17[%add3A_184, %dma_start3A_186] : memref<10000x128xf32, #tpu.memory_space<vmem_shared>> -> memref<80x128xf32, #tpu.memory_space<vmem_shared>>
        %dma_start3A_188 = arith.constant 0 : i32
        %dma_start3A_189 = tpu.memref_slice %arg17[%add3A_184, %dma_start3A_188] : memref<10000x128xf32, #tpu.memory_space<vmem_shared>> -> memref<80x128xf32, #tpu.memory_space<vmem_shared>>
        tpu.enqueue_dma source(%dma_start3A_189 : memref<80x128xf32, #tpu.memory_space<vmem_shared>>) target(%arg13 : memref<80x128xf32, #tpu.memory_space<vmem>>) target_semaphore(%run_scoped3A : memref<!tpu.dma_semaphore, #tpu.memory_space<semaphore_mem>>)
        %dma_wait3A_190 = arith.constant 0 : i32
        %dma_wait3A_191 = tpu.memref_slice %arg17[%add3A_184, %dma_wait3A_190] : memref<10000x128xf32, #tpu.memory_space<vmem_shared>> -> memref<80x128xf32, #tpu.memory_space<vmem_shared>>
        %dma_wait3A_192 = arith.constant 0 : i32
        %dma_wait3A_193 = tpu.memref_slice %arg17[%add3A_184, %dma_wait3A_192] : memref<10000x128xf32, #tpu.memory_space<vmem_shared>> -> memref<80x128xf32, #tpu.memory_space<vmem_shared>>
        tpu.wait_dma2 semaphore(%run_scoped3A : memref<!tpu.dma_semaphore, #tpu.memory_space<semaphore_mem>>) src(%dma_wait3A_193 : memref<80x128xf32, #tpu.memory_space<vmem_shared>>) dst(%arg13 : memref<80x128xf32, #tpu.memory_space<vmem>>)
        tpu.yield
      }) : () -> ()
      %add3A_185 = arith.addi %mul3A_0, %add3A_184 : i32
      "tpu.region"() ({
        %run_scoped3A = tpu.sem_alloc : memref<!tpu.dma_semaphore, #tpu.memory_space<semaphore_mem>>
        %dma_start3A_186 = arith.constant 0 : i32
        %dma_start3A_187 = tpu.memref_slice %arg4[%add3A_185, %dma_start3A_186] : memref<20000x128xf32, #tpu.memory_space<hbm>> -> memref<80x128xf32, #tpu.memory_space<hbm>>
        %dma_start3A_188 = arith.constant 0 : i32
        %dma_start3A_189 = tpu.memref_slice %arg4[%add3A_185, %dma_start3A_188] : memref<20000x128xf32, #tpu.memory_space<hbm>> -> memref<80x128xf32, #tpu.memory_space<hbm>>
        tpu.enqueue_dma source(%arg13 : memref<80x128xf32, #tpu.memory_space<vmem>>) target(%dma_start3A_189 : memref<80x128xf32, #tpu.memory_space<hbm>>) target_semaphore(%run_scoped3A : memref<!tpu.dma_semaphore, #tpu.memory_space<semaphore_mem>>)
        %dma_wait3A_190 = arith.constant 0 : i32
        %dma_wait3A_191 = tpu.memref_slice %arg4[%add3A_185, %dma_wait3A_190] : memref<20000x128xf32, #tpu.memory_space<hbm>> -> memref<80x128xf32, #tpu.memory_space<hbm>>
        %dma_wait3A_192 = arith.constant 0 : i32
        %dma_wait3A_193 = tpu.memref_slice %arg4[%add3A_185, %dma_wait3A_192] : memref<20000x128xf32, #tpu.memory_space<hbm>> -> memref<80x128xf32, #tpu.memory_space<hbm>>
        tpu.wait_dma2 semaphore(%run_scoped3A : memref<!tpu.dma_semaphore, #tpu.memory_space<semaphore_mem>>) src(%arg13 : memref<80x128xf32, #tpu.memory_space<vmem>>) dst(%dma_wait3A_193 : memref<80x128xf32, #tpu.memory_space<hbm>>)
        tpu.yield
      }) : () -> ()
    }
    %while3A_178 = arith.constant 1 : i32
    scf.for %while3A_179 = %while3A_176 to %while3A_172 step %while3A_178  : i32 {
      %mul3A_180 = arith.constant 640 : i32
      %mul3A_181 = arith.muli %arg1, %mul3A_180 : i32
      %mul3A_182 = arith.constant 80 : i32
      %mul3A_183 = arith.muli %while3A_179, %mul3A_182 : i32
      %add3A_184 = arith.addi %mul3A_181, %mul3A_183 : i32
      "tpu.region"() ({
        %run_scoped3A = tpu.sem_alloc : memref<!tpu.dma_semaphore, #tpu.memory_space<semaphore_mem>>
        %dma_start3A_186 = arith.constant 0 : i32
        %dma_start3A_187 = tpu.memref_slice %arg17[%add3A_184, %dma_start3A_186] : memref<10000x128xf32, #tpu.memory_space<vmem_shared>> -> memref<80x128xf32, #tpu.memory_space<vmem_shared>>
        %dma_start3A_188 = arith.constant 0 : i32
        %dma_start3A_189 = tpu.memref_slice %arg17[%add3A_184, %dma_start3A_188] : memref<10000x128xf32, #tpu.memory_space<vmem_shared>> -> memref<80x128xf32, #tpu.memory_space<vmem_shared>>
        tpu.enqueue_dma source(%dma_start3A_189 : memref<80x128xf32, #tpu.memory_space<vmem_shared>>) target(%arg13 : memref<80x128xf32, #tpu.memory_space<vmem>>) target_semaphore(%run_scoped3A : memref<!tpu.dma_semaphore, #tpu.memory_space<semaphore_mem>>)
        %dma_wait3A_190 = arith.constant 0 : i32
        %dma_wait3A_191 = tpu.memref_slice %arg17[%add3A_184, %dma_wait3A_190] : memref<10000x128xf32, #tpu.memory_space<vmem_shared>> -> memref<80x128xf32, #tpu.memory_space<vmem_shared>>
        %dma_wait3A_192 = arith.constant 0 : i32
        %dma_wait3A_193 = tpu.memref_slice %arg17[%add3A_184, %dma_wait3A_192] : memref<10000x128xf32, #tpu.memory_space<vmem_shared>> -> memref<80x128xf32, #tpu.memory_space<vmem_shared>>
        tpu.wait_dma2 semaphore(%run_scoped3A : memref<!tpu.dma_semaphore, #tpu.memory_space<semaphore_mem>>) src(%dma_wait3A_193 : memref<80x128xf32, #tpu.memory_space<vmem_shared>>) dst(%arg13 : memref<80x128xf32, #tpu.memory_space<vmem>>)
        tpu.yield
      }) : () -> ()
      %add3A_185 = arith.addi %mul3A_0, %add3A_184 : i32
      "tpu.region"() ({
        %run_scoped3A = tpu.sem_alloc : memref<!tpu.dma_semaphore, #tpu.memory_space<semaphore_mem>>
        %dma_start3A_186 = arith.constant 0 : i32
        %dma_start3A_187 = tpu.memref_slice %arg4[%add3A_185, %dma_start3A_186] : memref<20000x128xf32, #tpu.memory_space<hbm>> -> memref<80x128xf32, #tpu.memory_space<hbm>>
        %dma_start3A_188 = arith.constant 0 : i32
        %dma_start3A_189 = tpu.memref_slice %arg4[%add3A_185, %dma_start3A_188] : memref<20000x128xf32, #tpu.memory_space<hbm>> -> memref<80x128xf32, #tpu.memory_space<hbm>>
        tpu.enqueue_dma source(%arg13 : memref<80x128xf32, #tpu.memory_space<vmem>>) target(%dma_start3A_189 : memref<80x128xf32, #tpu.memory_space<hbm>>) target_semaphore(%run_scoped3A : memref<!tpu.dma_semaphore, #tpu.memory_space<semaphore_mem>>)
        %dma_wait3A_190 = arith.constant 0 : i32
        %dma_wait3A_191 = tpu.memref_slice %arg4[%add3A_185, %dma_wait3A_190] : memref<20000x128xf32, #tpu.memory_space<hbm>> -> memref<80x128xf32, #tpu.memory_space<hbm>>
        %dma_wait3A_192 = arith.constant 0 : i32
        %dma_wait3A_193 = tpu.memref_slice %arg4[%add3A_185, %dma_wait3A_192] : memref<20000x128xf32, #tpu.memory_space<hbm>> -> memref<80x128xf32, #tpu.memory_space<hbm>>
        tpu.wait_dma2 semaphore(%run_scoped3A : memref<!tpu.dma_semaphore, #tpu.memory_space<semaphore_mem>>) src(%arg13 : memref<80x128xf32, #tpu.memory_space<vmem>>) dst(%dma_wait3A_193 : memref<80x128xf32, #tpu.memory_space<hbm>>)
        tpu.yield
      }) : () -> ()
    }
    return
  }
}

module attributes {stable_mosaic.version = 14 : i64} {
  func.func @_a1_body(%arg0: i32, %arg1: i32, %arg2: memref<1000x128xf32, #tpu.memory_space<vmem>>, %arg3: memref<128x128xf32, #tpu.memory_space<vmem>>, %arg4: memref<1000x1xf32, #tpu.memory_space<vmem>>, %arg5: memref<1000x1xf32, #tpu.memory_space<vmem>>, %arg6: memref<1000x128xf32, #tpu.memory_space<vmem>>, %arg7: memref<1000x1xf32, #tpu.memory_space<vmem>>) attributes {dimension_semantics = [#tpu.dimension_semantics<arbitrary>, #tpu.dimension_semantics<arbitrary>], iteration_bounds = array<i64: 2, 10>, scalar_prefetch = 0 : i64, scratch_operands = 0 : i64, tpu.core_type = #tpu.core_type<tc>, window_params = [{transform_indices = @transform_0, window_bounds = array<i64: 1000, 128>}, {transform_indices = @transform_1, window_bounds = array<i64: 128, 128>}, {transform_indices = @transform_2, window_bounds = array<i64: 1000, 1>}, {transform_indices = @transform_3, window_bounds = array<i64: 1000, 1>}, {transform_indices = @transform_4, window_bounds = array<i64: 1000, 128>}, {transform_indices = @transform_5, window_bounds = array<i64: 1000, 1>}]} {
    %get3A = arith.constant 0 : index
    %get3A_0 = arith.constant 0 : index
    %get3A_1 = vector.load %arg4[%get3A, %get3A_0] : memref<1000x1xf32, #tpu.memory_space<vmem>>, vector<1000x1xf32>
    %get3A_2 = arith.constant 0 : index
    %get3A_3 = arith.constant 0 : index
    %get3A_4 = vector.load %arg5[%get3A_2, %get3A_3] : memref<1000x1xf32, #tpu.memory_space<vmem>>, vector<1000x1xf32>
    %add3A = arith.addf %get3A_1, %get3A_4 : vector<1000x1xf32>
    %add3A_5 = arith.constant 1.000000e+00 : f32
    %add3A_6 = vector.broadcast %add3A_5 : f32 to vector<1000x1xf32>
    %add3A_7 = arith.addf %add3A, %add3A_6 : vector<1000x1xf32>
    %rsqrt3A = math.rsqrt %add3A_7 : vector<1000x1xf32>
    %swap3A = arith.constant 0 : index
    %swap3A_8 = arith.constant 0 : index
    %swap3A_9 = vector.load %arg7[%swap3A, %swap3A_8] : memref<1000x1xf32, #tpu.memory_space<vmem>>, vector<1000x1xf32>
    tpu.vector_store %arg7[%swap3A, %swap3A_8], %rsqrt3A {strides = array<i32>} : memref<1000x1xf32, #tpu.memory_space<vmem>>, vector<1000x1xf32>,
    %get3A_10 = arith.constant 0 : index
    %get3A_11 = arith.constant 0 : index
    %get3A_12 = vector.load %arg2[%get3A_10, %get3A_11] : memref<1000x128xf32, #tpu.memory_space<vmem>>, vector<1000x128xf32>
    %mul3A = vector.broadcast %rsqrt3A : vector<1000x1xf32> to vector<1000x128xf32>
    %mul3A_13 = arith.mulf %get3A_12, %mul3A : vector<1000x128xf32>
    %get3A_14 = arith.constant 0 : index
    %get3A_15 = arith.constant 0 : index
    %get3A_16 = vector.load %arg3[%get3A_14, %get3A_15] : memref<128x128xf32, #tpu.memory_space<vmem>>, vector<128x128xf32>
    %dot_general3A = arith.constant dense<0.000000e+00> : vector<1000x128xf32>
    %dot_general3A_17 = tpu.matmul %mul3A_13, %get3A_16, %dot_general3A {dimension_numbers = #tpu.dot_dimension_numbers<[1], [0], [0], [1], [0, 0, 1, 1], [], []>, precision = #tpu.contract_precision<fp32>, transpose_lhs_hint = false} : vector<1000x128xf32>, vector<128x128xf32>, vector<1000x128xf32> -> vector<1000x128xf32>
    %swap3A_18 = arith.constant 0 : index
    %swap3A_19 = arith.constant 0 : index
    %swap3A_20 = vector.load %arg6[%swap3A_18, %swap3A_19] : memref<1000x128xf32, #tpu.memory_space<vmem>>, vector<1000x128xf32>
    tpu.vector_store %arg6[%swap3A_18, %swap3A_19], %dot_general3A_17 {strides = array<i32>} : memref<1000x128xf32, #tpu.memory_space<vmem>>, vector<1000x128xf32>,
    return
  }
  func.func @transform_0(%arg0: i32, %arg1: i32) -> (i32, i32) {
    %c0_i32 = arith.constant 0 : i32
    %c0_i32_0 = arith.constant 0 : i32
    return %arg1, %c0_i32 : i32, i32
  }
  func.func @transform_1(%arg0: i32, %arg1: i32) -> (i32, i32) {
    %c0_i32 = arith.constant 0 : i32
    %c0_i32_0 = arith.constant 0 : i32
    return %c0_i32, %arg0 : i32, i32
  }
  func.func @transform_2(%arg0: i32, %arg1: i32) -> (i32, i32) {
    %c0_i32 = arith.constant 0 : i32
    %c0_i32_0 = arith.constant 0 : i32
    return %arg1, %c0_i32 : i32, i32
  }
  func.func @transform_3(%arg0: i32, %arg1: i32) -> (i32, i32) {
    %c0_i32 = arith.constant 0 : i32
    %c0_i32_0 = arith.constant 0 : i32
    return %arg1, %c0_i32 : i32, i32
  }
  func.func @transform_4(%arg0: i32, %arg1: i32) -> (i32, i32) {
    %mul3A = arith.constant 10 : i32
    %mul3A_0 = arith.muli %arg0, %mul3A : i32
    %add3A = arith.addi %mul3A_0, %arg1 : i32
    %c0_i32 = arith.constant 0 : i32
    %c0_i32_1 = arith.constant 0 : i32
    return %add3A, %c0_i32 : i32, i32
  }
  func.func @transform_5(%arg0: i32, %arg1: i32) -> (i32, i32) {
    %c0_i32 = arith.constant 0 : i32
    %c0_i32_0 = arith.constant 0 : i32
    return %arg1, %c0_i32 : i32, i32
  }
}

module attributes {stable_mosaic.version = 14 : i64} {
  func.func @_l1_fused_body(%arg0: i32, %arg1: i32, %arg2: memref<1000x128xf32, #tpu.memory_space<vmem>>, %arg3: memref<1000x128xf32, #tpu.memory_space<vmem>>, %arg4: memref<1000x1xf32, #tpu.memory_space<vmem>>, %arg5: memref<1x256xf32, #tpu.memory_space<vmem>>, %arg6: memref<1000x1xf32, #tpu.memory_space<vmem>>, %arg7: memref<1x256xf32, #tpu.memory_space<vmem>>, %arg8: memref<1x256xf32, #tpu.memory_space<vmem>>, %arg9: memref<1x256xf32, #tpu.memory_space<vmem>>, %arg10: memref<256x128xf32, #tpu.memory_space<vmem>>, %arg11: memref<1000x128xf32, #tpu.memory_space<vmem>>, %arg12: memref<64x128xf32, #tpu.memory_space<vmem>>, %arg13: memref<10000x256xf32, #tpu.memory_space<vmem>>, %arg14: memref<64x256xf32, #tpu.memory_space<vmem>>, %arg15: memref<64x256xf32, #tpu.memory_space<vmem>>) attributes {dimension_semantics = [#tpu.dimension_semantics<arbitrary>, #tpu.dimension_semantics<arbitrary>], iteration_bounds = array<i64: 2, 10>, scalar_prefetch = 0 : i64, scratch_operands = 3 : i64, tpu.core_type = #tpu.core_type<tc>, window_params = [{transform_indices = @transform_0, window_bounds = array<i64: 1000, 128>}, {transform_indices = @transform_1, window_bounds = array<i64: 1000, 128>}, {transform_indices = @transform_2, window_bounds = array<i64: 1000, 1>}, {pipeline_mode = #tpu.pipeline_mode<synchronous>, transform_indices = @transform_3, window_bounds = array<i64: 1, 256>}, {transform_indices = @transform_4, window_bounds = array<i64: 1000, 1>}, {pipeline_mode = #tpu.pipeline_mode<synchronous>, transform_indices = @transform_5, window_bounds = array<i64: 1, 256>}, {pipeline_mode = #tpu.pipeline_mode<synchronous>, transform_indices = @transform_6, window_bounds = array<i64: 1, 256>}, {pipeline_mode = #tpu.pipeline_mode<synchronous>, transform_indices = @transform_7, window_bounds = array<i64: 1, 256>}, {pipeline_mode = #tpu.pipeline_mode<synchronous>, transform_indices = @transform_8, window_bounds = array<i64: 256, 128>}, {transform_indices = @transform_9, window_bounds = array<i64: 1000, 128>}, {pipeline_mode = #tpu.pipeline_mode<synchronous>, transform_indices = @transform_10, window_bounds = array<i64: 64, 128>}]} {
    %eq3A = arith.constant 0 : i32
    %eq3A_0 = arith.cmpi eq, %arg0, %eq3A : i32
    %convert_element_type3A = arith.extui %eq3A_0 : i1 to i32
    %cond3A = arith.constant 0 : i32
    %cond3A_1 = arith.cmpi ne, %convert_element_type3A, %cond3A : i32
    scf.if %cond3A_1 {
      %get3A = arith.constant 0 : index
      %get3A_7 = arith.constant 0 : index
      %get3A_8 = vector.load %arg2[%get3A, %get3A_7] : memref<1000x128xf32, #tpu.memory_space<vmem>>, vector<1000x128xf32>
      %get3A_9 = arith.constant 0 : index
      %get3A_10 = arith.constant 0 : index
      %get3A_11 = vector.load %arg3[%get3A_9, %get3A_10] : memref<1000x128xf32, #tpu.memory_space<vmem>>, vector<1000x128xf32>
      %concatenate3A = tpu.concatenate %get3A_8, %get3A_11 in 1 : vector<1000x128xf32>, vector<1000x128xf32> -> vector<1000x256xf32>
      %get3A_12 = arith.constant 0 : index
      %get3A_13 = arith.constant 0 : index
      %get3A_14 = vector.load %arg4[%get3A_12, %get3A_13] : memref<1000x1xf32, #tpu.memory_space<vmem>>, vector<1000x1xf32>
      %mul3A = vector.broadcast %get3A_14 : vector<1000x1xf32> to vector<1000x256xf32>
      %mul3A_15 = arith.mulf %concatenate3A, %mul3A : vector<1000x256xf32>
      %get3A_16 = arith.constant 0 : index
      %get3A_17 = arith.constant 0 : index
      %get3A_18 = vector.load %arg5[%get3A_16, %get3A_17] : memref<1x256xf32, #tpu.memory_space<vmem>>, vector<1x256xf32>
      %add3A = vector.broadcast %get3A_18 : vector<1x256xf32> to vector<1000x256xf32>
      %add3A_19 = arith.addf %mul3A_15, %add3A : vector<1000x256xf32>
      %mul3A_20 = arith.constant 1000 : i32
      %mul3A_21 = arith.muli %arg1, %mul3A_20 : i32
      %swap3A = arith.index_cast %mul3A_21 : i32 to index
      %swap3A_22 = arith.constant 0 : index
      %swap3A_23 = vector.load %arg13[%swap3A, %swap3A_22] : memref<10000x256xf32, #tpu.memory_space<vmem>>, vector<1000x256xf32>
      tpu.vector_store %arg13[%swap3A, %swap3A_22], %add3A_19 {strides = array<i32>} : memref<10000x256xf32, #tpu.memory_space<vmem>>, vector<1000x256xf32>,
      %get3A_24 = arith.constant 0 : index
      %get3A_25 = arith.constant 0 : index
      %get3A_26 = vector.load %arg6[%get3A_24, %get3A_25] : memref<1000x1xf32, #tpu.memory_space<vmem>>, vector<1000x1xf32>
      %iota3A = tpu.iota {dimensions = array<i32: 1>} : vector<1000x64xi32>
      %convert_element_type3A_27 = arith.sitofp %iota3A : vector<1000x64xi32> to vector<1000x64xf32>
      %eq3A_28 = vector.broadcast %get3A_26 : vector<1000x1xf32> to vector<1000x64xf32>
      %eq3A_29 = arith.cmpf oeq, %eq3A_28, %convert_element_type3A_27 : vector<1000x64xf32>
      %convert_element_type3A_30 = arith.extui %eq3A_29 : vector<1000x64xi1> to vector<1000x64xi32>
      %convert_element_type3A_31 = arith.sitofp %convert_element_type3A_30 : vector<1000x64xi32> to vector<1000x64xf32>
      %dot_general3A = arith.constant dense<0.000000e+00> : vector<64x256xf32>
      %dot_general3A_32 = tpu.matmul %convert_element_type3A_31, %add3A_19, %dot_general3A {dimension_numbers = #tpu.dot_dimension_numbers<[0], [0], [1], [1], [0, 1, 1, 1], [], []>, precision = #tpu.contract_precision<fp32>, transpose_lhs_hint = false} : vector<1000x64xf32>, vector<1000x256xf32>, vector<64x256xf32> -> vector<64x256xf32>
      %mul3A_33 = arith.mulf %add3A_19, %add3A_19 : vector<1000x256xf32>
      %dot_general3A_34 = arith.constant dense<0.000000e+00> : vector<64x256xf32>
      %dot_general3A_35 = tpu.matmul %convert_element_type3A_31, %mul3A_33, %dot_general3A_34 {dimension_numbers = #tpu.dot_dimension_numbers<[0], [0], [1], [1], [0, 1, 1, 1], [], []>, precision = #tpu.contract_precision<fp32>, transpose_lhs_hint = false} : vector<1000x64xf32>, vector<1000x256xf32>, vector<64x256xf32> -> vector<64x256xf32>
      %broadcast_in_dim3A = arith.constant 1.000000e+00 : f32
      %broadcast_in_dim3A_36 = vector.broadcast %broadcast_in_dim3A : f32 to vector<1000x128xf32>
      %dot_general3A_37 = arith.constant dense<0.000000e+00> : vector<64x128xf32>
      %dot_general3A_38 = tpu.matmul %convert_element_type3A_31, %broadcast_in_dim3A_36, %dot_general3A_37 {dimension_numbers = #tpu.dot_dimension_numbers<[0], [0], [1], [1], [0, 1, 1, 1], [], []>, precision = #tpu.contract_precision<fp32>, transpose_lhs_hint = false} : vector<1000x64xf32>, vector<1000x128xf32>, vector<64x128xf32> -> vector<64x128xf32>
      %eq3A_39 = arith.constant 0 : i32
      %eq3A_40 = arith.cmpi eq, %arg1, %eq3A_39 : i32
      %convert_element_type3A_41 = arith.extui %eq3A_40 : i1 to i32
      %cond3A_42 = arith.constant 0 : i32
      %cond3A_43 = arith.cmpi ne, %convert_element_type3A_41, %cond3A_42 : i32
      scf.if %cond3A_43 {
        %broadcast_in_dim3A_65 = arith.constant 0.000000e+00 : f32
        %broadcast_in_dim3A_66 = vector.broadcast %broadcast_in_dim3A_65 : f32 to vector<64x256xf32>
        %swap3A_67 = arith.constant 0 : index
        %swap3A_68 = arith.constant 0 : index
        %swap3A_69 = vector.load %arg14[%swap3A_67, %swap3A_68] : memref<64x256xf32, #tpu.memory_space<vmem>>, vector<64x256xf32>
        tpu.vector_store %arg14[%swap3A_67, %swap3A_68], %broadcast_in_dim3A_66 {strides = array<i32>} : memref<64x256xf32, #tpu.memory_space<vmem>>, vector<64x256xf32>,
        %broadcast_in_dim3A_70 = arith.constant 0.000000e+00 : f32
        %broadcast_in_dim3A_71 = vector.broadcast %broadcast_in_dim3A_70 : f32 to vector<64x256xf32>
        %swap3A_72 = arith.constant 0 : index
        %swap3A_73 = arith.constant 0 : index
        %swap3A_74 = vector.load %arg15[%swap3A_72, %swap3A_73] : memref<64x256xf32, #tpu.memory_space<vmem>>, vector<64x256xf32>
        tpu.vector_store %arg15[%swap3A_72, %swap3A_73], %broadcast_in_dim3A_71 {strides = array<i32>} : memref<64x256xf32, #tpu.memory_space<vmem>>, vector<64x256xf32>,
        %broadcast_in_dim3A_75 = arith.constant 0.000000e+00 : f32
        %broadcast_in_dim3A_76 = vector.broadcast %broadcast_in_dim3A_75 : f32 to vector<64x128xf32>
        %swap3A_77 = arith.constant 0 : index
        %swap3A_78 = arith.constant 0 : index
        %swap3A_79 = vector.load %arg12[%swap3A_77, %swap3A_78] : memref<64x128xf32, #tpu.memory_space<vmem>>, vector<64x128xf32>
        tpu.vector_store %arg12[%swap3A_77, %swap3A_78], %broadcast_in_dim3A_76 {strides = array<i32>} : memref<64x128xf32, #tpu.memory_space<vmem>>, vector<64x128xf32>,
      } else {
      }
      %get3A_44 = arith.constant 0 : index
      %get3A_45 = arith.constant 0 : index
      %get3A_46 = vector.load %arg14[%get3A_44, %get3A_45] : memref<64x256xf32, #tpu.memory_space<vmem>>, vector<64x256xf32>
      %add3A_47 = arith.addf %get3A_46, %dot_general3A_32 : vector<64x256xf32>
      %swap3A_48 = arith.constant 0 : index
      %swap3A_49 = arith.constant 0 : index
      %swap3A_50 = vector.load %arg14[%swap3A_48, %swap3A_49] : memref<64x256xf32, #tpu.memory_space<vmem>>, vector<64x256xf32>
      tpu.vector_store %arg14[%swap3A_48, %swap3A_49], %add3A_47 {strides = array<i32>} : memref<64x256xf32, #tpu.memory_space<vmem>>, vector<64x256xf32>,
      %get3A_51 = arith.constant 0 : index
      %get3A_52 = arith.constant 0 : index
      %get3A_53 = vector.load %arg15[%get3A_51, %get3A_52] : memref<64x256xf32, #tpu.memory_space<vmem>>, vector<64x256xf32>
      %add3A_54 = arith.addf %get3A_53, %dot_general3A_35 : vector<64x256xf32>
      %swap3A_55 = arith.constant 0 : index
      %swap3A_56 = arith.constant 0 : index
      %swap3A_57 = vector.load %arg15[%swap3A_55, %swap3A_56] : memref<64x256xf32, #tpu.memory_space<vmem>>, vector<64x256xf32>
      tpu.vector_store %arg15[%swap3A_55, %swap3A_56], %add3A_54 {strides = array<i32>} : memref<64x256xf32, #tpu.memory_space<vmem>>, vector<64x256xf32>,
      %get3A_58 = arith.constant 0 : index
      %get3A_59 = arith.constant 0 : index
      %get3A_60 = vector.load %arg12[%get3A_58, %get3A_59] : memref<64x128xf32, #tpu.memory_space<vmem>>, vector<64x128xf32>
      %add3A_61 = arith.addf %get3A_60, %dot_general3A_38 : vector<64x128xf32>
      %swap3A_62 = arith.constant 0 : index
      %swap3A_63 = arith.constant 0 : index
      %swap3A_64 = vector.load %arg12[%swap3A_62, %swap3A_63] : memref<64x128xf32, #tpu.memory_space<vmem>>, vector<64x128xf32>
      tpu.vector_store %arg12[%swap3A_62, %swap3A_63], %add3A_61 {strides = array<i32>} : memref<64x128xf32, #tpu.memory_space<vmem>>, vector<64x128xf32>,
    } else {
    }
    %eq3A_2 = arith.constant 1 : i32
    %eq3A_3 = arith.cmpi eq, %arg0, %eq3A_2 : i32
    %convert_element_type3A_4 = arith.extui %eq3A_3 : i1 to i32
    %cond3A_5 = arith.constant 0 : i32
    %cond3A_6 = arith.cmpi ne, %convert_element_type3A_4, %cond3A_5 : i32
    scf.if %cond3A_6 {
      %mul3A = arith.constant 1000 : i32
      %mul3A_7 = arith.muli %arg1, %mul3A : i32
      %get3A = arith.index_cast %mul3A_7 : i32 to index
      %get3A_8 = arith.constant 0 : index
      %get3A_9 = vector.load %arg13[%get3A, %get3A_8] : memref<10000x256xf32, #tpu.memory_space<vmem>>, vector<1000x256xf32>
      %get3A_10 = arith.constant 0 : index
      %get3A_11 = arith.constant 0 : index
      %get3A_12 = vector.load %arg6[%get3A_10, %get3A_11] : memref<1000x1xf32, #tpu.memory_space<vmem>>, vector<1000x1xf32>
      %get3A_13 = arith.constant 0 : index
      %get3A_14 = arith.constant 0 : index
      %get3A_15 = vector.load %arg14[%get3A_13, %get3A_14] : memref<64x256xf32, #tpu.memory_space<vmem>>, vector<64x256xf32>
      %get3A_16 = arith.constant 0 : index
      %get3A_17 = arith.constant 0 : index
      %get3A_18 = vector.load %arg15[%get3A_16, %get3A_17] : memref<64x256xf32, #tpu.memory_space<vmem>>, vector<64x256xf32>
      %get3A_19 = arith.constant 0 : index
      %get3A_20 = arith.constant 0 : index
      %get3A_21 = vector.load %arg12[%get3A_19, %get3A_20] : memref<64x128xf32, #tpu.memory_space<vmem>>, vector<64x128xf32>
      %get3A_22 = arith.constant 0 : index
      %get3A_23 = arith.constant 0 : index
      %get3A_24 = vector.load %arg7[%get3A_22, %get3A_23] : memref<1x256xf32, #tpu.memory_space<vmem>>, vector<1x256xf32>
      %get3A_25 = arith.constant 0 : index
      %get3A_26 = arith.constant 0 : index
      %get3A_27 = vector.load %arg8[%get3A_25, %get3A_26] : memref<1x256xf32, #tpu.memory_space<vmem>>, vector<1x256xf32>
      %get3A_28 = arith.constant 0 : index
      %get3A_29 = arith.constant 0 : index
      %get3A_30 = vector.load %arg9[%get3A_28, %get3A_29] : memref<1x256xf32, #tpu.memory_space<vmem>>, vector<1x256xf32>
      %slice3A = vector.extract_strided_slice %get3A_21 {offsets = [0, 0], sizes = [64, 1], strides = [1, 1]} : vector<64x128xf32> to vector<64x1xf32>
      %max3A = arith.constant 1.000000e+00 : f32
      %max3A_31 = vector.broadcast %max3A : f32 to vector<64x1xf32>
      %max3A_32 = arith.maximumf %slice3A, %max3A_31 : vector<64x1xf32>
      %div3A = vector.broadcast %max3A_32 : vector<64x1xf32> to vector<64x256xf32>
      %div3A_33 = arith.divf %get3A_15, %div3A : vector<64x256xf32>
      %div3A_34 = vector.broadcast %max3A_32 : vector<64x1xf32> to vector<64x256xf32>
      %div3A_35 = arith.divf %get3A_18, %div3A_34 : vector<64x256xf32>
      %mul3A_36 = arith.mulf %div3A_33, %div3A_33 : vector<64x256xf32>
      %mul3A_37 = vector.broadcast %get3A_30 : vector<1x256xf32> to vector<64x256xf32>
      %mul3A_38 = arith.mulf %mul3A_36, %mul3A_37 : vector<64x256xf32>
      %sub3A = arith.constant 2.000000e+00 : f32
      %sub3A_39 = vector.broadcast %sub3A : f32 to vector<1x256xf32>
      %sub3A_40 = arith.subf %get3A_30, %sub3A_39 : vector<1x256xf32>
      %mul3A_41 = vector.broadcast %sub3A_40 : vector<1x256xf32> to vector<64x256xf32>
      %mul3A_42 = arith.mulf %mul3A_38, %mul3A_41 : vector<64x256xf32>
      %add3A = arith.addf %div3A_35, %mul3A_42 : vector<64x256xf32>
      %add3A_43 = arith.constant 9.99999974E-6 : f32
      %add3A_44 = vector.broadcast %add3A_43 : f32 to vector<64x256xf32>
      %add3A_45 = arith.addf %add3A, %add3A_44 : vector<64x256xf32>
      %rsqrt3A = math.rsqrt %add3A_45 : vector<64x256xf32>
      %iota3A = tpu.iota {dimensions = array<i32: 1>} : vector<1000x64xi32>
      %convert_element_type3A_46 = arith.sitofp %iota3A : vector<1000x64xi32> to vector<1000x64xf32>
      %eq3A_47 = vector.broadcast %get3A_12 : vector<1000x1xf32> to vector<1000x64xf32>
      %eq3A_48 = arith.cmpf oeq, %eq3A_47, %convert_element_type3A_46 : vector<1000x64xf32>
      %convert_element_type3A_49 = arith.extui %eq3A_48 : vector<1000x64xi1> to vector<1000x64xi32>
      %convert_element_type3A_50 = arith.sitofp %convert_element_type3A_49 : vector<1000x64xi32> to vector<1000x64xf32>
      %mul3A_51 = vector.broadcast %get3A_30 : vector<1x256xf32> to vector<64x256xf32>
      %mul3A_52 = arith.mulf %mul3A_51, %div3A_33 : vector<64x256xf32>
      %dot_general3A = arith.constant dense<0.000000e+00> : vector<1000x256xf32>
      %dot_general3A_53 = tpu.matmul %convert_element_type3A_50, %mul3A_52, %dot_general3A {dimension_numbers = #tpu.dot_dimension_numbers<[1], [0], [0], [1], [0, 0, 1, 1], [], []>, precision = #tpu.contract_precision<fp32>, transpose_lhs_hint = false} : vector<1000x64xf32>, vector<64x256xf32>, vector<1000x256xf32> -> vector<1000x256xf32>
      %dot_general3A_54 = arith.constant dense<0.000000e+00> : vector<1000x256xf32>
      %dot_general3A_55 = tpu.matmul %convert_element_type3A_50, %rsqrt3A, %dot_general3A_54 {dimension_numbers = #tpu.dot_dimension_numbers<[1], [0], [0], [1], [0, 0, 1, 1], [], []>, precision = #tpu.contract_precision<fp32>, transpose_lhs_hint = false} : vector<1000x64xf32>, vector<64x256xf32>, vector<1000x256xf32> -> vector<1000x256xf32>
      %sub3A_56 = arith.subf %get3A_9, %dot_general3A_53 : vector<1000x256xf32>
      %mul3A_57 = arith.mulf %sub3A_56, %dot_general3A_55 : vector<1000x256xf32>
      %mul3A_58 = vector.broadcast %get3A_24 : vector<1x256xf32> to vector<1000x256xf32>
      %mul3A_59 = arith.mulf %mul3A_57, %mul3A_58 : vector<1000x256xf32>
      %add3A_60 = vector.broadcast %get3A_27 : vector<1x256xf32> to vector<1000x256xf32>
      %add3A_61 = arith.addf %mul3A_59, %add3A_60 : vector<1000x256xf32>
      %max3A_62 = arith.constant 0.000000e+00 : f32
      %max3A_63 = vector.broadcast %max3A_62 : f32 to vector<1000x256xf32>
      %max3A_64 = arith.maximumf %add3A_61, %max3A_63 : vector<1000x256xf32>
      %get3A_65 = arith.constant 0 : index
      %get3A_66 = arith.constant 0 : index
      %get3A_67 = vector.load %arg4[%get3A_65, %get3A_66] : memref<1000x1xf32, #tpu.memory_space<vmem>>, vector<1000x1xf32>
      %mul3A_68 = vector.broadcast %get3A_67 : vector<1000x1xf32> to vector<1000x256xf32>
      %mul3A_69 = arith.mulf %max3A_64, %mul3A_68 : vector<1000x256xf32>
      %get3A_70 = arith.constant 0 : index
      %get3A_71 = arith.constant 0 : index
      %get3A_72 = vector.load %arg10[%get3A_70, %get3A_71] : memref<256x128xf32, #tpu.memory_space<vmem>>, vector<256x128xf32>
      %dot_general3A_73 = arith.constant dense<0.000000e+00> : vector<1000x128xf32>
      %dot_general3A_74 = tpu.matmul %mul3A_69, %get3A_72, %dot_general3A_73 {dimension_numbers = #tpu.dot_dimension_numbers<[1], [0], [0], [1], [0, 0, 1, 1], [], []>, precision = #tpu.contract_precision<fp32>, transpose_lhs_hint = false} : vector<1000x256xf32>, vector<256x128xf32>, vector<1000x128xf32> -> vector<1000x128xf32>
      %swap3A = arith.constant 0 : index
      %swap3A_75 = arith.constant 0 : index
      %swap3A_76 = vector.load %arg11[%swap3A, %swap3A_75] : memref<1000x128xf32, #tpu.memory_space<vmem>>, vector<1000x128xf32>
      tpu.vector_store %arg11[%swap3A, %swap3A_75], %dot_general3A_74 {strides = array<i32>} : memref<1000x128xf32, #tpu.memory_space<vmem>>, vector<1000x128xf32>,
    } else {
    }
    return
  }
  func.func @transform_0(%arg0: i32, %arg1: i32) -> (i32, i32) {
    %c0_i32 = arith.constant 0 : i32
    %c0_i32_0 = arith.constant 0 : i32
    return %arg1, %c0_i32 : i32, i32
  }
  func.func @transform_1(%arg0: i32, %arg1: i32) -> (i32, i32) {
    %add3A = arith.constant 10 : i32
    %add3A_0 = arith.addi %add3A, %arg1 : i32
    %c0_i32 = arith.constant 0 : i32
    %c0_i32_1 = arith.constant 0 : i32
    return %add3A_0, %c0_i32 : i32, i32
  }
  func.func @transform_2(%arg0: i32, %arg1: i32) -> (i32, i32) {
    %c0_i32 = arith.constant 0 : i32
    %c0_i32_0 = arith.constant 0 : i32
    return %arg1, %c0_i32 : i32, i32
  }
  func.func @transform_3(%arg0: i32, %arg1: i32) -> (i32, i32) {
    %c0_i32 = arith.constant 0 : i32
    %c0_i32_0 = arith.constant 0 : i32
    %c0_i32_1 = arith.constant 0 : i32
    return %c0_i32, %c0_i32_0 : i32, i32
  }
  func.func @transform_4(%arg0: i32, %arg1: i32) -> (i32, i32) {
    %c0_i32 = arith.constant 0 : i32
    %c0_i32_0 = arith.constant 0 : i32
    return %arg1, %c0_i32 : i32, i32
  }
  func.func @transform_5(%arg0: i32, %arg1: i32) -> (i32, i32) {
    %c0_i32 = arith.constant 0 : i32
    %c0_i32_0 = arith.constant 0 : i32
    %c0_i32_1 = arith.constant 0 : i32
    return %c0_i32, %c0_i32_0 : i32, i32
  }
  func.func @transform_6(%arg0: i32, %arg1: i32) -> (i32, i32) {
    %c0_i32 = arith.constant 0 : i32
    %c0_i32_0 = arith.constant 0 : i32
    %c0_i32_1 = arith.constant 0 : i32
    return %c0_i32, %c0_i32_0 : i32, i32
  }
  func.func @transform_7(%arg0: i32, %arg1: i32) -> (i32, i32) {
    %c0_i32 = arith.constant 0 : i32
    %c0_i32_0 = arith.constant 0 : i32
    %c0_i32_1 = arith.constant 0 : i32
    return %c0_i32, %c0_i32_0 : i32, i32
  }
  func.func @transform_8(%arg0: i32, %arg1: i32) -> (i32, i32) {
    %c0_i32 = arith.constant 0 : i32
    %c0_i32_0 = arith.constant 0 : i32
    %c0_i32_1 = arith.constant 0 : i32
    return %c0_i32, %c0_i32_0 : i32, i32
  }
  func.func @transform_9(%arg0: i32, %arg1: i32) -> (i32, i32) {
    %c0_i32 = arith.constant 0 : i32
    %c0_i32_0 = arith.constant 0 : i32
    return %arg1, %c0_i32 : i32, i32
  }
  func.func @transform_10(%arg0: i32, %arg1: i32) -> (i32, i32) {
    %c0_i32 = arith.constant 0 : i32
    %c0_i32_0 = arith.constant 0 : i32
    %c0_i32_1 = arith.constant 0 : i32
    return %c0_i32, %c0_i32_0 : i32, i32
  }
}

module attributes {stable_mosaic.version = 14 : i64} {
  func.func @_l2_fused_body(%arg0: i32, %arg1: i32, %arg2: memref<1000x128xf32, #tpu.memory_space<vmem>>, %arg3: memref<1000x128xf32, #tpu.memory_space<vmem>>, %arg4: memref<1000x1xf32, #tpu.memory_space<vmem>>, %arg5: memref<1x128xf32, #tpu.memory_space<vmem>>, %arg6: memref<1000x1xf32, #tpu.memory_space<vmem>>, %arg7: memref<1x128xf32, #tpu.memory_space<vmem>>, %arg8: memref<1x128xf32, #tpu.memory_space<vmem>>, %arg9: memref<1x128xf32, #tpu.memory_space<vmem>>, %arg10: memref<64x128xf32, #tpu.memory_space<vmem>>, %arg11: memref<128x8xf32, #tpu.memory_space<vmem>>, %arg12: memref<1x8xf32, #tpu.memory_space<vmem>>, %arg13: memref<1000x8xf32, #tpu.memory_space<vmem>>, %arg14: memref<10000x128xf32, #tpu.memory_space<vmem>>, %arg15: memref<64x128xf32, #tpu.memory_space<vmem>>, %arg16: memref<64x128xf32, #tpu.memory_space<vmem>>) attributes {dimension_semantics = [#tpu.dimension_semantics<arbitrary>, #tpu.dimension_semantics<arbitrary>], iteration_bounds = array<i64: 2, 10>, scalar_prefetch = 0 : i64, scratch_operands = 3 : i64, tpu.core_type = #tpu.core_type<tc>, window_params = [{transform_indices = @transform_0, window_bounds = array<i64: 1000, 128>}, {transform_indices = @transform_1, window_bounds = array<i64: 1000, 128>}, {transform_indices = @transform_2, window_bounds = array<i64: 1000, 1>}, {pipeline_mode = #tpu.pipeline_mode<synchronous>, transform_indices = @transform_3, window_bounds = array<i64: 1, 128>}, {transform_indices = @transform_4, window_bounds = array<i64: 1000, 1>}, {pipeline_mode = #tpu.pipeline_mode<synchronous>, transform_indices = @transform_5, window_bounds = array<i64: 1, 128>}, {pipeline_mode = #tpu.pipeline_mode<synchronous>, transform_indices = @transform_6, window_bounds = array<i64: 1, 128>}, {pipeline_mode = #tpu.pipeline_mode<synchronous>, transform_indices = @transform_7, window_bounds = array<i64: 1, 128>}, {pipeline_mode = #tpu.pipeline_mode<synchronous>, transform_indices = @transform_8, window_bounds = array<i64: 64, 128>}, {pipeline_mode = #tpu.pipeline_mode<synchronous>, transform_indices = @transform_9, window_bounds = array<i64: 128, 8>}, {pipeline_mode = #tpu.pipeline_mode<synchronous>, transform_indices = @transform_10, window_bounds = array<i64: 1, 8>}, {transform_indices = @transform_11, window_bounds = array<i64: 1000, 8>}]} {
    %eq3A = arith.constant 0 : i32
    %eq3A_0 = arith.cmpi eq, %arg0, %eq3A : i32
    %convert_element_type3A = arith.extui %eq3A_0 : i1 to i32
    %cond3A = arith.constant 0 : i32
    %cond3A_1 = arith.cmpi ne, %convert_element_type3A, %cond3A : i32
    scf.if %cond3A_1 {
      %get3A = arith.constant 0 : index
      %get3A_7 = arith.constant 0 : index
      %get3A_8 = vector.load %arg2[%get3A, %get3A_7] : memref<1000x128xf32, #tpu.memory_space<vmem>>, vector<1000x128xf32>
      %get3A_9 = arith.constant 0 : index
      %get3A_10 = arith.constant 0 : index
      %get3A_11 = vector.load %arg3[%get3A_9, %get3A_10] : memref<1000x128xf32, #tpu.memory_space<vmem>>, vector<1000x128xf32>
      %add3A = arith.addf %get3A_8, %get3A_11 : vector<1000x128xf32>
      %get3A_12 = arith.constant 0 : index
      %get3A_13 = arith.constant 0 : index
      %get3A_14 = vector.load %arg4[%get3A_12, %get3A_13] : memref<1000x1xf32, #tpu.memory_space<vmem>>, vector<1000x1xf32>
      %mul3A = vector.broadcast %get3A_14 : vector<1000x1xf32> to vector<1000x128xf32>
      %mul3A_15 = arith.mulf %add3A, %mul3A : vector<1000x128xf32>
      %get3A_16 = arith.constant 0 : index
      %get3A_17 = arith.constant 0 : index
      %get3A_18 = vector.load %arg5[%get3A_16, %get3A_17] : memref<1x128xf32, #tpu.memory_space<vmem>>, vector<1x128xf32>
      %add3A_19 = vector.broadcast %get3A_18 : vector<1x128xf32> to vector<1000x128xf32>
      %add3A_20 = arith.addf %mul3A_15, %add3A_19 : vector<1000x128xf32>
      %mul3A_21 = arith.constant 1000 : i32
      %mul3A_22 = arith.muli %arg1, %mul3A_21 : i32
      %swap3A = arith.index_cast %mul3A_22 : i32 to index
      %swap3A_23 = arith.constant 0 : index
      %swap3A_24 = vector.load %arg14[%swap3A, %swap3A_23] : memref<10000x128xf32, #tpu.memory_space<vmem>>, vector<1000x128xf32>
      tpu.vector_store %arg14[%swap3A, %swap3A_23], %add3A_20 {strides = array<i32>} : memref<10000x128xf32, #tpu.memory_space<vmem>>, vector<1000x128xf32>,
      %get3A_25 = arith.constant 0 : index
      %get3A_26 = arith.constant 0 : index
      %get3A_27 = vector.load %arg6[%get3A_25, %get3A_26] : memref<1000x1xf32, #tpu.memory_space<vmem>>, vector<1000x1xf32>
      %iota3A = tpu.iota {dimensions = array<i32: 1>} : vector<1000x64xi32>
      %convert_element_type3A_28 = arith.sitofp %iota3A : vector<1000x64xi32> to vector<1000x64xf32>
      %eq3A_29 = vector.broadcast %get3A_27 : vector<1000x1xf32> to vector<1000x64xf32>
      %eq3A_30 = arith.cmpf oeq, %eq3A_29, %convert_element_type3A_28 : vector<1000x64xf32>
      %convert_element_type3A_31 = arith.extui %eq3A_30 : vector<1000x64xi1> to vector<1000x64xi32>
      %convert_element_type3A_32 = arith.sitofp %convert_element_type3A_31 : vector<1000x64xi32> to vector<1000x64xf32>
      %dot_general3A = arith.constant dense<0.000000e+00> : vector<64x128xf32>
      %dot_general3A_33 = tpu.matmul %convert_element_type3A_32, %add3A_20, %dot_general3A {dimension_numbers = #tpu.dot_dimension_numbers<[0], [0], [1], [1], [0, 1, 1, 1], [], []>, precision = #tpu.contract_precision<fp32>, transpose_lhs_hint = false} : vector<1000x64xf32>, vector<1000x128xf32>, vector<64x128xf32> -> vector<64x128xf32>
      %mul3A_34 = arith.mulf %add3A_20, %add3A_20 : vector<1000x128xf32>
      %dot_general3A_35 = arith.constant dense<0.000000e+00> : vector<64x128xf32>
      %dot_general3A_36 = tpu.matmul %convert_element_type3A_32, %mul3A_34, %dot_general3A_35 {dimension_numbers = #tpu.dot_dimension_numbers<[0], [0], [1], [1], [0, 1, 1, 1], [], []>, precision = #tpu.contract_precision<fp32>, transpose_lhs_hint = false} : vector<1000x64xf32>, vector<1000x128xf32>, vector<64x128xf32> -> vector<64x128xf32>
      %eq3A_37 = arith.constant 0 : i32
      %eq3A_38 = arith.cmpi eq, %arg1, %eq3A_37 : i32
      %convert_element_type3A_39 = arith.extui %eq3A_38 : i1 to i32
      %cond3A_40 = arith.constant 0 : i32
      %cond3A_41 = arith.cmpi ne, %convert_element_type3A_39, %cond3A_40 : i32
      scf.if %cond3A_41 {
        %broadcast_in_dim3A = arith.constant 0.000000e+00 : f32
        %broadcast_in_dim3A_56 = vector.broadcast %broadcast_in_dim3A : f32 to vector<64x128xf32>
        %swap3A_57 = arith.constant 0 : index
        %swap3A_58 = arith.constant 0 : index
        %swap3A_59 = vector.load %arg15[%swap3A_57, %swap3A_58] : memref<64x128xf32, #tpu.memory_space<vmem>>, vector<64x128xf32>
        tpu.vector_store %arg15[%swap3A_57, %swap3A_58], %broadcast_in_dim3A_56 {strides = array<i32>} : memref<64x128xf32, #tpu.memory_space<vmem>>, vector<64x128xf32>,
        %broadcast_in_dim3A_60 = arith.constant 0.000000e+00 : f32
        %broadcast_in_dim3A_61 = vector.broadcast %broadcast_in_dim3A_60 : f32 to vector<64x128xf32>
        %swap3A_62 = arith.constant 0 : index
        %swap3A_63 = arith.constant 0 : index
        %swap3A_64 = vector.load %arg16[%swap3A_62, %swap3A_63] : memref<64x128xf32, #tpu.memory_space<vmem>>, vector<64x128xf32>
        tpu.vector_store %arg16[%swap3A_62, %swap3A_63], %broadcast_in_dim3A_61 {strides = array<i32>} : memref<64x128xf32, #tpu.memory_space<vmem>>, vector<64x128xf32>,
      } else {
      }
      %get3A_42 = arith.constant 0 : index
      %get3A_43 = arith.constant 0 : index
      %get3A_44 = vector.load %arg15[%get3A_42, %get3A_43] : memref<64x128xf32, #tpu.memory_space<vmem>>, vector<64x128xf32>
      %add3A_45 = arith.addf %get3A_44, %dot_general3A_33 : vector<64x128xf32>
      %swap3A_46 = arith.constant 0 : index
      %swap3A_47 = arith.constant 0 : index
      %swap3A_48 = vector.load %arg15[%swap3A_46, %swap3A_47] : memref<64x128xf32, #tpu.memory_space<vmem>>, vector<64x128xf32>
      tpu.vector_store %arg15[%swap3A_46, %swap3A_47], %add3A_45 {strides = array<i32>} : memref<64x128xf32, #tpu.memory_space<vmem>>, vector<64x128xf32>,
      %get3A_49 = arith.constant 0 : index
      %get3A_50 = arith.constant 0 : index
      %get3A_51 = vector.load %arg16[%get3A_49, %get3A_50] : memref<64x128xf32, #tpu.memory_space<vmem>>, vector<64x128xf32>
      %add3A_52 = arith.addf %get3A_51, %dot_general3A_36 : vector<64x128xf32>
      %swap3A_53 = arith.constant 0 : index
      %swap3A_54 = arith.constant 0 : index
      %swap3A_55 = vector.load %arg16[%swap3A_53, %swap3A_54] : memref<64x128xf32, #tpu.memory_space<vmem>>, vector<64x128xf32>
      tpu.vector_store %arg16[%swap3A_53, %swap3A_54], %add3A_52 {strides = array<i32>} : memref<64x128xf32, #tpu.memory_space<vmem>>, vector<64x128xf32>,
    } else {
    }
    %eq3A_2 = arith.constant 1 : i32
    %eq3A_3 = arith.cmpi eq, %arg0, %eq3A_2 : i32
    %convert_element_type3A_4 = arith.extui %eq3A_3 : i1 to i32
    %cond3A_5 = arith.constant 0 : i32
    %cond3A_6 = arith.cmpi ne, %convert_element_type3A_4, %cond3A_5 : i32
    scf.if %cond3A_6 {
      %mul3A = arith.constant 1000 : i32
      %mul3A_7 = arith.muli %arg1, %mul3A : i32
      %get3A = arith.index_cast %mul3A_7 : i32 to index
      %get3A_8 = arith.constant 0 : index
      %get3A_9 = vector.load %arg14[%get3A, %get3A_8] : memref<10000x128xf32, #tpu.memory_space<vmem>>, vector<1000x128xf32>
      %get3A_10 = arith.constant 0 : index
      %get3A_11 = arith.constant 0 : index
      %get3A_12 = vector.load %arg6[%get3A_10, %get3A_11] : memref<1000x1xf32, #tpu.memory_space<vmem>>, vector<1000x1xf32>
      %get3A_13 = arith.constant 0 : index
      %get3A_14 = arith.constant 0 : index
      %get3A_15 = vector.load %arg15[%get3A_13, %get3A_14] : memref<64x128xf32, #tpu.memory_space<vmem>>, vector<64x128xf32>
      %get3A_16 = arith.constant 0 : index
      %get3A_17 = arith.constant 0 : index
      %get3A_18 = vector.load %arg16[%get3A_16, %get3A_17] : memref<64x128xf32, #tpu.memory_space<vmem>>, vector<64x128xf32>
      %get3A_19 = arith.constant 0 : index
      %get3A_20 = arith.constant 0 : index
      %get3A_21 = vector.load %arg10[%get3A_19, %get3A_20] : memref<64x128xf32, #tpu.memory_space<vmem>>, vector<64x128xf32>
      %get3A_22 = arith.constant 0 : index
      %get3A_23 = arith.constant 0 : index
      %get3A_24 = vector.load %arg7[%get3A_22, %get3A_23] : memref<1x128xf32, #tpu.memory_space<vmem>>, vector<1x128xf32>
      %get3A_25 = arith.constant 0 : index
      %get3A_26 = arith.constant 0 : index
      %get3A_27 = vector.load %arg8[%get3A_25, %get3A_26] : memref<1x128xf32, #tpu.memory_space<vmem>>, vector<1x128xf32>
      %get3A_28 = arith.constant 0 : index
      %get3A_29 = arith.constant 0 : index
      %get3A_30 = vector.load %arg9[%get3A_28, %get3A_29] : memref<1x128xf32, #tpu.memory_space<vmem>>, vector<1x128xf32>
      %slice3A = vector.extract_strided_slice %get3A_21 {offsets = [0, 0], sizes = [64, 1], strides = [1, 1]} : vector<64x128xf32> to vector<64x1xf32>
      %max3A = arith.constant 1.000000e+00 : f32
      %max3A_31 = vector.broadcast %max3A : f32 to vector<64x1xf32>
      %max3A_32 = arith.maximumf %slice3A, %max3A_31 : vector<64x1xf32>
      %div3A = vector.broadcast %max3A_32 : vector<64x1xf32> to vector<64x128xf32>
      %div3A_33 = arith.divf %get3A_15, %div3A : vector<64x128xf32>
      %div3A_34 = vector.broadcast %max3A_32 : vector<64x1xf32> to vector<64x128xf32>
      %div3A_35 = arith.divf %get3A_18, %div3A_34 : vector<64x128xf32>
      %mul3A_36 = arith.mulf %div3A_33, %div3A_33 : vector<64x128xf32>
      %mul3A_37 = vector.broadcast %get3A_30 : vector<1x128xf32> to vector<64x128xf32>
      %mul3A_38 = arith.mulf %mul3A_36, %mul3A_37 : vector<64x128xf32>
      %sub3A = arith.constant 2.000000e+00 : f32
      %sub3A_39 = vector.broadcast %sub3A : f32 to vector<1x128xf32>
      %sub3A_40 = arith.subf %get3A_30, %sub3A_39 : vector<1x128xf32>
      %mul3A_41 = vector.broadcast %sub3A_40 : vector<1x128xf32> to vector<64x128xf32>
      %mul3A_42 = arith.mulf %mul3A_38, %mul3A_41 : vector<64x128xf32>
      %add3A = arith.addf %div3A_35, %mul3A_42 : vector<64x128xf32>
      %add3A_43 = arith.constant 9.99999974E-6 : f32
      %add3A_44 = vector.broadcast %add3A_43 : f32 to vector<64x128xf32>
      %add3A_45 = arith.addf %add3A, %add3A_44 : vector<64x128xf32>
      %rsqrt3A = math.rsqrt %add3A_45 : vector<64x128xf32>
      %iota3A = tpu.iota {dimensions = array<i32: 1>} : vector<1000x64xi32>
      %convert_element_type3A_46 = arith.sitofp %iota3A : vector<1000x64xi32> to vector<1000x64xf32>
      %eq3A_47 = vector.broadcast %get3A_12 : vector<1000x1xf32> to vector<1000x64xf32>
      %eq3A_48 = arith.cmpf oeq, %eq3A_47, %convert_element_type3A_46 : vector<1000x64xf32>
      %convert_element_type3A_49 = arith.extui %eq3A_48 : vector<1000x64xi1> to vector<1000x64xi32>
      %convert_element_type3A_50 = arith.sitofp %convert_element_type3A_49 : vector<1000x64xi32> to vector<1000x64xf32>
      %mul3A_51 = vector.broadcast %get3A_30 : vector<1x128xf32> to vector<64x128xf32>
      %mul3A_52 = arith.mulf %mul3A_51, %div3A_33 : vector<64x128xf32>
      %dot_general3A = arith.constant dense<0.000000e+00> : vector<1000x128xf32>
      %dot_general3A_53 = tpu.matmul %convert_element_type3A_50, %mul3A_52, %dot_general3A {dimension_numbers = #tpu.dot_dimension_numbers<[1], [0], [0], [1], [0, 0, 1, 1], [], []>, precision = #tpu.contract_precision<fp32>, transpose_lhs_hint = false} : vector<1000x64xf32>, vector<64x128xf32>, vector<1000x128xf32> -> vector<1000x128xf32>
      %dot_general3A_54 = arith.constant dense<0.000000e+00> : vector<1000x128xf32>
      %dot_general3A_55 = tpu.matmul %convert_element_type3A_50, %rsqrt3A, %dot_general3A_54 {dimension_numbers = #tpu.dot_dimension_numbers<[1], [0], [0], [1], [0, 0, 1, 1], [], []>, precision = #tpu.contract_precision<fp32>, transpose_lhs_hint = false} : vector<1000x64xf32>, vector<64x128xf32>, vector<1000x128xf32> -> vector<1000x128xf32>
      %sub3A_56 = arith.subf %get3A_9, %dot_general3A_53 : vector<1000x128xf32>
      %mul3A_57 = arith.mulf %sub3A_56, %dot_general3A_55 : vector<1000x128xf32>
      %mul3A_58 = vector.broadcast %get3A_24 : vector<1x128xf32> to vector<1000x128xf32>
      %mul3A_59 = arith.mulf %mul3A_57, %mul3A_58 : vector<1000x128xf32>
      %add3A_60 = vector.broadcast %get3A_27 : vector<1x128xf32> to vector<1000x128xf32>
      %add3A_61 = arith.addf %mul3A_59, %add3A_60 : vector<1000x128xf32>
      %max3A_62 = arith.constant 0.000000e+00 : f32
      %max3A_63 = vector.broadcast %max3A_62 : f32 to vector<1000x128xf32>
      %max3A_64 = arith.maximumf %add3A_61, %max3A_63 : vector<1000x128xf32>
      %get3A_65 = arith.constant 0 : index
      %get3A_66 = arith.constant 0 : index
      %get3A_67 = vector.load %arg11[%get3A_65, %get3A_66] : memref<128x8xf32, #tpu.memory_space<vmem>>, vector<128x8xf32>
      %dot_general3A_68 = arith.constant dense<0.000000e+00> : vector<1000x8xf32>
      %dot_general3A_69 = tpu.matmul %max3A_64, %get3A_67, %dot_general3A_68 {dimension_numbers = #tpu.dot_dimension_numbers<[1], [0], [0], [1], [0, 0, 1, 1], [], []>, precision = #tpu.contract_precision<fp32>, transpose_lhs_hint = false} : vector<1000x128xf32>, vector<128x8xf32>, vector<1000x8xf32> -> vector<1000x8xf32>
      %get3A_70 = arith.constant 0 : index
      %get3A_71 = arith.constant 0 : index
      %get3A_72 = vector.load %arg12[%get3A_70, %get3A_71] : memref<1x8xf32, #tpu.memory_space<vmem>>, vector<1x8xf32>
      %add3A_73 = vector.broadcast %get3A_72 : vector<1x8xf32> to vector<1000x8xf32>
      %add3A_74 = arith.addf %dot_general3A_69, %add3A_73 : vector<1000x8xf32>
      %swap3A = arith.constant 0 : index
      %swap3A_75 = arith.constant 0 : index
      %swap3A_76 = vector.load %arg13[%swap3A, %swap3A_75] : memref<1000x8xf32, #tpu.memory_space<vmem>>, vector<1000x8xf32>
      tpu.vector_store %arg13[%swap3A, %swap3A_75], %add3A_74 {strides = array<i32>} : memref<1000x8xf32, #tpu.memory_space<vmem>>, vector<1000x8xf32>,
    } else {
    }
    return
  }
  func.func @transform_0(%arg0: i32, %arg1: i32) -> (i32, i32) {
    %c0_i32 = arith.constant 0 : i32
    %c0_i32_0 = arith.constant 0 : i32
    return %arg1, %c0_i32 : i32, i32
  }
  func.func @transform_1(%arg0: i32, %arg1: i32) -> (i32, i32) {
    %c0_i32 = arith.constant 0 : i32
    %c0_i32_0 = arith.constant 0 : i32
    return %arg1, %c0_i32 : i32, i32
  }
  func.func @transform_2(%arg0: i32, %arg1: i32) -> (i32, i32) {
    %c0_i32 = arith.constant 0 : i32
    %c0_i32_0 = arith.constant 0 : i32
    return %arg1, %c0_i32 : i32, i32
  }
  func.func @transform_3(%arg0: i32, %arg1: i32) -> (i32, i32) {
    %c0_i32 = arith.constant 0 : i32
    %c0_i32_0 = arith.constant 0 : i32
    %c0_i32_1 = arith.constant 0 : i32
    return %c0_i32, %c0_i32_0 : i32, i32
  }
  func.func @transform_4(%arg0: i32, %arg1: i32) -> (i32, i32) {
    %c0_i32 = arith.constant 0 : i32
    %c0_i32_0 = arith.constant 0 : i32
    return %arg1, %c0_i32 : i32, i32
  }
  func.func @transform_5(%arg0: i32, %arg1: i32) -> (i32, i32) {
    %c0_i32 = arith.constant 0 : i32
    %c0_i32_0 = arith.constant 0 : i32
    %c0_i32_1 = arith.constant 0 : i32
    return %c0_i32, %c0_i32_0 : i32, i32
  }
  func.func @transform_6(%arg0: i32, %arg1: i32) -> (i32, i32) {
    %c0_i32 = arith.constant 0 : i32
    %c0_i32_0 = arith.constant 0 : i32
    %c0_i32_1 = arith.constant 0 : i32
    return %c0_i32, %c0_i32_0 : i32, i32
  }
  func.func @transform_7(%arg0: i32, %arg1: i32) -> (i32, i32) {
    %c0_i32 = arith.constant 0 : i32
    %c0_i32_0 = arith.constant 0 : i32
    %c0_i32_1 = arith.constant 0 : i32
    return %c0_i32, %c0_i32_0 : i32, i32
  }
  func.func @transform_8(%arg0: i32, %arg1: i32) -> (i32, i32) {
    %c0_i32 = arith.constant 0 : i32
    %c0_i32_0 = arith.constant 0 : i32
    %c0_i32_1 = arith.constant 0 : i32
    return %c0_i32, %c0_i32_0 : i32, i32
  }
  func.func @transform_9(%arg0: i32, %arg1: i32) -> (i32, i32) {
    %c0_i32 = arith.constant 0 : i32
    %c0_i32_0 = arith.constant 0 : i32
    %c0_i32_1 = arith.constant 0 : i32
    return %c0_i32, %c0_i32_0 : i32, i32
  }
  func.func @transform_10(%arg0: i32, %arg1: i32) -> (i32, i32) {
    %c0_i32 = arith.constant 0 : i32
    %c0_i32_0 = arith.constant 0 : i32
    %c0_i32_1 = arith.constant 0 : i32
    return %c0_i32, %c0_i32_0 : i32, i32
  }
  func.func @transform_11(%arg0: i32, %arg1: i32) -> (i32, i32) {
    %c0_i32 = arith.constant 0 : i32
    %c0_i32_0 = arith.constant 0 : i32
    return %arg1, %c0_i32 : i32, i32
  }
}

</mosaic_0001>

<sc_bundles>
// kernel: kernel.11.cloned.1.call-start
scs
__scs_entry_jumppad:
0x0: {  	(pc) =	sbr.rel $0x88, $3  }
0x1: {  	(tag) =	ssettag $0x0;
	lr =	simm.s32 $0x1  }
0x2: {  	[smem:$0x3F92] =	sst lr;
	_ =	strace $0xD0000000  }
0x3: {  	_ = 	snop  }
0x4: {  	_ = 	snop  }
0x5: {  	_ = 	snop  }
0x6: {  	_ = 	snop  }
0x7: {  	_ = 	snop  }
__scs_overlays_trampoline_lowered:
0x8: {  	[smem:$0x3FA1] =	sst s0  }
0x9: {  	[smem:$0x3FA2] =	sst s1  }
0xa: {  	[smem:$0x3FA3] =	sst s2  }
0xb: {  	[smem:$0x3FA4] =	sst s3  }
0xc: {  	[smem:$0x3FA5] =	sst s4  }
0xd: {  	[smem:$0x3FA6] =	sst s5  }
0xe: {  	[smem:$0x3FA7] =	sst s6  }
0xf: {  	[smem:$0x3FA8] =	sst s7  }
0x10: {  	[smem:$0x3FA9] =	sst s8  }
0x11: {  	[smem:$0x3FAA] =	sst s9;
	s0 =	simm.s32 @!p0 $0x0  }
0x12: {  	s1 =	sld [smem:$0x3F90];
	s0 =	simm.s32 @p0 $0x1  }
0x13: {  	[smem:$0x3FAB] =	sst s0;
	s0 =	simm.s32 @!p1 $0x0  }
0x14: {  	s2 =	sld [smem:$0x3F8F];
	s0 =	simm.s32 @p1 $0x1  }
0x15: {  	[smem:$0x3FAC] =	sst s0;
	s0 =	simm.s32 @!p2 $0x0  }
0x16: {  	s3 =	sld [smem:$0x3FDB];
	s0 =	simm.s32 @p2 $0x1  }
0x17: {  	s4 =	simm.s32 $0x1BF5;
	[smem:$0x3FAE] =	sst s0  }
0x18: {  	s0 =	sld [smem:$0x3F91];
	_ =	swait.ge [sflag:s4], $0x0  }
0x19: {  	s7 =	sld [smem:$0x3F92]  }
0x1a: {  	s8 =	sadd.s32 $0xFFFFE003, lr  }
0x1b: {  	s9 =	sadd.s32 $0xFFFFFEF7, lr;
	s5 =	simm.s32 $0xFFFFFFFF;
	p2 =	slt.u32 s8, $0xFFFFF086  }
0x1c: {  	p1 =	slt.u32 s9, $0xF7A;
	s5 =	simm.s32 @!p2 $0x0  }
0x1d: {  	s5 =	simm.s32 @p1 $0x1;
	p0 =	seq.s32 s7, s2  }
0x1e: {  	s7 =	smul.u32 @!p0 $0xF7A, s2;
	p2 =	seq.s32 @!p0 s5, $0x0  }
0x1f: {  	s9 =	smul.u32 $0xF7A, s1;
	s8 =	simm.s32 @!p0 $0x1BF5;
	p2 =	por !p2, p0  }
0x20: {  	[sflag:s8] =	ssyncset.s32 @!p0 $0xFFFFF086;
	s6 =	sadd.s32 @!p0 s3, s7;
	s7 =	simm.s32 @!p0 $0x108  }
0x21: {  	s3 =	sadd.s32 s3, s9;
	s6 =	sadd.s32 @!p0 $0x88, s6;
	s7 =	simm.s32 @p2 $0x1082  }
0x22: {  	[simem:s7], [sflag:s8] =	dma.local @!p0 [hbm:s6], $0xF7A  }
0x23: {  	s9 =	sor.u32 $0xD0000000, s2;
	s6 =	simm.s32 $0x108;
	_ =	swait.ge @!p0 [sflag:s8], $0x0  }
0x24: {  	s3 =	sadd.s32 $0x88, s3;
	s6 =	simm.s32 @!p1 $0x1082;
	[sflag:s4] =	ssyncset.s32 $0xFFFFF086  }
0x25: {  	[simem:s6], [sflag:s4] =	dma.local [hbm:s3], $0xF7A  }
0x26: {  	[smem:$0x3F92] =	sst s1;
	(tag) =	ssettag s2;
	_ =	strace s9  }
0x27: {  	s1 =	sld [smem:$0x3FA2]  }
0x28: {  	s2 =	sld [smem:$0x3FA3]  }
0x29: {  	s4 =	sld [smem:$0x3FA5]  }
0x2a: {  	p0 =	seq.s32 s5, $0x0;
	s5 =	sld [smem:$0x3FA6]  }
0x2b: {  	s6 =	sld [smem:$0x3FA7]  }
0x2c: {  	s7 =	sld [smem:$0x3FA8]  }
0x2d: {  	s3 =	simm.s32 $0x108;
	s8 =	sld [smem:$0x3FA9]  }
0x2e: {  	s3 =	simm.s32 @!p0 $0x1082;
	s9 =	sld [smem:$0x3FAA]  }
0x2f: {  	lr =	sadd.s32 s0, s3;
	s0 =	sld [smem:$0x3FA1]  }
0x30: {  	s3 =	sld [smem:$0x3FA4]  }
0x31: {  	[smem:$0x3FAD] =	sst s10  }
0x32: {  	s10 =	sld [smem:$0x3FAB];
	_ =	sdelay $0x3  }
0x33: {  	p0 =	seq.s32 s10, $0x1;
	s10 =	sld [smem:$0x3FAD];
	_ =	sdelay $0x3  }
0x34: {  	[smem:$0x3FAD] =	sst s10  }
0x35: {  	s10 =	sld [smem:$0x3FAC];
	_ =	sdelay $0x3  }
0x36: {  	p1 =	seq.s32 s10, $0x1;
	s10 =	sld [smem:$0x3FAD];
	_ =	sdelay $0x3  }
0x37: {  	[smem:$0x3FAD] =	sst s10  }
0x38: {  	s10 =	sld [smem:$0x3FAE]  }
0x39: {  	_ = 	snop;
	(pc) =	sbr.ind lr, $3  }
0x3a: {  	_ = 	snop  }
0x3b: {  	_ = 	snop  }
0x3c: {  	p2 =	seq.s32 s10, $0x1;
	s10 =	sld [smem:$0x3FAD]  }
0x3d: {  	_ =	shalt  }
0x3e: {  	_ =	shalt  }
0x3f: {  	_ =	shalt  }
0x40: {  	_ =	shalt  }
0x41: {  	_ =	shalt  }
0x42: {  	_ =	shalt  }
0x43: {  	_ =	shalt  }
0x44: {  	_ =	shalt  }
0x45: {  	_ =	shalt  }
0x46: {  	_ =	shalt  }
0x47: {  	_ =	shalt  }
0x48: {  	_ =	shalt  }
0x49: {  	_ =	shalt  }
0x4a: {  	_ =	shalt  }
0x4b: {  	_ =	shalt  }
0x4c: {  	_ =	shalt  }
0x4d: {  	_ =	shalt  }
0x4e: {  	_ =	shalt  }
0x4f: {  	_ =	shalt  }
0x50: {  	_ =	shalt  }
0x51: {  	_ =	shalt  }
0x52: {  	_ =	shalt  }
0x53: {  	_ =	shalt  }
0x54: {  	_ =	shalt  }
0x55: {  	_ =	shalt  }
0x56: {  	_ =	shalt  }
0x57: {  	_ =	shalt  }
0x58: {  	_ =	shalt  }
0x59: {  	_ =	shalt  }
0x5a: {  	_ =	shalt  }
0x5b: {  	_ =	shalt  }
0x5c: {  	_ =	shalt  }
0x5d: {  	_ =	shalt  }
0x5e: {  	_ =	shalt  }
0x5f: {  	_ =	shalt  }
0x60: {  	_ =	shalt  }
0x61: {  	_ =	shalt  }
0x62: {  	_ =	shalt  }
0x63: {  	_ =	shalt  }
0x64: {  	_ =	shalt  }
0x65: {  	_ =	shalt  }
0x66: {  	_ =	shalt  }
0x67: {  	_ =	shalt  }
0x68: {  	_ =	shalt  }
0x69: {  	_ =	shalt  }
0x6a: {  	_ =	shalt  }
0x6b: {  	_ =	shalt  }
0x6c: {  	_ =	shalt  }
0x6d: {  	_ =	shalt  }
0x6e: {  	_ =	shalt  }
0x6f: {  	_ =	shalt  }
0x70: {  	_ =	shalt  }
0x71: {  	_ =	shalt  }
0x72: {  	_ =	shalt  }
0x73: {  	_ =	shalt  }
0x74: {  	_ =	shalt  }
0x75: {  	_ =	shalt  }
0x76: {  	_ =	shalt  }
0x77: {  	_ =	shalt  }
0x78: {  	_ =	shalt  }
0x79: {  	_ =	shalt  }
0x7a: {  	_ =	shalt  }
0x7b: {  	_ =	shalt  }
0x7c: {  	_ =	shalt  }
0x7d: {  	_ =	shalt  }
0x7e: {  	_ =	shalt  }
0x7f: {  	_ =	shalt  }
0x80: {  	_ =	shalt  }
0x81: {  	_ =	shalt  }
0x82: {  	_ =	shalt  }
0x83: {  	_ =	shalt  }
0x84: {  	_ =	shalt  }
0x85: {  	_ =	shalt  }
0x86: {  	_ =	shalt  }
0x87: {  	_ =	shalt  }
.Lfunc_end0:
.L_simem_size_0:
called_computation.1_lowered:
.L_overlay_start_0:
0x88: {  	s2 =	sld [smem:$0x3FD9]  }
0x89: {  	s3 =	sld [smem:$0x3FFE];
	_ =	sdelay $0x1  }
0x8a: {  	s1 =	srdreg.scid  }
0x8b: {  	s0 =	sand.u32 $0x1, s1  }
0x8c: {  	s16 =	sshll.u32 s0, $0xA;
	s2 =	sadd.s32 s3, s2  }
0x8d: {  	s2 =	sadd.s32 s2, s16  }
0x8e: {  	[smem:$0x3FB9] =	sst s2  }
0x8f: {  	_ = 	snop  }
0x90: {  	(tm) =	ssettm $0x1  }
0x91: {  	s17 =	sld [smem:$0x3FFB];
	_ =	sdelay $0x3  }
0x92: {  	_ =	strace s17  }
0x93: {  	s2 =	sld [smem:$0x3FFC];
	_ =	sdelay $0x3  }
0x94: {  	_ =	strace s2  }
0x95: {  	s2 =	sld [smem:$0x3FFD];
	_ =	sdelay $0x3  }
0x96: {  	_ =	strace s2  }
0x97: {  	_ =	strace $0x8FFFFFFF  }
0x98: {  	s18 =	sld [smem:$0x3FDB];
	_ =	sdelay $0x1  }
0x99: {  	s19 =	simm.s32 $_scs_section_size  }
0x9a: {  	s4 =	simm.s32 $_size__tile_overlayer_lowered;
	s5 =	simm.s32 $_tile_overlayer_lowered  }
0x9b: {  	s22 =	simm.s32 $0x1BFF;
	s21 =	sshll.u32 s5, $0x1;
	s2 =	sadd.s32 s19, s18  }
0x9c: {  	s6 =	simm.s32 $0x0;
	s20 =	sshll.u32 s4, $0x1;
	s4 =	sadd.s32 s21, s2  }
0x9d: {  	[timem:s6], [sflag:s22] =	dma.local [hbm:s4], s20  }
0x9e: {  	_ =	swait.ge [sflag:s22], s20  }
0x9f: {  	s3 =	ssub.s32 $0x0, s20;
	[sflag:s22] =	ssyncset.done $0x0  }
0xa0: {  	[sflag:s22] =	ssyncadd.s32 s3;
	_ =	sdelay $0x1  }
0xa1: {  	s23 =	simm.s32 $0x1B8B  }
0xa2: {  	_ =	swait.ge [sflag:s23], $0x1  }
0xa3: {  	[sflag:s23] =	ssyncset.done $0x0  }
0xa4: {  	s25 =	simm.s32 $0x1B8E;
	s24 =	sld [smem:$0x3FFE];
	[sflag:s23] =	ssyncadd.s32 $0xFFFFFFFF  }
0xa5: {  	s26 =	simm.s32 $execute0_lowered;
	[smem:$0x3FD2] =	sst s25  }
0xa6: {  	s4 =	sshll.u32 s26, $0x1;
	_ =	strace $0x80000049;
	[dreg:$0x1] =	wrdreg $0xFFFFFFFF  }
0xa7: {  	s28 =	simm.s32 $_size_execute0_lowered;
	s2 =	sadd.s32 s2, s4;
	[dreg:$0x0] =	wrdreg $0x0  }
0xa8: {  	s4 =	sshll.u32 s28, $0x1;
	[dreg:$0x2] =	wrdreg s2  }
0xa9: {  	[dreg:$0x3] =	wrdreg s4  }
0xaa: {  	[dreg:$0x4] =	wrdreg $0xC0  }
0xab: {  	_ =	task [dreg:s6], $0x5FFFF  }
0xac: {  	[dreg:$0x1] =	wrdreg $0xFFFFFFFF  }
0xad: {  	[dreg:$0x0] =	wrdreg $0x60  }
0xae: {  	[dreg:$0x2] =	wrdreg s24  }
0xaf: {  	[dreg:$0x3] =	wrdreg $0xA4000  }
0xb0: {  	[dreg:$0x4] =	wrdreg $0x9  }
0xb1: {  	_ =	task.clear_ibuf [dreg:s6], $0x5FFFF;
	_ =	strace $0x90000049  }
0xb2: {  	s29 =	simm.s32 $0x9;
	_ =	strace $0x8000004B  }
0xb3: {  	_ =	swait.ge [sflag:s29], $0x1  }
0xb4: {  	[sflag:s29] =	ssyncadd.s32 $0xFFFFFFFF  }
0xb5: {  	_ =	strace $0x9000004B  }
0xb6: {  	_ =	sfence  }
0xb7: {  	s30 =	sld [smem:$0x0];
	_ =	sdelay $0x2  }
0xb8: {  	s31 =	sshll.u32 s1, $0xD;
	s1 =	sshrl.u32 s1, $0x2  }
0xb9: {  	s3 =	sand.u32 $0x4000, s31;
	s1 =	sadd.s32 s1, s30  }
0xba: {  	s0 =	sor.u32 s3, s0;
	s1 =	sshll.u32 s1, $0x11  }
0xbb: {  	s0 =	sor.u32 s1, s0  }
0xbc: {  	s0 =	sadd.s32 $0x8F2B, s0  }
0xbd: {  	[sflag:s0] =	ssyncadd.remote.s32 $0x1  }
0xbe: {  	_ =	sfence.sel $0xFFFF  }
0xbf: {  	[dreg:$0x0] =	wrdreg $0xFFFFFFFF;
	(pc) =	sbr.abs _section_cstart, $3  }
0xc0: {  	[dreg:$0x1] =	wrdreg $0xFFFFFFFF  }
0xc1: {  	_ =	task.clear_ibuf [dreg:s6], $0x2FFFF;
	_ =	strace $0x9FFFFFFF  }
0xc2: {  	(tm) =	ssettm $0x7FFFFFFF  }
0xc3: {  	_ =	shalt  }
tec
execute0_lowered:
.L_overlay_start_1:
0x0: {  	(tag) =	ssettag $0x1  }
0x1: {  	s0 =	rddreg [dreg:$0x0]  }
0x2: {  	s1 =	rddreg [dreg:$0x1];
	s2 =	simm.s32 $0x0;
	s3 =	srdreg.scid  }
0x3: {  	s11 =	stileid.u32;
	s12 =	simm.s32 $0x5;
	s17 =	simm.s32 $0x400  }
0x4: {  	s18 =	simm.s32 $0xD;
	s19 =	simm.s32 $0x200;
	s20 =	simm.s32 $0x80  }
0x5: {  	s28 =	simm.s32 $0x2C00;
	s30 =	simm.s32 $0x380;
	s6 =	smul.u32 $0x4E20, s11  }
0x6: {  	s31 =	simm.s32 $0x3;
	s29 =	simm.s32 $0x2C00;
	s22 =	smul.u32 $0x50000, s11  }
0x7: {  	[smem:$0x7FF] =	sst s2;
	s3 =	sand.u32 $0x1, s3;
	s24 =	smul.u32 $0x2800, s11  }
0x8: {  	s4 =	sadd.s32 $0x17A00, s0;
	p0 =	seq.s32 s11, $0xF;
	s11 =	smul.u32 $0x9C4, s11  }
0x9: {  	s5 =	sadd.s32 $0x4000, s0;
	_ =	strace $0x8000004A;
	s8 =	smul.u32 $0x27100, s3  }
0xa: {  	s7 =	ssub.s32 $0x2, s3;
	s14 =	smul.u32 $0x2710, s3;
	s12 =	simm.s32 @!p0 $0x8  }
0xb: {  	s9 =	sshrl.u32 s7, $0x1;
	s21 =	sshrl.u32 s6, $0x3;
	s3 =	sshrl.u32 s22, $0x2  }
0xc: {  	s26 =	sadd.s32 s11, s5;
	s22 =	simm.s32 $0x1;
	s11 =	simm.s32 $0x4  }
0xd: {  	[dreg:$0x4] =	wrdreg s12;
	s0 =	sadd.s32 s8, s0;
	s9 =	ssub.s32 s7, s9  }
0xe: {  	s7 =	simm.s32 $0x5;
	s13 =	sadd.s32 s5, s21;
	[dreg:$0x3] =	wrdreg s26  }
0xf: {  	s15 =	sadd.s32 s3, s1;
	s25 =	sadd.s32 s8, s4;
	[dreg:$0x5] =	wrdreg s13  }
0x10: {  	s21 =	simm.s32 $0x280;
	s10 =	sadd.s32 $0x9C40, s13;
	[dreg:$0xa] =	wrdreg s15  }
0x11: {  	s26 =	simm.s32 $0x2;
	s23 =	sadd.s32 $0x9BA, s13;
	[dreg:$0x6] =	wrdreg s10  }
0x12: {  	s13 =	sadd.s32 $0xA5FA, s13;
	s9 =	smax.u32 s9, $0x1;
	[dreg:$0x7] =	wrdreg s23  }
0x13: {  	s3 =	sadd.s32 s24, s25;
	s0 =	sadd.s32 s24, s0;
	[dreg:$0x8] =	wrdreg s13  }
0x14: {  	s24 =	simm.s32 $0x100;
	s25 =	simm.s32 $0x300;
	[dreg:$0x9] =	wrdreg s9  }
0x15: {  	[dreg:$0xb] =	wrdreg s3;
	s0 =	sadd.s32 $0x65C00, s0;
	s23 =	simm.s32 $0x50  }
0x16: {  	s3 =	simm.s32 $0x6;
	s10 =	simm.s32 $0x9;
	s13 =	simm.s32 $0x7  }
0x17: {  	v0 =	vmov s14;
	s9 =	simm.s32 $0x0;
	[dreg:$0xc] =	wrdreg s0;
	s0 =	simm.s32 $0x180  }
.LBB2_1:
0x18: {  	[dreg:$0xd] =	wrdreg s9  }
0x19: {  	s14 =	rddreg [dreg:$0xb]  }
0x1a: {  	[tilespmem:s17], [sflag:$0xD] =	stream.linear.gather [hbm4b:s14+s2], $0x2800, $0x38;
	[tilespmem:$0x1DC80] =	vst v63  }
0x1b: {  	p0 =	sne.s32 s12, $0x1;
	_ =	swait.ge [sflag:s18], $0x2800  }
.Ltmp0:
0x1c: {  	[sflag:s18] =	ssyncset.done $0x0;
	(pc) =	sbr.rel @!p0 .LBB2_3-.Ltmp0, $4  }
0x1d: {  	[sflag:s18] =	ssyncadd.s32 $0xFFFFD800  }
0x1e: {  	[spmem:s15] =	stream.linear.scatter [tilespmem:s17], [sflag:$0xD], $0x2800, $0x38;
	[tilespmem:$0x1DC80] =	vst v63  }
0x1f: {  	_ =	swait.ge [sflag:s18], $0x2800  }
0x20: {  	s8 =	sadd.s32 $0xFFFFFFFF, s12;
	s9 =	smov.u32 s15;
	[sflag:s18] =	ssyncset.done $0x0  }
.LBB2_2:
0x21: {  	[sflag:s18] =	ssyncadd.s32 $0xFFFFD800;
	s9 =	sadd.s32 $0x2800, s9;
	s14 =	sadd.s32 $0x500, s14  }
0x22: {  	[tilespmem:s17], [sflag:$0xD] =	stream.linear.gather [hbm4b:s14+s2], $0x2800, $0x38;
	[tilespmem:$0x1DC80] =	vst v63  }
0x23: {  	p1 =	sne.s32 s8, $0x1;
	s8 =	sadd.s32 $0xFFFFFFFF, s8;
	_ =	swait.ge [sflag:s18], $0x2800  }
.Ltmp1:
0x24: {  	[sflag:s18] =	ssyncset.done $0x0;
	(pc) =	sbr.rel @p1 .LBB2_2-.Ltmp1, $4  }
0x25: {  	[sflag:s18] =	ssyncadd.s32 $0xFFFFD800  }
0x26: {  	[spmem:s9] =	stream.linear.scatter [tilespmem:s17], [sflag:$0xD], $0x2800, $0x38;
	[tilespmem:$0x1DC80] =	vst v63  }
0x27: {  	_ =	swait.ge [sflag:s18], $0x2800  }
0x28: {  	[sflag:s18] =	ssyncset.done $0x0  }
.LBB2_3:
0x29: {  	[sflag:s18] =	ssyncadd.s32 $0xFFFFD800  }
0x2a: {  	[bflag:$0x0] =	sbarrier.arrive $0xFFFF  }
0x2b: {  	s8 =	simm.s32 $0x0;
	s9 =	rddreg [dreg:$0x5]  }
0x2c: {  	[tilespmem:s8], [sflag:$0x1] =	stream.linear.gather [hbm4b:s9+s8], $0x50, $0x38;
	[tilespmem:$0x1DC80] =	vst v63  }
0x2d: {  	p1 =	por $0x1, $0x1;
	s16 =	rddreg [dreg:$0x6]  }
0x2e: {  	[tilespmem:s19], [sflag:$0x1] =	stream.linear.gather [hbm4b:s16+s8], $0x50, $0x38;
	[tilespmem:$0x1DC80] =	vst v63  }
0x2f: {  	s8 =	simm.s32 @!p1 $0xA  }
0x30: {  	_ =	swait.ge @!p1 [sflag:s8], $0x2800  }
0x31: {  	s12 =	rddreg [dreg:$0x3]  }
0x32: {  	[sflag:s8] =	ssyncset.done @!p1 $0x0;
	s16 =	sadd.s32 $0x0, s12  }
0x33: {  	[sflag:s8] =	ssyncadd.s32 @!p1 $0xFFFFD800;
	s14 =	sadd.s32 $0xA, s16  }
0x34: {  	[tilespmem:s20], [sflag:$0x2] =	stream.linear.gather [hbm4b:s14+s2], $0x50, $0x38;
	[tilespmem:$0x1DC80] =	vst v63  }
0x35: {  	s15 =	sadd.s32 $0x9C4A, s16  }
0x36: {  	[tilespmem:s21], [sflag:$0x2] =	stream.linear.gather [hbm4b:s15+s2], $0x50, $0x38;
	[tilespmem:$0x1DC80] =	vst v63  }
0x37: {  	_ =	swait.ge [sflag:s22], $0x50  }
0x38: {  	[sflag:s22] =	ssyncset.done $0x0  }
0x39: {  	[sflag:s22] =	ssyncadd.s32 $0xFFFFFFB0  }
0x3a: {  	_ =	swait.ge [sflag:s22], $0x50  }
0x3b: {  	[sflag:s22] =	ssyncset.done $0x0  }
0x3c: {  	[sflag:s22] =	ssyncadd.s32 $0xFFFFFFB0  }
0x3d: {  	v1 =	vld [tilespmem:$0x30]  }
0x3e: {  	v2 =	vld [tilespmem:$0x40]  }
0x3f: {  	v3 =	vld [tilespmem:$0x20]  }
0x40: {  	v4 =	vld [tilespmem:$0x10]  }
0x41: {  	v5 =	vld [tilespmem:$0x0]  }
0x42: {  	v1 =	vadd.s32 v0, v1  }
0x43: {  	[tilespmem:$0x30] =	vst v1;
	v1 =	vadd.s32 v0, v2  }
0x44: {  	v2 =	vadd.s32 v0, v3;
	[tilespmem:$0x40] =	vst v1  }
0x45: {  	v1 =	vadd.s32 v0, v4;
	[tilespmem:$0x20] =	vst v2  }
0x46: {  	v2 =	vadd.s32 v0, v5;
	[tilespmem:$0x10] =	vst v1  }
0x47: {  	s8 =	simm.s32 @!p1 $0x8;
	[tilespmem:$0x0] =	vst v2  }
0x48: {  	[tilespmem:s17], [sflag:$0x5] =	stream.indirect.gather [hbm4b:s4+s23], $0x80, s2, s23, $0xb8;
	[tilespmem:$0x1DC80] =	vst v63  }
0x49: {  	_ =	swait.ge @!p1 [sflag:s8], $0x2800  }
0x4a: {  	s9 =	simm.s32 @!p1 $0x7C00;
	[sflag:s8] =	ssyncset.done @!p1 $0x0  }
0x4b: {  	s14 =	simm.s32 @!p1 $0x380;
	[sflag:s8] =	ssyncadd.s32 @!p1 $0xFFFFD800;
	s8 =	simm.s32 @!p1 $0x50  }
0x4c: {  	[spmem:s1] =	stream.indirect.scatter.add.f32 @!p1 [tilespmem:s9], [sflag:$0xC], $0x80, s14, s8, $0xb8;
	[tilespmem:$0x1DC80] =	vst v63  }
0x4d: {  	s8 =	simm.s32 @!p1 $0xA0  }
0x4e: {  	s9 =	simm.s32 @!p1 $0xB;
	s8 =	simm.s32 @p1 $0xA0  }
0x4f: {  	_ =	swait.ge @!p1 [sflag:s9], $0x2800;
	s8 =	sadd.s32 s6, s8  }
0x50: {  	[sflag:s9] =	ssyncset.done @!p1 $0x0;
	s8 =	sshrl.u32 s8, $0x3  }
0x51: {  	[sflag:s9] =	ssyncadd.s32 @!p1 $0xFFFFD800;
	s8 =	sadd.s32 s5, s8  }
0x52: {  	[tilespmem:s24], [sflag:$0x3] =	stream.linear.gather [hbm4b:s8+s2], $0x50, $0x38;
	[tilespmem:$0x1DC80] =	vst v63  }
0x53: {  	s8 =	sadd.s32 $0x9C40, s8  }
0x54: {  	[tilespmem:s25], [sflag:$0x3] =	stream.linear.gather [hbm4b:s8+s2], $0x50, $0x38;
	[tilespmem:$0x1DC80] =	vst v63  }
0x55: {  	_ =	swait.ge [sflag:s26], $0x50  }
0x56: {  	[sflag:s26] =	ssyncset.done $0x0  }
0x57: {  	[sflag:s26] =	ssyncadd.s32 $0xFFFFFFB0  }
0x58: {  	_ =	swait.ge [sflag:s26], $0x50  }
0x59: {  	[sflag:s26] =	ssyncset.done $0x0  }
0x5a: {  	[sflag:s26] =	ssyncadd.s32 $0xFFFFFFB0  }
0x5b: {  	v1 =	vld [tilespmem:$0x80]  }
0x5c: {  	v2 =	vld [tilespmem:$0x90]  }
0x5d: {  	v5 =	vld [tilespmem:$0xB0]  }
0x5e: {  	v3 =	vld [tilespmem:$0xA0]  }
0x5f: {  	v4 =	vld [tilespmem:$0xC0]  }
0x60: {  	v1 =	vadd.s32 v0, v1  }
0x61: {  	[tilespmem:$0x80] =	vst v1;
	v1 =	vadd.s32 v0, v2  }
0x62: {  	v2 =	vadd.s32 v0, v5;
	[tilespmem:$0x90] =	vst v1  }
0x63: {  	v1 =	vadd.s32 v0, v3;
	[tilespmem:$0xB0] =	vst v2  }
0x64: {  	[tilespmem:$0xA0] =	vst v1;
	v1 =	vadd.s32 v0, v4  }
0x65: {  	[tilespmem:$0xC0] =	vst v1  }
0x66: {  	[tilespmem:s28], [sflag:$0x6] =	stream.indirect.gather [hbm4b:s4+s23], $0x80, s20, s23, $0xb8;
	[tilespmem:$0x1DC80] =	vst v63  }
0x67: {  	_ =	swait.ge [sflag:s7], $0x2800  }
0x68: {  	s8 =	simm.s32 $0xF0;
	[sflag:s7] =	ssyncset.done $0x0  }
0x69: {  	s9 =	simm.s32 @!p1 $0xC;
	s8 =	simm.s32 @p1 $0xF0;
	[sflag:s7] =	ssyncadd.s32 $0xFFFFD800  }
0x6a: {  	[spmem:s1] =	stream.indirect.scatter.add.f32 [tilespmem:s17], [sflag:$0x9], $0x80, s19, s23, $0xb8;
	[tilespmem:$0x1DC80] =	vst v63  }
0x6b: {  	s8 =	sadd.s32 s6, s8;
	_ =	swait.ge @!p1 [sflag:s9], $0x2800  }
0x6c: {  	s8 =	sshrl.u32 s8, $0x3;
	[sflag:s9] =	ssyncset.done @!p1 $0x0  }
0x6d: {  	s8 =	sadd.s32 s5, s8;
	[sflag:s9] =	ssyncadd.s32 @!p1 $0xFFFFD800  }
0x6e: {  	[tilespmem:s0], [sflag:$0x4] =	stream.linear.gather [hbm4b:s8+s2], $0x50, $0x38;
	[tilespmem:$0x1DC80] =	vst v63  }
0x6f: {  	s8 =	sadd.s32 $0x9C40, s8  }
0x70: {  	[tilespmem:s30], [sflag:$0x4] =	stream.linear.gather [hbm4b:s8+s2], $0x50, $0x38;
	[tilespmem:$0x1DC80] =	vst v63  }
0x71: {  	_ =	swait.ge [sflag:s31], $0x50  }
0x72: {  	[sflag:s31] =	ssyncset.done $0x0  }
0x73: {  	[sflag:s31] =	ssyncadd.s32 $0xFFFFFFB0  }
0x74: {  	_ =	swait.ge [sflag:s31], $0x50  }
0x75: {  	[sflag:s31] =	ssyncset.done $0x0  }
0x76: {  	[sflag:s31] =	ssyncadd.s32 $0xFFFFFFB0  }
0x77: {  	v3 =	vld [tilespmem:$0x100]  }
0x78: {  	v4 =	vld [tilespmem:$0x110];
	_ =	sdelay $0x2  }
0x79: {  	v1 =	vld [tilespmem:$0x120]  }
0x7a: {  	s21 =	simm.s32 $0x5400;
	s24 =	simm.s32 $0x280;
	s25 =	simm.s32 $0x100;
	v2 =	vld [tilespmem:$0x130];
	v5 =	vadd.s32 v0, v3  }
0x7b: {  	s28 =	simm.s32 $0x300;
	s9 =	simm.s32 $0x28;
	s8 =	simm.s32 $0xF0;
	v3 =	vld [tilespmem:$0x140];
	v4 =	vadd.s32 v0, v4;
	[tilespmem:$0x100] =	vst v5  }
.LBB2_4:
0x7c: {  	_ =	sdelay $0x2  }
0x7d: {  	[tilespmem:$0x110] =	vst v4;
	v2 =	vadd.s32 v0, v2  }
0x7e: {  	v1 =	vadd.s32 v0, v1;
	[tilespmem:$0x130] =	vst v2  }
0x7f: {  	v2 =	vadd.s32 v0, v3;
	[tilespmem:$0x120] =	vst v1  }
0x80: {  	[tilespmem:$0x140] =	vst v2  }
0x81: {  	[tilespmem:s21], [sflag:$0x7] =	stream.indirect.gather [hbm4b:s4+s23], $0x80, s25, s23, $0xb8;
	[tilespmem:$0x1DC80] =	vst v63  }
0x82: {  	_ =	swait.ge [sflag:s3], $0x2800  }
0x83: {  	[sflag:s3] =	ssyncset.done $0x0  }
0x84: {  	[sflag:s3] =	ssyncadd.s32 $0xFFFFD800  }
0x85: {  	[spmem:s1] =	stream.indirect.scatter.add.f32 [tilespmem:s29], [sflag:$0xA], $0x80, s24, s23, $0xb8;
	[tilespmem:$0x1DC80] =	vst v63  }
0x86: {  	_ =	swait.ge [sflag:s10], $0x2800  }
0x87: {  	[sflag:s10] =	ssyncset.done $0x0  }
0x88: {  	s14 =	sadd.s32 $0x28, s16;
	[sflag:s10] =	ssyncadd.s32 $0xFFFFD800  }
0x89: {  	[tilespmem:s2], [sflag:$0x1] =	stream.linear.gather [hbm4b:s14+s2], $0x50, $0x38;
	[tilespmem:$0x1DC80] =	vst v63  }
0x8a: {  	s16 =	sadd.s32 $0x9C68, s16  }
0x8b: {  	[tilespmem:s19], [sflag:$0x1] =	stream.linear.gather [hbm4b:s16+s2], $0x50, $0x38;
	[tilespmem:$0x1DC80] =	vst v63  }
0x8c: {  	_ =	swait.ge [sflag:s11], $0x50  }
0x8d: {  	[sflag:s11] =	ssyncset.done $0x0  }
0x8e: {  	[sflag:s11] =	ssyncadd.s32 $0xFFFFFFB0  }
0x8f: {  	_ =	swait.ge [sflag:s11], $0x50  }
0x90: {  	[sflag:s11] =	ssyncset.done $0x0  }
0x91: {  	[sflag:s11] =	ssyncadd.s32 $0xFFFFFFB0  }
0x92: {  	v1 =	vld [tilespmem:$0x180]  }
0x93: {  	v2 =	vld [tilespmem:$0x190]  }
0x94: {  	v5 =	vld [tilespmem:$0x1B0]  }
0x95: {  	v3 =	vld [tilespmem:$0x1A0]  }
0x96: {  	v4 =	vld [tilespmem:$0x1C0]  }
0x97: {  	v1 =	vadd.s32 v0, v1  }
0x98: {  	[tilespmem:$0x180] =	vst v1;
	v1 =	vadd.s32 v0, v2  }
0x99: {  	v2 =	vadd.s32 v0, v5;
	[tilespmem:$0x190] =	vst v1  }
0x9a: {  	v1 =	vadd.s32 v0, v3;
	[tilespmem:$0x1B0] =	vst v2  }
0x9b: {  	[tilespmem:$0x1A0] =	vst v1;
	v1 =	vadd.s32 v0, v4  }
0x9c: {  	s15 =	smov.u32 s9;
	s12 =	simm.s32 $0x7C00;
	[tilespmem:$0x1C0] =	vst v1  }
0x9d: {  	[tilespmem:s12], [sflag:$0x8] =	stream.indirect.gather [hbm4b:s4+s23], $0x80, s0, s23, $0xb8;
	[tilespmem:$0x1DC80] =	vst v63  }
0x9e: {  	s8 =	sadd.s32 $0x140, s8;
	p2 =	seq.s32 s15, $0x0;
	_ =	swait.ge [sflag:s13], $0x2800  }
0x9f: {  	s14 =	sadd.s32 @!p2 $0xFFFFFFB0, s8;
	[sflag:s13] =	ssyncset.done $0x0  }
0xa0: {  	s16 =	smov.u32 s8;
	s12 =	simm.s32 @!p2 $0xA;
	[sflag:s13] =	ssyncadd.s32 $0xFFFFD800  }
0xa1: {  	[spmem:s1] =	stream.indirect.scatter.add.f32 [tilespmem:s21], [sflag:$0xB], $0x80, s28, s23, $0xb8;
	[tilespmem:$0x1DC80] =	vst v63  }
0xa2: {  	s14 =	simm.s32 @p2 $0xA0;
	s16 =	simm.s32 @p2 $0xF0;
	_ =	swait.ge @!p2 [sflag:s12], $0x2800  }
0xa3: {  	s30 =	sadd.s32 s6, s14;
	s16 =	sadd.s32 s6, s16;
	s19 =	rddreg [dreg:$0x3]  }
0xa4: {  	s14 =	sshrl.u32 s16, $0x3;
	[sflag:s12] =	ssyncset.done @!p2 $0x0;
	s16 =	sadd.s32 s15, s19  }
0xa5: {  	[sflag:s12] =	ssyncadd.s32 @!p2 $0xFFFFD800;
	s19 =	sadd.s32 $0xA, s16  }
0xa6: {  	[tilespmem:s20], [sflag:$0x2] =	stream.linear.gather [hbm4b:s19+s2], $0x50, $0x38;
	[tilespmem:$0x1DC80] =	vst v63  }
0xa7: {  	s20 =	sadd.s32 $0x9C4A, s16  }
0xa8: {  	[tilespmem:s24], [sflag:$0x2] =	stream.linear.gather [hbm4b:s20+s2], $0x50, $0x38;
	[tilespmem:$0x1DC80] =	vst v63  }
0xa9: {  	_ =	swait.ge [sflag:s22], $0x50  }
0xaa: {  	[sflag:s22] =	ssyncset.done $0x0  }
0xab: {  	[sflag:s22] =	ssyncadd.s32 $0xFFFFFFB0  }
0xac: {  	_ =	swait.ge [sflag:s22], $0x50  }
0xad: {  	[sflag:s22] =	ssyncset.done $0x0  }
0xae: {  	[sflag:s22] =	ssyncadd.s32 $0xFFFFFFB0  }
0xaf: {  	v1 =	vld [tilespmem:$0x30]  }
0xb0: {  	v2 =	vld [tilespmem:$0x40]  }
0xb1: {  	v3 =	vld [tilespmem:$0x20]  }
0xb2: {  	v4 =	vld [tilespmem:$0x10]  }
0xb3: {  	v5 =	vld [tilespmem:$0x0]  }
0xb4: {  	v1 =	vadd.s32 v0, v1  }
0xb5: {  	[tilespmem:$0x30] =	vst v1;
	v1 =	vadd.s32 v0, v2  }
0xb6: {  	v2 =	vadd.s32 v0, v3;
	[tilespmem:$0x40] =	vst v1  }
0xb7: {  	v1 =	vadd.s32 v0, v4;
	[tilespmem:$0x20] =	vst v2  }
0xb8: {  	v2 =	vadd.s32 v0, v5;
	[tilespmem:$0x10] =	vst v1  }
0xb9: {  	s12 =	simm.s32 @!p2 $0x8;
	[tilespmem:$0x0] =	vst v2  }
0xba: {  	[tilespmem:s17], [sflag:$0x5] =	stream.indirect.gather [hbm4b:s4+s23], $0x80, s2, s23, $0xb8;
	[tilespmem:$0x1DC80] =	vst v63  }
0xbb: {  	_ =	swait.ge @!p2 [sflag:s12], $0x2800  }
0xbc: {  	s15 =	simm.s32 @!p2 $0x7C00;
	s19 =	simm.s32 @!p2 $0xB;
	[sflag:s12] =	ssyncset.done @!p2 $0x0  }
0xbd: {  	s20 =	simm.s32 @!p2 $0x380;
	[sflag:s12] =	ssyncadd.s32 @!p2 $0xFFFFD800;
	s12 =	simm.s32 @!p2 $0x50  }
0xbe: {  	[spmem:s1] =	stream.indirect.scatter.add.f32 @!p2 [tilespmem:s15], [sflag:$0xC], $0x80, s20, s12, $0xb8;
	[tilespmem:$0x1DC80] =	vst v63  }
0xbf: {  	_ =	swait.ge @!p2 [sflag:s19], $0x2800  }
0xc0: {  	s30 =	sshrl.u32 s30, $0x3;
	[sflag:s19] =	ssyncset.done @!p2 $0x0  }
0xc1: {  	s15 =	sadd.s32 s5, s30;
	[sflag:s19] =	ssyncadd.s32 @!p2 $0xFFFFD800  }
0xc2: {  	[tilespmem:s25], [sflag:$0x3] =	stream.linear.gather [hbm4b:s15+s2], $0x50, $0x38;
	[tilespmem:$0x1DC80] =	vst v63  }
0xc3: {  	s12 =	sadd.s32 $0x9C40, s15  }
0xc4: {  	[tilespmem:s28], [sflag:$0x3] =	stream.linear.gather [hbm4b:s12+s2], $0x50, $0x38;
	[tilespmem:$0x1DC80] =	vst v63  }
0xc5: {  	_ =	swait.ge [sflag:s26], $0x50  }
0xc6: {  	[sflag:s26] =	ssyncset.done $0x0  }
0xc7: {  	[sflag:s26] =	ssyncadd.s32 $0xFFFFFFB0  }
0xc8: {  	_ =	swait.ge [sflag:s26], $0x50  }
0xc9: {  	[sflag:s26] =	ssyncset.done $0x0  }
0xca: {  	[sflag:s26] =	ssyncadd.s32 $0xFFFFFFB0  }
0xcb: {  	v1 =	vld [tilespmem:$0x80]  }
0xcc: {  	v2 =	vld [tilespmem:$0x90]  }
0xcd: {  	v5 =	vld [tilespmem:$0xB0]  }
0xce: {  	v3 =	vld [tilespmem:$0xA0]  }
0xcf: {  	v4 =	vld [tilespmem:$0xC0]  }
0xd0: {  	v1 =	vadd.s32 v0, v1  }
0xd1: {  	[tilespmem:$0x80] =	vst v1;
	v1 =	vadd.s32 v0, v2  }
0xd2: {  	v2 =	vadd.s32 v0, v5;
	[tilespmem:$0x90] =	vst v1  }
0xd3: {  	v1 =	vadd.s32 v0, v3;
	[tilespmem:$0xB0] =	vst v2  }
0xd4: {  	[tilespmem:$0xA0] =	vst v1;
	v1 =	vadd.s32 v0, v4  }
0xd5: {  	s20 =	simm.s32 $0x80;
	[tilespmem:$0xC0] =	vst v1  }
0xd6: {  	[tilespmem:s29], [sflag:$0x6] =	stream.indirect.gather [hbm4b:s4+s23], $0x80, s20, s23, $0xb8;
	[tilespmem:$0x1DC80] =	vst v63  }
0xd7: {  	_ =	swait.ge [sflag:s7], $0x2800  }
0xd8: {  	[sflag:s7] =	ssyncset.done $0x0  }
0xd9: {  	s19 =	simm.s32 $0x200;
	s12 =	simm.s32 @!p2 $0xC;
	[sflag:s7] =	ssyncadd.s32 $0xFFFFD800  }
0xda: {  	[spmem:s1] =	stream.indirect.scatter.add.f32 [tilespmem:s17], [sflag:$0x9], $0x80, s19, s23, $0xb8;
	[tilespmem:$0x1DC80] =	vst v63  }
0xdb: {  	_ =	swait.ge @!p2 [sflag:s12], $0x2800  }
0xdc: {  	[sflag:s12] =	ssyncset.done @!p2 $0x0  }
0xdd: {  	s15 =	sadd.s32 s5, s14;
	[sflag:s12] =	ssyncadd.s32 @!p2 $0xFFFFD800  }
0xde: {  	[tilespmem:s0], [sflag:$0x4] =	stream.linear.gather [hbm4b:s15+s2], $0x50, $0x38;
	[tilespmem:$0x1DC80] =	vst v63  }
0xdf: {  	s30 =	simm.s32 $0x380;
	s12 =	sadd.s32 $0x9C40, s15  }
0xe0: {  	[tilespmem:s30], [sflag:$0x4] =	stream.linear.gather [hbm4b:s12+s2], $0x50, $0x38;
	[tilespmem:$0x1DC80] =	vst v63  }
0xe1: {  	_ =	swait.ge [sflag:s31], $0x50  }
0xe2: {  	[sflag:s31] =	ssyncset.done $0x0  }
0xe3: {  	[sflag:s31] =	ssyncadd.s32 $0xFFFFFFB0  }
0xe4: {  	_ =	swait.ge [sflag:s31], $0x50  }
0xe5: {  	[sflag:s31] =	ssyncset.done $0x0  }
0xe6: {  	[sflag:s31] =	ssyncadd.s32 $0xFFFFFFB0  }
0xe7: {  	s9 =	sadd.s32 $0x28, s9;
	v4 =	vld [tilespmem:$0x100]  }
0xe8: {  	p1 =	sne.s32 s9, $0x9B0;
	v5 =	vld [tilespmem:$0x110]  }
.Ltmp2:
0xe9: {  	_ = 	snop;
	(pc) =	sbr.rel @p1 .LBB2_4-.Ltmp2, $4  }
0xea: {  	_ = 	snop  }
0xeb: {  	v1 =	vld [tilespmem:$0x120]  }
0xec: {  	v2 =	vld [tilespmem:$0x130];
	v4 =	vadd.s32 v0, v4  }
0xed: {  	v3 =	vld [tilespmem:$0x140];
	[tilespmem:$0x100] =	vst v4;
	v4 =	vadd.s32 v0, v5  }
0xee: {  	_ =	sdelay $0x1  }
0xef: {  	[tilespmem:$0x110] =	vst v4;
	v1 =	vadd.s32 v0, v1  }
0xf0: {  	v2 =	vadd.s32 v0, v2;
	[tilespmem:$0x120] =	vst v1  }
0xf1: {  	[tilespmem:$0x130] =	vst v2;
	v2 =	vadd.s32 v0, v3  }
0xf2: {  	[tilespmem:$0x140] =	vst v2  }
0xf3: {  	[tilespmem:s21], [sflag:$0x7] =	stream.indirect.gather [hbm4b:s4+s23], $0x80, s25, s23, $0xb8;
	[tilespmem:$0x1DC80] =	vst v63  }
0xf4: {  	_ =	swait.ge [sflag:s3], $0x2800  }
0xf5: {  	[sflag:s3] =	ssyncset.done $0x0  }
0xf6: {  	[sflag:s3] =	ssyncadd.s32 $0xFFFFD800  }
0xf7: {  	[spmem:s1] =	stream.indirect.scatter.add.f32 [tilespmem:s29], [sflag:$0xA], $0x80, s24, s23, $0xb8;
	[tilespmem:$0x1DC80] =	vst v63  }
0xf8: {  	_ =	swait.ge [sflag:s10], $0x2800  }
0xf9: {  	[sflag:s10] =	ssyncset.done $0x0  }
0xfa: {  	s8 =	sadd.s32 $0x28, s16;
	[sflag:s10] =	ssyncadd.s32 $0xFFFFD800  }
0xfb: {  	[tilespmem:s2], [sflag:$0x1] =	stream.linear.gather [hbm4b:s8+s2], $0x50, $0x38;
	[tilespmem:$0x1DC80] =	vst v63  }
0xfc: {  	s12 =	sadd.s32 $0x9C68, s16  }
0xfd: {  	[tilespmem:s19], [sflag:$0x1] =	stream.linear.gather [hbm4b:s12+s2], $0x50, $0x38;
	[tilespmem:$0x1DC80] =	vst v63  }
0xfe: {  	_ =	swait.ge [sflag:s11], $0x50  }
0xff: {  	[sflag:s11] =	ssyncset.done $0x0  }
0x100: {  	[sflag:s11] =	ssyncadd.s32 $0xFFFFFFB0  }
0x101: {  	_ =	swait.ge [sflag:s11], $0x50  }
0x102: {  	[sflag:s11] =	ssyncset.done $0x0  }
0x103: {  	[sflag:s11] =	ssyncadd.s32 $0xFFFFFFB0  }
0x104: {  	v1 =	vld [tilespmem:$0x180]  }
0x105: {  	v2 =	vld [tilespmem:$0x190]  }
0x106: {  	v5 =	vld [tilespmem:$0x1B0]  }
0x107: {  	v3 =	vld [tilespmem:$0x1A0]  }
0x108: {  	v59 =	vld [tilespmem:$0x1C0]  }
0x109: {  	v1 =	vadd.s32 v0, v1  }
0x10a: {  	[tilespmem:$0x180] =	vst v1;
	v1 =	vadd.s32 v0, v2  }
0x10b: {  	v2 =	vadd.s32 v0, v5;
	[tilespmem:$0x190] =	vst v1  }
0x10c: {  	v1 =	vadd.s32 v0, v3;
	[tilespmem:$0x1B0] =	vst v2  }
0x10d: {  	[tilespmem:$0x1A0] =	vst v1;
	v1 =	vadd.s32 v0, v59  }
0x10e: {  	s12 =	simm.s32 $0x7C00;
	[tilespmem:$0x1C0] =	vst v1  }
0x10f: {  	[tilespmem:s12], [sflag:$0x8] =	stream.indirect.gather [hbm4b:s4+s23], $0x80, s0, s23, $0xb8;
	[tilespmem:$0x1DC80] =	vst v63  }
0x110: {  	_ =	swait.ge [sflag:s13], $0x2800  }
0x111: {  	[sflag:s13] =	ssyncset.done $0x0  }
0x112: {  	s9 =	simm.s32 $0xA;
	[sflag:s13] =	ssyncadd.s32 $0xFFFFD800  }
0x113: {  	[spmem:s1] =	stream.indirect.scatter.add.f32 [tilespmem:s21], [sflag:$0xB], $0x80, s28, s23, $0xb8;
	[tilespmem:$0x1DC80] =	vst v63  }
0x114: {  	_ =	swait.ge [sflag:s9], $0x2800  }
0x115: {  	[sflag:s9] =	ssyncset.done $0x0  }
0x116: {  	s14 =	rddreg [dreg:$0x7];
	[sflag:s9] =	ssyncadd.s32 $0xFFFFD800  }
0x117: {  	[tilespmem:s20], [sflag:$0x2] =	stream.linear.gather [hbm4b:s14+s2], $0x50, $0x38;
	[tilespmem:$0x1DC80] =	vst v63  }
0x118: {  	s15 =	rddreg [dreg:$0x8]  }
0x119: {  	[tilespmem:s24], [sflag:$0x2] =	stream.linear.gather [hbm4b:s15+s2], $0x50, $0x38;
	[tilespmem:$0x1DC80] =	vst v63  }
0x11a: {  	_ =	swait.ge [sflag:s22], $0x50  }
0x11b: {  	[sflag:s22] =	ssyncset.done $0x0  }
0x11c: {  	[sflag:s22] =	ssyncadd.s32 $0xFFFFFFB0  }
0x11d: {  	_ =	swait.ge [sflag:s22], $0x50  }
0x11e: {  	[sflag:s22] =	ssyncset.done $0x0  }
0x11f: {  	[sflag:s22] =	ssyncadd.s32 $0xFFFFFFB0  }
0x120: {  	v1 =	vld [tilespmem:$0x0]  }
0x121: {  	v2 =	vld [tilespmem:$0x10]  }
0x122: {  	v3 =	vld [tilespmem:$0x20]  }
0x123: {  	v60 =	vld [tilespmem:$0x30]  }
0x124: {  	v61 =	vld [tilespmem:$0x40]  }
0x125: {  	v1 =	vadd.s32 v0, v1  }
0x126: {  	[tilespmem:$0x0] =	vst v1;
	v1 =	vadd.s32 v0, v2  }
0x127: {  	[tilespmem:$0x10] =	vst v1;
	v1 =	vadd.s32 v0, v3  }
0x128: {  	[tilespmem:$0x20] =	vst v1;
	v1 =	vadd.s32 v0, v60  }
0x129: {  	[tilespmem:$0x30] =	vst v1;
	v1 =	vadd.s32 v0, v61  }
0x12a: {  	s16 =	simm.s32 $0x8;
	[tilespmem:$0x40] =	vst v1  }
0x12b: {  	[tilespmem:s17], [sflag:$0x5] =	stream.indirect.gather [hbm4b:s4+s23], $0x80, s2, s23, $0xb8;
	[tilespmem:$0x1DC80] =	vst v63  }
0x12c: {  	_ =	swait.ge [sflag:s16], $0x2800  }
0x12d: {  	[sflag:s16] =	ssyncset.done $0x0  }
0x12e: {  	s21 =	simm.s32 $0xB;
	[sflag:s16] =	ssyncadd.s32 $0xFFFFD800  }
0x12f: {  	[spmem:s1] =	stream.indirect.scatter.add.f32 [tilespmem:s12], [sflag:$0xC], $0x80, s30, s23, $0xb8;
	[tilespmem:$0x1DC80] =	vst v63  }
0x130: {  	_ =	swait.ge [sflag:s21], $0x2800  }
0x131: {  	[sflag:s21] =	ssyncset.done $0x0  }
0x132: {  	[sflag:s21] =	ssyncadd.s32 $0xFFFFD800  }
0x133: {  	_ =	swait.ge [sflag:s26], $0x50  }
0x134: {  	[sflag:s26] =	ssyncset.done $0x0  }
0x135: {  	[sflag:s26] =	ssyncadd.s32 $0xFFFFFFB0  }
0x136: {  	_ =	swait.ge [sflag:s26], $0x50  }
0x137: {  	[sflag:s26] =	ssyncset.done $0x0  }
0x138: {  	[sflag:s26] =	ssyncadd.s32 $0xFFFFFFB0  }
0x139: {  	v1 =	vld [tilespmem:$0x80]  }
0x13a: {  	v2 =	vld [tilespmem:$0x90]  }
0x13b: {  	v3 =	vld [tilespmem:$0xA0]  }
0x13c: {  	v62 =	vld [tilespmem:$0xB0]  }
0x13d: {  	v63 =	vld [tilespmem:$0xC0]  }
0x13e: {  	v1 =	vadd.s32 v0, v1  }
0x13f: {  	[tilespmem:$0x80] =	vst v1;
	v1 =	vadd.s32 v0, v2  }
0x140: {  	[tilespmem:$0x90] =	vst v1;
	v1 =	vadd.s32 v0, v3  }
0x141: {  	[tilespmem:$0xA0] =	vst v1;
	v1 =	vadd.s32 v0, v62  }
0x142: {  	[tilespmem:$0xB0] =	vst v1;
	v1 =	vadd.s32 v0, v63  }
0x143: {  	[tilespmem:$0xC0] =	vst v1  }
0x144: {  	[tilespmem:s29], [sflag:$0x6] =	stream.indirect.gather [hbm4b:s4+s23], $0x80, s20, s23, $0xb8;
	[tilespmem:$0x1DC80] =	vst v63  }
0x145: {  	_ =	swait.ge [sflag:s7], $0x2800  }
0x146: {  	[sflag:s7] =	ssyncset.done $0x0  }
0x147: {  	[sflag:s7] =	ssyncadd.s32 $0xFFFFD800  }
0x148: {  	[spmem:s1] =	stream.indirect.scatter.add.f32 [tilespmem:s17], [sflag:$0x9], $0x80, s19, s23, $0xb8;
	[tilespmem:$0x1DC80] =	vst v63  }
0x149: {  	_ =	swait.ge [sflag:s3], $0x2800  }
0x14a: {  	[sflag:s3] =	ssyncset.done $0x0  }
0x14b: {  	s25 =	simm.s32 $0xC;
	[sflag:s3] =	ssyncadd.s32 $0xFFFFD800  }
0x14c: {  	[spmem:s1] =	stream.indirect.scatter.add.f32 [tilespmem:s29], [sflag:$0xA], $0x80, s24, s23, $0xb8;
	[tilespmem:$0x1DC80] =	vst v63  }
0x14d: {  	_ =	swait.ge [sflag:s25], $0x2800  }
0x14e: {  	[sflag:s25] =	ssyncset.done $0x0  }
0x14f: {  	[sflag:s25] =	ssyncadd.s32 $0xFFFFD800  }
0x150: {  	_ =	swait.ge [sflag:s10], $0x2800  }
0x151: {  	[sflag:s10] =	ssyncset.done $0x0  }
0x152: {  	[sflag:s10] =	ssyncadd.s32 $0xFFFFD800  }
0x153: {  	_ =	swait.ge [sflag:s9], $0x2800  }
0x154: {  	[sflag:s9] =	ssyncset.done $0x0  }
0x155: {  	[sflag:s9] =	ssyncadd.s32 $0xFFFFD800  }
0x156: {  	[bflag:$0x0] =	sbarrier.arrive $0xFFFF  }
0x157: {  	s15 =	rddreg [dreg:$0xa]  }
0x158: {  	[tilespmem:s17], [sflag:$0xD] =	stream.linear.gather [spmem:s15], $0x2800, $0x38;
	[tilespmem:$0x1DC80] =	vst v63  }
0x159: {  	_ =	swait.ge [sflag:s18], $0x2800  }
0x15a: {  	[sflag:s18] =	ssyncset.done $0x0  }
.Ltmp3:
0x15b: {  	s14 =	rddreg [dreg:$0xc];
	[sflag:s18] =	ssyncadd.s32 $0xFFFFD800;
	(pc) =	sbr.rel @!p0 .LBB2_7-.Ltmp3, $4  }
0x15c: {  	[hbm4b:s14+s2] =	stream.linear.scatter [tilespmem:s17], [sflag:$0xD], $0x2800, $0x38;
	[tilespmem:$0x1DC80] =	vst v63  }
0x15d: {  	s28 =	simm.s32 $0x2C00;
	_ =	swait.ge [sflag:s18], $0x2800  }
0x15e: {  	s21 =	simm.s32 $0x280;
	s25 =	simm.s32 $0x300;
	s12 =	rddreg [dreg:$0x4]  }
0x15f: {  	s9 =	smov.u32 s15;
	[sflag:s18] =	ssyncset.done $0x0;
	s8 =	sadd.s32 $0xFFFFFFFF, s12  }
.LBB2_6:
0x160: {  	[sflag:s18] =	ssyncadd.s32 $0xFFFFD800;
	s9 =	sadd.s32 $0x2800, s9;
	s14 =	sadd.s32 $0x500, s14  }
0x161: {  	[tilespmem:s17], [sflag:$0xD] =	stream.linear.gather [spmem:s9], $0x2800, $0x38;
	[tilespmem:$0x1DC80] =	vst v63  }
0x162: {  	p0 =	sne.s32 s8, $0x1;
	s8 =	sadd.s32 $0xFFFFFFFF, s8;
	_ =	swait.ge [sflag:s18], $0x2800  }
.Ltmp4:
0x163: {  	[sflag:s18] =	ssyncset.done $0x0;
	(pc) =	sbr.rel @p0 .LBB2_6-.Ltmp4, $4  }
0x164: {  	[sflag:s18] =	ssyncadd.s32 $0xFFFFD800  }
0x165: {  	[hbm4b:s14+s2] =	stream.linear.scatter [tilespmem:s17], [sflag:$0xD], $0x2800, $0x38;
	[tilespmem:$0x1DC80] =	vst v63  }
0x166: {  	_ =	swait.ge [sflag:s18], $0x2800  }
0x167: {  	[sflag:s18] =	ssyncset.done $0x0  }
.LBB2_7:
0x168: {  	s9 =	rddreg [dreg:$0xd]  }
0x169: {  	s8 =	rddreg [dreg:$0x9];
	s9 =	sadd.s32 $0x1, s9  }
0x16a: {  	p0 =	sne.s32 s9, s8  }
.Ltmp5:
0x16b: {  	_ = 	snop;
	(pc) =	sbr.rel @p0 .LBB2_1-.Ltmp5, $2  }
0x16c: {  	_ =	sdelay $0x2  }
0x16d: {  	[sflag:s18] =	ssyncadd.s32 $0xFFFFD800;
	s24 =	simm.s32 $0x100  }
0x16e: {  	_ =	sfence.sel $0x180000  }
0x16f: {  	[bflag:$0x0] =	sbarrier.arrive $0xFFFF  }
0x170: {  	_ =	strace $0x9000004A  }
0x171: {  	s0 =	stileid.u32;
	[bflag:$0x2] =	sbarrier.arrive $0xFFFF  }
0x172: {  	p0 =	sne.s32 s0, $0x0;
	s0 =	rddreg [dreg:$0x2]  }
0x173: {  	s0 =	sadd.s32 @!p0 $0x100000, s0  }
0x174: {  	[sflag:s0] =	ssyncadd.tile.s32 @!p0 $0x1;
	_ =	shalt  }
.Lfunc_end2:
_tile_overlayer_lowered:
.L_overlay_start_2:
0x175: {  	(tag) =	ssettag $0x2  }
0x176: {  	s0 =	rddreg [dreg:$0x0];
	s2 =	stileid.u32  }
0x177: {  	s1 =	rddreg [dreg:$0x1];
	p0 =	sne.s32 s2, $0x0  }
0x178: {  	s3 =	rddreg [dreg:$0x2];
	[bflag:$0x3] =	sbarrier.arrive $0xFFFF;
	s2 =	simm.s32 @!p0 $0x1C0D  }
0x179: {  	[timem:s3], [sflag:s2] =	dma.local @!p0 [hbm:s0], s1  }
0x17a: {  	s0 =	simm.s32 @!p0 $0xD  }
0x17b: {  	_ =	swait.ge @!p0 [sflag:s0], s1  }
0x17c: {  	s1 =	ssub.s32 @!p0 $0x0, s1;
	[sflag:s0] =	ssyncset.done @!p0 $0x0  }
0x17d: {  	[sflag:s0] =	ssyncadd.s32 @!p0 s1  }
0x17e: {  	[bflag:$0x3] =	sbarrier.arrive $0xFFFF  }
0x17f: {  	_ =	shalt  }

// kernel: kernel.14.cloned.1.call-start
scs
__scs_entry_jumppad:
0x0: {  	(pc) =	sbr.rel $0x88, $3  }
0x1: {  	(tag) =	ssettag $0x0;
	lr =	simm.s32 $0x1  }
0x2: {  	[smem:$0x3F92] =	sst lr;
	_ =	strace $0xD0000000  }
0x3: {  	_ = 	snop  }
0x4: {  	_ = 	snop  }
0x5: {  	_ = 	snop  }
0x6: {  	_ = 	snop  }
0x7: {  	_ = 	snop  }
__scs_overlays_trampoline_lowered:
0x8: {  	[smem:$0x3FA1] =	sst s0  }
0x9: {  	[smem:$0x3FA2] =	sst s1  }
0xa: {  	[smem:$0x3FA3] =	sst s2  }
0xb: {  	[smem:$0x3FA4] =	sst s3  }
0xc: {  	[smem:$0x3FA5] =	sst s4  }
0xd: {  	[smem:$0x3FA6] =	sst s5  }
0xe: {  	[smem:$0x3FA7] =	sst s6  }
0xf: {  	[smem:$0x3FA8] =	sst s7  }
0x10: {  	[smem:$0x3FA9] =	sst s8  }
0x11: {  	[smem:$0x3FAA] =	sst s9;
	s0 =	simm.s32 @!p0 $0x0  }
0x12: {  	s1 =	sld [smem:$0x3F90];
	s0 =	simm.s32 @p0 $0x1  }
0x13: {  	[smem:$0x3FAB] =	sst s0;
	s0 =	simm.s32 @!p1 $0x0  }
0x14: {  	s2 =	sld [smem:$0x3F8F];
	s0 =	simm.s32 @p1 $0x1  }
0x15: {  	[smem:$0x3FAC] =	sst s0;
	s0 =	simm.s32 @!p2 $0x0  }
0x16: {  	s3 =	sld [smem:$0x3FDB];
	s0 =	simm.s32 @p2 $0x1  }
0x17: {  	s4 =	simm.s32 $0x1BF5;
	[smem:$0x3FAE] =	sst s0  }
0x18: {  	s0 =	sld [smem:$0x3F91];
	_ =	swait.ge [sflag:s4], $0x0  }
0x19: {  	s7 =	sld [smem:$0x3F92]  }
0x1a: {  	s8 =	sadd.s32 $0xFFFFE003, lr  }
0x1b: {  	s9 =	sadd.s32 $0xFFFFFEF7, lr;
	s5 =	simm.s32 $0xFFFFFFFF;
	p2 =	slt.u32 s8, $0xFFFFF086  }
0x1c: {  	p1 =	slt.u32 s9, $0xF7A;
	s5 =	simm.s32 @!p2 $0x0  }
0x1d: {  	s5 =	simm.s32 @p1 $0x1;
	p0 =	seq.s32 s7, s2  }
0x1e: {  	s7 =	smul.u32 @!p0 $0xF7A, s2;
	p2 =	seq.s32 @!p0 s5, $0x0  }
0x1f: {  	s9 =	smul.u32 $0xF7A, s1;
	s8 =	simm.s32 @!p0 $0x1BF5;
	p2 =	por !p2, p0  }
0x20: {  	[sflag:s8] =	ssyncset.s32 @!p0 $0xFFFFF086;
	s6 =	sadd.s32 @!p0 s3, s7;
	s7 =	simm.s32 @!p0 $0x108  }
0x21: {  	s3 =	sadd.s32 s3, s9;
	s6 =	sadd.s32 @!p0 $0x88, s6;
	s7 =	simm.s32 @p2 $0x1082  }
0x22: {  	[simem:s7], [sflag:s8] =	dma.local @!p0 [hbm:s6], $0xF7A  }
0x23: {  	s9 =	sor.u32 $0xD0000000, s2;
	s6 =	simm.s32 $0x108;
	_ =	swait.ge @!p0 [sflag:s8], $0x0  }
0x24: {  	s3 =	sadd.s32 $0x88, s3;
	s6 =	simm.s32 @!p1 $0x1082;
	[sflag:s4] =	ssyncset.s32 $0xFFFFF086  }
0x25: {  	[simem:s6], [sflag:s4] =	dma.local [hbm:s3], $0xF7A  }
0x26: {  	[smem:$0x3F92] =	sst s1;
	(tag) =	ssettag s2;
	_ =	strace s9  }
0x27: {  	s1 =	sld [smem:$0x3FA2]  }
0x28: {  	s2 =	sld [smem:$0x3FA3]  }
0x29: {  	s4 =	sld [smem:$0x3FA5]  }
0x2a: {  	p0 =	seq.s32 s5, $0x0;
	s5 =	sld [smem:$0x3FA6]  }
0x2b: {  	s6 =	sld [smem:$0x3FA7]  }
0x2c: {  	s7 =	sld [smem:$0x3FA8]  }
0x2d: {  	s3 =	simm.s32 $0x108;
	s8 =	sld [smem:$0x3FA9]  }
0x2e: {  	s3 =	simm.s32 @!p0 $0x1082;
	s9 =	sld [smem:$0x3FAA]  }
0x2f: {  	lr =	sadd.s32 s0, s3;
	s0 =	sld [smem:$0x3FA1]  }
0x30: {  	s3 =	sld [smem:$0x3FA4]  }
0x31: {  	[smem:$0x3FAD] =	sst s10  }
0x32: {  	s10 =	sld [smem:$0x3FAB];
	_ =	sdelay $0x3  }
0x33: {  	p0 =	seq.s32 s10, $0x1;
	s10 =	sld [smem:$0x3FAD];
	_ =	sdelay $0x3  }
0x34: {  	[smem:$0x3FAD] =	sst s10  }
0x35: {  	s10 =	sld [smem:$0x3FAC];
	_ =	sdelay $0x3  }
0x36: {  	p1 =	seq.s32 s10, $0x1;
	s10 =	sld [smem:$0x3FAD];
	_ =	sdelay $0x3  }
0x37: {  	[smem:$0x3FAD] =	sst s10  }
0x38: {  	s10 =	sld [smem:$0x3FAE]  }
0x39: {  	_ = 	snop;
	(pc) =	sbr.ind lr, $3  }
0x3a: {  	_ = 	snop  }
0x3b: {  	_ = 	snop  }
0x3c: {  	p2 =	seq.s32 s10, $0x1;
	s10 =	sld [smem:$0x3FAD]  }
0x3d: {  	_ =	shalt  }
0x3e: {  	_ =	shalt  }
0x3f: {  	_ =	shalt  }
0x40: {  	_ =	shalt  }
0x41: {  	_ =	shalt  }
0x42: {  	_ =	shalt  }
0x43: {  	_ =	shalt  }
0x44: {  	_ =	shalt  }
0x45: {  	_ =	shalt  }
0x46: {  	_ =	shalt  }
0x47: {  	_ =	shalt  }
0x48: {  	_ =	shalt  }
0x49: {  	_ =	shalt  }
0x4a: {  	_ =	shalt  }
0x4b: {  	_ =	shalt  }
0x4c: {  	_ =	shalt  }
0x4d: {  	_ =	shalt  }
0x4e: {  	_ =	shalt  }
0x4f: {  	_ =	shalt  }
0x50: {  	_ =	shalt  }
0x51: {  	_ =	shalt  }
0x52: {  	_ =	shalt  }
0x53: {  	_ =	shalt  }
0x54: {  	_ =	shalt  }
0x55: {  	_ =	shalt  }
0x56: {  	_ =	shalt  }
0x57: {  	_ =	shalt  }
0x58: {  	_ =	shalt  }
0x59: {  	_ =	shalt  }
0x5a: {  	_ =	shalt  }
0x5b: {  	_ =	shalt  }
0x5c: {  	_ =	shalt  }
0x5d: {  	_ =	shalt  }
0x5e: {  	_ =	shalt  }
0x5f: {  	_ =	shalt  }
0x60: {  	_ =	shalt  }
0x61: {  	_ =	shalt  }
0x62: {  	_ =	shalt  }
0x63: {  	_ =	shalt  }
0x64: {  	_ =	shalt  }
0x65: {  	_ =	shalt  }
0x66: {  	_ =	shalt  }
0x67: {  	_ =	shalt  }
0x68: {  	_ =	shalt  }
0x69: {  	_ =	shalt  }
0x6a: {  	_ =	shalt  }
0x6b: {  	_ =	shalt  }
0x6c: {  	_ =	shalt  }
0x6d: {  	_ =	shalt  }
0x6e: {  	_ =	shalt  }
0x6f: {  	_ =	shalt  }
0x70: {  	_ =	shalt  }
0x71: {  	_ =	shalt  }
0x72: {  	_ =	shalt  }
0x73: {  	_ =	shalt  }
0x74: {  	_ =	shalt  }
0x75: {  	_ =	shalt  }
0x76: {  	_ =	shalt  }
0x77: {  	_ =	shalt  }
0x78: {  	_ =	shalt  }
0x79: {  	_ =	shalt  }
0x7a: {  	_ =	shalt  }
0x7b: {  	_ =	shalt  }
0x7c: {  	_ =	shalt  }
0x7d: {  	_ =	shalt  }
0x7e: {  	_ =	shalt  }
0x7f: {  	_ =	shalt  }
0x80: {  	_ =	shalt  }
0x81: {  	_ =	shalt  }
0x82: {  	_ =	shalt  }
0x83: {  	_ =	shalt  }
0x84: {  	_ =	shalt  }
0x85: {  	_ =	shalt  }
0x86: {  	_ =	shalt  }
0x87: {  	_ =	shalt  }
.Lfunc_end0:
.L_simem_size_0:
called_computation.2_lowered:
.L_overlay_start_0:
0x88: {  	s2 =	sld [smem:$0x3FD9]  }
0x89: {  	s3 =	sld [smem:$0x3FFE];
	_ =	sdelay $0x1  }
0x8a: {  	s1 =	srdreg.scid  }
0x8b: {  	s0 =	sand.u32 $0x1, s1  }
0x8c: {  	s16 =	sshll.u32 s0, $0xA;
	s2 =	sadd.s32 s3, s2  }
0x8d: {  	s2 =	sadd.s32 s2, s16  }
0x8e: {  	[smem:$0x3FB9] =	sst s2  }
0x8f: {  	_ = 	snop  }
0x90: {  	(tm) =	ssettm $0x1  }
0x91: {  	s17 =	sld [smem:$0x3FFB];
	_ =	sdelay $0x3  }
0x92: {  	_ =	strace s17  }
0x93: {  	s2 =	sld [smem:$0x3FFC];
	_ =	sdelay $0x3  }
0x94: {  	_ =	strace s2  }
0x95: {  	s2 =	sld [smem:$0x3FFD];
	_ =	sdelay $0x3  }
0x96: {  	_ =	strace s2  }
0x97: {  	_ =	strace $0x8FFFFFFF  }
0x98: {  	s18 =	sld [smem:$0x3FDB];
	_ =	sdelay $0x1  }
0x99: {  	s19 =	simm.s32 $_scs_section_size  }
0x9a: {  	s4 =	simm.s32 $_size__tile_overlayer_lowered;
	s5 =	simm.s32 $_tile_overlayer_lowered  }
0x9b: {  	s22 =	simm.s32 $0x1BFF;
	s21 =	sshll.u32 s5, $0x1;
	s2 =	sadd.s32 s19, s18  }
0x9c: {  	s6 =	simm.s32 $0x0;
	s20 =	sshll.u32 s4, $0x1;
	s4 =	sadd.s32 s21, s2  }
0x9d: {  	[timem:s6], [sflag:s22] =	dma.local [hbm:s4], s20  }
0x9e: {  	_ =	swait.ge [sflag:s22], s20  }
0x9f: {  	s3 =	ssub.s32 $0x0, s20;
	[sflag:s22] =	ssyncset.done $0x0  }
0xa0: {  	[sflag:s22] =	ssyncadd.s32 s3;
	_ =	sdelay $0x1  }
0xa1: {  	s23 =	simm.s32 $0x1B8B  }
0xa2: {  	_ =	swait.ge [sflag:s23], $0x1  }
0xa3: {  	[sflag:s23] =	ssyncset.done $0x0  }
0xa4: {  	s25 =	simm.s32 $0x1B8E;
	s24 =	sld [smem:$0x3FFE];
	[sflag:s23] =	ssyncadd.s32 $0xFFFFFFFF  }
0xa5: {  	s26 =	simm.s32 $execute0_lowered;
	[smem:$0x3FD2] =	sst s25  }
0xa6: {  	s4 =	sshll.u32 s26, $0x1;
	_ =	strace $0x8000004C;
	[dreg:$0x1] =	wrdreg $0xFFFFFFFF  }
0xa7: {  	s28 =	simm.s32 $_size_execute0_lowered;
	s2 =	sadd.s32 s2, s4;
	[dreg:$0x0] =	wrdreg $0x0  }
0xa8: {  	s4 =	sshll.u32 s28, $0x1;
	[dreg:$0x2] =	wrdreg s2  }
0xa9: {  	[dreg:$0x3] =	wrdreg s4  }
0xaa: {  	[dreg:$0x4] =	wrdreg $0xC0  }
0xab: {  	_ =	task [dreg:s6], $0x5FFFF  }
0xac: {  	[dreg:$0x1] =	wrdreg $0xFFFFFFFF  }
0xad: {  	[dreg:$0x0] =	wrdreg $0x60  }
0xae: {  	[dreg:$0x2] =	wrdreg s24  }
0xaf: {  	[dreg:$0x3] =	wrdreg $0xA4000  }
0xb0: {  	[dreg:$0x4] =	wrdreg $0x9  }
0xb1: {  	_ =	task.clear_ibuf [dreg:s6], $0x5FFFF;
	_ =	strace $0x9000004C  }
0xb2: {  	s29 =	simm.s32 $0x9;
	_ =	strace $0x8000004E  }
0xb3: {  	_ =	swait.ge [sflag:s29], $0x1  }
0xb4: {  	[sflag:s29] =	ssyncadd.s32 $0xFFFFFFFF  }
0xb5: {  	_ =	strace $0x9000004E  }
0xb6: {  	_ =	sfence  }
0xb7: {  	s30 =	sld [smem:$0x0];
	_ =	sdelay $0x2  }
0xb8: {  	s31 =	sshll.u32 s1, $0xD;
	s1 =	sshrl.u32 s1, $0x2  }
0xb9: {  	s3 =	sand.u32 $0x4000, s31;
	s1 =	sadd.s32 s1, s30  }
0xba: {  	s0 =	sor.u32 s3, s0;
	s1 =	sshll.u32 s1, $0x11  }
0xbb: {  	s0 =	sor.u32 s1, s0  }
0xbc: {  	s0 =	sadd.s32 $0x8F2B, s0  }
0xbd: {  	[sflag:s0] =	ssyncadd.remote.s32 $0x1  }
0xbe: {  	_ =	sfence.sel $0xFFFF  }
0xbf: {  	[dreg:$0x0] =	wrdreg $0xFFFFFFFF;
	(pc) =	sbr.abs _section_cstart, $3  }
0xc0: {  	[dreg:$0x1] =	wrdreg $0xFFFFFFFF  }
0xc1: {  	_ =	task.clear_ibuf [dreg:s6], $0x2FFFF;
	_ =	strace $0x9FFFFFFF  }
0xc2: {  	(tm) =	ssettm $0x7FFFFFFF  }
0xc3: {  	_ =	shalt  }
tec
execute0_lowered:
.L_overlay_start_1:
0x0: {  	(tag) =	ssettag $0x1  }
0x1: {  	s0 =	rddreg [dreg:$0x0]  }
0x2: {  	s2 =	rddreg [dreg:$0x1];
	s3 =	simm.s32 $0x0  }
0x3: {  	s11 =	stileid.u32;
	s1 =	srdreg.scid;
	s13 =	simm.s32 $0x5  }
0x4: {  	s16 =	simm.s32 $0x400;
	s17 =	simm.s32 $0xD;
	s20 =	simm.s32 $0x200  }
0x5: {  	s19 =	simm.s32 $0x50;
	s22 =	simm.s32 $0x1;
	s29 =	simm.s32 $0x100  }
0x6: {  	s30 =	simm.s32 $0x3;
	s31 =	simm.s32 $0x5400;
	s21 =	simm.s32 $0x0  }
0x7: {  	s28 =	simm.s32 $0x2C00;
	s14 =	simm.s32 $0x9;
	s8 =	smul.u32 $0x2800, s11  }
0x8: {  	[smem:$0x7FF] =	sst s3;
	s1 =	sand.u32 $0x1, s1;
	s9 =	smul.u32 $0x2710, s11  }
0x9: {  	s4 =	sadd.s32 $0x17A00, s0;
	p0 =	seq.s32 s11, $0xF;
	s11 =	smul.u32 $0x50000, s11  }
0xa: {  	s5 =	sadd.s32 $0x4000, s0;
	_ =	strace $0x8000004D;
	s6 =	smul.u32 $0x27100, s1  }
0xb: {  	s7 =	ssub.s32 $0x2, s1;
	s13 =	simm.s32 @!p0 $0x8;
	p0 =	seq.s32 s1, $0x0  }
0xc: {  	p1 =	sne.s32 s1, $0x0;
	s1 =	simm.s32 $0x9;
	s0 =	sadd.s32 s8, s0  }
0xd: {  	s10 =	sshrl.u32 s7, $0x1;
	s8 =	sadd.s32 s8, s4;
	s25 =	sshrl.u32 s11, $0x2  }
0xe: {  	[dreg:$0x4] =	wrdreg s13;
	s10 =	ssub.s32 s7, s10;
	s6 =	sadd.s32 s9, s6  }
0xf: {  	s7 =	simm.s32 $0x5;
	[dreg:$0x8] =	wrdreg s8;
	s26 =	sadd.s32 $0x65E00, s0  }
0x10: {  	s18 =	sadd.s32 s25, s2;
	s0 =	sadd.s32 $0x3EC00, s0;
	[dreg:$0xa] =	wrdreg s26  }
0x11: {  	s25 =	simm.s32 $0x2;
	s9 =	sshrl.u32 s6, $0x3;
	[dreg:$0xb] =	wrdreg s0  }
.Ltmp0:
0x12: {  	s23 =	sadd.s32 $0x140, s6;
	[dreg:$0x9] =	wrdreg s18;
	(pc) =	sbr.rel .LBB2_1-.Ltmp0, $4  }
0x13: {  	s24 =	smax.u32 s10, $0x1;
	s26 =	simm.s32 $0x180;
	[dreg:$0x3] =	wrdreg s23  }
0x14: {  	s0 =	simm.s32 $0x6;
	s12 =	sadd.s32 s5, s9;
	[dreg:$0x7] =	wrdreg s24  }
0x15: {  	s10 =	simm.s32 $0x4;
	[dreg:$0x5] =	wrdreg s12;
	s12 =	sadd.s32 $0x9C40, s12  }
0x16: {  	v0 =	vimm.f32 $0.0e+00;
	s24 =	simm.s32 $0x300;
	s23 =	simm.s32 $0x280;
	[dreg:$0x6] =	wrdreg s12  }
.LBB2_19:
0x17: {  	[sflag:s17] =	ssyncadd.s32 $0xFFFFD800  }
0x18: {  	s24 =	simm.s32 $0x300;
	s26 =	simm.s32 $0x180;
	s0 =	simm.s32 $0x6  }
.LBB2_20:
0x19: {  	s21 =	sadd.s32 $0x1, s21;
	s8 =	rddreg [dreg:$0x7]  }
0x1a: {  	p2 =	sne.s32 s21, s8  }
.Ltmp1:
0x1b: {  	_ = 	snop;
	(pc) =	sbr.rel @!p2 .LBB2_21-.Ltmp1, $1  }
0x1c: {  	_ =	sdelay $0x3  }
.LBB2_1:
.Ltmp2:
0x1d: {  	(pc) =	sbr.rel @p0 .LBB2_5-.Ltmp2, $1  }
0x1e: {  	_ =	sdelay $0x3  }
0x1f: {  	s8 =	sshra.s32 s3, $0x2;
	s9 =	sadd.s32 $0x200, s3  }
.LBB2_3:
0x20: {  	p2 =	sne.s32 s9, $0x9E00;
	[tilespmem:s8+$0x470] =	vst v0  }
0x21: {  	[tilespmem:s8+$0x400] =	vst v0  }
0x22: {  	[tilespmem:s8+$0x410] =	vst v0  }
.Ltmp3:
0x23: {  	[tilespmem:s8+$0x420] =	vst v0;
	(pc) =	sbr.rel @p2 .LBB2_3-.Ltmp3, $4  }
0x24: {  	[tilespmem:s8+$0x430] =	vst v0  }
0x25: {  	[tilespmem:s8+$0x440] =	vst v0  }
0x26: {  	[tilespmem:s8+$0x450] =	vst v0  }
0x27: {  	[tilespmem:s8+$0x460] =	vst v0;
	s8 =	sshra.s32 s9, $0x2;
	s9 =	sadd.s32 $0x200, s9  }
0x28: {  	[tilespmem:s8+$0x470] =	vst v0  }
0x29: {  	[tilespmem:s8+$0x400] =	vst v0  }
0x2a: {  	[tilespmem:s8+$0x410] =	vst v0  }
0x2b: {  	[tilespmem:s8+$0x420] =	vst v0  }
0x2c: {  	[tilespmem:s8+$0x430] =	vst v0  }
0x2d: {  	[tilespmem:s8+$0x440] =	vst v0  }
0x2e: {  	[tilespmem:s8+$0x450] =	vst v0  }
0x2f: {  	[tilespmem:s8+$0x460] =	vst v0  }
.LBB2_5:
0x30: {  	s12 =	sadd.s32 $0xFFFFFFFF, s13  }
0x31: {  	p3 =	sne.s32 s12, $0x0  }
.Ltmp4:
0x32: {  	_ = 	snop;
	(pc) =	sbr.rel @!p3 .LBB2_6-.Ltmp4, $3  }
0x33: {  	_ =	sdelay $0x1  }
0x34: {  	s9 =	simm.s32 @!p1 $0x0  }
0x35: {  	s8 =	simm.s32 @!p1 $0xD;
	p2 =	por $0x0, $0x0;
	[dreg:$0xc] =	wrdreg s21  }
0x36: {  	s13 =	simm.s32 @!p1 $0x400;
	s11 =	rddreg [dreg:$0x8];
	s29 =	sadd.s32 $0xFFFFFFFF, s12  }
0x37: {  	[tilespmem:s13], [sflag:$0xD] =	stream.linear.gather @!p1 [hbm4b:s11+s9], $0x2800, $0x38;
	[tilespmem:$0x1DC80] =	vst v63  }
0x38: {  	p3 =	sne.s32 s29, $0x0;
	_ =	swait.ge @!p1 [sflag:s8], $0x2800  }
.Ltmp5:
0x39: {  	[sflag:s8] =	ssyncset.done @!p1 $0x0;
	(pc) =	sbr.rel @!p3 .LBB2_8-.Ltmp5, $4  }
0x3a: {  	[sflag:s8] =	ssyncadd.s32 @!p1 $0xFFFFD800  }
0x3b: {  	[spmem:s18] =	stream.linear.scatter [tilespmem:s16], [sflag:$0xD], $0x2800, $0x38;
	[tilespmem:$0x1DC80] =	vst v63  }
0x3c: {  	s12 =	sadd.s32 $0x2800, s18;
	_ =	swait.ge [sflag:s17], $0x2800  }
0x3d: {  	p2 =	por $0x1, $0x1;
	s15 =	sadd.s32 $0x500, s11;
	[sflag:s17] =	ssyncset.done $0x0  }
.LBB2_9:
0x3e: {  	s11 =	simm.s32 @!p1 $0x0;
	[sflag:s17] =	ssyncadd.s32 $0xFFFFD800;
	s29 =	sadd.s32 $0xFFFFFFFF, s29  }
0x3f: {  	[tilespmem:s13], [sflag:$0xD] =	stream.linear.gather @!p1 [hbm4b:s15+s9], $0x2800, $0x38;
	[tilespmem:$0x1DC80] =	vst v63  }
0x40: {  	s9 =	smov.u32 s11;
	p3 =	sne.s32 s29, $0x0;
	_ =	swait.ge @!p1 [sflag:s8], $0x2800  }
.Ltmp6:
0x41: {  	[sflag:s8] =	ssyncset.done @!p1 $0x0;
	(pc) =	sbr.rel @p3 .LBB2_9-.Ltmp6, $4  }
0x42: {  	[sflag:s8] =	ssyncadd.s32 @!p1 $0xFFFFD800  }
0x43: {  	[spmem:s12] =	stream.linear.scatter [tilespmem:s16], [sflag:$0xD], $0x2800, $0x38;
	[tilespmem:$0x1DC80] =	vst v63  }
0x44: {  	s12 =	sadd.s32 $0x2800, s12;
	_ =	swait.ge [sflag:s17], $0x2800  }
0x45: {  	s15 =	sadd.s32 $0x500, s15;
	[sflag:s17] =	ssyncset.done $0x0  }
0x46: {  	s29 =	simm.s32 $0x100;
	s13 =	simm.s32 $0x380  }
.LBB2_11:
0x47: {  	s11 =	simm.s32 @!p1 $0x400;
	[sflag:s17] =	ssyncadd.s32 @p2 $0xFFFFD800  }
0x48: {  	[tilespmem:s11], [sflag:$0xD] =	stream.linear.gather @!p1 [hbm4b:s15+s9], $0x2800, $0x38;
	[tilespmem:$0x1DC80] =	vst v63  }
0x49: {  	_ =	swait.ge @!p1 [sflag:s8], $0x2800  }
0x4a: {  	[sflag:s8] =	ssyncset.done @!p1 $0x0  }
0x4b: {  	[sflag:s8] =	ssyncadd.s32 @!p1 $0xFFFFD800  }
0x4c: {  	[spmem:s12] =	stream.linear.scatter [tilespmem:s16], [sflag:$0xD], $0x2800, $0x38;
	[tilespmem:$0x1DC80] =	vst v63  }
0x4d: {  	_ =	swait.ge [sflag:s17], $0x2800  }
0x4e: {  	[sflag:s17] =	ssyncset.done $0x0  }
0x4f: {  	[sflag:s17] =	ssyncadd.s32 $0xFFFFD800  }
0x50: {  	p2 =	por $0x1, $0x1;
	[bflag:$0x0] =	sbarrier.arrive $0xFFFF  }
0x51: {  	s9 =	simm.s32 @!p2 $0x50;
	s8 =	simm.s32 $0x0;
	s18 =	rddreg [dreg:$0x5]  }
0x52: {  	[tilespmem:s8], [sflag:$0x1] =	stream.linear.gather [hbm4b:s18+s8], $0x50, $0x38;
	[tilespmem:$0x1DC80] =	vst v63  }
0x53: {  	s11 =	simm.s32 @!p2 $0xA;
	s9 =	simm.s32 @p2 $0x50;
	s21 =	rddreg [dreg:$0x6]  }
0x54: {  	[tilespmem:s20], [sflag:$0x1] =	stream.linear.gather [hbm4b:s21+s8], $0x50, $0x38;
	[tilespmem:$0x1DC80] =	vst v63  }
0x55: {  	s9 =	sadd.s32 s6, s9;
	_ =	swait.ge @!p2 [sflag:s11], $0x2800  }
0x56: {  	s9 =	sshrl.u32 s9, $0x3;
	[sflag:s11] =	ssyncset.done @!p2 $0x0  }
0x57: {  	s9 =	sadd.s32 s5, s9;
	s21 =	simm.s32 $0x80;
	[sflag:s11] =	ssyncadd.s32 @!p2 $0xFFFFD800  }
0x58: {  	[tilespmem:s21], [sflag:$0x2] =	stream.linear.gather [hbm4b:s9+s3], $0x50, $0x38;
	[tilespmem:$0x1DC80] =	vst v63  }
0x59: {  	s9 =	sadd.s32 $0x9C40, s9  }
0x5a: {  	[tilespmem:s23], [sflag:$0x2] =	stream.linear.gather [hbm4b:s9+s3], $0x50, $0x38;
	[tilespmem:$0x1DC80] =	vst v63  }
0x5b: {  	_ =	swait.ge [sflag:s22], $0x50  }
0x5c: {  	[sflag:s22] =	ssyncset.done $0x0  }
0x5d: {  	[sflag:s22] =	ssyncadd.s32 $0xFFFFFFB0  }
0x5e: {  	_ =	swait.ge [sflag:s22], $0x50  }
0x5f: {  	[sflag:s22] =	ssyncset.done $0x0  }
0x60: {  	s9 =	simm.s32 @!p2 $0x8;
	[sflag:s22] =	ssyncadd.s32 $0xFFFFFFB0  }
0x61: {  	[tilespmem:s16], [sflag:$0x5] =	stream.indirect.gather [hbm4b:s4+s19], $0x80, s3, s19, $0xb8;
	[tilespmem:$0x1DC80] =	vst v63  }
0x62: {  	_ =	swait.ge @!p2 [sflag:s9], $0x2800  }
0x63: {  	s12 =	simm.s32 @!p2 $0x380;
	[sflag:s9] =	ssyncset.done @!p2 $0x0  }
0x64: {  	s11 =	simm.s32 @!p2 $0x7C00;
	[sflag:s9] =	ssyncadd.s32 @!p2 $0xFFFFD800;
	s9 =	simm.s32 @!p2 $0x50  }
0x65: {  	[spmem:s2] =	stream.indirect.scatter.add.f32 @!p2 [tilespmem:s11], [sflag:$0xC], $0x80, s12, s9, $0xb8;
	[tilespmem:$0x1DC80] =	vst v63  }
0x66: {  	s9 =	simm.s32 @!p2 $0xA0  }
0x67: {  	s11 =	simm.s32 @!p2 $0xB;
	s9 =	simm.s32 @p2 $0xA0  }
0x68: {  	_ =	swait.ge @!p2 [sflag:s11], $0x2800;
	s9 =	sadd.s32 s6, s9  }
0x69: {  	[sflag:s11] =	ssyncset.done @!p2 $0x0;
	s9 =	sshrl.u32 s9, $0x3  }
0x6a: {  	[sflag:s11] =	ssyncadd.s32 @!p2 $0xFFFFD800;
	s9 =	sadd.s32 s5, s9  }
0x6b: {  	[tilespmem:s29], [sflag:$0x3] =	stream.linear.gather [hbm4b:s9+s3], $0x50, $0x38;
	[tilespmem:$0x1DC80] =	vst v63  }
0x6c: {  	s9 =	sadd.s32 $0x9C40, s9  }
0x6d: {  	[tilespmem:s24], [sflag:$0x3] =	stream.linear.gather [hbm4b:s9+s3], $0x50, $0x38;
	[tilespmem:$0x1DC80] =	vst v63  }
0x6e: {  	_ =	swait.ge [sflag:s25], $0x50  }
0x6f: {  	[sflag:s25] =	ssyncset.done $0x0  }
0x70: {  	[sflag:s25] =	ssyncadd.s32 $0xFFFFFFB0  }
0x71: {  	_ =	swait.ge [sflag:s25], $0x50  }
0x72: {  	[sflag:s25] =	ssyncset.done $0x0  }
0x73: {  	[sflag:s25] =	ssyncadd.s32 $0xFFFFFFB0  }
0x74: {  	[tilespmem:s28], [sflag:$0x6] =	stream.indirect.gather [hbm4b:s4+s19], $0x80, s21, s19, $0xb8;
	[tilespmem:$0x1DC80] =	vst v63  }
0x75: {  	_ =	swait.ge [sflag:s7], $0x2800  }
0x76: {  	s9 =	simm.s32 @!p2 $0xF0;
	[sflag:s7] =	ssyncset.done $0x0  }
0x77: {  	s11 =	simm.s32 @!p2 $0xC;
	s9 =	simm.s32 @p2 $0xF0;
	[sflag:s7] =	ssyncadd.s32 $0xFFFFD800  }
0x78: {  	[spmem:s2] =	stream.indirect.scatter.add.f32 [tilespmem:s16], [sflag:$0x9], $0x80, s20, s19, $0xb8;
	[tilespmem:$0x1DC80] =	vst v63  }
0x79: {  	s9 =	sadd.s32 s6, s9;
	_ =	swait.ge @!p2 [sflag:s11], $0x2800  }
0x7a: {  	s9 =	sshrl.u32 s9, $0x3;
	[sflag:s11] =	ssyncset.done @!p2 $0x0  }
0x7b: {  	s9 =	sadd.s32 s5, s9;
	[sflag:s11] =	ssyncadd.s32 @!p2 $0xFFFFD800  }
0x7c: {  	[tilespmem:s26], [sflag:$0x4] =	stream.linear.gather [hbm4b:s9+s3], $0x50, $0x38;
	[tilespmem:$0x1DC80] =	vst v63  }
0x7d: {  	s9 =	sadd.s32 $0x9C40, s9  }
0x7e: {  	[tilespmem:s13], [sflag:$0x4] =	stream.linear.gather [hbm4b:s9+s3], $0x50, $0x38;
	[tilespmem:$0x1DC80] =	vst v63  }
0x7f: {  	_ =	swait.ge [sflag:s30], $0x50  }
0x80: {  	[sflag:s30] =	ssyncset.done $0x0  }
0x81: {  	[sflag:s30] =	ssyncadd.s32 $0xFFFFFFB0  }
0x82: {  	_ =	swait.ge [sflag:s30], $0x50  }
0x83: {  	[sflag:s30] =	ssyncset.done $0x0  }
0x84: {  	[sflag:s30] =	ssyncadd.s32 $0xFFFFFFB0  }
0x85: {  	[tilespmem:s31], [sflag:$0x7] =	stream.indirect.gather [hbm4b:s4+s19], $0x80, s29, s19, $0xb8;
	[tilespmem:$0x1DC80] =	vst v63  }
0x86: {  	_ =	swait.ge [sflag:s0], $0x2800  }
0x87: {  	[sflag:s0] =	ssyncset.done $0x0  }
0x88: {  	[sflag:s0] =	ssyncadd.s32 $0xFFFFD800  }
0x89: {  	[spmem:s2] =	stream.indirect.scatter.add.f32 [tilespmem:s28], [sflag:$0xA], $0x80, s23, s19, $0xb8;
	[tilespmem:$0x1DC80] =	vst v63  }
0x8a: {  	_ =	swait.ge [sflag:s1], $0x2800  }
0x8b: {  	s8 =	simm.s32 @p2 $0x0;
	s29 =	rddreg [dreg:$0x3]  }
0x8c: {  	s8 =	sadd.s32 s8, s29  }
0x8d: {  	[sflag:s1] =	ssyncset.done $0x0;
	s8 =	sshrl.u32 s8, $0x3  }
0x8e: {  	[sflag:s1] =	ssyncadd.s32 $0xFFFFD800;
	s8 =	sadd.s32 s5, s8  }
0x8f: {  	[tilespmem:s3], [sflag:$0x1] =	stream.linear.gather [hbm4b:s8+s3], $0x50, $0x38;
	[tilespmem:$0x1DC80] =	vst v63  }
0x90: {  	s8 =	sadd.s32 $0x9C40, s8  }
0x91: {  	[tilespmem:s20], [sflag:$0x1] =	stream.linear.gather [hbm4b:s8+s3], $0x50, $0x38;
	[tilespmem:$0x1DC80] =	vst v63  }
0x92: {  	s12 =	simm.s32 $0x280;
	_ =	swait.ge [sflag:s10], $0x50  }
0x93: {  	s24 =	simm.s32 $0x5400;
	p2 =	por $0x0, $0x0;
	[sflag:s10] =	ssyncset.done $0x0  }
0x94: {  	s7 =	simm.s32 $0x7;
	s15 =	simm.s32 @!p2 $0x190;
	[sflag:s10] =	ssyncadd.s32 $0xFFFFFFB0  }
0x95: {  	s26 =	simm.s32 $0x300;
	s9 =	simm.s32 $0x140;
	_ =	swait.ge [sflag:s10], $0x50  }
0x96: {  	s13 =	simm.s32 @!p2 $0x1E0;
	s31 =	simm.s32 $0x180;
	[sflag:s10] =	ssyncset.done $0x0  }
0x97: {  	s0 =	simm.s32 $0x5;
	s1 =	simm.s32 $0x6;
	[sflag:s10] =	ssyncadd.s32 $0xFFFFFFB0  }
.LBB2_12:
0x98: {  	s8 =	simm.s32 $0x7C00  }
0x99: {  	[tilespmem:s8], [sflag:$0x8] =	stream.indirect.gather [hbm4b:s4+s19], $0x80, s31, s19, $0xb8;
	[tilespmem:$0x1DC80] =	vst v63  }
0x9a: {  	_ =	swait.ge [sflag:s7], $0x2800  }
0x9b: {  	[sflag:s7] =	ssyncset.done $0x0  }
0x9c: {  	s15 =	simm.s32 @p2 $0x50;
	s29 =	simm.s32 @!p2 $0xA;
	[sflag:s7] =	ssyncadd.s32 $0xFFFFD800  }
0x9d: {  	[spmem:s2] =	stream.indirect.scatter.add.f32 [tilespmem:s24], [sflag:$0xB], $0x80, s26, s19, $0xb8;
	[tilespmem:$0x1DC80] =	vst v63  }
0x9e: {  	s11 =	sadd.s32 @!p2 $0xF0, s9;
	s15 =	sadd.s32 s6, s15;
	_ =	swait.ge @!p2 [sflag:s29], $0x2800  }
0x9f: {  	s11 =	simm.s32 @p2 $0xF0;
	s18 =	sshrl.u32 s15, $0x3;
	[sflag:s29] =	ssyncset.done @!p2 $0x0  }
0xa0: {  	s11 =	sadd.s32 s6, s11;
	s20 =	sadd.s32 s5, s18;
	[sflag:s29] =	ssyncadd.s32 @!p2 $0xFFFFD800  }
0xa1: {  	[tilespmem:s21], [sflag:$0x2] =	stream.linear.gather [hbm4b:s20+s3], $0x50, $0x38;
	[tilespmem:$0x1DC80] =	vst v63  }
0xa2: {  	s15 =	sshrl.u32 s11, $0x3;
	s11 =	sadd.s32 $0x9C40, s20  }
0xa3: {  	[tilespmem:s23], [sflag:$0x2] =	stream.linear.gather [hbm4b:s11+s3], $0x50, $0x38;
	[tilespmem:$0x1DC80] =	vst v63  }
0xa4: {  	_ =	swait.ge [sflag:s22], $0x50  }
0xa5: {  	[sflag:s22] =	ssyncset.done $0x0  }
0xa6: {  	[sflag:s22] =	ssyncadd.s32 $0xFFFFFFB0  }
0xa7: {  	_ =	swait.ge [sflag:s22], $0x50  }
0xa8: {  	[sflag:s22] =	ssyncset.done $0x0  }
0xa9: {  	s11 =	simm.s32 @!p2 $0x8;
	[sflag:s22] =	ssyncadd.s32 $0xFFFFFFB0  }
0xaa: {  	[tilespmem:s16], [sflag:$0x5] =	stream.indirect.gather [hbm4b:s4+s19], $0x80, s3, s19, $0xb8;
	[tilespmem:$0x1DC80] =	vst v63  }
0xab: {  	s13 =	simm.s32 @p2 $0xA0;
	_ =	swait.ge @!p2 [sflag:s11], $0x2800  }
0xac: {  	s18 =	simm.s32 @!p2 $0xB;
	s29 =	simm.s32 @!p2 $0x7C00;
	[sflag:s11] =	ssyncset.done @!p2 $0x0  }
0xad: {  	s20 =	simm.s32 @!p2 $0x380;
	[sflag:s11] =	ssyncadd.s32 @!p2 $0xFFFFD800;
	s11 =	simm.s32 @!p2 $0x50  }
0xae: {  	[spmem:s2] =	stream.indirect.scatter.add.f32 @!p2 [tilespmem:s29], [sflag:$0xC], $0x80, s20, s11, $0xb8;
	[tilespmem:$0x1DC80] =	vst v63  }
0xaf: {  	s13 =	sadd.s32 s6, s13;
	_ =	swait.ge @!p2 [sflag:s18], $0x2800  }
0xb0: {  	s11 =	sshrl.u32 s13, $0x3;
	[sflag:s18] =	ssyncset.done @!p2 $0x0  }
0xb1: {  	s29 =	simm.s32 $0x100;
	s11 =	sadd.s32 s5, s11;
	[sflag:s18] =	ssyncadd.s32 @!p2 $0xFFFFD800  }
0xb2: {  	[tilespmem:s29], [sflag:$0x3] =	stream.linear.gather [hbm4b:s11+s3], $0x50, $0x38;
	[tilespmem:$0x1DC80] =	vst v63  }
0xb3: {  	s11 =	sadd.s32 $0x9C40, s11  }
0xb4: {  	[tilespmem:s26], [sflag:$0x3] =	stream.linear.gather [hbm4b:s11+s3], $0x50, $0x38;
	[tilespmem:$0x1DC80] =	vst v63  }
0xb5: {  	_ =	swait.ge [sflag:s25], $0x50  }
0xb6: {  	[sflag:s25] =	ssyncset.done $0x0  }
0xb7: {  	[sflag:s25] =	ssyncadd.s32 $0xFFFFFFB0  }
0xb8: {  	_ =	swait.ge [sflag:s25], $0x50  }
0xb9: {  	[sflag:s25] =	ssyncset.done $0x0  }
0xba: {  	[sflag:s25] =	ssyncadd.s32 $0xFFFFFFB0  }
0xbb: {  	[tilespmem:s28], [sflag:$0x6] =	stream.indirect.gather [hbm4b:s4+s19], $0x80, s21, s19, $0xb8;
	[tilespmem:$0x1DC80] =	vst v63  }
0xbc: {  	_ =	swait.ge [sflag:s0], $0x2800  }
0xbd: {  	[sflag:s0] =	ssyncset.done $0x0  }
0xbe: {  	s20 =	simm.s32 $0x200;
	s11 =	simm.s32 @!p2 $0xC;
	[sflag:s0] =	ssyncadd.s32 $0xFFFFD800  }
0xbf: {  	[spmem:s2] =	stream.indirect.scatter.add.f32 [tilespmem:s16], [sflag:$0x9], $0x80, s20, s19, $0xb8;
	[tilespmem:$0x1DC80] =	vst v63  }
0xc0: {  	_ =	swait.ge @!p2 [sflag:s11], $0x2800  }
0xc1: {  	[sflag:s11] =	ssyncset.done @!p2 $0x0  }
0xc2: {  	s13 =	sadd.s32 s5, s15;
	[sflag:s11] =	ssyncadd.s32 @!p2 $0xFFFFD800  }
0xc3: {  	[tilespmem:s31], [sflag:$0x4] =	stream.linear.gather [hbm4b:s13+s3], $0x50, $0x38;
	[tilespmem:$0x1DC80] =	vst v63  }
0xc4: {  	s18 =	simm.s32 $0x380;
	s11 =	sadd.s32 $0x9C40, s13  }
0xc5: {  	[tilespmem:s18], [sflag:$0x4] =	stream.linear.gather [hbm4b:s11+s3], $0x50, $0x38;
	[tilespmem:$0x1DC80] =	vst v63  }
0xc6: {  	_ =	swait.ge [sflag:s30], $0x50  }
0xc7: {  	[sflag:s30] =	ssyncset.done $0x0  }
0xc8: {  	[sflag:s30] =	ssyncadd.s32 $0xFFFFFFB0  }
0xc9: {  	_ =	swait.ge [sflag:s30], $0x50  }
0xca: {  	[sflag:s30] =	ssyncset.done $0x0  }
0xcb: {  	[sflag:s30] =	ssyncadd.s32 $0xFFFFFFB0  }
0xcc: {  	[tilespmem:s24], [sflag:$0x7] =	stream.indirect.gather [hbm4b:s4+s19], $0x80, s29, s19, $0xb8;
	[tilespmem:$0x1DC80] =	vst v63  }
0xcd: {  	_ =	swait.ge [sflag:s1], $0x2800  }
0xce: {  	[sflag:s1] =	ssyncset.done $0x0  }
0xcf: {  	[sflag:s1] =	ssyncadd.s32 $0xFFFFD800  }
0xd0: {  	[spmem:s2] =	stream.indirect.scatter.add.f32 [tilespmem:s28], [sflag:$0xA], $0x80, s23, s19, $0xb8;
	[tilespmem:$0x1DC80] =	vst v63  }
0xd1: {  	s13 =	smov.u32 s9;
	_ =	swait.ge [sflag:s14], $0x2800  }
0xd2: {  	s13 =	simm.s32 @p2 $0x0;
	s15 =	rddreg [dreg:$0x3]  }
0xd3: {  	s8 =	smov.u32 s12;
	s15 =	sadd.s32 s13, s15  }
0xd4: {  	s9 =	smov.u32 s8;
	[sflag:s14] =	ssyncset.done $0x0;
	s8 =	sshrl.u32 s15, $0x3  }
0xd5: {  	[sflag:s14] =	ssyncadd.s32 $0xFFFFD800;
	s8 =	sadd.s32 s5, s8  }
0xd6: {  	[tilespmem:s3], [sflag:$0x1] =	stream.linear.gather [hbm4b:s8+s3], $0x50, $0x38;
	[tilespmem:$0x1DC80] =	vst v63  }
0xd7: {  	s12 =	sadd.s32 $0x140, s12;
	s8 =	sadd.s32 $0x9C40, s8  }
0xd8: {  	[tilespmem:s20], [sflag:$0x1] =	stream.linear.gather [hbm4b:s8+s3], $0x50, $0x38;
	[tilespmem:$0x1DC80] =	vst v63  }
0xd9: {  	p3 =	sne.s32 s12, $0x26C0;
	_ =	swait.ge [sflag:s10], $0x50  }
.Ltmp7:
0xda: {  	[sflag:s10] =	ssyncset.done $0x0;
	(pc) =	sbr.rel @p3 .LBB2_12-.Ltmp7, $4  }
0xdb: {  	[sflag:s10] =	ssyncadd.s32 $0xFFFFFFB0  }
0xdc: {  	_ =	swait.ge [sflag:s10], $0x50  }
0xdd: {  	p2 =	seq.s32 s9, $0x0;
	[sflag:s10] =	ssyncset.done $0x0  }
0xde: {  	s13 =	sadd.s32 @!p2 $0xA0, s9;
	s15 =	sadd.s32 @!p2 $0x50, s9;
	[sflag:s10] =	ssyncadd.s32 $0xFFFFFFB0  }
0xdf: {  	s8 =	simm.s32 $0x7C00  }
0xe0: {  	[tilespmem:s8], [sflag:$0x8] =	stream.indirect.gather [hbm4b:s4+s19], $0x80, s31, s19, $0xb8;
	[tilespmem:$0x1DC80] =	vst v63  }
0xe1: {  	_ =	swait.ge [sflag:s7], $0x2800  }
0xe2: {  	[sflag:s7] =	ssyncset.done $0x0  }
0xe3: {  	s15 =	simm.s32 @p2 $0x50;
	s8 =	simm.s32 @!p2 $0xA;
	[sflag:s7] =	ssyncadd.s32 $0xFFFFD800  }
0xe4: {  	[spmem:s2] =	stream.indirect.scatter.add.f32 [tilespmem:s24], [sflag:$0xB], $0x80, s26, s19, $0xb8;
	[tilespmem:$0x1DC80] =	vst v63  }
0xe5: {  	s11 =	sadd.s32 s6, s15;
	_ =	swait.ge @!p2 [sflag:s8], $0x2800  }
0xe6: {  	s11 =	sshrl.u32 s11, $0x3;
	[sflag:s8] =	ssyncset.done @!p2 $0x0  }
0xe7: {  	s12 =	sadd.s32 s5, s11;
	[sflag:s8] =	ssyncadd.s32 @!p2 $0xFFFFD800  }
0xe8: {  	[tilespmem:s21], [sflag:$0x2] =	stream.linear.gather [hbm4b:s12+s3], $0x50, $0x38;
	[tilespmem:$0x1DC80] =	vst v63  }
0xe9: {  	s8 =	sadd.s32 $0x9C40, s12  }
0xea: {  	[tilespmem:s23], [sflag:$0x2] =	stream.linear.gather [hbm4b:s8+s3], $0x50, $0x38;
	[tilespmem:$0x1DC80] =	vst v63  }
0xeb: {  	_ =	swait.ge [sflag:s22], $0x50  }
0xec: {  	[sflag:s22] =	ssyncset.done $0x0  }
0xed: {  	[sflag:s22] =	ssyncadd.s32 $0xFFFFFFB0  }
0xee: {  	_ =	swait.ge [sflag:s22], $0x50  }
0xef: {  	[sflag:s22] =	ssyncset.done $0x0  }
0xf0: {  	s8 =	simm.s32 @!p2 $0x8;
	[sflag:s22] =	ssyncadd.s32 $0xFFFFFFB0  }
0xf1: {  	[tilespmem:s16], [sflag:$0x5] =	stream.indirect.gather [hbm4b:s4+s19], $0x80, s3, s19, $0xb8;
	[tilespmem:$0x1DC80] =	vst v63  }
0xf2: {  	_ =	swait.ge @!p2 [sflag:s8], $0x2800  }
0xf3: {  	s11 =	simm.s32 @!p2 $0x7C00;
	[sflag:s8] =	ssyncset.done @!p2 $0x0  }
0xf4: {  	s12 =	simm.s32 @!p2 $0x380;
	[sflag:s8] =	ssyncadd.s32 @!p2 $0xFFFFD800;
	s8 =	simm.s32 @!p2 $0x50  }
0xf5: {  	[spmem:s2] =	stream.indirect.scatter.add.f32 @!p2 [tilespmem:s11], [sflag:$0xC], $0x80, s12, s8, $0xb8;
	[tilespmem:$0x1DC80] =	vst v63  }
0xf6: {  	s13 =	simm.s32 @p2 $0xA0;
	s8 =	simm.s32 @!p2 $0xB  }
0xf7: {  	s15 =	sadd.s32 s6, s13;
	_ =	swait.ge @!p2 [sflag:s8], $0x2800  }
0xf8: {  	s11 =	sshrl.u32 s15, $0x3;
	[sflag:s8] =	ssyncset.done @!p2 $0x0  }
0xf9: {  	s11 =	sadd.s32 s5, s11;
	[sflag:s8] =	ssyncadd.s32 @!p2 $0xFFFFD800  }
0xfa: {  	[tilespmem:s29], [sflag:$0x3] =	stream.linear.gather [hbm4b:s11+s3], $0x50, $0x38;
	[tilespmem:$0x1DC80] =	vst v63  }
0xfb: {  	s8 =	sadd.s32 $0x9C40, s11  }
0xfc: {  	[tilespmem:s26], [sflag:$0x3] =	stream.linear.gather [hbm4b:s8+s3], $0x50, $0x38;
	[tilespmem:$0x1DC80] =	vst v63  }
0xfd: {  	_ =	swait.ge [sflag:s25], $0x50  }
0xfe: {  	[sflag:s25] =	ssyncset.done $0x0  }
0xff: {  	[sflag:s25] =	ssyncadd.s32 $0xFFFFFFB0  }
0x100: {  	_ =	swait.ge [sflag:s25], $0x50  }
0x101: {  	[sflag:s25] =	ssyncset.done $0x0  }
0x102: {  	[sflag:s25] =	ssyncadd.s32 $0xFFFFFFB0  }
0x103: {  	[tilespmem:s28], [sflag:$0x6] =	stream.indirect.gather [hbm4b:s4+s19], $0x80, s21, s19, $0xb8;
	[tilespmem:$0x1DC80] =	vst v63  }
0x104: {  	_ =	swait.ge [sflag:s0], $0x2800  }
0x105: {  	s8 =	sadd.s32 @!p2 $0xF0, s9;
	[sflag:s0] =	ssyncset.done $0x0  }
0x106: {  	s11 =	simm.s32 @!p2 $0xC;
	s8 =	simm.s32 @p2 $0xF0;
	[sflag:s0] =	ssyncadd.s32 $0xFFFFD800  }
0x107: {  	[spmem:s2] =	stream.indirect.scatter.add.f32 [tilespmem:s16], [sflag:$0x9], $0x80, s20, s19, $0xb8;
	[tilespmem:$0x1DC80] =	vst v63  }
0x108: {  	s8 =	sadd.s32 s6, s8;
	_ =	swait.ge @!p2 [sflag:s11], $0x2800  }
0x109: {  	s8 =	sshrl.u32 s8, $0x3;
	[sflag:s11] =	ssyncset.done @!p2 $0x0  }
0x10a: {  	s8 =	sadd.s32 s5, s8;
	[sflag:s11] =	ssyncadd.s32 @!p2 $0xFFFFD800  }
0x10b: {  	[tilespmem:s31], [sflag:$0x4] =	stream.linear.gather [hbm4b:s8+s3], $0x50, $0x38;
	[tilespmem:$0x1DC80] =	vst v63  }
0x10c: {  	s8 =	sadd.s32 $0x9C40, s8  }
0x10d: {  	[tilespmem:s18], [sflag:$0x4] =	stream.linear.gather [hbm4b:s8+s3], $0x50, $0x38;
	[tilespmem:$0x1DC80] =	vst v63  }
0x10e: {  	_ =	swait.ge [sflag:s30], $0x50  }
0x10f: {  	[sflag:s30] =	ssyncset.done $0x0  }
0x110: {  	[sflag:s30] =	ssyncadd.s32 $0xFFFFFFB0  }
0x111: {  	_ =	swait.ge [sflag:s30], $0x50  }
0x112: {  	[sflag:s30] =	ssyncset.done $0x0  }
0x113: {  	[sflag:s30] =	ssyncadd.s32 $0xFFFFFFB0  }
0x114: {  	[tilespmem:s24], [sflag:$0x7] =	stream.indirect.gather [hbm4b:s4+s19], $0x80, s29, s19, $0xb8;
	[tilespmem:$0x1DC80] =	vst v63  }
0x115: {  	_ =	swait.ge [sflag:s1], $0x2800  }
0x116: {  	[sflag:s1] =	ssyncset.done $0x0  }
0x117: {  	[sflag:s1] =	ssyncadd.s32 $0xFFFFD800  }
0x118: {  	[spmem:s2] =	stream.indirect.scatter.add.f32 [tilespmem:s28], [sflag:$0xA], $0x80, s23, s19, $0xb8;
	[tilespmem:$0x1DC80] =	vst v63  }
0x119: {  	_ =	swait.ge [sflag:s14], $0x2800  }
0x11a: {  	s9 =	simm.s32 @p2 $0x0;
	s12 =	rddreg [dreg:$0x3]  }
0x11b: {  	s8 =	sadd.s32 s9, s12  }
0x11c: {  	[sflag:s14] =	ssyncset.done $0x0;
	s8 =	sshrl.u32 s8, $0x3  }
0x11d: {  	[sflag:s14] =	ssyncadd.s32 $0xFFFFD800;
	s8 =	sadd.s32 s5, s8  }
0x11e: {  	[tilespmem:s3], [sflag:$0x1] =	stream.linear.gather [hbm4b:s8+s3], $0x50, $0x38;
	[tilespmem:$0x1DC80] =	vst v63  }
0x11f: {  	s8 =	sadd.s32 $0x9C40, s8  }
0x120: {  	[tilespmem:s20], [sflag:$0x1] =	stream.linear.gather [hbm4b:s8+s3], $0x50, $0x38;
	[tilespmem:$0x1DC80] =	vst v63  }
0x121: {  	_ =	swait.ge [sflag:s10], $0x50  }
0x122: {  	[sflag:s10] =	ssyncset.done $0x0  }
0x123: {  	[sflag:s10] =	ssyncadd.s32 $0xFFFFFFB0  }
0x124: {  	_ =	swait.ge [sflag:s10], $0x50  }
0x125: {  	[sflag:s10] =	ssyncset.done $0x0  }
0x126: {  	s13 =	simm.s32 $0x7C00;
	[sflag:s10] =	ssyncadd.s32 $0xFFFFFFB0  }
0x127: {  	[tilespmem:s13], [sflag:$0x8] =	stream.indirect.gather [hbm4b:s4+s19], $0x80, s31, s19, $0xb8;
	[tilespmem:$0x1DC80] =	vst v63  }
0x128: {  	_ =	swait.ge [sflag:s7], $0x2800  }
0x129: {  	[sflag:s7] =	ssyncset.done $0x0  }
0x12a: {  	s15 =	simm.s32 $0xA;
	[sflag:s7] =	ssyncadd.s32 $0xFFFFD800  }
0x12b: {  	[spmem:s2] =	stream.indirect.scatter.add.f32 [tilespmem:s24], [sflag:$0xB], $0x80, s26, s19, $0xb8;
	[tilespmem:$0x1DC80] =	vst v63  }
0x12c: {  	_ =	swait.ge [sflag:s15], $0x2800  }
0x12d: {  	[sflag:s15] =	ssyncset.done $0x0  }
0x12e: {  	[sflag:s15] =	ssyncadd.s32 $0xFFFFD800  }
0x12f: {  	_ =	swait.ge [sflag:s22], $0x50  }
0x130: {  	[sflag:s22] =	ssyncset.done $0x0  }
0x131: {  	[sflag:s22] =	ssyncadd.s32 $0xFFFFFFB0  }
0x132: {  	_ =	swait.ge [sflag:s22], $0x50  }
0x133: {  	[sflag:s22] =	ssyncset.done $0x0  }
0x134: {  	s21 =	simm.s32 $0x8;
	[sflag:s22] =	ssyncadd.s32 $0xFFFFFFB0  }
0x135: {  	[tilespmem:s16], [sflag:$0x5] =	stream.indirect.gather [hbm4b:s4+s19], $0x80, s3, s19, $0xb8;
	[tilespmem:$0x1DC80] =	vst v63  }
0x136: {  	_ =	swait.ge [sflag:s21], $0x2800  }
0x137: {  	[sflag:s21] =	ssyncset.done $0x0  }
0x138: {  	[sflag:s21] =	ssyncadd.s32 $0xFFFFD800  }
0x139: {  	[spmem:s2] =	stream.indirect.scatter.add.f32 [tilespmem:s13], [sflag:$0xC], $0x80, s18, s19, $0xb8;
	[tilespmem:$0x1DC80] =	vst v63  }
0x13a: {  	_ =	swait.ge [sflag:s0], $0x2800  }
0x13b: {  	[sflag:s0] =	ssyncset.done $0x0  }
0x13c: {  	s24 =	simm.s32 $0xB;
	[sflag:s0] =	ssyncadd.s32 $0xFFFFD800  }
0x13d: {  	[spmem:s2] =	stream.indirect.scatter.add.f32 [tilespmem:s16], [sflag:$0x9], $0x80, s20, s19, $0xb8;
	[tilespmem:$0x1DC80] =	vst v63  }
0x13e: {  	_ =	swait.ge [sflag:s24], $0x2800  }
0x13f: {  	[sflag:s24] =	ssyncset.done $0x0  }
0x140: {  	s26 =	simm.s32 $0xC;
	[sflag:s24] =	ssyncadd.s32 $0xFFFFD800  }
0x141: {  	_ =	swait.ge [sflag:s26], $0x2800  }
0x142: {  	[sflag:s26] =	ssyncset.done $0x0  }
0x143: {  	[sflag:s26] =	ssyncadd.s32 $0xFFFFD800  }
.Ltmp8:
0x144: {  	_ =	swait.ge [sflag:s14], $0x2800;
	(pc) =	sbr.rel @p1 .LBB2_17-.Ltmp8, $4  }
0x145: {  	[sflag:s14] =	ssyncset.done $0x0  }
0x146: {  	[sflag:s14] =	ssyncadd.s32 $0xFFFFD800  }
0x147: {  	[bflag:$0x0] =	sbarrier.arrive $0xFFFF  }
0x148: {  	s1 =	simm.s32 $0x9;
	s31 =	simm.s32 $0x5400;
	s7 =	simm.s32 $0x5  }
0x149: {  	s18 =	rddreg [dreg:$0x9]  }
0x14a: {  	[tilespmem:s16], [sflag:$0xD] =	stream.linear.gather [spmem:s18], $0x2800, $0x38;
	[tilespmem:$0x1DC80] =	vst v63  }
0x14b: {  	_ =	swait.ge [sflag:s17], $0x2800  }
0x14c: {  	s13 =	rddreg [dreg:$0x4]  }
0x14d: {  	p2 =	seq.s32 s13, $0x1  }
.Ltmp9:
0x14e: {  	[sflag:s17] =	ssyncset.done $0x0;
	(pc) =	sbr.rel @p2 .LBB2_16-.Ltmp9, $4  }
0x14f: {  	s9 =	rddreg [dreg:$0xb];
	[sflag:s17] =	ssyncadd.s32 $0xFFFFD800  }
0x150: {  	[hbm4b:s9+s3] =	stream.linear.scatter [tilespmem:s16], [sflag:$0xD], $0x2800, $0x38;
	[tilespmem:$0x1DC80] =	vst v63  }
0x151: {  	s12 =	smov.u32 s18;
	_ =	swait.ge [sflag:s17], $0x2800  }
0x152: {  	s8 =	sadd.s32 $0xFFFFFFFF, s13;
	[sflag:s17] =	ssyncset.done $0x0;
	s21 =	rddreg [dreg:$0xc]  }
.LBB2_15:
0x153: {  	[sflag:s17] =	ssyncadd.s32 $0xFFFFD800;
	s9 =	sadd.s32 $0x500, s9;
	s12 =	sadd.s32 $0x2800, s12  }
0x154: {  	[tilespmem:s16], [sflag:$0xD] =	stream.linear.gather [spmem:s12], $0x2800, $0x38;
	[tilespmem:$0x1DC80] =	vst v63  }
0x155: {  	p2 =	seq.s32 s8, $0x1;
	s8 =	sadd.s32 $0xFFFFFFFF, s8;
	_ =	swait.ge [sflag:s17], $0x2800  }
.Ltmp10:
0x156: {  	[sflag:s17] =	ssyncset.done $0x0;
	(pc) =	sbr.rel @!p2 .LBB2_15-.Ltmp10, $4  }
0x157: {  	[sflag:s17] =	ssyncadd.s32 $0xFFFFD800  }
0x158: {  	[hbm4b:s9+s3] =	stream.linear.scatter [tilespmem:s16], [sflag:$0xD], $0x2800, $0x38;
	[tilespmem:$0x1DC80] =	vst v63  }
0x159: {  	_ =	swait.ge [sflag:s17], $0x2800  }
0x15a: {  	[sflag:s17] =	ssyncset.done $0x0  }
.LBB2_16:
.Ltmp11:
0x15b: {  	(pc) =	sbr.rel .LBB2_20-.Ltmp11, $3  }
0x15c: {  	_ =	sdelay $0x1  }
0x15d: {  	[sflag:s17] =	ssyncadd.s32 $0xFFFFD800  }
0x15e: {  	s24 =	simm.s32 $0x300;
	s26 =	simm.s32 $0x180;
	s0 =	simm.s32 $0x6  }
.LBB2_17:
0x15f: {  	s18 =	rddreg [dreg:$0x9]  }
0x160: {  	[tilespmem:s16], [sflag:$0xD] =	stream.linear.gather [spmem:s18], $0x2800, $0x38;
	[tilespmem:$0x1DC80] =	vst v63  }
0x161: {  	_ =	swait.ge [sflag:s17], $0x2800  }
0x162: {  	s13 =	rddreg [dreg:$0x4]  }
0x163: {  	p2 =	sne.s32 s13, $0x1  }
.Ltmp12:
0x164: {  	[sflag:s17] =	ssyncset.done $0x0;
	(pc) =	sbr.rel @!p2 .LBB2_19-.Ltmp12, $4  }
0x165: {  	s9 =	rddreg [dreg:$0xa];
	[sflag:s17] =	ssyncadd.s32 $0xFFFFD800  }
0x166: {  	[hbm4b:s9+s3] =	stream.linear.scatter [tilespmem:s16], [sflag:$0xD], $0x2800, $0x38;
	[tilespmem:$0x1DC80] =	vst v63  }
0x167: {  	s12 =	smov.u32 s18;
	_ =	swait.ge [sflag:s17], $0x2800  }
0x168: {  	s8 =	sadd.s32 $0xFFFFFFFF, s13;
	[sflag:s17] =	ssyncset.done $0x0;
	s21 =	rddreg [dreg:$0xc]  }
.LBB2_18:
0x169: {  	[sflag:s17] =	ssyncadd.s32 $0xFFFFD800;
	s9 =	sadd.s32 $0x500, s9;
	s12 =	sadd.s32 $0x2800, s12  }
0x16a: {  	[tilespmem:s16], [sflag:$0xD] =	stream.linear.gather [spmem:s12], $0x2800, $0x38;
	[tilespmem:$0x1DC80] =	vst v63  }
0x16b: {  	p2 =	sne.s32 s8, $0x1;
	s8 =	sadd.s32 $0xFFFFFFFF, s8;
	_ =	swait.ge [sflag:s17], $0x2800  }
.Ltmp13:
0x16c: {  	[sflag:s17] =	ssyncset.done $0x0;
	(pc) =	sbr.rel @p2 .LBB2_18-.Ltmp13, $4  }
0x16d: {  	[sflag:s17] =	ssyncadd.s32 $0xFFFFD800  }
0x16e: {  	[hbm4b:s9+s3] =	stream.linear.scatter [tilespmem:s16], [sflag:$0xD], $0x2800, $0x38;
	[tilespmem:$0x1DC80] =	vst v63  }
0x16f: {  	_ =	swait.ge [sflag:s17], $0x2800  }
0x170: {  	[sflag:s17] =	ssyncset.done $0x0  }
.Ltmp14:
0x171: {  	_ = 	snop;
	(pc) =	sbr.rel .LBB2_19-.Ltmp14, $1  }
0x172: {  	_ =	sdelay $0x3  }
.LBB2_6:
.Ltmp15:
0x173: {  	(pc) =	sbr.rel .LBB2_11-.Ltmp15, $2  }
0x174: {  	_ =	sdelay $0x2  }
0x175: {  	s15 =	rddreg [dreg:$0x8];
	s12 =	smov.u32 s18;
	s13 =	simm.s32 $0x380  }
.LBB2_8:
.Ltmp16:
0x176: {  	(pc) =	sbr.rel .LBB2_11-.Ltmp16, $2  }
0x177: {  	_ =	sdelay $0x2  }
0x178: {  	s29 =	simm.s32 $0x100;
	s13 =	simm.s32 $0x380  }
.LBB2_21:
0x179: {  	_ =	sfence.sel $0x180000  }
0x17a: {  	[bflag:$0x0] =	sbarrier.arrive $0xFFFF  }
0x17b: {  	_ =	strace $0x9000004D  }
0x17c: {  	s0 =	stileid.u32;
	[bflag:$0x2] =	sbarrier.arrive $0xFFFF  }
0x17d: {  	p0 =	sne.s32 s0, $0x0;
	s0 =	rddreg [dreg:$0x2]  }
0x17e: {  	s0 =	sadd.s32 @!p0 $0x100000, s0  }
0x17f: {  	[sflag:s0] =	ssyncadd.tile.s32 @!p0 $0x1;
	_ =	shalt  }
.Lfunc_end2:
_tile_overlayer_lowered:
.L_overlay_start_2:
0x180: {  	(tag) =	ssettag $0x2  }
0x181: {  	s0 =	rddreg [dreg:$0x0];
	s2 =	stileid.u32  }
0x182: {  	s1 =	rddreg [dreg:$0x1];
	p0 =	sne.s32 s2, $0x0  }
0x183: {  	s3 =	rddreg [dreg:$0x2];
	[bflag:$0x3] =	sbarrier.arrive $0xFFFF;
	s2 =	simm.s32 @!p0 $0x1C0D  }
0x184: {  	[timem:s3], [sflag:s2] =	dma.local @!p0 [hbm:s0], s1  }
0x185: {  	s0 =	simm.s32 @!p0 $0xD  }
0x186: {  	_ =	swait.ge @!p0 [sflag:s0], s1  }
0x187: {  	s1 =	ssub.s32 @!p0 $0x0, s1;
	[sflag:s0] =	ssyncset.done @!p0 $0x0  }
0x188: {  	[sflag:s0] =	ssyncadd.s32 @!p0 s1  }
0x189: {  	[bflag:$0x3] =	sbarrier.arrive $0xFFFF  }
0x18a: {  	_ =	shalt  }

// kernel: kernel.8.cloned.1.call-start
scs
__scs_entry_jumppad:
0x0: {  	(pc) =	sbr.rel $0x88, $3  }
0x1: {  	(tag) =	ssettag $0x0;
	lr =	simm.s32 $0x1  }
0x2: {  	[smem:$0x3F92] =	sst lr;
	_ =	strace $0xD0000000  }
0x3: {  	_ = 	snop  }
0x4: {  	_ = 	snop  }
0x5: {  	_ = 	snop  }
0x6: {  	_ = 	snop  }
0x7: {  	_ = 	snop  }
__scs_overlays_trampoline_lowered:
0x8: {  	[smem:$0x3FA1] =	sst s0  }
0x9: {  	[smem:$0x3FA2] =	sst s1  }
0xa: {  	[smem:$0x3FA3] =	sst s2  }
0xb: {  	[smem:$0x3FA4] =	sst s3  }
0xc: {  	[smem:$0x3FA5] =	sst s4  }
0xd: {  	[smem:$0x3FA6] =	sst s5  }
0xe: {  	[smem:$0x3FA7] =	sst s6  }
0xf: {  	[smem:$0x3FA8] =	sst s7  }
0x10: {  	[smem:$0x3FA9] =	sst s8  }
0x11: {  	[smem:$0x3FAA] =	sst s9;
	s0 =	simm.s32 @!p0 $0x0  }
0x12: {  	s1 =	sld [smem:$0x3F90];
	s0 =	simm.s32 @p0 $0x1  }
0x13: {  	[smem:$0x3FAB] =	sst s0;
	s0 =	simm.s32 @!p1 $0x0  }
0x14: {  	s2 =	sld [smem:$0x3F8F];
	s0 =	simm.s32 @p1 $0x1  }
0x15: {  	[smem:$0x3FAC] =	sst s0;
	s0 =	simm.s32 @!p2 $0x0  }
0x16: {  	s3 =	sld [smem:$0x3FDB];
	s0 =	simm.s32 @p2 $0x1  }
0x17: {  	s4 =	simm.s32 $0x1BF5;
	[smem:$0x3FAE] =	sst s0  }
0x18: {  	s0 =	sld [smem:$0x3F91];
	_ =	swait.ge [sflag:s4], $0x0  }
0x19: {  	s7 =	sld [smem:$0x3F92]  }
0x1a: {  	s8 =	sadd.s32 $0xFFFFE003, lr  }
0x1b: {  	s9 =	sadd.s32 $0xFFFFFEF7, lr;
	s5 =	simm.s32 $0xFFFFFFFF;
	p2 =	slt.u32 s8, $0xFFFFF086  }
0x1c: {  	p1 =	slt.u32 s9, $0xF7A;
	s5 =	simm.s32 @!p2 $0x0  }
0x1d: {  	s5 =	simm.s32 @p1 $0x1;
	p0 =	seq.s32 s7, s2  }
0x1e: {  	s7 =	smul.u32 @!p0 $0xF7A, s2;
	p2 =	seq.s32 @!p0 s5, $0x0  }
0x1f: {  	s9 =	smul.u32 $0xF7A, s1;
	s8 =	simm.s32 @!p0 $0x1BF5;
	p2 =	por !p2, p0  }
0x20: {  	[sflag:s8] =	ssyncset.s32 @!p0 $0xFFFFF086;
	s6 =	sadd.s32 @!p0 s3, s7;
	s7 =	simm.s32 @!p0 $0x108  }
0x21: {  	s3 =	sadd.s32 s3, s9;
	s6 =	sadd.s32 @!p0 $0x88, s6;
	s7 =	simm.s32 @p2 $0x1082  }
0x22: {  	[simem:s7], [sflag:s8] =	dma.local @!p0 [hbm:s6], $0xF7A  }
0x23: {  	s9 =	sor.u32 $0xD0000000, s2;
	s6 =	simm.s32 $0x108;
	_ =	swait.ge @!p0 [sflag:s8], $0x0  }
0x24: {  	s3 =	sadd.s32 $0x88, s3;
	s6 =	simm.s32 @!p1 $0x1082;
	[sflag:s4] =	ssyncset.s32 $0xFFFFF086  }
0x25: {  	[simem:s6], [sflag:s4] =	dma.local [hbm:s3], $0xF7A  }
0x26: {  	[smem:$0x3F92] =	sst s1;
	(tag) =	ssettag s2;
	_ =	strace s9  }
0x27: {  	s1 =	sld [smem:$0x3FA2]  }
0x28: {  	s2 =	sld [smem:$0x3FA3]  }
0x29: {  	s4 =	sld [smem:$0x3FA5]  }
0x2a: {  	p0 =	seq.s32 s5, $0x0;
	s5 =	sld [smem:$0x3FA6]  }
0x2b: {  	s6 =	sld [smem:$0x3FA7]  }
0x2c: {  	s7 =	sld [smem:$0x3FA8]  }
0x2d: {  	s3 =	simm.s32 $0x108;
	s8 =	sld [smem:$0x3FA9]  }
0x2e: {  	s3 =	simm.s32 @!p0 $0x1082;
	s9 =	sld [smem:$0x3FAA]  }
0x2f: {  	lr =	sadd.s32 s0, s3;
	s0 =	sld [smem:$0x3FA1]  }
0x30: {  	s3 =	sld [smem:$0x3FA4]  }
0x31: {  	[smem:$0x3FAD] =	sst s10  }
0x32: {  	s10 =	sld [smem:$0x3FAB];
	_ =	sdelay $0x3  }
0x33: {  	p0 =	seq.s32 s10, $0x1;
	s10 =	sld [smem:$0x3FAD];
	_ =	sdelay $0x3  }
0x34: {  	[smem:$0x3FAD] =	sst s10  }
0x35: {  	s10 =	sld [smem:$0x3FAC];
	_ =	sdelay $0x3  }
0x36: {  	p1 =	seq.s32 s10, $0x1;
	s10 =	sld [smem:$0x3FAD];
	_ =	sdelay $0x3  }
0x37: {  	[smem:$0x3FAD] =	sst s10  }
0x38: {  	s10 =	sld [smem:$0x3FAE]  }
0x39: {  	_ = 	snop;
	(pc) =	sbr.ind lr, $3  }
0x3a: {  	_ = 	snop  }
0x3b: {  	_ = 	snop  }
0x3c: {  	p2 =	seq.s32 s10, $0x1;
	s10 =	sld [smem:$0x3FAD]  }
0x3d: {  	_ =	shalt  }
0x3e: {  	_ =	shalt  }
0x3f: {  	_ =	shalt  }
0x40: {  	_ =	shalt  }
0x41: {  	_ =	shalt  }
0x42: {  	_ =	shalt  }
0x43: {  	_ =	shalt  }
0x44: {  	_ =	shalt  }
0x45: {  	_ =	shalt  }
0x46: {  	_ =	shalt  }
0x47: {  	_ =	shalt  }
0x48: {  	_ =	shalt  }
0x49: {  	_ =	shalt  }
0x4a: {  	_ =	shalt  }
0x4b: {  	_ =	shalt  }
0x4c: {  	_ =	shalt  }
0x4d: {  	_ =	shalt  }
0x4e: {  	_ =	shalt  }
0x4f: {  	_ =	shalt  }
0x50: {  	_ =	shalt  }
0x51: {  	_ =	shalt  }
0x52: {  	_ =	shalt  }
0x53: {  	_ =	shalt  }
0x54: {  	_ =	shalt  }
0x55: {  	_ =	shalt  }
0x56: {  	_ =	shalt  }
0x57: {  	_ =	shalt  }
0x58: {  	_ =	shalt  }
0x59: {  	_ =	shalt  }
0x5a: {  	_ =	shalt  }
0x5b: {  	_ =	shalt  }
0x5c: {  	_ =	shalt  }
0x5d: {  	_ =	shalt  }
0x5e: {  	_ =	shalt  }
0x5f: {  	_ =	shalt  }
0x60: {  	_ =	shalt  }
0x61: {  	_ =	shalt  }
0x62: {  	_ =	shalt  }
0x63: {  	_ =	shalt  }
0x64: {  	_ =	shalt  }
0x65: {  	_ =	shalt  }
0x66: {  	_ =	shalt  }
0x67: {  	_ =	shalt  }
0x68: {  	_ =	shalt  }
0x69: {  	_ =	shalt  }
0x6a: {  	_ =	shalt  }
0x6b: {  	_ =	shalt  }
0x6c: {  	_ =	shalt  }
0x6d: {  	_ =	shalt  }
0x6e: {  	_ =	shalt  }
0x6f: {  	_ =	shalt  }
0x70: {  	_ =	shalt  }
0x71: {  	_ =	shalt  }
0x72: {  	_ =	shalt  }
0x73: {  	_ =	shalt  }
0x74: {  	_ =	shalt  }
0x75: {  	_ =	shalt  }
0x76: {  	_ =	shalt  }
0x77: {  	_ =	shalt  }
0x78: {  	_ =	shalt  }
0x79: {  	_ =	shalt  }
0x7a: {  	_ =	shalt  }
0x7b: {  	_ =	shalt  }
0x7c: {  	_ =	shalt  }
0x7d: {  	_ =	shalt  }
0x7e: {  	_ =	shalt  }
0x7f: {  	_ =	shalt  }
0x80: {  	_ =	shalt  }
0x81: {  	_ =	shalt  }
0x82: {  	_ =	shalt  }
0x83: {  	_ =	shalt  }
0x84: {  	_ =	shalt  }
0x85: {  	_ =	shalt  }
0x86: {  	_ =	shalt  }
0x87: {  	_ =	shalt  }
.Lfunc_end0:
.L_simem_size_0:
called_computation_lowered:
.L_overlay_start_0:
0x88: {  	s2 =	sld [smem:$0x3FD9]  }
0x89: {  	s3 =	sld [smem:$0x3FFE];
	_ =	sdelay $0x1  }
0x8a: {  	s1 =	srdreg.scid  }
0x8b: {  	s0 =	sand.u32 $0x1, s1  }
0x8c: {  	s17 =	sshll.u32 s0, $0xA;
	s2 =	sadd.s32 s3, s2  }
0x8d: {  	s2 =	sadd.s32 s2, s17  }
0x8e: {  	[smem:$0x3FB9] =	sst s2  }
0x8f: {  	_ = 	snop  }
0x90: {  	s2 =	sld [smem:$0x3FD0];
	(tm) =	ssettm $0x1  }
0x91: {  	s18 =	sld [smem:$0x3FFB];
	_ =	sdelay $0x3  }
0x92: {  	_ =	strace s18  }
0x93: {  	s3 =	sld [smem:$0x3FFC];
	_ =	sdelay $0x3  }
0x94: {  	_ =	strace s3  }
0x95: {  	s3 =	sld [smem:$0x3FFD];
	_ =	sdelay $0x3  }
0x96: {  	_ =	strace s3  }
0x97: {  	_ =	strace $0x8FFFFFFF  }
0x98: {  	s19 =	sld [smem:$0x3FDB];
	_ =	sdelay $0x1  }
0x99: {  	s4 =	simm.s32 $_scs_section_size  }
0x9a: {  	s5 =	simm.s32 $_size__tile_overlayer_lowered;
	s6 =	simm.s32 $_tile_overlayer_lowered  }
0x9b: {  	s22 =	simm.s32 $0x1BFF;
	s21 =	sshll.u32 s6, $0x1;
	s3 =	sadd.s32 s4, s19  }
0x9c: {  	s7 =	simm.s32 $0x0;
	s20 =	sshll.u32 s5, $0x1;
	s5 =	sadd.s32 s21, s3  }
0x9d: {  	[timem:s7], [sflag:s22] =	dma.local [hbm:s5], s20  }
0x9e: {  	_ =	swait.ge [sflag:s22], s20  }
0x9f: {  	s4 =	ssub.s32 $0x0, s20;
	[sflag:s22] =	ssyncset.done $0x0  }
0xa0: {  	[sflag:s22] =	ssyncadd.s32 s4;
	_ =	sdelay $0x1  }
0xa1: {  	s23 =	simm.s32 $0x1B8B  }
0xa2: {  	_ =	swait.ge [sflag:s23], $0x1  }
0xa3: {  	[sflag:s23] =	ssyncset.done $0x0  }
0xa4: {  	s25 =	simm.s32 $0x1B8E;
	s24 =	sld [smem:$0x3FFE];
	[sflag:s23] =	ssyncadd.s32 $0xFFFFFFFF  }
0xa5: {  	s26 =	simm.s32 $execute0_lowered;
	[smem:$0x3FD2] =	sst s25  }
0xa6: {  	s5 =	sshll.u32 s26, $0x1;
	_ =	strace $0x80000046;
	[dreg:$0x1] =	wrdreg $0xFFFFFFFF  }
0xa7: {  	s28 =	simm.s32 $_size_execute0_lowered;
	s3 =	sadd.s32 s3, s5;
	[dreg:$0x0] =	wrdreg $0x0  }
0xa8: {  	s5 =	sshll.u32 s28, $0x1;
	[dreg:$0x2] =	wrdreg s3  }
0xa9: {  	[dreg:$0x3] =	wrdreg s5  }
0xaa: {  	[dreg:$0x4] =	wrdreg $0xC0  }
0xab: {  	_ =	task [dreg:s7], $0x5FFFF  }
0xac: {  	[dreg:$0x1] =	wrdreg $0xFFFFFFFF  }
0xad: {  	[dreg:$0x0] =	wrdreg $0x60  }
0xae: {  	[dreg:$0x2] =	wrdreg s24  }
0xaf: {  	[dreg:$0x3] =	wrdreg s2  }
0xb0: {  	[dreg:$0x4] =	wrdreg $0x5000  }
0xb1: {  	[dreg:$0x5] =	wrdreg $0x9  }
0xb2: {  	_ =	task.clear_ibuf [dreg:s7], $0x6FFFF;
	_ =	strace $0x90000046  }
0xb3: {  	s29 =	simm.s32 $0x9;
	_ =	strace $0x80000048  }
0xb4: {  	_ =	swait.ge [sflag:s29], $0x1  }
0xb5: {  	[sflag:s29] =	ssyncadd.s32 $0xFFFFFFFF  }
0xb6: {  	_ =	strace $0x90000048  }
0xb7: {  	_ =	sfence  }
0xb8: {  	s30 =	sld [smem:$0x0];
	_ =	sdelay $0x2  }
0xb9: {  	s31 =	sshll.u32 s1, $0xD;
	s1 =	sshrl.u32 s1, $0x2  }
0xba: {  	s3 =	sand.u32 $0x4000, s31;
	s1 =	sadd.s32 s1, s30  }
0xbb: {  	s0 =	sor.u32 s3, s0;
	s1 =	sshll.u32 s1, $0x11  }
0xbc: {  	s0 =	sor.u32 s1, s0  }
0xbd: {  	s0 =	sadd.s32 $0x8F2B, s0  }
0xbe: {  	[sflag:s0] =	ssyncadd.remote.s32 $0x1  }
0xbf: {  	_ =	sfence.sel $0xFFFF  }
0xc0: {  	[dreg:$0x0] =	wrdreg $0xFFFFFFFF;
	(pc) =	sbr.abs _section_cstart, $3  }
0xc1: {  	[dreg:$0x1] =	wrdreg $0xFFFFFFFF  }
0xc2: {  	_ =	task.clear_ibuf [dreg:s7], $0x2FFFF;
	_ =	strace $0x9FFFFFFF  }
0xc3: {  	(tm) =	ssettm $0x7FFFFFFF  }
tec
execute0_lowered:
.L_overlay_start_1:
0x0: {  	(tag) =	ssettag $0x1  }
0x1: {  	s0 =	rddreg [dreg:$0x0]  }
0x2: {  	s1 =	rddreg [dreg:$0x1]  }
0x3: {  	s2 =	rddreg [dreg:$0x2];
	s26 =	stileid.u32  }
0x4: {  	s4 =	srdreg.scid;
	s3 =	simm.s32 $0x0;
	s28 =	simm.s32 $0x180  }
0x5: {  	s29 =	simm.s32 $0x3;
	s30 =	simm.s32 $0x5;
	s6 =	smul.u32 $0x280, s26  }
0x6: {  	s31 =	simm.s32 $0x4;
	s4 =	sand.u32 $0x1, s4;
	s7 =	smul.u32 $0x2710, s26  }
0x7: {  	[smem:$0x7FF] =	sst s3;
	s8 =	sadd.s32 $0x4000, s0;
	s11 =	smul.u32 $0xA00, s26  }
0x8: {  	p0 =	seq.s32 s26, $0xF;
	s5 =	smul.u32 $0x27100, s4;
	_ =	strace $0x80000047  }
0x9: {  	s10 =	ssub.s32 $0x2, s4;
	p4 =	seq.s32 s4, $0x1;
	s9 =	sshrl.u32 s6, $0x3  }
0xa: {  	s13 =	sshrl.u32 s10, $0x1;
	s19 =	sshrl.u32 s11, $0x2;
	p2 =	seq.s32 @p4 s26, $0xF  }
0xb: {  	p5 =	seq.s32 @!p4 s26, $0xF;
	s26 =	simm.s32 $0x2;
	s12 =	sadd.s32 s9, s0  }
0xc: {  	s18 =	sadd.s32 s7, s5;
	s13 =	ssub.s32 s10, s13;
	s5 =	sadd.s32 s19, s2  }
0xd: {  	s20 =	sadd.s32 s1, s9;
	s1 =	sadd.s32 $0x4B0, s1;
	s0 =	sadd.s32 $0x17EB0, s0  }
0xe: {  	p1 =	por !p2, !p4;
	p2 =	por p2, !p4;
	[dreg:$0x4] =	wrdreg s5  }
0xf: {  	p3 =	por !p5, p4;
	p4 =	por p5, p4;
	[dreg:$0x6] =	wrdreg s20  }
0x10: {  	s7 =	sshrl.u32 s18, $0x3;
	s5 =	sadd.s32 $0x2580, s2;
	[dreg:$0x7] =	wrdreg s1  }
0x11: {  	s21 =	sadd.s32 $0x17A00, s12;
	[dreg:$0x9] =	wrdreg s0;
	s12 =	smax.u32 s13, $0x1  }
0x12: {  	s22 =	sadd.s32 $0x4E480, s18;
	s23 =	sadd.s32 $0x4E430, s18;
	s24 =	sadd.s32 $0x4E3E0, s18  }
0x13: {  	s25 =	sadd.s32 $0x4E390, s18;
	s16 =	sadd.s32 s8, s7;
	[dreg:$0x8] =	wrdreg s21  }
0x14: {  	s0 =	sshrl.u32 s22, $0x3;
	s1 =	sshrl.u32 s24, $0x3;
	s4 =	sshrl.u32 s25, $0x3  }
0x15: {  	s21 =	simm.s32 $0x80;
	s22 =	simm.s32 $0x1;
	s24 =	simm.s32 $0x200  }
0x16: {  	s25 =	simm.s32 $0x100;
	s7 =	sadd.s32 $0x9C40, s16;
	s13 =	sadd.s32 $0x9C4A, s16  }
0x17: {  	s14 =	sadd.s32 $0x9C54, s16;
	s15 =	sadd.s32 $0x9C5E, s16;
	s16 =	sadd.s32 $0x9C68, s16  }
0x18: {  	s17 =	sadd.s32 s0, s8;
	s0 =	sshrl.u32 s23, $0x3;
	s19 =	sadd.s32 s1, s8  }
0x19: {  	s20 =	sadd.s32 s4, s8;
	s23 =	simm.s32 $0x50;
	s1 =	simm.s32 $0x7  }
0x1a: {  	s4 =	simm.s32 $0x8;
	[dreg:$0x5] =	wrdreg s7;
	s7 =	sadd.s32 s6, s2  }
0x1b: {  	v0 =	vimm.f32 $1.000000000e+00;
	v1 =	vimm.f32 $0.0e+00;
	s18 =	sadd.s32 s0, s8;
	s0 =	simm.s32 $0x6;
	s6 =	simm.s32 $0x0  }
.LBB2_1:
0x1c: {  	[tilespmem:$0x200] =	vst v0  }
0x1d: {  	[tilespmem:$0x210] =	vst v0  }
0x1e: {  	[tilespmem:$0x220] =	vst v0  }
0x1f: {  	[tilespmem:$0x230] =	vst v0  }
0x20: {  	[tilespmem:$0x240] =	vst v0  }
0x21: {  	[tilespmem:$0x280] =	vst v1  }
0x22: {  	[tilespmem:$0x290] =	vst v1  }
0x23: {  	[tilespmem:$0x2A0] =	vst v1  }
0x24: {  	[tilespmem:$0x2B0] =	vst v1  }
0x25: {  	[tilespmem:$0x2C0] =	vst v1  }
0x26: {  	[tilespmem:$0x2D0] =	vst v1  }
0x27: {  	[tilespmem:$0x2E0] =	vst v1  }
0x28: {  	[tilespmem:$0x2F0] =	vst v1  }
0x29: {  	[tilespmem:$0x300] =	vst v1  }
0x2a: {  	[tilespmem:$0x310] =	vst v1  }
0x2b: {  	[tilespmem:$0x320] =	vst v1  }
0x2c: {  	[tilespmem:$0x330] =	vst v1  }
0x2d: {  	[tilespmem:$0x340] =	vst v1  }
0x2e: {  	[tilespmem:$0x350] =	vst v1  }
0x2f: {  	[tilespmem:$0x360] =	vst v1  }
0x30: {  	[tilespmem:$0x370] =	vst v1  }
0x31: {  	[tilespmem:$0x380] =	vst v1  }
0x32: {  	[tilespmem:$0x390] =	vst v1  }
0x33: {  	[tilespmem:$0x3A0] =	vst v1  }
0x34: {  	[tilespmem:$0x3B0] =	vst v1  }
0x35: {  	[tilespmem:$0x3C0] =	vst v1  }
0x36: {  	[tilespmem:$0x3D0] =	vst v1  }
0x37: {  	[tilespmem:$0x3E0] =	vst v1  }
0x38: {  	[tilespmem:$0x3F0] =	vst v1  }
0x39: {  	[tilespmem:$0x400] =	vst v1  }
0x3a: {  	[tilespmem:$0x410] =	vst v1  }
0x3b: {  	[tilespmem:$0x420] =	vst v1  }
0x3c: {  	[tilespmem:$0x430] =	vst v1  }
0x3d: {  	[tilespmem:$0x440] =	vst v1  }
0x3e: {  	[tilespmem:$0x450] =	vst v1  }
0x3f: {  	[tilespmem:$0x460] =	vst v1  }
0x40: {  	[tilespmem:$0x470] =	vst v1  }
0x41: {  	[tilespmem:$0x480] =	vst v1  }
0x42: {  	[tilespmem:$0x490] =	vst v1  }
0x43: {  	[tilespmem:$0x4A0] =	vst v1  }
0x44: {  	[tilespmem:$0x4B0] =	vst v1  }
0x45: {  	[tilespmem:$0x4C0] =	vst v1  }
0x46: {  	[tilespmem:$0x4D0] =	vst v1  }
0x47: {  	[tilespmem:$0x4E0] =	vst v1  }
0x48: {  	[tilespmem:$0x4F0] =	vst v1;
	s8 =	simm.s32 @p0 $0x280  }
0x49: {  	[spmem:s5] =	stream.linear.scatter @p0 [tilespmem:s8], [sflag:$0x9], $0x190, $0x38;
	[tilespmem:$0x778] =	vst v63  }
0x4a: {  	s8 =	simm.s32 @p0 $0x9  }
0x4b: {  	_ =	swait.ge @p0 [sflag:s8], $0x190  }
0x4c: {  	[sflag:s8] =	ssyncset.done @p0 $0x0  }
0x4d: {  	s9 =	rddreg [dreg:$0x4];
	[sflag:s8] =	ssyncadd.s32 @p0 $0xFFFFFE70;
	s8 =	simm.s32 @!p0 $0x280  }
0x4e: {  	[spmem:s9] =	stream.linear.scatter @!p0 [tilespmem:s8], [sflag:$0x9], $0x280, $0x38;
	[tilespmem:$0x778] =	vst v63  }
0x4f: {  	s8 =	simm.s32 @!p0 $0x9  }
0x50: {  	_ =	swait.ge @!p0 [sflag:s8], $0x280  }
0x51: {  	[sflag:s8] =	ssyncset.done @!p0 $0x0  }
0x52: {  	[sflag:s8] =	ssyncadd.s32 @!p0 $0xFFFFFD80  }
0x53: {  	[bflag:$0x0] =	sbarrier.arrive $0xFFFF  }
0x54: {  	s10 =	rddreg [dreg:$0x5]  }
0x55: {  	[tilespmem:s3], [sflag:$0x1] =	stream.linear.gather [hbm4b:s10+s3], $0x50, $0x38;
	[tilespmem:$0x778] =	vst v63  }
0x56: {  	_ = 	snop  }
0x57: {  	[tilespmem:s21], [sflag:$0x2] =	stream.linear.gather [hbm4b:s13+s3], $0x50, $0x38;
	[tilespmem:$0x778] =	vst v63  }
0x58: {  	_ =	swait.ge [sflag:s22], $0x50  }
0x59: {  	[sflag:s22] =	ssyncset.done $0x0  }
0x5a: {  	[sflag:s22] =	ssyncadd.s32 $0xFFFFFFB0  }
0x5b: {  	[spmem:s2] =	stream.indirect.scatter.add.f32 [tilespmem:s24], [sflag:$0x5], $0x1, s3, s23, $0xb8;
	[tilespmem:$0x778] =	vst v63  }
0x5c: {  	_ = 	snop  }
0x5d: {  	[tilespmem:s25], [sflag:$0x3] =	stream.linear.gather [hbm4b:s14+s3], $0x50, $0x38;
	[tilespmem:$0x778] =	vst v63  }
0x5e: {  	_ =	swait.ge [sflag:s26], $0x50  }
0x5f: {  	[sflag:s26] =	ssyncset.done $0x0  }
0x60: {  	[sflag:s26] =	ssyncadd.s32 $0xFFFFFFB0  }
0x61: {  	[spmem:s2] =	stream.indirect.scatter.add.f32 [tilespmem:s24], [sflag:$0x6], $0x1, s21, s23, $0xb8;
	[tilespmem:$0x778] =	vst v63  }
0x62: {  	_ = 	snop  }
0x63: {  	[tilespmem:s28], [sflag:$0x4] =	stream.linear.gather [hbm4b:s15+s3], $0x50, $0x38;
	[tilespmem:$0x778] =	vst v63  }
0x64: {  	_ =	swait.ge [sflag:s29], $0x50  }
0x65: {  	[sflag:s29] =	ssyncset.done $0x0  }
0x66: {  	[sflag:s29] =	ssyncadd.s32 $0xFFFFFFB0  }
0x67: {  	[spmem:s2] =	stream.indirect.scatter.add.f32 [tilespmem:s24], [sflag:$0x7], $0x1, s25, s23, $0xb8;
	[tilespmem:$0x778] =	vst v63  }
0x68: {  	_ =	swait.ge [sflag:s30], $0x50  }
0x69: {  	[sflag:s30] =	ssyncset.done $0x0  }
0x6a: {  	[sflag:s30] =	ssyncadd.s32 $0xFFFFFFB0  }
0x6b: {  	[tilespmem:s3], [sflag:$0x1] =	stream.linear.gather [hbm4b:s16+s3], $0x50, $0x38;
	[tilespmem:$0x778] =	vst v63  }
0x6c: {  	_ =	swait.ge [sflag:s31], $0x50  }
0x6d: {  	[sflag:s31] =	ssyncset.done $0x0  }
0x6e: {  	[sflag:s31] =	ssyncadd.s32 $0xFFFFFFB0  }
0x6f: {  	[spmem:s2] =	stream.indirect.scatter.add.f32 [tilespmem:s24], [sflag:$0x8], $0x1, s28, s23, $0xb8;
	[tilespmem:$0x778] =	vst v63  }
0x70: {  	_ =	swait.ge [sflag:s0], $0x50  }
0x71: {  	[sflag:s0] =	ssyncset.done $0x0  }
0x72: {  	s11 =	sadd.s32 $0x0, s20;
	[sflag:s0] =	ssyncadd.s32 $0xFFFFFFB0  }
0x73: {  	[tilespmem:s21], [sflag:$0x2] =	stream.linear.gather [hbm4b:s11+s3], $0x50, $0x38;
	[tilespmem:$0x778] =	vst v63  }
0x74: {  	_ =	swait.ge [sflag:s22], $0x50  }
0x75: {  	[sflag:s22] =	ssyncset.done $0x0  }
0x76: {  	[sflag:s22] =	ssyncadd.s32 $0xFFFFFFB0  }
0x77: {  	[spmem:s2] =	stream.indirect.scatter.add.f32 [tilespmem:s24], [sflag:$0x5], $0x1, s3, s23, $0xb8;
	[tilespmem:$0x778] =	vst v63  }
0x78: {  	_ =	swait.ge [sflag:s1], $0x50  }
0x79: {  	[sflag:s1] =	ssyncset.done $0x0  }
0x7a: {  	s9 =	sadd.s32 $0x0, s19;
	[sflag:s1] =	ssyncadd.s32 $0xFFFFFFB0  }
0x7b: {  	[tilespmem:s25], [sflag:$0x3] =	stream.linear.gather [hbm4b:s9+s3], $0x50, $0x38;
	[tilespmem:$0x778] =	vst v63  }
0x7c: {  	_ =	swait.ge [sflag:s26], $0x50  }
0x7d: {  	[sflag:s26] =	ssyncset.done $0x0  }
0x7e: {  	[sflag:s26] =	ssyncadd.s32 $0xFFFFFFB0  }
0x7f: {  	[spmem:s2] =	stream.indirect.scatter.add.f32 [tilespmem:s24], [sflag:$0x6], $0x1, s21, s23, $0xb8;
	[tilespmem:$0x778] =	vst v63  }
0x80: {  	_ =	swait.ge [sflag:s4], $0x50  }
0x81: {  	[sflag:s4] =	ssyncset.done $0x0  }
0x82: {  	s10 =	sadd.s32 $0x0, s18;
	[sflag:s4] =	ssyncadd.s32 $0xFFFFFFB0  }
0x83: {  	[tilespmem:s28], [sflag:$0x4] =	stream.linear.gather [hbm4b:s10+s3], $0x50, $0x38;
	[tilespmem:$0x778] =	vst v63  }
0x84: {  	_ =	swait.ge [sflag:s29], $0x50  }
0x85: {  	[sflag:s29] =	ssyncset.done $0x0  }
0x86: {  	[sflag:s29] =	ssyncadd.s32 $0xFFFFFFB0  }
0x87: {  	[spmem:s2] =	stream.indirect.scatter.add.f32 [tilespmem:s24], [sflag:$0x7], $0x1, s25, s23, $0xb8;
	[tilespmem:$0x778] =	vst v63  }
0x88: {  	_ =	swait.ge [sflag:s30], $0x50  }
0x89: {  	[sflag:s30] =	ssyncset.done $0x0  }
0x8a: {  	s11 =	sadd.s32 $0x0, s17;
	[sflag:s30] =	ssyncadd.s32 $0xFFFFFFB0  }
0x8b: {  	[tilespmem:s3], [sflag:$0x1] =	stream.linear.gather [hbm4b:s11+s3], $0x50, $0x38;
	[tilespmem:$0x778] =	vst v63  }
0x8c: {  	_ =	swait.ge [sflag:s31], $0x50  }
0x8d: {  	[sflag:s31] =	ssyncset.done $0x0  }
0x8e: {  	s8 =	simm.s32 $0x28;
	[sflag:s31] =	ssyncadd.s32 $0xFFFFFFB0  }
.LBB2_2:
0x8f: {  	[spmem:s2] =	stream.indirect.scatter.add.f32 [tilespmem:s24], [sflag:$0x8], $0x1, s28, s23, $0xb8;
	[tilespmem:$0x778] =	vst v63  }
0x90: {  	s9 =	smov.u32 s8  }
0x91: {  	p5 =	sne.s32 s8, $0x488;
	s8 =	sadd.s32 $0x28, s8;
	_ =	swait.ge [sflag:s0], $0x50  }
0x92: {  	[sflag:s0] =	ssyncset.done $0x0  }
0x93: {  	s10 =	sadd.s32 s9, s20;
	[sflag:s0] =	ssyncadd.s32 $0xFFFFFFB0  }
0x94: {  	[tilespmem:s21], [sflag:$0x2] =	stream.linear.gather [hbm4b:s10+s3], $0x50, $0x38;
	[tilespmem:$0x778] =	vst v63  }
0x95: {  	_ =	swait.ge [sflag:s22], $0x50  }
0x96: {  	[sflag:s22] =	ssyncset.done $0x0  }
0x97: {  	[sflag:s22] =	ssyncadd.s32 $0xFFFFFFB0  }
0x98: {  	[spmem:s2] =	stream.indirect.scatter.add.f32 [tilespmem:s24], [sflag:$0x5], $0x1, s3, s23, $0xb8;
	[tilespmem:$0x778] =	vst v63  }
0x99: {  	_ =	swait.ge [sflag:s1], $0x50  }
0x9a: {  	[sflag:s1] =	ssyncset.done $0x0  }
0x9b: {  	s10 =	sadd.s32 s9, s19;
	[sflag:s1] =	ssyncadd.s32 $0xFFFFFFB0  }
0x9c: {  	[tilespmem:s25], [sflag:$0x3] =	stream.linear.gather [hbm4b:s10+s3], $0x50, $0x38;
	[tilespmem:$0x778] =	vst v63  }
0x9d: {  	_ =	swait.ge [sflag:s26], $0x50  }
0x9e: {  	[sflag:s26] =	ssyncset.done $0x0  }
0x9f: {  	[sflag:s26] =	ssyncadd.s32 $0xFFFFFFB0  }
0xa0: {  	[spmem:s2] =	stream.indirect.scatter.add.f32 [tilespmem:s24], [sflag:$0x6], $0x1, s21, s23, $0xb8;
	[tilespmem:$0x778] =	vst v63  }
0xa1: {  	_ =	swait.ge [sflag:s4], $0x50  }
0xa2: {  	[sflag:s4] =	ssyncset.done $0x0  }
0xa3: {  	s10 =	sadd.s32 s9, s18;
	[sflag:s4] =	ssyncadd.s32 $0xFFFFFFB0  }
0xa4: {  	[tilespmem:s28], [sflag:$0x4] =	stream.linear.gather [hbm4b:s10+s3], $0x50, $0x38;
	[tilespmem:$0x778] =	vst v63  }
0xa5: {  	_ =	swait.ge [sflag:s29], $0x50  }
0xa6: {  	[sflag:s29] =	ssyncset.done $0x0  }
0xa7: {  	[sflag:s29] =	ssyncadd.s32 $0xFFFFFFB0  }
0xa8: {  	[spmem:s2] =	stream.indirect.scatter.add.f32 [tilespmem:s24], [sflag:$0x7], $0x1, s25, s23, $0xb8;
	[tilespmem:$0x778] =	vst v63  }
0xa9: {  	_ =	swait.ge [sflag:s30], $0x50  }
0xaa: {  	[sflag:s30] =	ssyncset.done $0x0  }
.Ltmp0:
0xab: {  	s9 =	sadd.s32 s9, s17;
	[sflag:s30] =	ssyncadd.s32 $0xFFFFFFB0;
	(pc) =	sbr.rel @p5 .LBB2_2-.Ltmp0, $4  }
0xac: {  	[tilespmem:s3], [sflag:$0x1] =	stream.linear.gather [hbm4b:s9+s3], $0x50, $0x38;
	[tilespmem:$0x778] =	vst v63  }
0xad: {  	_ =	swait.ge [sflag:s31], $0x50  }
0xae: {  	[sflag:s31] =	ssyncset.done $0x0  }
0xaf: {  	[sflag:s31] =	ssyncadd.s32 $0xFFFFFFB0  }
0xb0: {  	[spmem:s2] =	stream.indirect.scatter.add.f32 [tilespmem:s24], [sflag:$0x8], $0x1, s28, s23, $0xb8;
	[tilespmem:$0x778] =	vst v63  }
0xb1: {  	_ =	swait.ge [sflag:s0], $0x50  }
0xb2: {  	[sflag:s0] =	ssyncset.done $0x0  }
0xb3: {  	[sflag:s0] =	ssyncadd.s32 $0xFFFFFFB0  }
0xb4: {  	_ =	swait.ge [sflag:s22], $0x50  }
0xb5: {  	[sflag:s22] =	ssyncset.done $0x0  }
0xb6: {  	[sflag:s22] =	ssyncadd.s32 $0xFFFFFFB0  }
0xb7: {  	[spmem:s2] =	stream.indirect.scatter.add.f32 [tilespmem:s24], [sflag:$0x5], $0x1, s3, s23, $0xb8;
	[tilespmem:$0x778] =	vst v63  }
0xb8: {  	_ =	swait.ge [sflag:s1], $0x50  }
0xb9: {  	[sflag:s1] =	ssyncset.done $0x0  }
0xba: {  	[sflag:s1] =	ssyncadd.s32 $0xFFFFFFB0  }
0xbb: {  	_ =	swait.ge [sflag:s4], $0x50  }
0xbc: {  	[sflag:s4] =	ssyncset.done $0x0  }
0xbd: {  	[sflag:s4] =	ssyncadd.s32 $0xFFFFFFB0  }
0xbe: {  	_ =	swait.ge [sflag:s30], $0x50  }
0xbf: {  	[sflag:s30] =	ssyncset.done $0x0  }
0xc0: {  	[sflag:s30] =	ssyncadd.s32 $0xFFFFFFB0  }
0xc1: {  	s8 =	simm.s32 @!p1 $0x280;
	s9 =	simm.s32 @!p1 $0x9;
	[bflag:$0x0] =	sbarrier.arrive $0xFFFF  }
0xc2: {  	[tilespmem:s8], [sflag:$0x9] =	stream.linear.gather @!p1 [spmem:s5], $0x190, $0x38;
	[tilespmem:$0x778] =	vst v63  }
0xc3: {  	_ =	swait.ge @!p1 [sflag:s9], $0x190  }
0xc4: {  	[sflag:s9] =	ssyncset.done @!p1 $0x0  }
0xc5: {  	s10 =	simm.s32 @!p1 $0x0;
	s11 =	rddreg [dreg:$0x9];
	[sflag:s9] =	ssyncadd.s32 @!p1 $0xFFFFFE70  }
0xc6: {  	[hbm4b:s11+s10] =	stream.linear.scatter @!p1 [tilespmem:s8], [sflag:$0x9], $0x190, $0x38;
	[tilespmem:$0x778] =	vst v63  }
0xc7: {  	_ =	swait.ge @!p1 [sflag:s9], $0x190  }
0xc8: {  	[sflag:s9] =	ssyncset.done @!p1 $0x0  }
0xc9: {  	s8 =	simm.s32 @!p2 $0x280;
	[sflag:s9] =	ssyncadd.s32 @!p1 $0xFFFFFE70;
	s9 =	simm.s32 @!p2 $0x9  }
0xca: {  	[tilespmem:s8], [sflag:$0x9] =	stream.linear.gather @!p2 [spmem:s7], $0x280, $0x38;
	[tilespmem:$0x778] =	vst v63  }
0xcb: {  	_ =	swait.ge @!p2 [sflag:s9], $0x280  }
0xcc: {  	[sflag:s9] =	ssyncset.done @!p2 $0x0  }
0xcd: {  	s10 =	simm.s32 @!p2 $0x0;
	s11 =	rddreg [dreg:$0x8];
	[sflag:s9] =	ssyncadd.s32 @!p2 $0xFFFFFD80  }
0xce: {  	[hbm4b:s11+s10] =	stream.linear.scatter @!p2 [tilespmem:s8], [sflag:$0x9], $0x280, $0x38;
	[tilespmem:$0x778] =	vst v63  }
0xcf: {  	_ =	swait.ge @!p2 [sflag:s9], $0x280  }
0xd0: {  	[sflag:s9] =	ssyncset.done @!p2 $0x0  }
0xd1: {  	s8 =	simm.s32 @!p3 $0x280;
	[sflag:s9] =	ssyncadd.s32 @!p2 $0xFFFFFD80;
	s9 =	simm.s32 @!p3 $0x9  }
0xd2: {  	[tilespmem:s8], [sflag:$0x9] =	stream.linear.gather @!p3 [spmem:s5], $0x190, $0x38;
	[tilespmem:$0x778] =	vst v63  }
0xd3: {  	_ =	swait.ge @!p3 [sflag:s9], $0x190  }
0xd4: {  	[sflag:s9] =	ssyncset.done @!p3 $0x0  }
0xd5: {  	s10 =	simm.s32 @!p3 $0x0;
	s11 =	rddreg [dreg:$0x7];
	[sflag:s9] =	ssyncadd.s32 @!p3 $0xFFFFFE70  }
0xd6: {  	[hbm4b:s11+s10] =	stream.linear.scatter @!p3 [tilespmem:s8], [sflag:$0x9], $0x190, $0x38;
	[tilespmem:$0x778] =	vst v63  }
0xd7: {  	_ =	swait.ge @!p3 [sflag:s9], $0x190  }
0xd8: {  	[sflag:s9] =	ssyncset.done @!p3 $0x0  }
0xd9: {  	s8 =	simm.s32 @!p4 $0x280;
	[sflag:s9] =	ssyncadd.s32 @!p3 $0xFFFFFE70;
	s9 =	simm.s32 @!p4 $0x9  }
0xda: {  	[tilespmem:s8], [sflag:$0x9] =	stream.linear.gather @!p4 [spmem:s7], $0x280, $0x38;
	[tilespmem:$0x778] =	vst v63  }
0xdb: {  	s6 =	sadd.s32 $0x1, s6;
	_ =	swait.ge @!p4 [sflag:s9], $0x280  }
0xdc: {  	p5 =	sne.s32 s6, s12;
	s10 =	simm.s32 @!p4 $0x0;
	[sflag:s9] =	ssyncset.done @!p4 $0x0  }
.Ltmp1:
0xdd: {  	s11 =	rddreg [dreg:$0x6];
	[sflag:s9] =	ssyncadd.s32 @!p4 $0xFFFFFD80;
	(pc) =	sbr.rel @p5 .LBB2_1-.Ltmp1, $4  }
0xde: {  	[hbm4b:s11+s10] =	stream.linear.scatter @!p4 [tilespmem:s8], [sflag:$0x9], $0x280, $0x38;
	[tilespmem:$0x778] =	vst v63  }
0xdf: {  	_ =	swait.ge @!p4 [sflag:s9], $0x280  }
0xe0: {  	[sflag:s9] =	ssyncset.done @!p4 $0x0  }
0xe1: {  	[sflag:s9] =	ssyncadd.s32 @!p4 $0xFFFFFD80  }
0xe2: {  	_ =	sfence.sel $0x180000  }
0xe3: {  	[bflag:$0x0] =	sbarrier.arrive $0xFFFF  }
0xe4: {  	_ =	strace $0x90000047  }
0xe5: {  	s0 =	stileid.u32;
	[bflag:$0x2] =	sbarrier.arrive $0xFFFF  }
0xe6: {  	p0 =	sne.s32 s0, $0x0;
	s0 =	rddreg [dreg:$0x3]  }
0xe7: {  	s0 =	sadd.s32 @!p0 $0x100000, s0  }
0xe8: {  	[sflag:s0] =	ssyncadd.tile.s32 @!p0 $0x1;
	_ =	shalt  }
.Lfunc_end2:
_tile_overlayer_lowered:
.L_overlay_start_2:
0xe9: {  	(tag) =	ssettag $0x2  }
0xea: {  	s0 =	rddreg [dreg:$0x0];
	s2 =	stileid.u32  }
0xeb: {  	s1 =	rddreg [dreg:$0x1];
	p0 =	sne.s32 s2, $0x0  }
0xec: {  	s3 =	rddreg [dreg:$0x2];
	[bflag:$0x3] =	sbarrier.arrive $0xFFFF;
	s2 =	simm.s32 @!p0 $0x1C09  }
0xed: {  	[timem:s3], [sflag:s2] =	dma.local @!p0 [hbm:s0], s1  }
0xee: {  	s0 =	simm.s32 @!p0 $0x9  }
0xef: {  	_ =	swait.ge @!p0 [sflag:s0], s1  }
0xf0: {  	s1 =	ssub.s32 @!p0 $0x0, s1;
	[sflag:s0] =	ssyncset.done @!p0 $0x0  }
0xf1: {  	[sflag:s0] =	ssyncadd.s32 @!p0 s1  }
0xf2: {  	[bflag:$0x3] =	sbarrier.arrive $0xFFFF  }
0xf3: {  	_ =	shalt  }

</sc_bundles>
